<compile_context>
chip_gen: v7x
topology: tpu7x:2x2x1
jax: 0.10.2.dev20260603
libtpu: 0.0.44.dev20260713+nightly
codegen_flags: <defaults>
</compile_context>

<pallas_src>
import dataclasses
import functools

import jax
import jax.numpy as jnp
from jax import lax
from jax.experimental import pallas as pl
from jax.experimental.pallas import tpu as pltpu
from jax.experimental.pallas import tpu_sc as plsc

L = 16
NW = 32
D = 128
E8 = 320000
E9 = 160000
W8 = 40
W9 = 40
NSLOTS = 5
NB8 = 250
NB9 = 125
PER_W8 = E8 // NW
PER_W9 = E9 // NW

_mesh = plsc.VectorSubcoreMesh(core_axis_name="c", subcore_axis_name="s")

_cp = pltpu.CompilerParams()
if "needs_layout_passes" in pltpu.CompilerParams.__dataclass_fields__:
    _cp = dataclasses.replace(_cp, needs_layout_passes=False)


def _accumulate(f_hbm, sidx_v, tidx_v, w_v, bufs, sems, n_blocks, w_blk, scale, acc0):
    assert n_blocks % NSLOTS == 0 and n_blocks >= 2 * NSLOTS

    def copies(b, k):
        off = b * w_blk
        return (
            pltpu.make_async_copy(
                f_hbm.at[sidx_v.at[pl.ds(off, w_blk)]], bufs[k][0], sems[k][0]),
            pltpu.make_async_copy(
                f_hbm.at[tidx_v.at[pl.ds(off, w_blk)]], bufs[k][1], sems[k][1]),
        )

    def start(b, k):
        for c in copies(b, k):
            c.start()

    def wait(b, k):
        for c in copies(b, k):
            c.wait()

    def compute(b, k, acc):
        src_v, tgt_v = bufs[k]
        off = b * w_blk

        def edge_body(e, a):
            wb = plsc.load_gather(w_v, [jnp.full((L,), off + e, jnp.int32)])
            wb = wb * scale
            for c in range(D // L):
                s = src_v[e, pl.ds(c * L, L)]
                t = tgt_v[e, pl.ds(c * L, L)]
                d = s - t
                a = a + d * d * wb
            return a

        return lax.fori_loop(0, w_blk, edge_body, acc)

    for k in range(NSLOTS - 1):
        start(k, k)

    def body(i, acc):
        b = i * NSLOTS
        for j in range(NSLOTS):
            x = b + j
            start(x + NSLOTS - 1, (j + NSLOTS - 1) % NSLOTS)
            wait(x, j)
            acc = compute(x, j, acc)
        return acc

    acc = lax.fori_loop(0, n_blocks // NSLOTS - 1, body, acc0)
    b = n_blocks - NSLOTS
    start(n_blocks - 1, (n_blocks - 1) % NSLOTS)
    for j in range(NSLOTS):
        wait(b + j, j)
        acc = compute(b + j, j, acc)
    return acc


@functools.partial(
    pl.kernel,
    out_type=jax.ShapeDtypeStruct((NW, L), jnp.float32),
    mesh=_mesh,
    compiler_params=_cp,
    scratch_types=[
        pltpu.VMEM((PER_W8,), jnp.int32),
        pltpu.VMEM((PER_W8,), jnp.int32),
        pltpu.VMEM((PER_W8,), jnp.float32),
        pltpu.VMEM((PER_W9,), jnp.int32),
        pltpu.VMEM((PER_W9,), jnp.int32),
        pltpu.VMEM((PER_W9,), jnp.float32),
        *[pltpu.VMEM((W8, D), jnp.float32)
          for _ in range(2 * NSLOTS)],
        pltpu.VMEM((L,), jnp.float32),
        *[pltpu.SemaphoreType.DMA for _ in range(2 * NSLOTS)],
    ],
)
def _sc_loss(f8_hbm, s8_hbm, t8_hbm, w8_hbm, f9_hbm, s9_hbm, t9_hbm, w9_hbm,
             out_hbm,
             s8_v, t8_v, w8_v, s9_v, t9_v, w9_v,
             b0s, b0t, b1s, b1t, b2s, b2t, b3s, b3t, b4s, b4t,
             part_v, m0, m1, m2, m3, m4, m5, m6, m7, m8, m9):
    wid = lax.axis_index("c") * 16 + lax.axis_index("s")
    base8 = wid * PER_W8
    base9 = wid * PER_W9

    staging = [
        pltpu.make_async_copy(s8_hbm.at[pl.ds(base8, PER_W8)], s8_v, m0),
        pltpu.make_async_copy(t8_hbm.at[pl.ds(base8, PER_W8)], t8_v, m1),
        pltpu.make_async_copy(w8_hbm.at[pl.ds(base8, PER_W8)], w8_v, m2),
        pltpu.make_async_copy(s9_hbm.at[pl.ds(base9, PER_W9)], s9_v, m3),
        pltpu.make_async_copy(t9_hbm.at[pl.ds(base9, PER_W9)], t9_v, m4),
        pltpu.make_async_copy(w9_hbm.at[pl.ds(base9, PER_W9)], w9_v, m5),
    ]
    for c in staging:
        c.start()
    for c in staging:
        c.wait()

    sems = ((m0, m1), (m2, m3), (m4, m5), (m6, m7), (m8, m9))
    bufs = ((b0s, b0t), (b1s, b1t), (b2s, b2t), (b3s, b3t), (b4s, b4t))
    acc = jnp.zeros((L,), jnp.float32)
    acc = _accumulate(f8_hbm, s8_v, t8_v, w8_v, bufs, sems,
                      NB8, W8, 1.0 / (2.0 * E8), acc)
    acc = _accumulate(f9_hbm, s9_v, t9_v, w9_v, bufs, sems,
                      NB9, W9, 1.0 / (2.0 * E9), acc)

    part_v[...] = acc
    pltpu.sync_copy(part_v, out_hbm.at[wid])


def kernel(features_8, edge_index_8, edge_weight_8,
           features_9, edge_index_9, edge_weight_9):
    parts = _sc_loss(features_8, edge_index_8[0], edge_index_8[1], edge_weight_8,
                     features_9, edge_index_9[0], edge_index_9[1], edge_weight_9)
    return jnp.sum(parts)

# --- scband reference (transcript-rebuilt; emitter-appended) ---
"""Pipeline reference for scband-cone-smoothness-loss-25701084299817 (READ-ONLY COPY).

The authoritative reference and input builder live on the scoring server;
editing this copy changes nothing except your own understanding.
"""

import jax, jax.numpy as jnp
import numpy as np


def setup_inputs(seed: int = 0) -> dict:
    key = jax.random.key(seed)
    ks = jax.random.split(key, 6)
    features_8 = jax.random.normal(ks[0], (10000, 128), dtype=jnp.float32)
    edge_index_8 = jax.random.randint(ks[1], (2, 320000), 0, 10000, dtype=jnp.int32)
    edge_weight_8 = jax.random.uniform(ks[2], (320000,), dtype=jnp.float32)
    features_9 = jax.random.normal(ks[3], (10000, 128), dtype=jnp.float32)
    edge_index_9 = jax.random.randint(ks[4], (2, 160000), 0, 10000, dtype=jnp.int32)
    edge_weight_9 = jax.random.uniform(ks[5], (160000,), dtype=jnp.float32)
    return {
        "features_8": features_8,
        "edge_index_8": edge_index_8,
        "edge_weight_8": edge_weight_8,
        "features_9": features_9,
        "edge_index_9": edge_index_9,
        "edge_weight_9": edge_weight_9,
    }


def reference(features_8, edge_index_8, edge_weight_8, features_9, edge_index_9, edge_weight_9):
    # ConeSmoothnessLoss with weight_by_distance=True over resolutions {8, 9}.
    total_loss = 0.0
    num_resolutions = 0
    for feat, edge_index, edge_weight in (
        (features_8, edge_index_8, edge_weight_8),
        (features_9, edge_index_9, edge_weight_9),
    ):
        src_features = jnp.take(feat, edge_index[0], axis=0)
        tgt_features = jnp.take(feat, edge_index[1], axis=0)
        diff = src_features - tgt_features
        distances = (diff ** 2).sum(axis=-1)
        distances = distances * edge_weight  # weight_by_distance=True
        loss = distances.mean()
        total_loss = total_loss + loss
        num_resolutions += 1
    total_loss = total_loss / num_resolutions
    return total_loss

if __name__ == "__main__":
    import jax
    _d = setup_inputs()
    print(jax.jit(kernel)(*tuple(_d.values())))

</pallas_src>

<mosaic_0001>
#map = affine_map<(d0, d1) -> (0, 0)>
#map1 = affine_map<(d0, d1) -> (0)>
module attributes {stable_mosaic.version = 14 : i64} {
  func.func @_sc_loss(%arg0: i32, %arg1: i32, %arg2: memref<10000x128xf32, #tpu.memory_space<hbm>>, %arg3: memref<320000xi32, #tpu.memory_space<hbm>>, %arg4: memref<320000xi32, #tpu.memory_space<hbm>>, %arg5: memref<320000xf32, #tpu.memory_space<hbm>>, %arg6: memref<10000x128xf32, #tpu.memory_space<hbm>>, %arg7: memref<160000xi32, #tpu.memory_space<hbm>>, %arg8: memref<160000xi32, #tpu.memory_space<hbm>>, %arg9: memref<160000xf32, #tpu.memory_space<hbm>>, %arg10: memref<32x16xf32, #tpu.memory_space<hbm>>, %arg11: memref<10000xi32, #tpu.memory_space<vmem>>, %arg12: memref<10000xi32, #tpu.memory_space<vmem>>, %arg13: memref<10000xf32, #tpu.memory_space<vmem>>, %arg14: memref<5000xi32, #tpu.memory_space<vmem>>, %arg15: memref<5000xi32, #tpu.memory_space<vmem>>, %arg16: memref<5000xf32, #tpu.memory_space<vmem>>, %arg17: memref<40x128xf32, #tpu.memory_space<vmem>>, %arg18: memref<40x128xf32, #tpu.memory_space<vmem>>, %arg19: memref<40x128xf32, #tpu.memory_space<vmem>>, %arg20: memref<40x128xf32, #tpu.memory_space<vmem>>, %arg21: memref<40x128xf32, #tpu.memory_space<vmem>>, %arg22: memref<40x128xf32, #tpu.memory_space<vmem>>, %arg23: memref<40x128xf32, #tpu.memory_space<vmem>>, %arg24: memref<40x128xf32, #tpu.memory_space<vmem>>, %arg25: memref<40x128xf32, #tpu.memory_space<vmem>>, %arg26: memref<40x128xf32, #tpu.memory_space<vmem>>, %arg27: memref<16xf32, #tpu.memory_space<vmem>>, %arg28: memref<!tpu.dma_semaphore, #tpu.memory_space<semaphore_mem>>, %arg29: memref<!tpu.dma_semaphore, #tpu.memory_space<semaphore_mem>>, %arg30: memref<!tpu.dma_semaphore, #tpu.memory_space<semaphore_mem>>, %arg31: memref<!tpu.dma_semaphore, #tpu.memory_space<semaphore_mem>>, %arg32: memref<!tpu.dma_semaphore, #tpu.memory_space<semaphore_mem>>, %arg33: memref<!tpu.dma_semaphore, #tpu.memory_space<semaphore_mem>>, %arg34: memref<!tpu.dma_semaphore, #tpu.memory_space<semaphore_mem>>, %arg35: memref<!tpu.dma_semaphore, #tpu.memory_space<semaphore_mem>>, %arg36: memref<!tpu.dma_semaphore, #tpu.memory_space<semaphore_mem>>, %arg37: memref<!tpu.dma_semaphore, #tpu.memory_space<semaphore_mem>>) attributes {dimension_semantics = [#tpu.dimension_semantics<core_parallel>, #tpu.dimension_semantics<subcore_parallel>], iteration_bounds = array<i64: 2, 16>, scalar_prefetch = 0 : i64, scratch_operands = 27 : i64, tpu.core_type = #tpu.core_type<sc_vector_subcore>, window_params = [{transform_indices = #map}, {transform_indices = #map1}, {transform_indices = #map1}, {transform_indices = #map1}, {transform_indices = #map}, {transform_indices = #map1}, {transform_indices = #map1}, {transform_indices = #map1}, {transform_indices = #map}]} {
    %mul3A = arith.constant 16 : i32
    %mul3A_0 = arith.muli %arg0, %mul3A : i32
    %add3A = arith.addi %mul3A_0, %arg1 : i32
    %mul3A_1 = arith.constant 10000 : i32
    %mul3A_2 = arith.muli %add3A, %mul3A_1 : i32
    %mul3A_3 = arith.constant 5000 : i32
    %mul3A_4 = arith.muli %add3A, %mul3A_3 : i32
    %dma_start3A = tpu.memref_slice %arg3[%mul3A_2] : memref<320000xi32, #tpu.memory_space<hbm>> -> memref<10000xi32, #tpu.memory_space<hbm>>
    %dma_start3A_5 = tpu.memref_slice %arg3[%mul3A_2] : memref<320000xi32, #tpu.memory_space<hbm>> -> memref<10000xi32, #tpu.memory_space<hbm>>
    tpu.enqueue_dma source(%dma_start3A_5 : memref<10000xi32, #tpu.memory_space<hbm>>) target(%arg11 : memref<10000xi32, #tpu.memory_space<vmem>>) target_semaphore(%arg28 : memref<!tpu.dma_semaphore, #tpu.memory_space<semaphore_mem>>)
    %dma_start3A_6 = tpu.memref_slice %arg4[%mul3A_2] : memref<320000xi32, #tpu.memory_space<hbm>> -> memref<10000xi32, #tpu.memory_space<hbm>>
    %dma_start3A_7 = tpu.memref_slice %arg4[%mul3A_2] : memref<320000xi32, #tpu.memory_space<hbm>> -> memref<10000xi32, #tpu.memory_space<hbm>>
    tpu.enqueue_dma source(%dma_start3A_7 : memref<10000xi32, #tpu.memory_space<hbm>>) target(%arg12 : memref<10000xi32, #tpu.memory_space<vmem>>) target_semaphore(%arg29 : memref<!tpu.dma_semaphore, #tpu.memory_space<semaphore_mem>>)
    %dma_start3A_8 = tpu.memref_slice %arg5[%mul3A_2] : memref<320000xf32, #tpu.memory_space<hbm>> -> memref<10000xf32, #tpu.memory_space<hbm>>
    %dma_start3A_9 = tpu.memref_slice %arg5[%mul3A_2] : memref<320000xf32, #tpu.memory_space<hbm>> -> memref<10000xf32, #tpu.memory_space<hbm>>
    tpu.enqueue_dma source(%dma_start3A_9 : memref<10000xf32, #tpu.memory_space<hbm>>) target(%arg13 : memref<10000xf32, #tpu.memory_space<vmem>>) target_semaphore(%arg30 : memref<!tpu.dma_semaphore, #tpu.memory_space<semaphore_mem>>)
    %dma_start3A_10 = tpu.memref_slice %arg7[%mul3A_4] : memref<160000xi32, #tpu.memory_space<hbm>> -> memref<5000xi32, #tpu.memory_space<hbm>>
    %dma_start3A_11 = tpu.memref_slice %arg7[%mul3A_4] : memref<160000xi32, #tpu.memory_space<hbm>> -> memref<5000xi32, #tpu.memory_space<hbm>>
    tpu.enqueue_dma source(%dma_start3A_11 : memref<5000xi32, #tpu.memory_space<hbm>>) target(%arg14 : memref<5000xi32, #tpu.memory_space<vmem>>) target_semaphore(%arg31 : memref<!tpu.dma_semaphore, #tpu.memory_space<semaphore_mem>>)
    %dma_start3A_12 = tpu.memref_slice %arg8[%mul3A_4] : memref<160000xi32, #tpu.memory_space<hbm>> -> memref<5000xi32, #tpu.memory_space<hbm>>
    %dma_start3A_13 = tpu.memref_slice %arg8[%mul3A_4] : memref<160000xi32, #tpu.memory_space<hbm>> -> memref<5000xi32, #tpu.memory_space<hbm>>
    tpu.enqueue_dma source(%dma_start3A_13 : memref<5000xi32, #tpu.memory_space<hbm>>) target(%arg15 : memref<5000xi32, #tpu.memory_space<vmem>>) target_semaphore(%arg32 : memref<!tpu.dma_semaphore, #tpu.memory_space<semaphore_mem>>)
    %dma_start3A_14 = tpu.memref_slice %arg9[%mul3A_4] : memref<160000xf32, #tpu.memory_space<hbm>> -> memref<5000xf32, #tpu.memory_space<hbm>>
    %dma_start3A_15 = tpu.memref_slice %arg9[%mul3A_4] : memref<160000xf32, #tpu.memory_space<hbm>> -> memref<5000xf32, #tpu.memory_space<hbm>>
    tpu.enqueue_dma source(%dma_start3A_15 : memref<5000xf32, #tpu.memory_space<hbm>>) target(%arg16 : memref<5000xf32, #tpu.memory_space<vmem>>) target_semaphore(%arg33 : memref<!tpu.dma_semaphore, #tpu.memory_space<semaphore_mem>>)
    %dma_wait3A = tpu.memref_slice %arg3[%mul3A_2] : memref<320000xi32, #tpu.memory_space<hbm>> -> memref<10000xi32, #tpu.memory_space<hbm>>
    %dma_wait3A_16 = tpu.memref_slice %arg3[%mul3A_2] : memref<320000xi32, #tpu.memory_space<hbm>> -> memref<10000xi32, #tpu.memory_space<hbm>>
    tpu.wait_dma2 semaphore(%arg28 : memref<!tpu.dma_semaphore, #tpu.memory_space<semaphore_mem>>) src(%dma_wait3A_16 : memref<10000xi32, #tpu.memory_space<hbm>>) dst(%arg11 : memref<10000xi32, #tpu.memory_space<vmem>>)
    %dma_wait3A_17 = tpu.memref_slice %arg4[%mul3A_2] : memref<320000xi32, #tpu.memory_space<hbm>> -> memref<10000xi32, #tpu.memory_space<hbm>>
    %dma_wait3A_18 = tpu.memref_slice %arg4[%mul3A_2] : memref<320000xi32, #tpu.memory_space<hbm>> -> memref<10000xi32, #tpu.memory_space<hbm>>
    tpu.wait_dma2 semaphore(%arg29 : memref<!tpu.dma_semaphore, #tpu.memory_space<semaphore_mem>>) src(%dma_wait3A_18 : memref<10000xi32, #tpu.memory_space<hbm>>) dst(%arg12 : memref<10000xi32, #tpu.memory_space<vmem>>)
    %dma_wait3A_19 = tpu.memref_slice %arg5[%mul3A_2] : memref<320000xf32, #tpu.memory_space<hbm>> -> memref<10000xf32, #tpu.memory_space<hbm>>
    %dma_wait3A_20 = tpu.memref_slice %arg5[%mul3A_2] : memref<320000xf32, #tpu.memory_space<hbm>> -> memref<10000xf32, #tpu.memory_space<hbm>>
    tpu.wait_dma2 semaphore(%arg30 : memref<!tpu.dma_semaphore, #tpu.memory_space<semaphore_mem>>) src(%dma_wait3A_20 : memref<10000xf32, #tpu.memory_space<hbm>>) dst(%arg13 : memref<10000xf32, #tpu.memory_space<vmem>>)
    %dma_wait3A_21 = tpu.memref_slice %arg7[%mul3A_4] : memref<160000xi32, #tpu.memory_space<hbm>> -> memref<5000xi32, #tpu.memory_space<hbm>>
    %dma_wait3A_22 = tpu.memref_slice %arg7[%mul3A_4] : memref<160000xi32, #tpu.memory_space<hbm>> -> memref<5000xi32, #tpu.memory_space<hbm>>
    tpu.wait_dma2 semaphore(%arg31 : memref<!tpu.dma_semaphore, #tpu.memory_space<semaphore_mem>>) src(%dma_wait3A_22 : memref<5000xi32, #tpu.memory_space<hbm>>) dst(%arg14 : memref<5000xi32, #tpu.memory_space<vmem>>)
    %dma_wait3A_23 = tpu.memref_slice %arg8[%mul3A_4] : memref<160000xi32, #tpu.memory_space<hbm>> -> memref<5000xi32, #tpu.memory_space<hbm>>
    %dma_wait3A_24 = tpu.memref_slice %arg8[%mul3A_4] : memref<160000xi32, #tpu.memory_space<hbm>> -> memref<5000xi32, #tpu.memory_space<hbm>>
    tpu.wait_dma2 semaphore(%arg32 : memref<!tpu.dma_semaphore, #tpu.memory_space<semaphore_mem>>) src(%dma_wait3A_24 : memref<5000xi32, #tpu.memory_space<hbm>>) dst(%arg15 : memref<5000xi32, #tpu.memory_space<vmem>>)
    %dma_wait3A_25 = tpu.memref_slice %arg9[%mul3A_4] : memref<160000xf32, #tpu.memory_space<hbm>> -> memref<5000xf32, #tpu.memory_space<hbm>>
    %dma_wait3A_26 = tpu.memref_slice %arg9[%mul3A_4] : memref<160000xf32, #tpu.memory_space<hbm>> -> memref<5000xf32, #tpu.memory_space<hbm>>
    tpu.wait_dma2 semaphore(%arg33 : memref<!tpu.dma_semaphore, #tpu.memory_space<semaphore_mem>>) src(%dma_wait3A_26 : memref<5000xf32, #tpu.memory_space<hbm>>) dst(%arg16 : memref<5000xf32, #tpu.memory_space<vmem>>)
    %broadcast_in_dim3A = arith.constant 0.000000e+00 : f32
    %broadcast_in_dim3A_27 = vector.broadcast %broadcast_in_dim3A : f32 to vector<16xf32>
    %dma_start3A_28 = arith.constant 0 : i32
    %dma_start3A_29 = tpu.memref_slice %arg11[%dma_start3A_28] : memref<10000xi32, #tpu.memory_space<vmem>> -> memref<40xi32, #tpu.memory_space<vmem>>
    %dma_start3A_30 = arith.constant 0 : i32
    %dma_start3A_31 = arith.constant 0 : i32
    %dma_start3A_32 = tpu.memref_slice %arg2[%dma_start3A_30, %dma_start3A_31] : memref<10000x128xf32, #tpu.memory_space<hbm>> -> memref<10000x128xf32, #tpu.memory_space<hbm>>
    tpu.enqueue_indirect_dma source(%dma_start3A_32 : memref<10000x128xf32, #tpu.memory_space<hbm>>) target(%arg17 : memref<40x128xf32, #tpu.memory_space<vmem>>) offsets(%dma_start3A_29 : memref<40xi32, #tpu.memory_space<vmem>>) semaphore(%arg28 : memref<!tpu.dma_semaphore, #tpu.memory_space<semaphore_mem>>)
    %dma_start3A_33 = arith.constant 0 : i32
    %dma_start3A_34 = tpu.memref_slice %arg12[%dma_start3A_33] : memref<10000xi32, #tpu.memory_space<vmem>> -> memref<40xi32, #tpu.memory_space<vmem>>
    %dma_start3A_35 = arith.constant 0 : i32
    %dma_start3A_36 = arith.constant 0 : i32
    %dma_start3A_37 = tpu.memref_slice %arg2[%dma_start3A_35, %dma_start3A_36] : memref<10000x128xf32, #tpu.memory_space<hbm>> -> memref<10000x128xf32, #tpu.memory_space<hbm>>
    tpu.enqueue_indirect_dma source(%dma_start3A_37 : memref<10000x128xf32, #tpu.memory_space<hbm>>) target(%arg18 : memref<40x128xf32, #tpu.memory_space<vmem>>) offsets(%dma_start3A_34 : memref<40xi32, #tpu.memory_space<vmem>>) semaphore(%arg29 : memref<!tpu.dma_semaphore, #tpu.memory_space<semaphore_mem>>)
    %dma_start3A_38 = arith.constant 40 : i32
    %dma_start3A_39 = tpu.memref_slice %arg11[%dma_start3A_38] : memref<10000xi32, #tpu.memory_space<vmem>> -> memref<40xi32, #tpu.memory_space<vmem>>
    %dma_start3A_40 = arith.constant 0 : i32
    %dma_start3A_41 = arith.constant 0 : i32
    %dma_start3A_42 = tpu.memref_slice %arg2[%dma_start3A_40, %dma_start3A_41] : memref<10000x128xf32, #tpu.memory_space<hbm>> -> memref<10000x128xf32, #tpu.memory_space<hbm>>
    tpu.enqueue_indirect_dma source(%dma_start3A_42 : memref<10000x128xf32, #tpu.memory_space<hbm>>) target(%arg19 : memref<40x128xf32, #tpu.memory_space<vmem>>) offsets(%dma_start3A_39 : memref<40xi32, #tpu.memory_space<vmem>>) semaphore(%arg30 : memref<!tpu.dma_semaphore, #tpu.memory_space<semaphore_mem>>)
    %dma_start3A_43 = arith.constant 40 : i32
    %dma_start3A_44 = tpu.memref_slice %arg12[%dma_start3A_43] : memref<10000xi32, #tpu.memory_space<vmem>> -> memref<40xi32, #tpu.memory_space<vmem>>
    %dma_start3A_45 = arith.constant 0 : i32
    %dma_start3A_46 = arith.constant 0 : i32
    %dma_start3A_47 = tpu.memref_slice %arg2[%dma_start3A_45, %dma_start3A_46] : memref<10000x128xf32, #tpu.memory_space<hbm>> -> memref<10000x128xf32, #tpu.memory_space<hbm>>
    tpu.enqueue_indirect_dma source(%dma_start3A_47 : memref<10000x128xf32, #tpu.memory_space<hbm>>) target(%arg20 : memref<40x128xf32, #tpu.memory_space<vmem>>) offsets(%dma_start3A_44 : memref<40xi32, #tpu.memory_space<vmem>>) semaphore(%arg31 : memref<!tpu.dma_semaphore, #tpu.memory_space<semaphore_mem>>)
    %dma_start3A_48 = arith.constant 80 : i32
    %dma_start3A_49 = tpu.memref_slice %arg11[%dma_start3A_48] : memref<10000xi32, #tpu.memory_space<vmem>> -> memref<40xi32, #tpu.memory_space<vmem>>
    %dma_start3A_50 = arith.constant 0 : i32
    %dma_start3A_51 = arith.constant 0 : i32
    %dma_start3A_52 = tpu.memref_slice %arg2[%dma_start3A_50, %dma_start3A_51] : memref<10000x128xf32, #tpu.memory_space<hbm>> -> memref<10000x128xf32, #tpu.memory_space<hbm>>
    tpu.enqueue_indirect_dma source(%dma_start3A_52 : memref<10000x128xf32, #tpu.memory_space<hbm>>) target(%arg21 : memref<40x128xf32, #tpu.memory_space<vmem>>) offsets(%dma_start3A_49 : memref<40xi32, #tpu.memory_space<vmem>>) semaphore(%arg32 : memref<!tpu.dma_semaphore, #tpu.memory_space<semaphore_mem>>)
    %dma_start3A_53 = arith.constant 80 : i32
    %dma_start3A_54 = tpu.memref_slice %arg12[%dma_start3A_53] : memref<10000xi32, #tpu.memory_space<vmem>> -> memref<40xi32, #tpu.memory_space<vmem>>
    %dma_start3A_55 = arith.constant 0 : i32
    %dma_start3A_56 = arith.constant 0 : i32
    %dma_start3A_57 = tpu.memref_slice %arg2[%dma_start3A_55, %dma_start3A_56] : memref<10000x128xf32, #tpu.memory_space<hbm>> -> memref<10000x128xf32, #tpu.memory_space<hbm>>
    tpu.enqueue_indirect_dma source(%dma_start3A_57 : memref<10000x128xf32, #tpu.memory_space<hbm>>) target(%arg22 : memref<40x128xf32, #tpu.memory_space<vmem>>) offsets(%dma_start3A_54 : memref<40xi32, #tpu.memory_space<vmem>>) semaphore(%arg33 : memref<!tpu.dma_semaphore, #tpu.memory_space<semaphore_mem>>)
    %dma_start3A_58 = arith.constant 120 : i32
    %dma_start3A_59 = tpu.memref_slice %arg11[%dma_start3A_58] : memref<10000xi32, #tpu.memory_space<vmem>> -> memref<40xi32, #tpu.memory_space<vmem>>
    %dma_start3A_60 = arith.constant 0 : i32
    %dma_start3A_61 = arith.constant 0 : i32
    %dma_start3A_62 = tpu.memref_slice %arg2[%dma_start3A_60, %dma_start3A_61] : memref<10000x128xf32, #tpu.memory_space<hbm>> -> memref<10000x128xf32, #tpu.memory_space<hbm>>
    tpu.enqueue_indirect_dma source(%dma_start3A_62 : memref<10000x128xf32, #tpu.memory_space<hbm>>) target(%arg23 : memref<40x128xf32, #tpu.memory_space<vmem>>) offsets(%dma_start3A_59 : memref<40xi32, #tpu.memory_space<vmem>>) semaphore(%arg34 : memref<!tpu.dma_semaphore, #tpu.memory_space<semaphore_mem>>)
    %dma_start3A_63 = arith.constant 120 : i32
    %dma_start3A_64 = tpu.memref_slice %arg12[%dma_start3A_63] : memref<10000xi32, #tpu.memory_space<vmem>> -> memref<40xi32, #tpu.memory_space<vmem>>
    %dma_start3A_65 = arith.constant 0 : i32
    %dma_start3A_66 = arith.constant 0 : i32
    %dma_start3A_67 = tpu.memref_slice %arg2[%dma_start3A_65, %dma_start3A_66] : memref<10000x128xf32, #tpu.memory_space<hbm>> -> memref<10000x128xf32, #tpu.memory_space<hbm>>
    tpu.enqueue_indirect_dma source(%dma_start3A_67 : memref<10000x128xf32, #tpu.memory_space<hbm>>) target(%arg24 : memref<40x128xf32, #tpu.memory_space<vmem>>) offsets(%dma_start3A_64 : memref<40xi32, #tpu.memory_space<vmem>>) semaphore(%arg35 : memref<!tpu.dma_semaphore, #tpu.memory_space<semaphore_mem>>)
    %scan3A = arith.constant 0 : i32
    %scan3A_68 = arith.constant 49 : i32
    %scan3A_69 = arith.addi %scan3A, %scan3A_68 : i32
    %scan3A_70 = arith.constant 1 : i32
    %scan3A_71 = scf.for %scan3A_300 = %scan3A to %scan3A_69 step %scan3A_70 iter_args(%scan3A_301 = %broadcast_in_dim3A_27) -> (vector<16xf32>)  : i32 {
      %mul3A_302 = arith.constant 5 : i32
      %mul3A_303 = arith.muli %scan3A_300, %mul3A_302 : i32
      %add3A_304 = arith.constant 0 : i32
      %add3A_305 = arith.addi %mul3A_303, %add3A_304 : i32
      %add3A_306 = arith.constant 5 : i32
      %add3A_307 = arith.addi %add3A_305, %add3A_306 : i32
      %sub3A = arith.constant 1 : i32
      %sub3A_308 = arith.subi %add3A_307, %sub3A : i32
      %mul3A_309 = arith.constant 40 : i32
      %mul3A_310 = arith.muli %sub3A_308, %mul3A_309 : i32
      %dma_start3A_311 = tpu.memref_slice %arg11[%mul3A_310] : memref<10000xi32, #tpu.memory_space<vmem>> -> memref<40xi32, #tpu.memory_space<vmem>>
      %dma_start3A_312 = arith.constant 0 : i32
      %dma_start3A_313 = arith.constant 0 : i32
      %dma_start3A_314 = tpu.memref_slice %arg2[%dma_start3A_312, %dma_start3A_313] : memref<10000x128xf32, #tpu.memory_space<hbm>> -> memref<10000x128xf32, #tpu.memory_space<hbm>>
      tpu.enqueue_indirect_dma source(%dma_start3A_314 : memref<10000x128xf32, #tpu.memory_space<hbm>>) target(%arg25 : memref<40x128xf32, #tpu.memory_space<vmem>>) offsets(%dma_start3A_311 : memref<40xi32, #tpu.memory_space<vmem>>) semaphore(%arg36 : memref<!tpu.dma_semaphore, #tpu.memory_space<semaphore_mem>>)
      %dma_start3A_315 = tpu.memref_slice %arg12[%mul3A_310] : memref<10000xi32, #tpu.memory_space<vmem>> -> memref<40xi32, #tpu.memory_space<vmem>>
      %dma_start3A_316 = arith.constant 0 : i32
      %dma_start3A_317 = arith.constant 0 : i32
      %dma_start3A_318 = tpu.memref_slice %arg2[%dma_start3A_316, %dma_start3A_317] : memref<10000x128xf32, #tpu.memory_space<hbm>> -> memref<10000x128xf32, #tpu.memory_space<hbm>>
      tpu.enqueue_indirect_dma source(%dma_start3A_318 : memref<10000x128xf32, #tpu.memory_space<hbm>>) target(%arg26 : memref<40x128xf32, #tpu.memory_space<vmem>>) offsets(%dma_start3A_315 : memref<40xi32, #tpu.memory_space<vmem>>) semaphore(%arg37 : memref<!tpu.dma_semaphore, #tpu.memory_space<semaphore_mem>>)
      %mul3A_319 = arith.constant 40 : i32
      %mul3A_320 = arith.muli %add3A_305, %mul3A_319 : i32
      %dma_wait3A_321 = tpu.memref_slice %arg11[%mul3A_320] : memref<10000xi32, #tpu.memory_space<vmem>> -> memref<40xi32, #tpu.memory_space<vmem>>
      %dma_wait3A_322 = arith.constant 0 : i32
      %dma_wait3A_323 = arith.constant 0 : i32
      %dma_wait3A_324 = tpu.memref_slice %arg2[%dma_wait3A_322, %dma_wait3A_323] : memref<10000x128xf32, #tpu.memory_space<hbm>> -> memref<10000x128xf32, #tpu.memory_space<hbm>>
      tpu.wait_indirect_dma semaphore(%arg28 : memref<!tpu.dma_semaphore, #tpu.memory_space<semaphore_mem>>) src(%dma_wait3A_324 : memref<10000x128xf32, #tpu.memory_space<hbm>>) dst(%arg17 : memref<40x128xf32, #tpu.memory_space<vmem>>)
      %dma_wait3A_325 = tpu.memref_slice %arg12[%mul3A_320] : memref<10000xi32, #tpu.memory_space<vmem>> -> memref<40xi32, #tpu.memory_space<vmem>>
      %dma_wait3A_326 = arith.constant 0 : i32
      %dma_wait3A_327 = arith.constant 0 : i32
      %dma_wait3A_328 = tpu.memref_slice %arg2[%dma_wait3A_326, %dma_wait3A_327] : memref<10000x128xf32, #tpu.memory_space<hbm>> -> memref<10000x128xf32, #tpu.memory_space<hbm>>
      tpu.wait_indirect_dma semaphore(%arg29 : memref<!tpu.dma_semaphore, #tpu.memory_space<semaphore_mem>>) src(%dma_wait3A_328 : memref<10000x128xf32, #tpu.memory_space<hbm>>) dst(%arg18 : memref<40x128xf32, #tpu.memory_space<vmem>>)
      %mul3A_329 = arith.constant 40 : i32
      %mul3A_330 = arith.muli %add3A_305, %mul3A_329 : i32
      %scan3A_331 = arith.constant 0 : i32
      %scan3A_332 = arith.constant 40 : i32
      %scan3A_333 = arith.addi %scan3A_331, %scan3A_332 : i32
      %scan3A_334 = arith.constant 1 : i32
      %scan3A_335 = scf.for %scan3A_473 = %scan3A_331 to %scan3A_333 step %scan3A_334 iter_args(%scan3A_474 = %scan3A_301) -> (vector<16xf32>)  : i32 {
        %add3A_475 = arith.addi %mul3A_330, %scan3A_473 : i32
        %broadcast_in_dim3A_476 = vector.broadcast %add3A_475 : i32 to vector<16xi32>
        %gather3A = tpu.vector_load_idx %arg13[%broadcast_in_dim3A_476] : memref<10000xf32, #tpu.memory_space<vmem>>[vector<16xi32>], vector<16xf32>,
        %mul3A_477 = arith.constant 1.562500e-06 : f32
        %mul3A_478 = vector.broadcast %mul3A_477 : f32 to vector<16xf32>
        %mul3A_479 = arith.mulf %gather3A, %mul3A_478 : vector<16xf32>
        %get3A = arith.index_cast %scan3A_473 : i32 to index
        %get3A_480 = arith.constant 0 : index
        %get3A_481 = tpu.vector_load %arg17[%get3A, %get3A_480] {strides = array<i32>} : memref<40x128xf32, #tpu.memory_space<vmem>>, vector<16xf32>,
        %get3A_482 = arith.index_cast %scan3A_473 : i32 to index
        %get3A_483 = arith.constant 0 : index
        %get3A_484 = tpu.vector_load %arg18[%get3A_482, %get3A_483] {strides = array<i32>} : memref<40x128xf32, #tpu.memory_space<vmem>>, vector<16xf32>,
        %sub3A_485 = arith.subf %get3A_481, %get3A_484 : vector<16xf32>
        %mul3A_486 = arith.mulf %sub3A_485, %sub3A_485 : vector<16xf32>
        %mul3A_487 = arith.mulf %mul3A_486, %mul3A_479 : vector<16xf32>
        %add3A_488 = arith.addf %scan3A_474, %mul3A_487 : vector<16xf32>
        %get3A_489 = arith.index_cast %scan3A_473 : i32 to index
        %get3A_490 = arith.constant 16 : index
        %get3A_491 = tpu.vector_load %arg17[%get3A_489, %get3A_490] {strides = array<i32>} : memref<40x128xf32, #tpu.memory_space<vmem>>, vector<16xf32>,
        %get3A_492 = arith.index_cast %scan3A_473 : i32 to index
        %get3A_493 = arith.constant 16 : index
        %get3A_494 = tpu.vector_load %arg18[%get3A_492, %get3A_493] {strides = array<i32>} : memref<40x128xf32, #tpu.memory_space<vmem>>, vector<16xf32>,
        %sub3A_495 = arith.subf %get3A_491, %get3A_494 : vector<16xf32>
        %mul3A_496 = arith.mulf %sub3A_495, %sub3A_495 : vector<16xf32>
        %mul3A_497 = arith.mulf %mul3A_496, %mul3A_479 : vector<16xf32>
        %add3A_498 = arith.addf %add3A_488, %mul3A_497 : vector<16xf32>
        %get3A_499 = arith.index_cast %scan3A_473 : i32 to index
        %get3A_500 = arith.constant 32 : index
        %get3A_501 = tpu.vector_load %arg17[%get3A_499, %get3A_500] {strides = array<i32>} : memref<40x128xf32, #tpu.memory_space<vmem>>, vector<16xf32>,
        %get3A_502 = arith.index_cast %scan3A_473 : i32 to index
        %get3A_503 = arith.constant 32 : index
        %get3A_504 = tpu.vector_load %arg18[%get3A_502, %get3A_503] {strides = array<i32>} : memref<40x128xf32, #tpu.memory_space<vmem>>, vector<16xf32>,
        %sub3A_505 = arith.subf %get3A_501, %get3A_504 : vector<16xf32>
        %mul3A_506 = arith.mulf %sub3A_505, %sub3A_505 : vector<16xf32>
        %mul3A_507 = arith.mulf %mul3A_506, %mul3A_479 : vector<16xf32>
        %add3A_508 = arith.addf %add3A_498, %mul3A_507 : vector<16xf32>
        %get3A_509 = arith.index_cast %scan3A_473 : i32 to index
        %get3A_510 = arith.constant 48 : index
        %get3A_511 = tpu.vector_load %arg17[%get3A_509, %get3A_510] {strides = array<i32>} : memref<40x128xf32, #tpu.memory_space<vmem>>, vector<16xf32>,
        %get3A_512 = arith.index_cast %scan3A_473 : i32 to index
        %get3A_513 = arith.constant 48 : index
        %get3A_514 = tpu.vector_load %arg18[%get3A_512, %get3A_513] {strides = array<i32>} : memref<40x128xf32, #tpu.memory_space<vmem>>, vector<16xf32>,
        %sub3A_515 = arith.subf %get3A_511, %get3A_514 : vector<16xf32>
        %mul3A_516 = arith.mulf %sub3A_515, %sub3A_515 : vector<16xf32>
        %mul3A_517 = arith.mulf %mul3A_516, %mul3A_479 : vector<16xf32>
        %add3A_518 = arith.addf %add3A_508, %mul3A_517 : vector<16xf32>
        %get3A_519 = arith.index_cast %scan3A_473 : i32 to index
        %get3A_520 = arith.constant 64 : index
        %get3A_521 = tpu.vector_load %arg17[%get3A_519, %get3A_520] {strides = array<i32>} : memref<40x128xf32, #tpu.memory_space<vmem>>, vector<16xf32>,
        %get3A_522 = arith.index_cast %scan3A_473 : i32 to index
        %get3A_523 = arith.constant 64 : index
        %get3A_524 = tpu.vector_load %arg18[%get3A_522, %get3A_523] {strides = array<i32>} : memref<40x128xf32, #tpu.memory_space<vmem>>, vector<16xf32>,
        %sub3A_525 = arith.subf %get3A_521, %get3A_524 : vector<16xf32>
        %mul3A_526 = arith.mulf %sub3A_525, %sub3A_525 : vector<16xf32>
        %mul3A_527 = arith.mulf %mul3A_526, %mul3A_479 : vector<16xf32>
        %add3A_528 = arith.addf %add3A_518, %mul3A_527 : vector<16xf32>
        %get3A_529 = arith.index_cast %scan3A_473 : i32 to index
        %get3A_530 = arith.constant 80 : index
        %get3A_531 = tpu.vector_load %arg17[%get3A_529, %get3A_530] {strides = array<i32>} : memref<40x128xf32, #tpu.memory_space<vmem>>, vector<16xf32>,
        %get3A_532 = arith.index_cast %scan3A_473 : i32 to index
        %get3A_533 = arith.constant 80 : index
        %get3A_534 = tpu.vector_load %arg18[%get3A_532, %get3A_533] {strides = array<i32>} : memref<40x128xf32, #tpu.memory_space<vmem>>, vector<16xf32>,
        %sub3A_535 = arith.subf %get3A_531, %get3A_534 : vector<16xf32>
        %mul3A_536 = arith.mulf %sub3A_535, %sub3A_535 : vector<16xf32>
        %mul3A_537 = arith.mulf %mul3A_536, %mul3A_479 : vector<16xf32>
        %add3A_538 = arith.addf %add3A_528, %mul3A_537 : vector<16xf32>
        %get3A_539 = arith.index_cast %scan3A_473 : i32 to index
        %get3A_540 = arith.constant 96 : index
        %get3A_541 = tpu.vector_load %arg17[%get3A_539, %get3A_540] {strides = array<i32>} : memref<40x128xf32, #tpu.memory_space<vmem>>, vector<16xf32>,
        %get3A_542 = arith.index_cast %scan3A_473 : i32 to index
        %get3A_543 = arith.constant 96 : index
        %get3A_544 = tpu.vector_load %arg18[%get3A_542, %get3A_543] {strides = array<i32>} : memref<40x128xf32, #tpu.memory_space<vmem>>, vector<16xf32>,
        %sub3A_545 = arith.subf %get3A_541, %get3A_544 : vector<16xf32>
        %mul3A_546 = arith.mulf %sub3A_545, %sub3A_545 : vector<16xf32>
        %mul3A_547 = arith.mulf %mul3A_546, %mul3A_479 : vector<16xf32>
        %add3A_548 = arith.addf %add3A_538, %mul3A_547 : vector<16xf32>
        %get3A_549 = arith.index_cast %scan3A_473 : i32 to index
        %get3A_550 = arith.constant 112 : index
        %get3A_551 = tpu.vector_load %arg17[%get3A_549, %get3A_550] {strides = array<i32>} : memref<40x128xf32, #tpu.memory_space<vmem>>, vector<16xf32>,
        %get3A_552 = arith.index_cast %scan3A_473 : i32 to index
        %get3A_553 = arith.constant 112 : index
        %get3A_554 = tpu.vector_load %arg18[%get3A_552, %get3A_553] {strides = array<i32>} : memref<40x128xf32, #tpu.memory_space<vmem>>, vector<16xf32>,
        %sub3A_555 = arith.subf %get3A_551, %get3A_554 : vector<16xf32>
        %mul3A_556 = arith.mulf %sub3A_555, %sub3A_555 : vector<16xf32>
        %mul3A_557 = arith.mulf %mul3A_556, %mul3A_479 : vector<16xf32>
        %add3A_558 = arith.addf %add3A_548, %mul3A_557 : vector<16xf32>
        scf.yield %add3A_558 : vector<16xf32>
      }
      %scan3A_336 = arith.constant 40 : i32
      %add3A_337 = arith.constant 1 : i32
      %add3A_338 = arith.addi %mul3A_303, %add3A_337 : i32
      %add3A_339 = arith.constant 5 : i32
      %add3A_340 = arith.addi %add3A_338, %add3A_339 : i32
      %sub3A_341 = arith.constant 1 : i32
      %sub3A_342 = arith.subi %add3A_340, %sub3A_341 : i32
      %mul3A_343 = arith.constant 40 : i32
      %mul3A_344 = arith.muli %sub3A_342, %mul3A_343 : i32
      %dma_start3A_345 = tpu.memref_slice %arg11[%mul3A_344] : memref<10000xi32, #tpu.memory_space<vmem>> -> memref<40xi32, #tpu.memory_space<vmem>>
      %dma_start3A_346 = arith.constant 0 : i32
      %dma_start3A_347 = arith.constant 0 : i32
      %dma_start3A_348 = tpu.memref_slice %arg2[%dma_start3A_346, %dma_start3A_347] : memref<10000x128xf32, #tpu.memory_space<hbm>> -> memref<10000x128xf32, #tpu.memory_space<hbm>>
      tpu.enqueue_indirect_dma source(%dma_start3A_348 : memref<10000x128xf32, #tpu.memory_space<hbm>>) target(%arg17 : memref<40x128xf32, #tpu.memory_space<vmem>>) offsets(%dma_start3A_345 : memref<40xi32, #tpu.memory_space<vmem>>) semaphore(%arg28 : memref<!tpu.dma_semaphore, #tpu.memory_space<semaphore_mem>>)
      %dma_start3A_349 = tpu.memref_slice %arg12[%mul3A_344] : memref<10000xi32, #tpu.memory_space<vmem>> -> memref<40xi32, #tpu.memory_space<vmem>>
      %dma_start3A_350 = arith.constant 0 : i32
      %dma_start3A_351 = arith.constant 0 : i32
      %dma_start3A_352 = tpu.memref_slice %arg2[%dma_start3A_350, %dma_start3A_351] : memref<10000x128xf32, #tpu.memory_space<hbm>> -> memref<10000x128xf32, #tpu.memory_space<hbm>>
      tpu.enqueue_indirect_dma source(%dma_start3A_352 : memref<10000x128xf32, #tpu.memory_space<hbm>>) target(%arg18 : memref<40x128xf32, #tpu.memory_space<vmem>>) offsets(%dma_start3A_349 : memref<40xi32, #tpu.memory_space<vmem>>) semaphore(%arg29 : memref<!tpu.dma_semaphore, #tpu.memory_space<semaphore_mem>>)
      %mul3A_353 = arith.constant 40 : i32
      %mul3A_354 = arith.muli %add3A_338, %mul3A_353 : i32
      %dma_wait3A_355 = tpu.memref_slice %arg11[%mul3A_354] : memref<10000xi32, #tpu.memory_space<vmem>> -> memref<40xi32, #tpu.memory_space<vmem>>
      %dma_wait3A_356 = arith.constant 0 : i32
      %dma_wait3A_357 = arith.constant 0 : i32
      %dma_wait3A_358 = tpu.memref_slice %arg2[%dma_wait3A_356, %dma_wait3A_357] : memref<10000x128xf32, #tpu.memory_space<hbm>> -> memref<10000x128xf32, #tpu.memory_space<hbm>>
      tpu.wait_indirect_dma semaphore(%arg30 : memref<!tpu.dma_semaphore, #tpu.memory_space<semaphore_mem>>) src(%dma_wait3A_358 : memref<10000x128xf32, #tpu.memory_space<hbm>>) dst(%arg19 : memref<40x128xf32, #tpu.memory_space<vmem>>)
      %dma_wait3A_359 = tpu.memref_slice %arg12[%mul3A_354] : memref<10000xi32, #tpu.memory_space<vmem>> -> memref<40xi32, #tpu.memory_space<vmem>>
      %dma_wait3A_360 = arith.constant 0 : i32
      %dma_wait3A_361 = arith.constant 0 : i32
      %dma_wait3A_362 = tpu.memref_slice %arg2[%dma_wait3A_360, %dma_wait3A_361] : memref<10000x128xf32, #tpu.memory_space<hbm>> -> memref<10000x128xf32, #tpu.memory_space<hbm>>
      tpu.wait_indirect_dma semaphore(%arg31 : memref<!tpu.dma_semaphore, #tpu.memory_space<semaphore_mem>>) src(%dma_wait3A_362 : memref<10000x128xf32, #tpu.memory_space<hbm>>) dst(%arg20 : memref<40x128xf32, #tpu.memory_space<vmem>>)
      %mul3A_363 = arith.constant 40 : i32
      %mul3A_364 = arith.muli %add3A_338, %mul3A_363 : i32
      %scan3A_365 = arith.constant 0 : i32
      %scan3A_366 = arith.constant 40 : i32
      %scan3A_367 = arith.addi %scan3A_365, %scan3A_366 : i32
      %scan3A_368 = arith.constant 1 : i32
      %scan3A_369 = scf.for %scan3A_473 = %scan3A_365 to %scan3A_367 step %scan3A_368 iter_args(%scan3A_474 = %scan3A_335) -> (vector<16xf32>)  : i32 {
        %add3A_475 = arith.addi %mul3A_364, %scan3A_473 : i32
        %broadcast_in_dim3A_476 = vector.broadcast %add3A_475 : i32 to vector<16xi32>
        %gather3A = tpu.vector_load_idx %arg13[%broadcast_in_dim3A_476] : memref<10000xf32, #tpu.memory_space<vmem>>[vector<16xi32>], vector<16xf32>,
        %mul3A_477 = arith.constant 1.562500e-06 : f32
        %mul3A_478 = vector.broadcast %mul3A_477 : f32 to vector<16xf32>
        %mul3A_479 = arith.mulf %gather3A, %mul3A_478 : vector<16xf32>
        %get3A = arith.index_cast %scan3A_473 : i32 to index
        %get3A_480 = arith.constant 0 : index
        %get3A_481 = tpu.vector_load %arg19[%get3A, %get3A_480] {strides = array<i32>} : memref<40x128xf32, #tpu.memory_space<vmem>>, vector<16xf32>,
        %get3A_482 = arith.index_cast %scan3A_473 : i32 to index
        %get3A_483 = arith.constant 0 : index
        %get3A_484 = tpu.vector_load %arg20[%get3A_482, %get3A_483] {strides = array<i32>} : memref<40x128xf32, #tpu.memory_space<vmem>>, vector<16xf32>,
        %sub3A_485 = arith.subf %get3A_481, %get3A_484 : vector<16xf32>
        %mul3A_486 = arith.mulf %sub3A_485, %sub3A_485 : vector<16xf32>
        %mul3A_487 = arith.mulf %mul3A_486, %mul3A_479 : vector<16xf32>
        %add3A_488 = arith.addf %scan3A_474, %mul3A_487 : vector<16xf32>
        %get3A_489 = arith.index_cast %scan3A_473 : i32 to index
        %get3A_490 = arith.constant 16 : index
        %get3A_491 = tpu.vector_load %arg19[%get3A_489, %get3A_490] {strides = array<i32>} : memref<40x128xf32, #tpu.memory_space<vmem>>, vector<16xf32>,
        %get3A_492 = arith.index_cast %scan3A_473 : i32 to index
        %get3A_493 = arith.constant 16 : index
        %get3A_494 = tpu.vector_load %arg20[%get3A_492, %get3A_493] {strides = array<i32>} : memref<40x128xf32, #tpu.memory_space<vmem>>, vector<16xf32>,
        %sub3A_495 = arith.subf %get3A_491, %get3A_494 : vector<16xf32>
        %mul3A_496 = arith.mulf %sub3A_495, %sub3A_495 : vector<16xf32>
        %mul3A_497 = arith.mulf %mul3A_496, %mul3A_479 : vector<16xf32>
        %add3A_498 = arith.addf %add3A_488, %mul3A_497 : vector<16xf32>
        %get3A_499 = arith.index_cast %scan3A_473 : i32 to index
        %get3A_500 = arith.constant 32 : index
        %get3A_501 = tpu.vector_load %arg19[%get3A_499, %get3A_500] {strides = array<i32>} : memref<40x128xf32, #tpu.memory_space<vmem>>, vector<16xf32>,
        %get3A_502 = arith.index_cast %scan3A_473 : i32 to index
        %get3A_503 = arith.constant 32 : index
        %get3A_504 = tpu.vector_load %arg20[%get3A_502, %get3A_503] {strides = array<i32>} : memref<40x128xf32, #tpu.memory_space<vmem>>, vector<16xf32>,
        %sub3A_505 = arith.subf %get3A_501, %get3A_504 : vector<16xf32>
        %mul3A_506 = arith.mulf %sub3A_505, %sub3A_505 : vector<16xf32>
        %mul3A_507 = arith.mulf %mul3A_506, %mul3A_479 : vector<16xf32>
        %add3A_508 = arith.addf %add3A_498, %mul3A_507 : vector<16xf32>
        %get3A_509 = arith.index_cast %scan3A_473 : i32 to index
        %get3A_510 = arith.constant 48 : index
        %get3A_511 = tpu.vector_load %arg19[%get3A_509, %get3A_510] {strides = array<i32>} : memref<40x128xf32, #tpu.memory_space<vmem>>, vector<16xf32>,
        %get3A_512 = arith.index_cast %scan3A_473 : i32 to index
        %get3A_513 = arith.constant 48 : index
        %get3A_514 = tpu.vector_load %arg20[%get3A_512, %get3A_513] {strides = array<i32>} : memref<40x128xf32, #tpu.memory_space<vmem>>, vector<16xf32>,
        %sub3A_515 = arith.subf %get3A_511, %get3A_514 : vector<16xf32>
        %mul3A_516 = arith.mulf %sub3A_515, %sub3A_515 : vector<16xf32>
        %mul3A_517 = arith.mulf %mul3A_516, %mul3A_479 : vector<16xf32>
        %add3A_518 = arith.addf %add3A_508, %mul3A_517 : vector<16xf32>
        %get3A_519 = arith.index_cast %scan3A_473 : i32 to index
        %get3A_520 = arith.constant 64 : index
        %get3A_521 = tpu.vector_load %arg19[%get3A_519, %get3A_520] {strides = array<i32>} : memref<40x128xf32, #tpu.memory_space<vmem>>, vector<16xf32>,
        %get3A_522 = arith.index_cast %scan3A_473 : i32 to index
        %get3A_523 = arith.constant 64 : index
        %get3A_524 = tpu.vector_load %arg20[%get3A_522, %get3A_523] {strides = array<i32>} : memref<40x128xf32, #tpu.memory_space<vmem>>, vector<16xf32>,
        %sub3A_525 = arith.subf %get3A_521, %get3A_524 : vector<16xf32>
        %mul3A_526 = arith.mulf %sub3A_525, %sub3A_525 : vector<16xf32>
        %mul3A_527 = arith.mulf %mul3A_526, %mul3A_479 : vector<16xf32>
        %add3A_528 = arith.addf %add3A_518, %mul3A_527 : vector<16xf32>
        %get3A_529 = arith.index_cast %scan3A_473 : i32 to index
        %get3A_530 = arith.constant 80 : index
        %get3A_531 = tpu.vector_load %arg19[%get3A_529, %get3A_530] {strides = array<i32>} : memref<40x128xf32, #tpu.memory_space<vmem>>, vector<16xf32>,
        %get3A_532 = arith.index_cast %scan3A_473 : i32 to index
        %get3A_533 = arith.constant 80 : index
        %get3A_534 = tpu.vector_load %arg20[%get3A_532, %get3A_533] {strides = array<i32>} : memref<40x128xf32, #tpu.memory_space<vmem>>, vector<16xf32>,
        %sub3A_535 = arith.subf %get3A_531, %get3A_534 : vector<16xf32>
        %mul3A_536 = arith.mulf %sub3A_535, %sub3A_535 : vector<16xf32>
        %mul3A_537 = arith.mulf %mul3A_536, %mul3A_479 : vector<16xf32>
        %add3A_538 = arith.addf %add3A_528, %mul3A_537 : vector<16xf32>
        %get3A_539 = arith.index_cast %scan3A_473 : i32 to index
        %get3A_540 = arith.constant 96 : index
        %get3A_541 = tpu.vector_load %arg19[%get3A_539, %get3A_540] {strides = array<i32>} : memref<40x128xf32, #tpu.memory_space<vmem>>, vector<16xf32>,
        %get3A_542 = arith.index_cast %scan3A_473 : i32 to index
        %get3A_543 = arith.constant 96 : index
        %get3A_544 = tpu.vector_load %arg20[%get3A_542, %get3A_543] {strides = array<i32>} : memref<40x128xf32, #tpu.memory_space<vmem>>, vector<16xf32>,
        %sub3A_545 = arith.subf %get3A_541, %get3A_544 : vector<16xf32>
        %mul3A_546 = arith.mulf %sub3A_545, %sub3A_545 : vector<16xf32>
        %mul3A_547 = arith.mulf %mul3A_546, %mul3A_479 : vector<16xf32>
        %add3A_548 = arith.addf %add3A_538, %mul3A_547 : vector<16xf32>
        %get3A_549 = arith.index_cast %scan3A_473 : i32 to index
        %get3A_550 = arith.constant 112 : index
        %get3A_551 = tpu.vector_load %arg19[%get3A_549, %get3A_550] {strides = array<i32>} : memref<40x128xf32, #tpu.memory_space<vmem>>, vector<16xf32>,
        %get3A_552 = arith.index_cast %scan3A_473 : i32 to index
        %get3A_553 = arith.constant 112 : index
        %get3A_554 = tpu.vector_load %arg20[%get3A_552, %get3A_553] {strides = array<i32>} : memref<40x128xf32, #tpu.memory_space<vmem>>, vector<16xf32>,
        %sub3A_555 = arith.subf %get3A_551, %get3A_554 : vector<16xf32>
        %mul3A_556 = arith.mulf %sub3A_555, %sub3A_555 : vector<16xf32>
        %mul3A_557 = arith.mulf %mul3A_556, %mul3A_479 : vector<16xf32>
        %add3A_558 = arith.addf %add3A_548, %mul3A_557 : vector<16xf32>
        scf.yield %add3A_558 : vector<16xf32>
      }
      %scan3A_370 = arith.constant 40 : i32
      %add3A_371 = arith.constant 2 : i32
      %add3A_372 = arith.addi %mul3A_303, %add3A_371 : i32
      %add3A_373 = arith.constant 5 : i32
      %add3A_374 = arith.addi %add3A_372, %add3A_373 : i32
      %sub3A_375 = arith.constant 1 : i32
      %sub3A_376 = arith.subi %add3A_374, %sub3A_375 : i32
      %mul3A_377 = arith.constant 40 : i32
      %mul3A_378 = arith.muli %sub3A_376, %mul3A_377 : i32
      %dma_start3A_379 = tpu.memref_slice %arg11[%mul3A_378] : memref<10000xi32, #tpu.memory_space<vmem>> -> memref<40xi32, #tpu.memory_space<vmem>>
      %dma_start3A_380 = arith.constant 0 : i32
      %dma_start3A_381 = arith.constant 0 : i32
      %dma_start3A_382 = tpu.memref_slice %arg2[%dma_start3A_380, %dma_start3A_381] : memref<10000x128xf32, #tpu.memory_space<hbm>> -> memref<10000x128xf32, #tpu.memory_space<hbm>>
      tpu.enqueue_indirect_dma source(%dma_start3A_382 : memref<10000x128xf32, #tpu.memory_space<hbm>>) target(%arg19 : memref<40x128xf32, #tpu.memory_space<vmem>>) offsets(%dma_start3A_379 : memref<40xi32, #tpu.memory_space<vmem>>) semaphore(%arg30 : memref<!tpu.dma_semaphore, #tpu.memory_space<semaphore_mem>>)
      %dma_start3A_383 = tpu.memref_slice %arg12[%mul3A_378] : memref<10000xi32, #tpu.memory_space<vmem>> -> memref<40xi32, #tpu.memory_space<vmem>>
      %dma_start3A_384 = arith.constant 0 : i32
      %dma_start3A_385 = arith.constant 0 : i32
      %dma_start3A_386 = tpu.memref_slice %arg2[%dma_start3A_384, %dma_start3A_385] : memref<10000x128xf32, #tpu.memory_space<hbm>> -> memref<10000x128xf32, #tpu.memory_space<hbm>>
      tpu.enqueue_indirect_dma source(%dma_start3A_386 : memref<10000x128xf32, #tpu.memory_space<hbm>>) target(%arg20 : memref<40x128xf32, #tpu.memory_space<vmem>>) offsets(%dma_start3A_383 : memref<40xi32, #tpu.memory_space<vmem>>) semaphore(%arg31 : memref<!tpu.dma_semaphore, #tpu.memory_space<semaphore_mem>>)
      %mul3A_387 = arith.constant 40 : i32
      %mul3A_388 = arith.muli %add3A_372, %mul3A_387 : i32
      %dma_wait3A_389 = tpu.memref_slice %arg11[%mul3A_388] : memref<10000xi32, #tpu.memory_space<vmem>> -> memref<40xi32, #tpu.memory_space<vmem>>
      %dma_wait3A_390 = arith.constant 0 : i32
      %dma_wait3A_391 = arith.constant 0 : i32
      %dma_wait3A_392 = tpu.memref_slice %arg2[%dma_wait3A_390, %dma_wait3A_391] : memref<10000x128xf32, #tpu.memory_space<hbm>> -> memref<10000x128xf32, #tpu.memory_space<hbm>>
      tpu.wait_indirect_dma semaphore(%arg32 : memref<!tpu.dma_semaphore, #tpu.memory_space<semaphore_mem>>) src(%dma_wait3A_392 : memref<10000x128xf32, #tpu.memory_space<hbm>>) dst(%arg21 : memref<40x128xf32, #tpu.memory_space<vmem>>)
      %dma_wait3A_393 = tpu.memref_slice %arg12[%mul3A_388] : memref<10000xi32, #tpu.memory_space<vmem>> -> memref<40xi32, #tpu.memory_space<vmem>>
      %dma_wait3A_394 = arith.constant 0 : i32
      %dma_wait3A_395 = arith.constant 0 : i32
      %dma_wait3A_396 = tpu.memref_slice %arg2[%dma_wait3A_394, %dma_wait3A_395] : memref<10000x128xf32, #tpu.memory_space<hbm>> -> memref<10000x128xf32, #tpu.memory_space<hbm>>
      tpu.wait_indirect_dma semaphore(%arg33 : memref<!tpu.dma_semaphore, #tpu.memory_space<semaphore_mem>>) src(%dma_wait3A_396 : memref<10000x128xf32, #tpu.memory_space<hbm>>) dst(%arg22 : memref<40x128xf32, #tpu.memory_space<vmem>>)
      %mul3A_397 = arith.constant 40 : i32
      %mul3A_398 = arith.muli %add3A_372, %mul3A_397 : i32
      %scan3A_399 = arith.constant 0 : i32
      %scan3A_400 = arith.constant 40 : i32
      %scan3A_401 = arith.addi %scan3A_399, %scan3A_400 : i32
      %scan3A_402 = arith.constant 1 : i32
      %scan3A_403 = scf.for %scan3A_473 = %scan3A_399 to %scan3A_401 step %scan3A_402 iter_args(%scan3A_474 = %scan3A_369) -> (vector<16xf32>)  : i32 {
        %add3A_475 = arith.addi %mul3A_398, %scan3A_473 : i32
        %broadcast_in_dim3A_476 = vector.broadcast %add3A_475 : i32 to vector<16xi32>
        %gather3A = tpu.vector_load_idx %arg13[%broadcast_in_dim3A_476] : memref<10000xf32, #tpu.memory_space<vmem>>[vector<16xi32>], vector<16xf32>,
        %mul3A_477 = arith.constant 1.562500e-06 : f32
        %mul3A_478 = vector.broadcast %mul3A_477 : f32 to vector<16xf32>
        %mul3A_479 = arith.mulf %gather3A, %mul3A_478 : vector<16xf32>
        %get3A = arith.index_cast %scan3A_473 : i32 to index
        %get3A_480 = arith.constant 0 : index
        %get3A_481 = tpu.vector_load %arg21[%get3A, %get3A_480] {strides = array<i32>} : memref<40x128xf32, #tpu.memory_space<vmem>>, vector<16xf32>,
        %get3A_482 = arith.index_cast %scan3A_473 : i32 to index
        %get3A_483 = arith.constant 0 : index
        %get3A_484 = tpu.vector_load %arg22[%get3A_482, %get3A_483] {strides = array<i32>} : memref<40x128xf32, #tpu.memory_space<vmem>>, vector<16xf32>,
        %sub3A_485 = arith.subf %get3A_481, %get3A_484 : vector<16xf32>
        %mul3A_486 = arith.mulf %sub3A_485, %sub3A_485 : vector<16xf32>
        %mul3A_487 = arith.mulf %mul3A_486, %mul3A_479 : vector<16xf32>
        %add3A_488 = arith.addf %scan3A_474, %mul3A_487 : vector<16xf32>
        %get3A_489 = arith.index_cast %scan3A_473 : i32 to index
        %get3A_490 = arith.constant 16 : index
        %get3A_491 = tpu.vector_load %arg21[%get3A_489, %get3A_490] {strides = array<i32>} : memref<40x128xf32, #tpu.memory_space<vmem>>, vector<16xf32>,
        %get3A_492 = arith.index_cast %scan3A_473 : i32 to index
        %get3A_493 = arith.constant 16 : index
        %get3A_494 = tpu.vector_load %arg22[%get3A_492, %get3A_493] {strides = array<i32>} : memref<40x128xf32, #tpu.memory_space<vmem>>, vector<16xf32>,
        %sub3A_495 = arith.subf %get3A_491, %get3A_494 : vector<16xf32>
        %mul3A_496 = arith.mulf %sub3A_495, %sub3A_495 : vector<16xf32>
        %mul3A_497 = arith.mulf %mul3A_496, %mul3A_479 : vector<16xf32>
        %add3A_498 = arith.addf %add3A_488, %mul3A_497 : vector<16xf32>
        %get3A_499 = arith.index_cast %scan3A_473 : i32 to index
        %get3A_500 = arith.constant 32 : index
        %get3A_501 = tpu.vector_load %arg21[%get3A_499, %get3A_500] {strides = array<i32>} : memref<40x128xf32, #tpu.memory_space<vmem>>, vector<16xf32>,
        %get3A_502 = arith.index_cast %scan3A_473 : i32 to index
        %get3A_503 = arith.constant 32 : index
        %get3A_504 = tpu.vector_load %arg22[%get3A_502, %get3A_503] {strides = array<i32>} : memref<40x128xf32, #tpu.memory_space<vmem>>, vector<16xf32>,
        %sub3A_505 = arith.subf %get3A_501, %get3A_504 : vector<16xf32>
        %mul3A_506 = arith.mulf %sub3A_505, %sub3A_505 : vector<16xf32>
        %mul3A_507 = arith.mulf %mul3A_506, %mul3A_479 : vector<16xf32>
        %add3A_508 = arith.addf %add3A_498, %mul3A_507 : vector<16xf32>
        %get3A_509 = arith.index_cast %scan3A_473 : i32 to index
        %get3A_510 = arith.constant 48 : index
        %get3A_511 = tpu.vector_load %arg21[%get3A_509, %get3A_510] {strides = array<i32>} : memref<40x128xf32, #tpu.memory_space<vmem>>, vector<16xf32>,
        %get3A_512 = arith.index_cast %scan3A_473 : i32 to index
        %get3A_513 = arith.constant 48 : index
        %get3A_514 = tpu.vector_load %arg22[%get3A_512, %get3A_513] {strides = array<i32>} : memref<40x128xf32, #tpu.memory_space<vmem>>, vector<16xf32>,
        %sub3A_515 = arith.subf %get3A_511, %get3A_514 : vector<16xf32>
        %mul3A_516 = arith.mulf %sub3A_515, %sub3A_515 : vector<16xf32>
        %mul3A_517 = arith.mulf %mul3A_516, %mul3A_479 : vector<16xf32>
        %add3A_518 = arith.addf %add3A_508, %mul3A_517 : vector<16xf32>
        %get3A_519 = arith.index_cast %scan3A_473 : i32 to index
        %get3A_520 = arith.constant 64 : index
        %get3A_521 = tpu.vector_load %arg21[%get3A_519, %get3A_520] {strides = array<i32>} : memref<40x128xf32, #tpu.memory_space<vmem>>, vector<16xf32>,
        %get3A_522 = arith.index_cast %scan3A_473 : i32 to index
        %get3A_523 = arith.constant 64 : index
        %get3A_524 = tpu.vector_load %arg22[%get3A_522, %get3A_523] {strides = array<i32>} : memref<40x128xf32, #tpu.memory_space<vmem>>, vector<16xf32>,
        %sub3A_525 = arith.subf %get3A_521, %get3A_524 : vector<16xf32>
        %mul3A_526 = arith.mulf %sub3A_525, %sub3A_525 : vector<16xf32>
        %mul3A_527 = arith.mulf %mul3A_526, %mul3A_479 : vector<16xf32>
        %add3A_528 = arith.addf %add3A_518, %mul3A_527 : vector<16xf32>
        %get3A_529 = arith.index_cast %scan3A_473 : i32 to index
        %get3A_530 = arith.constant 80 : index
        %get3A_531 = tpu.vector_load %arg21[%get3A_529, %get3A_530] {strides = array<i32>} : memref<40x128xf32, #tpu.memory_space<vmem>>, vector<16xf32>,
        %get3A_532 = arith.index_cast %scan3A_473 : i32 to index
        %get3A_533 = arith.constant 80 : index
        %get3A_534 = tpu.vector_load %arg22[%get3A_532, %get3A_533] {strides = array<i32>} : memref<40x128xf32, #tpu.memory_space<vmem>>, vector<16xf32>,
        %sub3A_535 = arith.subf %get3A_531, %get3A_534 : vector<16xf32>
        %mul3A_536 = arith.mulf %sub3A_535, %sub3A_535 : vector<16xf32>
        %mul3A_537 = arith.mulf %mul3A_536, %mul3A_479 : vector<16xf32>
        %add3A_538 = arith.addf %add3A_528, %mul3A_537 : vector<16xf32>
        %get3A_539 = arith.index_cast %scan3A_473 : i32 to index
        %get3A_540 = arith.constant 96 : index
        %get3A_541 = tpu.vector_load %arg21[%get3A_539, %get3A_540] {strides = array<i32>} : memref<40x128xf32, #tpu.memory_space<vmem>>, vector<16xf32>,
        %get3A_542 = arith.index_cast %scan3A_473 : i32 to index
        %get3A_543 = arith.constant 96 : index
        %get3A_544 = tpu.vector_load %arg22[%get3A_542, %get3A_543] {strides = array<i32>} : memref<40x128xf32, #tpu.memory_space<vmem>>, vector<16xf32>,
        %sub3A_545 = arith.subf %get3A_541, %get3A_544 : vector<16xf32>
        %mul3A_546 = arith.mulf %sub3A_545, %sub3A_545 : vector<16xf32>
        %mul3A_547 = arith.mulf %mul3A_546, %mul3A_479 : vector<16xf32>
        %add3A_548 = arith.addf %add3A_538, %mul3A_547 : vector<16xf32>
        %get3A_549 = arith.index_cast %scan3A_473 : i32 to index
        %get3A_550 = arith.constant 112 : index
        %get3A_551 = tpu.vector_load %arg21[%get3A_549, %get3A_550] {strides = array<i32>} : memref<40x128xf32, #tpu.memory_space<vmem>>, vector<16xf32>,
        %get3A_552 = arith.index_cast %scan3A_473 : i32 to index
        %get3A_553 = arith.constant 112 : index
        %get3A_554 = tpu.vector_load %arg22[%get3A_552, %get3A_553] {strides = array<i32>} : memref<40x128xf32, #tpu.memory_space<vmem>>, vector<16xf32>,
        %sub3A_555 = arith.subf %get3A_551, %get3A_554 : vector<16xf32>
        %mul3A_556 = arith.mulf %sub3A_555, %sub3A_555 : vector<16xf32>
        %mul3A_557 = arith.mulf %mul3A_556, %mul3A_479 : vector<16xf32>
        %add3A_558 = arith.addf %add3A_548, %mul3A_557 : vector<16xf32>
        scf.yield %add3A_558 : vector<16xf32>
      }
      %scan3A_404 = arith.constant 40 : i32
      %add3A_405 = arith.constant 3 : i32
      %add3A_406 = arith.addi %mul3A_303, %add3A_405 : i32
      %add3A_407 = arith.constant 5 : i32
      %add3A_408 = arith.addi %add3A_406, %add3A_407 : i32
      %sub3A_409 = arith.constant 1 : i32
      %sub3A_410 = arith.subi %add3A_408, %sub3A_409 : i32
      %mul3A_411 = arith.constant 40 : i32
      %mul3A_412 = arith.muli %sub3A_410, %mul3A_411 : i32
      %dma_start3A_413 = tpu.memref_slice %arg11[%mul3A_412] : memref<10000xi32, #tpu.memory_space<vmem>> -> memref<40xi32, #tpu.memory_space<vmem>>
      %dma_start3A_414 = arith.constant 0 : i32
      %dma_start3A_415 = arith.constant 0 : i32
      %dma_start3A_416 = tpu.memref_slice %arg2[%dma_start3A_414, %dma_start3A_415] : memref<10000x128xf32, #tpu.memory_space<hbm>> -> memref<10000x128xf32, #tpu.memory_space<hbm>>
      tpu.enqueue_indirect_dma source(%dma_start3A_416 : memref<10000x128xf32, #tpu.memory_space<hbm>>) target(%arg21 : memref<40x128xf32, #tpu.memory_space<vmem>>) offsets(%dma_start3A_413 : memref<40xi32, #tpu.memory_space<vmem>>) semaphore(%arg32 : memref<!tpu.dma_semaphore, #tpu.memory_space<semaphore_mem>>)
      %dma_start3A_417 = tpu.memref_slice %arg12[%mul3A_412] : memref<10000xi32, #tpu.memory_space<vmem>> -> memref<40xi32, #tpu.memory_space<vmem>>
      %dma_start3A_418 = arith.constant 0 : i32
      %dma_start3A_419 = arith.constant 0 : i32
      %dma_start3A_420 = tpu.memref_slice %arg2[%dma_start3A_418, %dma_start3A_419] : memref<10000x128xf32, #tpu.memory_space<hbm>> -> memref<10000x128xf32, #tpu.memory_space<hbm>>
      tpu.enqueue_indirect_dma source(%dma_start3A_420 : memref<10000x128xf32, #tpu.memory_space<hbm>>) target(%arg22 : memref<40x128xf32, #tpu.memory_space<vmem>>) offsets(%dma_start3A_417 : memref<40xi32, #tpu.memory_space<vmem>>) semaphore(%arg33 : memref<!tpu.dma_semaphore, #tpu.memory_space<semaphore_mem>>)
      %mul3A_421 = arith.constant 40 : i32
      %mul3A_422 = arith.muli %add3A_406, %mul3A_421 : i32
      %dma_wait3A_423 = tpu.memref_slice %arg11[%mul3A_422] : memref<10000xi32, #tpu.memory_space<vmem>> -> memref<40xi32, #tpu.memory_space<vmem>>
      %dma_wait3A_424 = arith.constant 0 : i32
      %dma_wait3A_425 = arith.constant 0 : i32
      %dma_wait3A_426 = tpu.memref_slice %arg2[%dma_wait3A_424, %dma_wait3A_425] : memref<10000x128xf32, #tpu.memory_space<hbm>> -> memref<10000x128xf32, #tpu.memory_space<hbm>>
      tpu.wait_indirect_dma semaphore(%arg34 : memref<!tpu.dma_semaphore, #tpu.memory_space<semaphore_mem>>) src(%dma_wait3A_426 : memref<10000x128xf32, #tpu.memory_space<hbm>>) dst(%arg23 : memref<40x128xf32, #tpu.memory_space<vmem>>)
      %dma_wait3A_427 = tpu.memref_slice %arg12[%mul3A_422] : memref<10000xi32, #tpu.memory_space<vmem>> -> memref<40xi32, #tpu.memory_space<vmem>>
      %dma_wait3A_428 = arith.constant 0 : i32
      %dma_wait3A_429 = arith.constant 0 : i32
      %dma_wait3A_430 = tpu.memref_slice %arg2[%dma_wait3A_428, %dma_wait3A_429] : memref<10000x128xf32, #tpu.memory_space<hbm>> -> memref<10000x128xf32, #tpu.memory_space<hbm>>
      tpu.wait_indirect_dma semaphore(%arg35 : memref<!tpu.dma_semaphore, #tpu.memory_space<semaphore_mem>>) src(%dma_wait3A_430 : memref<10000x128xf32, #tpu.memory_space<hbm>>) dst(%arg24 : memref<40x128xf32, #tpu.memory_space<vmem>>)
      %mul3A_431 = arith.constant 40 : i32
      %mul3A_432 = arith.muli %add3A_406, %mul3A_431 : i32
      %scan3A_433 = arith.constant 0 : i32
      %scan3A_434 = arith.constant 40 : i32
      %scan3A_435 = arith.addi %scan3A_433, %scan3A_434 : i32
      %scan3A_436 = arith.constant 1 : i32
      %scan3A_437 = scf.for %scan3A_473 = %scan3A_433 to %scan3A_435 step %scan3A_436 iter_args(%scan3A_474 = %scan3A_403) -> (vector<16xf32>)  : i32 {
        %add3A_475 = arith.addi %mul3A_432, %scan3A_473 : i32
        %broadcast_in_dim3A_476 = vector.broadcast %add3A_475 : i32 to vector<16xi32>
        %gather3A = tpu.vector_load_idx %arg13[%broadcast_in_dim3A_476] : memref<10000xf32, #tpu.memory_space<vmem>>[vector<16xi32>], vector<16xf32>,
        %mul3A_477 = arith.constant 1.562500e-06 : f32
        %mul3A_478 = vector.broadcast %mul3A_477 : f32 to vector<16xf32>
        %mul3A_479 = arith.mulf %gather3A, %mul3A_478 : vector<16xf32>
        %get3A = arith.index_cast %scan3A_473 : i32 to index
        %get3A_480 = arith.constant 0 : index
        %get3A_481 = tpu.vector_load %arg23[%get3A, %get3A_480] {strides = array<i32>} : memref<40x128xf32, #tpu.memory_space<vmem>>, vector<16xf32>,
        %get3A_482 = arith.index_cast %scan3A_473 : i32 to index
        %get3A_483 = arith.constant 0 : index
        %get3A_484 = tpu.vector_load %arg24[%get3A_482, %get3A_483] {strides = array<i32>} : memref<40x128xf32, #tpu.memory_space<vmem>>, vector<16xf32>,
        %sub3A_485 = arith.subf %get3A_481, %get3A_484 : vector<16xf32>
        %mul3A_486 = arith.mulf %sub3A_485, %sub3A_485 : vector<16xf32>
        %mul3A_487 = arith.mulf %mul3A_486, %mul3A_479 : vector<16xf32>
        %add3A_488 = arith.addf %scan3A_474, %mul3A_487 : vector<16xf32>
        %get3A_489 = arith.index_cast %scan3A_473 : i32 to index
        %get3A_490 = arith.constant 16 : index
        %get3A_491 = tpu.vector_load %arg23[%get3A_489, %get3A_490] {strides = array<i32>} : memref<40x128xf32, #tpu.memory_space<vmem>>, vector<16xf32>,
        %get3A_492 = arith.index_cast %scan3A_473 : i32 to index
        %get3A_493 = arith.constant 16 : index
        %get3A_494 = tpu.vector_load %arg24[%get3A_492, %get3A_493] {strides = array<i32>} : memref<40x128xf32, #tpu.memory_space<vmem>>, vector<16xf32>,
        %sub3A_495 = arith.subf %get3A_491, %get3A_494 : vector<16xf32>
        %mul3A_496 = arith.mulf %sub3A_495, %sub3A_495 : vector<16xf32>
        %mul3A_497 = arith.mulf %mul3A_496, %mul3A_479 : vector<16xf32>
        %add3A_498 = arith.addf %add3A_488, %mul3A_497 : vector<16xf32>
        %get3A_499 = arith.index_cast %scan3A_473 : i32 to index
        %get3A_500 = arith.constant 32 : index
        %get3A_501 = tpu.vector_load %arg23[%get3A_499, %get3A_500] {strides = array<i32>} : memref<40x128xf32, #tpu.memory_space<vmem>>, vector<16xf32>,
        %get3A_502 = arith.index_cast %scan3A_473 : i32 to index
        %get3A_503 = arith.constant 32 : index
        %get3A_504 = tpu.vector_load %arg24[%get3A_502, %get3A_503] {strides = array<i32>} : memref<40x128xf32, #tpu.memory_space<vmem>>, vector<16xf32>,
        %sub3A_505 = arith.subf %get3A_501, %get3A_504 : vector<16xf32>
        %mul3A_506 = arith.mulf %sub3A_505, %sub3A_505 : vector<16xf32>
        %mul3A_507 = arith.mulf %mul3A_506, %mul3A_479 : vector<16xf32>
        %add3A_508 = arith.addf %add3A_498, %mul3A_507 : vector<16xf32>
        %get3A_509 = arith.index_cast %scan3A_473 : i32 to index
        %get3A_510 = arith.constant 48 : index
        %get3A_511 = tpu.vector_load %arg23[%get3A_509, %get3A_510] {strides = array<i32>} : memref<40x128xf32, #tpu.memory_space<vmem>>, vector<16xf32>,
        %get3A_512 = arith.index_cast %scan3A_473 : i32 to index
        %get3A_513 = arith.constant 48 : index
        %get3A_514 = tpu.vector_load %arg24[%get3A_512, %get3A_513] {strides = array<i32>} : memref<40x128xf32, #tpu.memory_space<vmem>>, vector<16xf32>,
        %sub3A_515 = arith.subf %get3A_511, %get3A_514 : vector<16xf32>
        %mul3A_516 = arith.mulf %sub3A_515, %sub3A_515 : vector<16xf32>
        %mul3A_517 = arith.mulf %mul3A_516, %mul3A_479 : vector<16xf32>
        %add3A_518 = arith.addf %add3A_508, %mul3A_517 : vector<16xf32>
        %get3A_519 = arith.index_cast %scan3A_473 : i32 to index
        %get3A_520 = arith.constant 64 : index
        %get3A_521 = tpu.vector_load %arg23[%get3A_519, %get3A_520] {strides = array<i32>} : memref<40x128xf32, #tpu.memory_space<vmem>>, vector<16xf32>,
        %get3A_522 = arith.index_cast %scan3A_473 : i32 to index
        %get3A_523 = arith.constant 64 : index
        %get3A_524 = tpu.vector_load %arg24[%get3A_522, %get3A_523] {strides = array<i32>} : memref<40x128xf32, #tpu.memory_space<vmem>>, vector<16xf32>,
        %sub3A_525 = arith.subf %get3A_521, %get3A_524 : vector<16xf32>
        %mul3A_526 = arith.mulf %sub3A_525, %sub3A_525 : vector<16xf32>
        %mul3A_527 = arith.mulf %mul3A_526, %mul3A_479 : vector<16xf32>
        %add3A_528 = arith.addf %add3A_518, %mul3A_527 : vector<16xf32>
        %get3A_529 = arith.index_cast %scan3A_473 : i32 to index
        %get3A_530 = arith.constant 80 : index
        %get3A_531 = tpu.vector_load %arg23[%get3A_529, %get3A_530] {strides = array<i32>} : memref<40x128xf32, #tpu.memory_space<vmem>>, vector<16xf32>,
        %get3A_532 = arith.index_cast %scan3A_473 : i32 to index
        %get3A_533 = arith.constant 80 : index
        %get3A_534 = tpu.vector_load %arg24[%get3A_532, %get3A_533] {strides = array<i32>} : memref<40x128xf32, #tpu.memory_space<vmem>>, vector<16xf32>,
        %sub3A_535 = arith.subf %get3A_531, %get3A_534 : vector<16xf32>
        %mul3A_536 = arith.mulf %sub3A_535, %sub3A_535 : vector<16xf32>
        %mul3A_537 = arith.mulf %mul3A_536, %mul3A_479 : vector<16xf32>
        %add3A_538 = arith.addf %add3A_528, %mul3A_537 : vector<16xf32>
        %get3A_539 = arith.index_cast %scan3A_473 : i32 to index
        %get3A_540 = arith.constant 96 : index
        %get3A_541 = tpu.vector_load %arg23[%get3A_539, %get3A_540] {strides = array<i32>} : memref<40x128xf32, #tpu.memory_space<vmem>>, vector<16xf32>,
        %get3A_542 = arith.index_cast %scan3A_473 : i32 to index
        %get3A_543 = arith.constant 96 : index
        %get3A_544 = tpu.vector_load %arg24[%get3A_542, %get3A_543] {strides = array<i32>} : memref<40x128xf32, #tpu.memory_space<vmem>>, vector<16xf32>,
        %sub3A_545 = arith.subf %get3A_541, %get3A_544 : vector<16xf32>
        %mul3A_546 = arith.mulf %sub3A_545, %sub3A_545 : vector<16xf32>
        %mul3A_547 = arith.mulf %mul3A_546, %mul3A_479 : vector<16xf32>
        %add3A_548 = arith.addf %add3A_538, %mul3A_547 : vector<16xf32>
        %get3A_549 = arith.index_cast %scan3A_473 : i32 to index
        %get3A_550 = arith.constant 112 : index
        %get3A_551 = tpu.vector_load %arg23[%get3A_549, %get3A_550] {strides = array<i32>} : memref<40x128xf32, #tpu.memory_space<vmem>>, vector<16xf32>,
        %get3A_552 = arith.index_cast %scan3A_473 : i32 to index
        %get3A_553 = arith.constant 112 : index
        %get3A_554 = tpu.vector_load %arg24[%get3A_552, %get3A_553] {strides = array<i32>} : memref<40x128xf32, #tpu.memory_space<vmem>>, vector<16xf32>,
        %sub3A_555 = arith.subf %get3A_551, %get3A_554 : vector<16xf32>
        %mul3A_556 = arith.mulf %sub3A_555, %sub3A_555 : vector<16xf32>
        %mul3A_557 = arith.mulf %mul3A_556, %mul3A_479 : vector<16xf32>
        %add3A_558 = arith.addf %add3A_548, %mul3A_557 : vector<16xf32>
        scf.yield %add3A_558 : vector<16xf32>
      }
      %scan3A_438 = arith.constant 40 : i32
      %add3A_439 = arith.constant 4 : i32
      %add3A_440 = arith.addi %mul3A_303, %add3A_439 : i32
      %add3A_441 = arith.constant 5 : i32
      %add3A_442 = arith.addi %add3A_440, %add3A_441 : i32
      %sub3A_443 = arith.constant 1 : i32
      %sub3A_444 = arith.subi %add3A_442, %sub3A_443 : i32
      %mul3A_445 = arith.constant 40 : i32
      %mul3A_446 = arith.muli %sub3A_444, %mul3A_445 : i32
      %dma_start3A_447 = tpu.memref_slice %arg11[%mul3A_446] : memref<10000xi32, #tpu.memory_space<vmem>> -> memref<40xi32, #tpu.memory_space<vmem>>
      %dma_start3A_448 = arith.constant 0 : i32
      %dma_start3A_449 = arith.constant 0 : i32
      %dma_start3A_450 = tpu.memref_slice %arg2[%dma_start3A_448, %dma_start3A_449] : memref<10000x128xf32, #tpu.memory_space<hbm>> -> memref<10000x128xf32, #tpu.memory_space<hbm>>
      tpu.enqueue_indirect_dma source(%dma_start3A_450 : memref<10000x128xf32, #tpu.memory_space<hbm>>) target(%arg23 : memref<40x128xf32, #tpu.memory_space<vmem>>) offsets(%dma_start3A_447 : memref<40xi32, #tpu.memory_space<vmem>>) semaphore(%arg34 : memref<!tpu.dma_semaphore, #tpu.memory_space<semaphore_mem>>)
      %dma_start3A_451 = tpu.memref_slice %arg12[%mul3A_446] : memref<10000xi32, #tpu.memory_space<vmem>> -> memref<40xi32, #tpu.memory_space<vmem>>
      %dma_start3A_452 = arith.constant 0 : i32
      %dma_start3A_453 = arith.constant 0 : i32
      %dma_start3A_454 = tpu.memref_slice %arg2[%dma_start3A_452, %dma_start3A_453] : memref<10000x128xf32, #tpu.memory_space<hbm>> -> memref<10000x128xf32, #tpu.memory_space<hbm>>
      tpu.enqueue_indirect_dma source(%dma_start3A_454 : memref<10000x128xf32, #tpu.memory_space<hbm>>) target(%arg24 : memref<40x128xf32, #tpu.memory_space<vmem>>) offsets(%dma_start3A_451 : memref<40xi32, #tpu.memory_space<vmem>>) semaphore(%arg35 : memref<!tpu.dma_semaphore, #tpu.memory_space<semaphore_mem>>)
      %mul3A_455 = arith.constant 40 : i32
      %mul3A_456 = arith.muli %add3A_440, %mul3A_455 : i32
      %dma_wait3A_457 = tpu.memref_slice %arg11[%mul3A_456] : memref<10000xi32, #tpu.memory_space<vmem>> -> memref<40xi32, #tpu.memory_space<vmem>>
      %dma_wait3A_458 = arith.constant 0 : i32
      %dma_wait3A_459 = arith.constant 0 : i32
      %dma_wait3A_460 = tpu.memref_slice %arg2[%dma_wait3A_458, %dma_wait3A_459] : memref<10000x128xf32, #tpu.memory_space<hbm>> -> memref<10000x128xf32, #tpu.memory_space<hbm>>
      tpu.wait_indirect_dma semaphore(%arg36 : memref<!tpu.dma_semaphore, #tpu.memory_space<semaphore_mem>>) src(%dma_wait3A_460 : memref<10000x128xf32, #tpu.memory_space<hbm>>) dst(%arg25 : memref<40x128xf32, #tpu.memory_space<vmem>>)
      %dma_wait3A_461 = tpu.memref_slice %arg12[%mul3A_456] : memref<10000xi32, #tpu.memory_space<vmem>> -> memref<40xi32, #tpu.memory_space<vmem>>
      %dma_wait3A_462 = arith.constant 0 : i32
      %dma_wait3A_463 = arith.constant 0 : i32
      %dma_wait3A_464 = tpu.memref_slice %arg2[%dma_wait3A_462, %dma_wait3A_463] : memref<10000x128xf32, #tpu.memory_space<hbm>> -> memref<10000x128xf32, #tpu.memory_space<hbm>>
      tpu.wait_indirect_dma semaphore(%arg37 : memref<!tpu.dma_semaphore, #tpu.memory_space<semaphore_mem>>) src(%dma_wait3A_464 : memref<10000x128xf32, #tpu.memory_space<hbm>>) dst(%arg26 : memref<40x128xf32, #tpu.memory_space<vmem>>)
      %mul3A_465 = arith.constant 40 : i32
      %mul3A_466 = arith.muli %add3A_440, %mul3A_465 : i32
      %scan3A_467 = arith.constant 0 : i32
      %scan3A_468 = arith.constant 40 : i32
      %scan3A_469 = arith.addi %scan3A_467, %scan3A_468 : i32
      %scan3A_470 = arith.constant 1 : i32
      %scan3A_471 = scf.for %scan3A_473 = %scan3A_467 to %scan3A_469 step %scan3A_470 iter_args(%scan3A_474 = %scan3A_437) -> (vector<16xf32>)  : i32 {
        %add3A_475 = arith.addi %mul3A_466, %scan3A_473 : i32
        %broadcast_in_dim3A_476 = vector.broadcast %add3A_475 : i32 to vector<16xi32>
        %gather3A = tpu.vector_load_idx %arg13[%broadcast_in_dim3A_476] : memref<10000xf32, #tpu.memory_space<vmem>>[vector<16xi32>], vector<16xf32>,
        %mul3A_477 = arith.constant 1.562500e-06 : f32
        %mul3A_478 = vector.broadcast %mul3A_477 : f32 to vector<16xf32>
        %mul3A_479 = arith.mulf %gather3A, %mul3A_478 : vector<16xf32>
        %get3A = arith.index_cast %scan3A_473 : i32 to index
        %get3A_480 = arith.constant 0 : index
        %get3A_481 = tpu.vector_load %arg25[%get3A, %get3A_480] {strides = array<i32>} : memref<40x128xf32, #tpu.memory_space<vmem>>, vector<16xf32>,
        %get3A_482 = arith.index_cast %scan3A_473 : i32 to index
        %get3A_483 = arith.constant 0 : index
        %get3A_484 = tpu.vector_load %arg26[%get3A_482, %get3A_483] {strides = array<i32>} : memref<40x128xf32, #tpu.memory_space<vmem>>, vector<16xf32>,
        %sub3A_485 = arith.subf %get3A_481, %get3A_484 : vector<16xf32>
        %mul3A_486 = arith.mulf %sub3A_485, %sub3A_485 : vector<16xf32>
        %mul3A_487 = arith.mulf %mul3A_486, %mul3A_479 : vector<16xf32>
        %add3A_488 = arith.addf %scan3A_474, %mul3A_487 : vector<16xf32>
        %get3A_489 = arith.index_cast %scan3A_473 : i32 to index
        %get3A_490 = arith.constant 16 : index
        %get3A_491 = tpu.vector_load %arg25[%get3A_489, %get3A_490] {strides = array<i32>} : memref<40x128xf32, #tpu.memory_space<vmem>>, vector<16xf32>,
        %get3A_492 = arith.index_cast %scan3A_473 : i32 to index
        %get3A_493 = arith.constant 16 : index
        %get3A_494 = tpu.vector_load %arg26[%get3A_492, %get3A_493] {strides = array<i32>} : memref<40x128xf32, #tpu.memory_space<vmem>>, vector<16xf32>,
        %sub3A_495 = arith.subf %get3A_491, %get3A_494 : vector<16xf32>
        %mul3A_496 = arith.mulf %sub3A_495, %sub3A_495 : vector<16xf32>
        %mul3A_497 = arith.mulf %mul3A_496, %mul3A_479 : vector<16xf32>
        %add3A_498 = arith.addf %add3A_488, %mul3A_497 : vector<16xf32>
        %get3A_499 = arith.index_cast %scan3A_473 : i32 to index
        %get3A_500 = arith.constant 32 : index
        %get3A_501 = tpu.vector_load %arg25[%get3A_499, %get3A_500] {strides = array<i32>} : memref<40x128xf32, #tpu.memory_space<vmem>>, vector<16xf32>,
        %get3A_502 = arith.index_cast %scan3A_473 : i32 to index
        %get3A_503 = arith.constant 32 : index
        %get3A_504 = tpu.vector_load %arg26[%get3A_502, %get3A_503] {strides = array<i32>} : memref<40x128xf32, #tpu.memory_space<vmem>>, vector<16xf32>,
        %sub3A_505 = arith.subf %get3A_501, %get3A_504 : vector<16xf32>
        %mul3A_506 = arith.mulf %sub3A_505, %sub3A_505 : vector<16xf32>
        %mul3A_507 = arith.mulf %mul3A_506, %mul3A_479 : vector<16xf32>
        %add3A_508 = arith.addf %add3A_498, %mul3A_507 : vector<16xf32>
        %get3A_509 = arith.index_cast %scan3A_473 : i32 to index
        %get3A_510 = arith.constant 48 : index
        %get3A_511 = tpu.vector_load %arg25[%get3A_509, %get3A_510] {strides = array<i32>} : memref<40x128xf32, #tpu.memory_space<vmem>>, vector<16xf32>,
        %get3A_512 = arith.index_cast %scan3A_473 : i32 to index
        %get3A_513 = arith.constant 48 : index
        %get3A_514 = tpu.vector_load %arg26[%get3A_512, %get3A_513] {strides = array<i32>} : memref<40x128xf32, #tpu.memory_space<vmem>>, vector<16xf32>,
        %sub3A_515 = arith.subf %get3A_511, %get3A_514 : vector<16xf32>
        %mul3A_516 = arith.mulf %sub3A_515, %sub3A_515 : vector<16xf32>
        %mul3A_517 = arith.mulf %mul3A_516, %mul3A_479 : vector<16xf32>
        %add3A_518 = arith.addf %add3A_508, %mul3A_517 : vector<16xf32>
        %get3A_519 = arith.index_cast %scan3A_473 : i32 to index
        %get3A_520 = arith.constant 64 : index
        %get3A_521 = tpu.vector_load %arg25[%get3A_519, %get3A_520] {strides = array<i32>} : memref<40x128xf32, #tpu.memory_space<vmem>>, vector<16xf32>,
        %get3A_522 = arith.index_cast %scan3A_473 : i32 to index
        %get3A_523 = arith.constant 64 : index
        %get3A_524 = tpu.vector_load %arg26[%get3A_522, %get3A_523] {strides = array<i32>} : memref<40x128xf32, #tpu.memory_space<vmem>>, vector<16xf32>,
        %sub3A_525 = arith.subf %get3A_521, %get3A_524 : vector<16xf32>
        %mul3A_526 = arith.mulf %sub3A_525, %sub3A_525 : vector<16xf32>
        %mul3A_527 = arith.mulf %mul3A_526, %mul3A_479 : vector<16xf32>
        %add3A_528 = arith.addf %add3A_518, %mul3A_527 : vector<16xf32>
        %get3A_529 = arith.index_cast %scan3A_473 : i32 to index
        %get3A_530 = arith.constant 80 : index
        %get3A_531 = tpu.vector_load %arg25[%get3A_529, %get3A_530] {strides = array<i32>} : memref<40x128xf32, #tpu.memory_space<vmem>>, vector<16xf32>,
        %get3A_532 = arith.index_cast %scan3A_473 : i32 to index
        %get3A_533 = arith.constant 80 : index
        %get3A_534 = tpu.vector_load %arg26[%get3A_532, %get3A_533] {strides = array<i32>} : memref<40x128xf32, #tpu.memory_space<vmem>>, vector<16xf32>,
        %sub3A_535 = arith.subf %get3A_531, %get3A_534 : vector<16xf32>
        %mul3A_536 = arith.mulf %sub3A_535, %sub3A_535 : vector<16xf32>
        %mul3A_537 = arith.mulf %mul3A_536, %mul3A_479 : vector<16xf32>
        %add3A_538 = arith.addf %add3A_528, %mul3A_537 : vector<16xf32>
        %get3A_539 = arith.index_cast %scan3A_473 : i32 to index
        %get3A_540 = arith.constant 96 : index
        %get3A_541 = tpu.vector_load %arg25[%get3A_539, %get3A_540] {strides = array<i32>} : memref<40x128xf32, #tpu.memory_space<vmem>>, vector<16xf32>,
        %get3A_542 = arith.index_cast %scan3A_473 : i32 to index
        %get3A_543 = arith.constant 96 : index
        %get3A_544 = tpu.vector_load %arg26[%get3A_542, %get3A_543] {strides = array<i32>} : memref<40x128xf32, #tpu.memory_space<vmem>>, vector<16xf32>,
        %sub3A_545 = arith.subf %get3A_541, %get3A_544 : vector<16xf32>
        %mul3A_546 = arith.mulf %sub3A_545, %sub3A_545 : vector<16xf32>
        %mul3A_547 = arith.mulf %mul3A_546, %mul3A_479 : vector<16xf32>
        %add3A_548 = arith.addf %add3A_538, %mul3A_547 : vector<16xf32>
        %get3A_549 = arith.index_cast %scan3A_473 : i32 to index
        %get3A_550 = arith.constant 112 : index
        %get3A_551 = tpu.vector_load %arg25[%get3A_549, %get3A_550] {strides = array<i32>} : memref<40x128xf32, #tpu.memory_space<vmem>>, vector<16xf32>,
        %get3A_552 = arith.index_cast %scan3A_473 : i32 to index
        %get3A_553 = arith.constant 112 : index
        %get3A_554 = tpu.vector_load %arg26[%get3A_552, %get3A_553] {strides = array<i32>} : memref<40x128xf32, #tpu.memory_space<vmem>>, vector<16xf32>,
        %sub3A_555 = arith.subf %get3A_551, %get3A_554 : vector<16xf32>
        %mul3A_556 = arith.mulf %sub3A_555, %sub3A_555 : vector<16xf32>
        %mul3A_557 = arith.mulf %mul3A_556, %mul3A_479 : vector<16xf32>
        %add3A_558 = arith.addf %add3A_548, %mul3A_557 : vector<16xf32>
        scf.yield %add3A_558 : vector<16xf32>
      }
      %scan3A_472 = arith.constant 40 : i32
      scf.yield %scan3A_471 : vector<16xf32>
    }
    %scan3A_72 = arith.constant 49 : i32
    %dma_start3A_73 = arith.constant 9960 : i32
    %dma_start3A_74 = tpu.memref_slice %arg11[%dma_start3A_73] : memref<10000xi32, #tpu.memory_space<vmem>> -> memref<40xi32, #tpu.memory_space<vmem>>
    %dma_start3A_75 = arith.constant 0 : i32
    %dma_start3A_76 = arith.constant 0 : i32
    %dma_start3A_77 = tpu.memref_slice %arg2[%dma_start3A_75, %dma_start3A_76] : memref<10000x128xf32, #tpu.memory_space<hbm>> -> memref<10000x128xf32, #tpu.memory_space<hbm>>
    tpu.enqueue_indirect_dma source(%dma_start3A_77 : memref<10000x128xf32, #tpu.memory_space<hbm>>) target(%arg25 : memref<40x128xf32, #tpu.memory_space<vmem>>) offsets(%dma_start3A_74 : memref<40xi32, #tpu.memory_space<vmem>>) semaphore(%arg36 : memref<!tpu.dma_semaphore, #tpu.memory_space<semaphore_mem>>)
    %dma_start3A_78 = arith.constant 9960 : i32
    %dma_start3A_79 = tpu.memref_slice %arg12[%dma_start3A_78] : memref<10000xi32, #tpu.memory_space<vmem>> -> memref<40xi32, #tpu.memory_space<vmem>>
    %dma_start3A_80 = arith.constant 0 : i32
    %dma_start3A_81 = arith.constant 0 : i32
    %dma_start3A_82 = tpu.memref_slice %arg2[%dma_start3A_80, %dma_start3A_81] : memref<10000x128xf32, #tpu.memory_space<hbm>> -> memref<10000x128xf32, #tpu.memory_space<hbm>>
    tpu.enqueue_indirect_dma source(%dma_start3A_82 : memref<10000x128xf32, #tpu.memory_space<hbm>>) target(%arg26 : memref<40x128xf32, #tpu.memory_space<vmem>>) offsets(%dma_start3A_79 : memref<40xi32, #tpu.memory_space<vmem>>) semaphore(%arg37 : memref<!tpu.dma_semaphore, #tpu.memory_space<semaphore_mem>>)
    %dma_wait3A_83 = arith.constant 9800 : i32
    %dma_wait3A_84 = tpu.memref_slice %arg11[%dma_wait3A_83] : memref<10000xi32, #tpu.memory_space<vmem>> -> memref<40xi32, #tpu.memory_space<vmem>>
    %dma_wait3A_85 = arith.constant 0 : i32
    %dma_wait3A_86 = arith.constant 0 : i32
    %dma_wait3A_87 = tpu.memref_slice %arg2[%dma_wait3A_85, %dma_wait3A_86] : memref<10000x128xf32, #tpu.memory_space<hbm>> -> memref<10000x128xf32, #tpu.memory_space<hbm>>
    tpu.wait_indirect_dma semaphore(%arg28 : memref<!tpu.dma_semaphore, #tpu.memory_space<semaphore_mem>>) src(%dma_wait3A_87 : memref<10000x128xf32, #tpu.memory_space<hbm>>) dst(%arg17 : memref<40x128xf32, #tpu.memory_space<vmem>>)
    %dma_wait3A_88 = arith.constant 9800 : i32
    %dma_wait3A_89 = tpu.memref_slice %arg12[%dma_wait3A_88] : memref<10000xi32, #tpu.memory_space<vmem>> -> memref<40xi32, #tpu.memory_space<vmem>>
    %dma_wait3A_90 = arith.constant 0 : i32
    %dma_wait3A_91 = arith.constant 0 : i32
    %dma_wait3A_92 = tpu.memref_slice %arg2[%dma_wait3A_90, %dma_wait3A_91] : memref<10000x128xf32, #tpu.memory_space<hbm>> -> memref<10000x128xf32, #tpu.memory_space<hbm>>
    tpu.wait_indirect_dma semaphore(%arg29 : memref<!tpu.dma_semaphore, #tpu.memory_space<semaphore_mem>>) src(%dma_wait3A_92 : memref<10000x128xf32, #tpu.memory_space<hbm>>) dst(%arg18 : memref<40x128xf32, #tpu.memory_space<vmem>>)
    %scan3A_93 = arith.constant 0 : i32
    %scan3A_94 = arith.constant 40 : i32
    %scan3A_95 = arith.addi %scan3A_93, %scan3A_94 : i32
    %scan3A_96 = arith.constant 1 : i32
    %scan3A_97 = scf.for %scan3A_300 = %scan3A_93 to %scan3A_95 step %scan3A_96 iter_args(%scan3A_301 = %scan3A_71) -> (vector<16xf32>)  : i32 {
      %add3A_302 = arith.constant 9800 : i32
      %add3A_303 = arith.addi %add3A_302, %scan3A_300 : i32
      %broadcast_in_dim3A_304 = vector.broadcast %add3A_303 : i32 to vector<16xi32>
      %gather3A = tpu.vector_load_idx %arg13[%broadcast_in_dim3A_304] : memref<10000xf32, #tpu.memory_space<vmem>>[vector<16xi32>], vector<16xf32>,
      %mul3A_305 = arith.constant 1.562500e-06 : f32
      %mul3A_306 = vector.broadcast %mul3A_305 : f32 to vector<16xf32>
      %mul3A_307 = arith.mulf %gather3A, %mul3A_306 : vector<16xf32>
      %get3A = arith.index_cast %scan3A_300 : i32 to index
      %get3A_308 = arith.constant 0 : index
      %get3A_309 = tpu.vector_load %arg17[%get3A, %get3A_308] {strides = array<i32>} : memref<40x128xf32, #tpu.memory_space<vmem>>, vector<16xf32>,
      %get3A_310 = arith.index_cast %scan3A_300 : i32 to index
      %get3A_311 = arith.constant 0 : index
      %get3A_312 = tpu.vector_load %arg18[%get3A_310, %get3A_311] {strides = array<i32>} : memref<40x128xf32, #tpu.memory_space<vmem>>, vector<16xf32>,
      %sub3A = arith.subf %get3A_309, %get3A_312 : vector<16xf32>
      %mul3A_313 = arith.mulf %sub3A, %sub3A : vector<16xf32>
      %mul3A_314 = arith.mulf %mul3A_313, %mul3A_307 : vector<16xf32>
      %add3A_315 = arith.addf %scan3A_301, %mul3A_314 : vector<16xf32>
      %get3A_316 = arith.index_cast %scan3A_300 : i32 to index
      %get3A_317 = arith.constant 16 : index
      %get3A_318 = tpu.vector_load %arg17[%get3A_316, %get3A_317] {strides = array<i32>} : memref<40x128xf32, #tpu.memory_space<vmem>>, vector<16xf32>,
      %get3A_319 = arith.index_cast %scan3A_300 : i32 to index
      %get3A_320 = arith.constant 16 : index
      %get3A_321 = tpu.vector_load %arg18[%get3A_319, %get3A_320] {strides = array<i32>} : memref<40x128xf32, #tpu.memory_space<vmem>>, vector<16xf32>,
      %sub3A_322 = arith.subf %get3A_318, %get3A_321 : vector<16xf32>
      %mul3A_323 = arith.mulf %sub3A_322, %sub3A_322 : vector<16xf32>
      %mul3A_324 = arith.mulf %mul3A_323, %mul3A_307 : vector<16xf32>
      %add3A_325 = arith.addf %add3A_315, %mul3A_324 : vector<16xf32>
      %get3A_326 = arith.index_cast %scan3A_300 : i32 to index
      %get3A_327 = arith.constant 32 : index
      %get3A_328 = tpu.vector_load %arg17[%get3A_326, %get3A_327] {strides = array<i32>} : memref<40x128xf32, #tpu.memory_space<vmem>>, vector<16xf32>,
      %get3A_329 = arith.index_cast %scan3A_300 : i32 to index
      %get3A_330 = arith.constant 32 : index
      %get3A_331 = tpu.vector_load %arg18[%get3A_329, %get3A_330] {strides = array<i32>} : memref<40x128xf32, #tpu.memory_space<vmem>>, vector<16xf32>,
      %sub3A_332 = arith.subf %get3A_328, %get3A_331 : vector<16xf32>
      %mul3A_333 = arith.mulf %sub3A_332, %sub3A_332 : vector<16xf32>
      %mul3A_334 = arith.mulf %mul3A_333, %mul3A_307 : vector<16xf32>
      %add3A_335 = arith.addf %add3A_325, %mul3A_334 : vector<16xf32>
      %get3A_336 = arith.index_cast %scan3A_300 : i32 to index
      %get3A_337 = arith.constant 48 : index
      %get3A_338 = tpu.vector_load %arg17[%get3A_336, %get3A_337] {strides = array<i32>} : memref<40x128xf32, #tpu.memory_space<vmem>>, vector<16xf32>,
      %get3A_339 = arith.index_cast %scan3A_300 : i32 to index
      %get3A_340 = arith.constant 48 : index
      %get3A_341 = tpu.vector_load %arg18[%get3A_339, %get3A_340] {strides = array<i32>} : memref<40x128xf32, #tpu.memory_space<vmem>>, vector<16xf32>,
      %sub3A_342 = arith.subf %get3A_338, %get3A_341 : vector<16xf32>
      %mul3A_343 = arith.mulf %sub3A_342, %sub3A_342 : vector<16xf32>
      %mul3A_344 = arith.mulf %mul3A_343, %mul3A_307 : vector<16xf32>
      %add3A_345 = arith.addf %add3A_335, %mul3A_344 : vector<16xf32>
      %get3A_346 = arith.index_cast %scan3A_300 : i32 to index
      %get3A_347 = arith.constant 64 : index
      %get3A_348 = tpu.vector_load %arg17[%get3A_346, %get3A_347] {strides = array<i32>} : memref<40x128xf32, #tpu.memory_space<vmem>>, vector<16xf32>,
      %get3A_349 = arith.index_cast %scan3A_300 : i32 to index
      %get3A_350 = arith.constant 64 : index
      %get3A_351 = tpu.vector_load %arg18[%get3A_349, %get3A_350] {strides = array<i32>} : memref<40x128xf32, #tpu.memory_space<vmem>>, vector<16xf32>,
      %sub3A_352 = arith.subf %get3A_348, %get3A_351 : vector<16xf32>
      %mul3A_353 = arith.mulf %sub3A_352, %sub3A_352 : vector<16xf32>
      %mul3A_354 = arith.mulf %mul3A_353, %mul3A_307 : vector<16xf32>
      %add3A_355 = arith.addf %add3A_345, %mul3A_354 : vector<16xf32>
      %get3A_356 = arith.index_cast %scan3A_300 : i32 to index
      %get3A_357 = arith.constant 80 : index
      %get3A_358 = tpu.vector_load %arg17[%get3A_356, %get3A_357] {strides = array<i32>} : memref<40x128xf32, #tpu.memory_space<vmem>>, vector<16xf32>,
      %get3A_359 = arith.index_cast %scan3A_300 : i32 to index
      %get3A_360 = arith.constant 80 : index
      %get3A_361 = tpu.vector_load %arg18[%get3A_359, %get3A_360] {strides = array<i32>} : memref<40x128xf32, #tpu.memory_space<vmem>>, vector<16xf32>,
      %sub3A_362 = arith.subf %get3A_358, %get3A_361 : vector<16xf32>
      %mul3A_363 = arith.mulf %sub3A_362, %sub3A_362 : vector<16xf32>
      %mul3A_364 = arith.mulf %mul3A_363, %mul3A_307 : vector<16xf32>
      %add3A_365 = arith.addf %add3A_355, %mul3A_364 : vector<16xf32>
      %get3A_366 = arith.index_cast %scan3A_300 : i32 to index
      %get3A_367 = arith.constant 96 : index
      %get3A_368 = tpu.vector_load %arg17[%get3A_366, %get3A_367] {strides = array<i32>} : memref<40x128xf32, #tpu.memory_space<vmem>>, vector<16xf32>,
      %get3A_369 = arith.index_cast %scan3A_300 : i32 to index
      %get3A_370 = arith.constant 96 : index
      %get3A_371 = tpu.vector_load %arg18[%get3A_369, %get3A_370] {strides = array<i32>} : memref<40x128xf32, #tpu.memory_space<vmem>>, vector<16xf32>,
      %sub3A_372 = arith.subf %get3A_368, %get3A_371 : vector<16xf32>
      %mul3A_373 = arith.mulf %sub3A_372, %sub3A_372 : vector<16xf32>
      %mul3A_374 = arith.mulf %mul3A_373, %mul3A_307 : vector<16xf32>
      %add3A_375 = arith.addf %add3A_365, %mul3A_374 : vector<16xf32>
      %get3A_376 = arith.index_cast %scan3A_300 : i32 to index
      %get3A_377 = arith.constant 112 : index
      %get3A_378 = tpu.vector_load %arg17[%get3A_376, %get3A_377] {strides = array<i32>} : memref<40x128xf32, #tpu.memory_space<vmem>>, vector<16xf32>,
      %get3A_379 = arith.index_cast %scan3A_300 : i32 to index
      %get3A_380 = arith.constant 112 : index
      %get3A_381 = tpu.vector_load %arg18[%get3A_379, %get3A_380] {strides = array<i32>} : memref<40x128xf32, #tpu.memory_space<vmem>>, vector<16xf32>,
      %sub3A_382 = arith.subf %get3A_378, %get3A_381 : vector<16xf32>
      %mul3A_383 = arith.mulf %sub3A_382, %sub3A_382 : vector<16xf32>
      %mul3A_384 = arith.mulf %mul3A_383, %mul3A_307 : vector<16xf32>
      %add3A_385 = arith.addf %add3A_375, %mul3A_384 : vector<16xf32>
      scf.yield %add3A_385 : vector<16xf32>
    }
    %scan3A_98 = arith.constant 40 : i32
    %dma_wait3A_99 = arith.constant 9840 : i32
    %dma_wait3A_100 = tpu.memref_slice %arg11[%dma_wait3A_99] : memref<10000xi32, #tpu.memory_space<vmem>> -> memref<40xi32, #tpu.memory_space<vmem>>
    %dma_wait3A_101 = arith.constant 0 : i32
    %dma_wait3A_102 = arith.constant 0 : i32
    %dma_wait3A_103 = tpu.memref_slice %arg2[%dma_wait3A_101, %dma_wait3A_102] : memref<10000x128xf32, #tpu.memory_space<hbm>> -> memref<10000x128xf32, #tpu.memory_space<hbm>>
    tpu.wait_indirect_dma semaphore(%arg30 : memref<!tpu.dma_semaphore, #tpu.memory_space<semaphore_mem>>) src(%dma_wait3A_103 : memref<10000x128xf32, #tpu.memory_space<hbm>>) dst(%arg19 : memref<40x128xf32, #tpu.memory_space<vmem>>)
    %dma_wait3A_104 = arith.constant 9840 : i32
    %dma_wait3A_105 = tpu.memref_slice %arg12[%dma_wait3A_104] : memref<10000xi32, #tpu.memory_space<vmem>> -> memref<40xi32, #tpu.memory_space<vmem>>
    %dma_wait3A_106 = arith.constant 0 : i32
    %dma_wait3A_107 = arith.constant 0 : i32
    %dma_wait3A_108 = tpu.memref_slice %arg2[%dma_wait3A_106, %dma_wait3A_107] : memref<10000x128xf32, #tpu.memory_space<hbm>> -> memref<10000x128xf32, #tpu.memory_space<hbm>>
    tpu.wait_indirect_dma semaphore(%arg31 : memref<!tpu.dma_semaphore, #tpu.memory_space<semaphore_mem>>) src(%dma_wait3A_108 : memref<10000x128xf32, #tpu.memory_space<hbm>>) dst(%arg20 : memref<40x128xf32, #tpu.memory_space<vmem>>)
    %scan3A_109 = arith.constant 0 : i32
    %scan3A_110 = arith.constant 40 : i32
    %scan3A_111 = arith.addi %scan3A_109, %scan3A_110 : i32
    %scan3A_112 = arith.constant 1 : i32
    %scan3A_113 = scf.for %scan3A_300 = %scan3A_109 to %scan3A_111 step %scan3A_112 iter_args(%scan3A_301 = %scan3A_97) -> (vector<16xf32>)  : i32 {
      %add3A_302 = arith.constant 9840 : i32
      %add3A_303 = arith.addi %add3A_302, %scan3A_300 : i32
      %broadcast_in_dim3A_304 = vector.broadcast %add3A_303 : i32 to vector<16xi32>
      %gather3A = tpu.vector_load_idx %arg13[%broadcast_in_dim3A_304] : memref<10000xf32, #tpu.memory_space<vmem>>[vector<16xi32>], vector<16xf32>,
      %mul3A_305 = arith.constant 1.562500e-06 : f32
      %mul3A_306 = vector.broadcast %mul3A_305 : f32 to vector<16xf32>
      %mul3A_307 = arith.mulf %gather3A, %mul3A_306 : vector<16xf32>
      %get3A = arith.index_cast %scan3A_300 : i32 to index
      %get3A_308 = arith.constant 0 : index
      %get3A_309 = tpu.vector_load %arg19[%get3A, %get3A_308] {strides = array<i32>} : memref<40x128xf32, #tpu.memory_space<vmem>>, vector<16xf32>,
      %get3A_310 = arith.index_cast %scan3A_300 : i32 to index
      %get3A_311 = arith.constant 0 : index
      %get3A_312 = tpu.vector_load %arg20[%get3A_310, %get3A_311] {strides = array<i32>} : memref<40x128xf32, #tpu.memory_space<vmem>>, vector<16xf32>,
      %sub3A = arith.subf %get3A_309, %get3A_312 : vector<16xf32>
      %mul3A_313 = arith.mulf %sub3A, %sub3A : vector<16xf32>
      %mul3A_314 = arith.mulf %mul3A_313, %mul3A_307 : vector<16xf32>
      %add3A_315 = arith.addf %scan3A_301, %mul3A_314 : vector<16xf32>
      %get3A_316 = arith.index_cast %scan3A_300 : i32 to index
      %get3A_317 = arith.constant 16 : index
      %get3A_318 = tpu.vector_load %arg19[%get3A_316, %get3A_317] {strides = array<i32>} : memref<40x128xf32, #tpu.memory_space<vmem>>, vector<16xf32>,
      %get3A_319 = arith.index_cast %scan3A_300 : i32 to index
      %get3A_320 = arith.constant 16 : index
      %get3A_321 = tpu.vector_load %arg20[%get3A_319, %get3A_320] {strides = array<i32>} : memref<40x128xf32, #tpu.memory_space<vmem>>, vector<16xf32>,
      %sub3A_322 = arith.subf %get3A_318, %get3A_321 : vector<16xf32>
      %mul3A_323 = arith.mulf %sub3A_322, %sub3A_322 : vector<16xf32>
      %mul3A_324 = arith.mulf %mul3A_323, %mul3A_307 : vector<16xf32>
      %add3A_325 = arith.addf %add3A_315, %mul3A_324 : vector<16xf32>
      %get3A_326 = arith.index_cast %scan3A_300 : i32 to index
      %get3A_327 = arith.constant 32 : index
      %get3A_328 = tpu.vector_load %arg19[%get3A_326, %get3A_327] {strides = array<i32>} : memref<40x128xf32, #tpu.memory_space<vmem>>, vector<16xf32>,
      %get3A_329 = arith.index_cast %scan3A_300 : i32 to index
      %get3A_330 = arith.constant 32 : index
      %get3A_331 = tpu.vector_load %arg20[%get3A_329, %get3A_330] {strides = array<i32>} : memref<40x128xf32, #tpu.memory_space<vmem>>, vector<16xf32>,
      %sub3A_332 = arith.subf %get3A_328, %get3A_331 : vector<16xf32>
      %mul3A_333 = arith.mulf %sub3A_332, %sub3A_332 : vector<16xf32>
      %mul3A_334 = arith.mulf %mul3A_333, %mul3A_307 : vector<16xf32>
      %add3A_335 = arith.addf %add3A_325, %mul3A_334 : vector<16xf32>
      %get3A_336 = arith.index_cast %scan3A_300 : i32 to index
      %get3A_337 = arith.constant 48 : index
      %get3A_338 = tpu.vector_load %arg19[%get3A_336, %get3A_337] {strides = array<i32>} : memref<40x128xf32, #tpu.memory_space<vmem>>, vector<16xf32>,
      %get3A_339 = arith.index_cast %scan3A_300 : i32 to index
      %get3A_340 = arith.constant 48 : index
      %get3A_341 = tpu.vector_load %arg20[%get3A_339, %get3A_340] {strides = array<i32>} : memref<40x128xf32, #tpu.memory_space<vmem>>, vector<16xf32>,
      %sub3A_342 = arith.subf %get3A_338, %get3A_341 : vector<16xf32>
      %mul3A_343 = arith.mulf %sub3A_342, %sub3A_342 : vector<16xf32>
      %mul3A_344 = arith.mulf %mul3A_343, %mul3A_307 : vector<16xf32>
      %add3A_345 = arith.addf %add3A_335, %mul3A_344 : vector<16xf32>
      %get3A_346 = arith.index_cast %scan3A_300 : i32 to index
      %get3A_347 = arith.constant 64 : index
      %get3A_348 = tpu.vector_load %arg19[%get3A_346, %get3A_347] {strides = array<i32>} : memref<40x128xf32, #tpu.memory_space<vmem>>, vector<16xf32>,
      %get3A_349 = arith.index_cast %scan3A_300 : i32 to index
      %get3A_350 = arith.constant 64 : index
      %get3A_351 = tpu.vector_load %arg20[%get3A_349, %get3A_350] {strides = array<i32>} : memref<40x128xf32, #tpu.memory_space<vmem>>, vector<16xf32>,
      %sub3A_352 = arith.subf %get3A_348, %get3A_351 : vector<16xf32>
      %mul3A_353 = arith.mulf %sub3A_352, %sub3A_352 : vector<16xf32>
      %mul3A_354 = arith.mulf %mul3A_353, %mul3A_307 : vector<16xf32>
      %add3A_355 = arith.addf %add3A_345, %mul3A_354 : vector<16xf32>
      %get3A_356 = arith.index_cast %scan3A_300 : i32 to index
      %get3A_357 = arith.constant 80 : index
      %get3A_358 = tpu.vector_load %arg19[%get3A_356, %get3A_357] {strides = array<i32>} : memref<40x128xf32, #tpu.memory_space<vmem>>, vector<16xf32>,
      %get3A_359 = arith.index_cast %scan3A_300 : i32 to index
      %get3A_360 = arith.constant 80 : index
      %get3A_361 = tpu.vector_load %arg20[%get3A_359, %get3A_360] {strides = array<i32>} : memref<40x128xf32, #tpu.memory_space<vmem>>, vector<16xf32>,
      %sub3A_362 = arith.subf %get3A_358, %get3A_361 : vector<16xf32>
      %mul3A_363 = arith.mulf %sub3A_362, %sub3A_362 : vector<16xf32>
      %mul3A_364 = arith.mulf %mul3A_363, %mul3A_307 : vector<16xf32>
      %add3A_365 = arith.addf %add3A_355, %mul3A_364 : vector<16xf32>
      %get3A_366 = arith.index_cast %scan3A_300 : i32 to index
      %get3A_367 = arith.constant 96 : index
      %get3A_368 = tpu.vector_load %arg19[%get3A_366, %get3A_367] {strides = array<i32>} : memref<40x128xf32, #tpu.memory_space<vmem>>, vector<16xf32>,
      %get3A_369 = arith.index_cast %scan3A_300 : i32 to index
      %get3A_370 = arith.constant 96 : index
      %get3A_371 = tpu.vector_load %arg20[%get3A_369, %get3A_370] {strides = array<i32>} : memref<40x128xf32, #tpu.memory_space<vmem>>, vector<16xf32>,
      %sub3A_372 = arith.subf %get3A_368, %get3A_371 : vector<16xf32>
      %mul3A_373 = arith.mulf %sub3A_372, %sub3A_372 : vector<16xf32>
      %mul3A_374 = arith.mulf %mul3A_373, %mul3A_307 : vector<16xf32>
      %add3A_375 = arith.addf %add3A_365, %mul3A_374 : vector<16xf32>
      %get3A_376 = arith.index_cast %scan3A_300 : i32 to index
      %get3A_377 = arith.constant 112 : index
      %get3A_378 = tpu.vector_load %arg19[%get3A_376, %get3A_377] {strides = array<i32>} : memref<40x128xf32, #tpu.memory_space<vmem>>, vector<16xf32>,
      %get3A_379 = arith.index_cast %scan3A_300 : i32 to index
      %get3A_380 = arith.constant 112 : index
      %get3A_381 = tpu.vector_load %arg20[%get3A_379, %get3A_380] {strides = array<i32>} : memref<40x128xf32, #tpu.memory_space<vmem>>, vector<16xf32>,
      %sub3A_382 = arith.subf %get3A_378, %get3A_381 : vector<16xf32>
      %mul3A_383 = arith.mulf %sub3A_382, %sub3A_382 : vector<16xf32>
      %mul3A_384 = arith.mulf %mul3A_383, %mul3A_307 : vector<16xf32>
      %add3A_385 = arith.addf %add3A_375, %mul3A_384 : vector<16xf32>
      scf.yield %add3A_385 : vector<16xf32>
    }
    %scan3A_114 = arith.constant 40 : i32
    %dma_wait3A_115 = arith.constant 9880 : i32
    %dma_wait3A_116 = tpu.memref_slice %arg11[%dma_wait3A_115] : memref<10000xi32, #tpu.memory_space<vmem>> -> memref<40xi32, #tpu.memory_space<vmem>>
    %dma_wait3A_117 = arith.constant 0 : i32
    %dma_wait3A_118 = arith.constant 0 : i32
    %dma_wait3A_119 = tpu.memref_slice %arg2[%dma_wait3A_117, %dma_wait3A_118] : memref<10000x128xf32, #tpu.memory_space<hbm>> -> memref<10000x128xf32, #tpu.memory_space<hbm>>
    tpu.wait_indirect_dma semaphore(%arg32 : memref<!tpu.dma_semaphore, #tpu.memory_space<semaphore_mem>>) src(%dma_wait3A_119 : memref<10000x128xf32, #tpu.memory_space<hbm>>) dst(%arg21 : memref<40x128xf32, #tpu.memory_space<vmem>>)
    %dma_wait3A_120 = arith.constant 9880 : i32
    %dma_wait3A_121 = tpu.memref_slice %arg12[%dma_wait3A_120] : memref<10000xi32, #tpu.memory_space<vmem>> -> memref<40xi32, #tpu.memory_space<vmem>>
    %dma_wait3A_122 = arith.constant 0 : i32
    %dma_wait3A_123 = arith.constant 0 : i32
    %dma_wait3A_124 = tpu.memref_slice %arg2[%dma_wait3A_122, %dma_wait3A_123] : memref<10000x128xf32, #tpu.memory_space<hbm>> -> memref<10000x128xf32, #tpu.memory_space<hbm>>
    tpu.wait_indirect_dma semaphore(%arg33 : memref<!tpu.dma_semaphore, #tpu.memory_space<semaphore_mem>>) src(%dma_wait3A_124 : memref<10000x128xf32, #tpu.memory_space<hbm>>) dst(%arg22 : memref<40x128xf32, #tpu.memory_space<vmem>>)
    %scan3A_125 = arith.constant 0 : i32
    %scan3A_126 = arith.constant 40 : i32
    %scan3A_127 = arith.addi %scan3A_125, %scan3A_126 : i32
    %scan3A_128 = arith.constant 1 : i32
    %scan3A_129 = scf.for %scan3A_300 = %scan3A_125 to %scan3A_127 step %scan3A_128 iter_args(%scan3A_301 = %scan3A_113) -> (vector<16xf32>)  : i32 {
      %add3A_302 = arith.constant 9880 : i32
      %add3A_303 = arith.addi %add3A_302, %scan3A_300 : i32
      %broadcast_in_dim3A_304 = vector.broadcast %add3A_303 : i32 to vector<16xi32>
      %gather3A = tpu.vector_load_idx %arg13[%broadcast_in_dim3A_304] : memref<10000xf32, #tpu.memory_space<vmem>>[vector<16xi32>], vector<16xf32>,
      %mul3A_305 = arith.constant 1.562500e-06 : f32
      %mul3A_306 = vector.broadcast %mul3A_305 : f32 to vector<16xf32>
      %mul3A_307 = arith.mulf %gather3A, %mul3A_306 : vector<16xf32>
      %get3A = arith.index_cast %scan3A_300 : i32 to index
      %get3A_308 = arith.constant 0 : index
      %get3A_309 = tpu.vector_load %arg21[%get3A, %get3A_308] {strides = array<i32>} : memref<40x128xf32, #tpu.memory_space<vmem>>, vector<16xf32>,
      %get3A_310 = arith.index_cast %scan3A_300 : i32 to index
      %get3A_311 = arith.constant 0 : index
      %get3A_312 = tpu.vector_load %arg22[%get3A_310, %get3A_311] {strides = array<i32>} : memref<40x128xf32, #tpu.memory_space<vmem>>, vector<16xf32>,
      %sub3A = arith.subf %get3A_309, %get3A_312 : vector<16xf32>
      %mul3A_313 = arith.mulf %sub3A, %sub3A : vector<16xf32>
      %mul3A_314 = arith.mulf %mul3A_313, %mul3A_307 : vector<16xf32>
      %add3A_315 = arith.addf %scan3A_301, %mul3A_314 : vector<16xf32>
      %get3A_316 = arith.index_cast %scan3A_300 : i32 to index
      %get3A_317 = arith.constant 16 : index
      %get3A_318 = tpu.vector_load %arg21[%get3A_316, %get3A_317] {strides = array<i32>} : memref<40x128xf32, #tpu.memory_space<vmem>>, vector<16xf32>,
      %get3A_319 = arith.index_cast %scan3A_300 : i32 to index
      %get3A_320 = arith.constant 16 : index
      %get3A_321 = tpu.vector_load %arg22[%get3A_319, %get3A_320] {strides = array<i32>} : memref<40x128xf32, #tpu.memory_space<vmem>>, vector<16xf32>,
      %sub3A_322 = arith.subf %get3A_318, %get3A_321 : vector<16xf32>
      %mul3A_323 = arith.mulf %sub3A_322, %sub3A_322 : vector<16xf32>
      %mul3A_324 = arith.mulf %mul3A_323, %mul3A_307 : vector<16xf32>
      %add3A_325 = arith.addf %add3A_315, %mul3A_324 : vector<16xf32>
      %get3A_326 = arith.index_cast %scan3A_300 : i32 to index
      %get3A_327 = arith.constant 32 : index
      %get3A_328 = tpu.vector_load %arg21[%get3A_326, %get3A_327] {strides = array<i32>} : memref<40x128xf32, #tpu.memory_space<vmem>>, vector<16xf32>,
      %get3A_329 = arith.index_cast %scan3A_300 : i32 to index
      %get3A_330 = arith.constant 32 : index
      %get3A_331 = tpu.vector_load %arg22[%get3A_329, %get3A_330] {strides = array<i32>} : memref<40x128xf32, #tpu.memory_space<vmem>>, vector<16xf32>,
      %sub3A_332 = arith.subf %get3A_328, %get3A_331 : vector<16xf32>
      %mul3A_333 = arith.mulf %sub3A_332, %sub3A_332 : vector<16xf32>
      %mul3A_334 = arith.mulf %mul3A_333, %mul3A_307 : vector<16xf32>
      %add3A_335 = arith.addf %add3A_325, %mul3A_334 : vector<16xf32>
      %get3A_336 = arith.index_cast %scan3A_300 : i32 to index
      %get3A_337 = arith.constant 48 : index
      %get3A_338 = tpu.vector_load %arg21[%get3A_336, %get3A_337] {strides = array<i32>} : memref<40x128xf32, #tpu.memory_space<vmem>>, vector<16xf32>,
      %get3A_339 = arith.index_cast %scan3A_300 : i32 to index
      %get3A_340 = arith.constant 48 : index
      %get3A_341 = tpu.vector_load %arg22[%get3A_339, %get3A_340] {strides = array<i32>} : memref<40x128xf32, #tpu.memory_space<vmem>>, vector<16xf32>,
      %sub3A_342 = arith.subf %get3A_338, %get3A_341 : vector<16xf32>
      %mul3A_343 = arith.mulf %sub3A_342, %sub3A_342 : vector<16xf32>
      %mul3A_344 = arith.mulf %mul3A_343, %mul3A_307 : vector<16xf32>
      %add3A_345 = arith.addf %add3A_335, %mul3A_344 : vector<16xf32>
      %get3A_346 = arith.index_cast %scan3A_300 : i32 to index
      %get3A_347 = arith.constant 64 : index
      %get3A_348 = tpu.vector_load %arg21[%get3A_346, %get3A_347] {strides = array<i32>} : memref<40x128xf32, #tpu.memory_space<vmem>>, vector<16xf32>,
      %get3A_349 = arith.index_cast %scan3A_300 : i32 to index
      %get3A_350 = arith.constant 64 : index
      %get3A_351 = tpu.vector_load %arg22[%get3A_349, %get3A_350] {strides = array<i32>} : memref<40x128xf32, #tpu.memory_space<vmem>>, vector<16xf32>,
      %sub3A_352 = arith.subf %get3A_348, %get3A_351 : vector<16xf32>
      %mul3A_353 = arith.mulf %sub3A_352, %sub3A_352 : vector<16xf32>
      %mul3A_354 = arith.mulf %mul3A_353, %mul3A_307 : vector<16xf32>
      %add3A_355 = arith.addf %add3A_345, %mul3A_354 : vector<16xf32>
      %get3A_356 = arith.index_cast %scan3A_300 : i32 to index
      %get3A_357 = arith.constant 80 : index
      %get3A_358 = tpu.vector_load %arg21[%get3A_356, %get3A_357] {strides = array<i32>} : memref<40x128xf32, #tpu.memory_space<vmem>>, vector<16xf32>,
      %get3A_359 = arith.index_cast %scan3A_300 : i32 to index
      %get3A_360 = arith.constant 80 : index
      %get3A_361 = tpu.vector_load %arg22[%get3A_359, %get3A_360] {strides = array<i32>} : memref<40x128xf32, #tpu.memory_space<vmem>>, vector<16xf32>,
      %sub3A_362 = arith.subf %get3A_358, %get3A_361 : vector<16xf32>
      %mul3A_363 = arith.mulf %sub3A_362, %sub3A_362 : vector<16xf32>
      %mul3A_364 = arith.mulf %mul3A_363, %mul3A_307 : vector<16xf32>
      %add3A_365 = arith.addf %add3A_355, %mul3A_364 : vector<16xf32>
      %get3A_366 = arith.index_cast %scan3A_300 : i32 to index
      %get3A_367 = arith.constant 96 : index
      %get3A_368 = tpu.vector_load %arg21[%get3A_366, %get3A_367] {strides = array<i32>} : memref<40x128xf32, #tpu.memory_space<vmem>>, vector<16xf32>,
      %get3A_369 = arith.index_cast %scan3A_300 : i32 to index
      %get3A_370 = arith.constant 96 : index
      %get3A_371 = tpu.vector_load %arg22[%get3A_369, %get3A_370] {strides = array<i32>} : memref<40x128xf32, #tpu.memory_space<vmem>>, vector<16xf32>,
      %sub3A_372 = arith.subf %get3A_368, %get3A_371 : vector<16xf32>
      %mul3A_373 = arith.mulf %sub3A_372, %sub3A_372 : vector<16xf32>
      %mul3A_374 = arith.mulf %mul3A_373, %mul3A_307 : vector<16xf32>
      %add3A_375 = arith.addf %add3A_365, %mul3A_374 : vector<16xf32>
      %get3A_376 = arith.index_cast %scan3A_300 : i32 to index
      %get3A_377 = arith.constant 112 : index
      %get3A_378 = tpu.vector_load %arg21[%get3A_376, %get3A_377] {strides = array<i32>} : memref<40x128xf32, #tpu.memory_space<vmem>>, vector<16xf32>,
      %get3A_379 = arith.index_cast %scan3A_300 : i32 to index
      %get3A_380 = arith.constant 112 : index
      %get3A_381 = tpu.vector_load %arg22[%get3A_379, %get3A_380] {strides = array<i32>} : memref<40x128xf32, #tpu.memory_space<vmem>>, vector<16xf32>,
      %sub3A_382 = arith.subf %get3A_378, %get3A_381 : vector<16xf32>
      %mul3A_383 = arith.mulf %sub3A_382, %sub3A_382 : vector<16xf32>
      %mul3A_384 = arith.mulf %mul3A_383, %mul3A_307 : vector<16xf32>
      %add3A_385 = arith.addf %add3A_375, %mul3A_384 : vector<16xf32>
      scf.yield %add3A_385 : vector<16xf32>
    }
    %scan3A_130 = arith.constant 40 : i32
    %dma_wait3A_131 = arith.constant 9920 : i32
    %dma_wait3A_132 = tpu.memref_slice %arg11[%dma_wait3A_131] : memref<10000xi32, #tpu.memory_space<vmem>> -> memref<40xi32, #tpu.memory_space<vmem>>
    %dma_wait3A_133 = arith.constant 0 : i32
    %dma_wait3A_134 = arith.constant 0 : i32
    %dma_wait3A_135 = tpu.memref_slice %arg2[%dma_wait3A_133, %dma_wait3A_134] : memref<10000x128xf32, #tpu.memory_space<hbm>> -> memref<10000x128xf32, #tpu.memory_space<hbm>>
    tpu.wait_indirect_dma semaphore(%arg34 : memref<!tpu.dma_semaphore, #tpu.memory_space<semaphore_mem>>) src(%dma_wait3A_135 : memref<10000x128xf32, #tpu.memory_space<hbm>>) dst(%arg23 : memref<40x128xf32, #tpu.memory_space<vmem>>)
    %dma_wait3A_136 = arith.constant 9920 : i32
    %dma_wait3A_137 = tpu.memref_slice %arg12[%dma_wait3A_136] : memref<10000xi32, #tpu.memory_space<vmem>> -> memref<40xi32, #tpu.memory_space<vmem>>
    %dma_wait3A_138 = arith.constant 0 : i32
    %dma_wait3A_139 = arith.constant 0 : i32
    %dma_wait3A_140 = tpu.memref_slice %arg2[%dma_wait3A_138, %dma_wait3A_139] : memref<10000x128xf32, #tpu.memory_space<hbm>> -> memref<10000x128xf32, #tpu.memory_space<hbm>>
    tpu.wait_indirect_dma semaphore(%arg35 : memref<!tpu.dma_semaphore, #tpu.memory_space<semaphore_mem>>) src(%dma_wait3A_140 : memref<10000x128xf32, #tpu.memory_space<hbm>>) dst(%arg24 : memref<40x128xf32, #tpu.memory_space<vmem>>)
    %scan3A_141 = arith.constant 0 : i32
    %scan3A_142 = arith.constant 40 : i32
    %scan3A_143 = arith.addi %scan3A_141, %scan3A_142 : i32
    %scan3A_144 = arith.constant 1 : i32
    %scan3A_145 = scf.for %scan3A_300 = %scan3A_141 to %scan3A_143 step %scan3A_144 iter_args(%scan3A_301 = %scan3A_129) -> (vector<16xf32>)  : i32 {
      %add3A_302 = arith.constant 9920 : i32
      %add3A_303 = arith.addi %add3A_302, %scan3A_300 : i32
      %broadcast_in_dim3A_304 = vector.broadcast %add3A_303 : i32 to vector<16xi32>
      %gather3A = tpu.vector_load_idx %arg13[%broadcast_in_dim3A_304] : memref<10000xf32, #tpu.memory_space<vmem>>[vector<16xi32>], vector<16xf32>,
      %mul3A_305 = arith.constant 1.562500e-06 : f32
      %mul3A_306 = vector.broadcast %mul3A_305 : f32 to vector<16xf32>
      %mul3A_307 = arith.mulf %gather3A, %mul3A_306 : vector<16xf32>
      %get3A = arith.index_cast %scan3A_300 : i32 to index
      %get3A_308 = arith.constant 0 : index
      %get3A_309 = tpu.vector_load %arg23[%get3A, %get3A_308] {strides = array<i32>} : memref<40x128xf32, #tpu.memory_space<vmem>>, vector<16xf32>,
      %get3A_310 = arith.index_cast %scan3A_300 : i32 to index
      %get3A_311 = arith.constant 0 : index
      %get3A_312 = tpu.vector_load %arg24[%get3A_310, %get3A_311] {strides = array<i32>} : memref<40x128xf32, #tpu.memory_space<vmem>>, vector<16xf32>,
      %sub3A = arith.subf %get3A_309, %get3A_312 : vector<16xf32>
      %mul3A_313 = arith.mulf %sub3A, %sub3A : vector<16xf32>
      %mul3A_314 = arith.mulf %mul3A_313, %mul3A_307 : vector<16xf32>
      %add3A_315 = arith.addf %scan3A_301, %mul3A_314 : vector<16xf32>
      %get3A_316 = arith.index_cast %scan3A_300 : i32 to index
      %get3A_317 = arith.constant 16 : index
      %get3A_318 = tpu.vector_load %arg23[%get3A_316, %get3A_317] {strides = array<i32>} : memref<40x128xf32, #tpu.memory_space<vmem>>, vector<16xf32>,
      %get3A_319 = arith.index_cast %scan3A_300 : i32 to index
      %get3A_320 = arith.constant 16 : index
      %get3A_321 = tpu.vector_load %arg24[%get3A_319, %get3A_320] {strides = array<i32>} : memref<40x128xf32, #tpu.memory_space<vmem>>, vector<16xf32>,
      %sub3A_322 = arith.subf %get3A_318, %get3A_321 : vector<16xf32>
      %mul3A_323 = arith.mulf %sub3A_322, %sub3A_322 : vector<16xf32>
      %mul3A_324 = arith.mulf %mul3A_323, %mul3A_307 : vector<16xf32>
      %add3A_325 = arith.addf %add3A_315, %mul3A_324 : vector<16xf32>
      %get3A_326 = arith.index_cast %scan3A_300 : i32 to index
      %get3A_327 = arith.constant 32 : index
      %get3A_328 = tpu.vector_load %arg23[%get3A_326, %get3A_327] {strides = array<i32>} : memref<40x128xf32, #tpu.memory_space<vmem>>, vector<16xf32>,
      %get3A_329 = arith.index_cast %scan3A_300 : i32 to index
      %get3A_330 = arith.constant 32 : index
      %get3A_331 = tpu.vector_load %arg24[%get3A_329, %get3A_330] {strides = array<i32>} : memref<40x128xf32, #tpu.memory_space<vmem>>, vector<16xf32>,
      %sub3A_332 = arith.subf %get3A_328, %get3A_331 : vector<16xf32>
      %mul3A_333 = arith.mulf %sub3A_332, %sub3A_332 : vector<16xf32>
      %mul3A_334 = arith.mulf %mul3A_333, %mul3A_307 : vector<16xf32>
      %add3A_335 = arith.addf %add3A_325, %mul3A_334 : vector<16xf32>
      %get3A_336 = arith.index_cast %scan3A_300 : i32 to index
      %get3A_337 = arith.constant 48 : index
      %get3A_338 = tpu.vector_load %arg23[%get3A_336, %get3A_337] {strides = array<i32>} : memref<40x128xf32, #tpu.memory_space<vmem>>, vector<16xf32>,
      %get3A_339 = arith.index_cast %scan3A_300 : i32 to index
      %get3A_340 = arith.constant 48 : index
      %get3A_341 = tpu.vector_load %arg24[%get3A_339, %get3A_340] {strides = array<i32>} : memref<40x128xf32, #tpu.memory_space<vmem>>, vector<16xf32>,
      %sub3A_342 = arith.subf %get3A_338, %get3A_341 : vector<16xf32>
      %mul3A_343 = arith.mulf %sub3A_342, %sub3A_342 : vector<16xf32>
      %mul3A_344 = arith.mulf %mul3A_343, %mul3A_307 : vector<16xf32>
      %add3A_345 = arith.addf %add3A_335, %mul3A_344 : vector<16xf32>
      %get3A_346 = arith.index_cast %scan3A_300 : i32 to index
      %get3A_347 = arith.constant 64 : index
      %get3A_348 = tpu.vector_load %arg23[%get3A_346, %get3A_347] {strides = array<i32>} : memref<40x128xf32, #tpu.memory_space<vmem>>, vector<16xf32>,
      %get3A_349 = arith.index_cast %scan3A_300 : i32 to index
      %get3A_350 = arith.constant 64 : index
      %get3A_351 = tpu.vector_load %arg24[%get3A_349, %get3A_350] {strides = array<i32>} : memref<40x128xf32, #tpu.memory_space<vmem>>, vector<16xf32>,
      %sub3A_352 = arith.subf %get3A_348, %get3A_351 : vector<16xf32>
      %mul3A_353 = arith.mulf %sub3A_352, %sub3A_352 : vector<16xf32>
      %mul3A_354 = arith.mulf %mul3A_353, %mul3A_307 : vector<16xf32>
      %add3A_355 = arith.addf %add3A_345, %mul3A_354 : vector<16xf32>
      %get3A_356 = arith.index_cast %scan3A_300 : i32 to index
      %get3A_357 = arith.constant 80 : index
      %get3A_358 = tpu.vector_load %arg23[%get3A_356, %get3A_357] {strides = array<i32>} : memref<40x128xf32, #tpu.memory_space<vmem>>, vector<16xf32>,
      %get3A_359 = arith.index_cast %scan3A_300 : i32 to index
      %get3A_360 = arith.constant 80 : index
      %get3A_361 = tpu.vector_load %arg24[%get3A_359, %get3A_360] {strides = array<i32>} : memref<40x128xf32, #tpu.memory_space<vmem>>, vector<16xf32>,
      %sub3A_362 = arith.subf %get3A_358, %get3A_361 : vector<16xf32>
      %mul3A_363 = arith.mulf %sub3A_362, %sub3A_362 : vector<16xf32>
      %mul3A_364 = arith.mulf %mul3A_363, %mul3A_307 : vector<16xf32>
      %add3A_365 = arith.addf %add3A_355, %mul3A_364 : vector<16xf32>
      %get3A_366 = arith.index_cast %scan3A_300 : i32 to index
      %get3A_367 = arith.constant 96 : index
      %get3A_368 = tpu.vector_load %arg23[%get3A_366, %get3A_367] {strides = array<i32>} : memref<40x128xf32, #tpu.memory_space<vmem>>, vector<16xf32>,
      %get3A_369 = arith.index_cast %scan3A_300 : i32 to index
      %get3A_370 = arith.constant 96 : index
      %get3A_371 = tpu.vector_load %arg24[%get3A_369, %get3A_370] {strides = array<i32>} : memref<40x128xf32, #tpu.memory_space<vmem>>, vector<16xf32>,
      %sub3A_372 = arith.subf %get3A_368, %get3A_371 : vector<16xf32>
      %mul3A_373 = arith.mulf %sub3A_372, %sub3A_372 : vector<16xf32>
      %mul3A_374 = arith.mulf %mul3A_373, %mul3A_307 : vector<16xf32>
      %add3A_375 = arith.addf %add3A_365, %mul3A_374 : vector<16xf32>
      %get3A_376 = arith.index_cast %scan3A_300 : i32 to index
      %get3A_377 = arith.constant 112 : index
      %get3A_378 = tpu.vector_load %arg23[%get3A_376, %get3A_377] {strides = array<i32>} : memref<40x128xf32, #tpu.memory_space<vmem>>, vector<16xf32>,
      %get3A_379 = arith.index_cast %scan3A_300 : i32 to index
      %get3A_380 = arith.constant 112 : index
      %get3A_381 = tpu.vector_load %arg24[%get3A_379, %get3A_380] {strides = array<i32>} : memref<40x128xf32, #tpu.memory_space<vmem>>, vector<16xf32>,
      %sub3A_382 = arith.subf %get3A_378, %get3A_381 : vector<16xf32>
      %mul3A_383 = arith.mulf %sub3A_382, %sub3A_382 : vector<16xf32>
      %mul3A_384 = arith.mulf %mul3A_383, %mul3A_307 : vector<16xf32>
      %add3A_385 = arith.addf %add3A_375, %mul3A_384 : vector<16xf32>
      scf.yield %add3A_385 : vector<16xf32>
    }
    %scan3A_146 = arith.constant 40 : i32
    %dma_wait3A_147 = arith.constant 9960 : i32
    %dma_wait3A_148 = tpu.memref_slice %arg11[%dma_wait3A_147] : memref<10000xi32, #tpu.memory_space<vmem>> -> memref<40xi32, #tpu.memory_space<vmem>>
    %dma_wait3A_149 = arith.constant 0 : i32
    %dma_wait3A_150 = arith.constant 0 : i32
    %dma_wait3A_151 = tpu.memref_slice %arg2[%dma_wait3A_149, %dma_wait3A_150] : memref<10000x128xf32, #tpu.memory_space<hbm>> -> memref<10000x128xf32, #tpu.memory_space<hbm>>
    tpu.wait_indirect_dma semaphore(%arg36 : memref<!tpu.dma_semaphore, #tpu.memory_space<semaphore_mem>>) src(%dma_wait3A_151 : memref<10000x128xf32, #tpu.memory_space<hbm>>) dst(%arg25 : memref<40x128xf32, #tpu.memory_space<vmem>>)
    %dma_wait3A_152 = arith.constant 9960 : i32
    %dma_wait3A_153 = tpu.memref_slice %arg12[%dma_wait3A_152] : memref<10000xi32, #tpu.memory_space<vmem>> -> memref<40xi32, #tpu.memory_space<vmem>>
    %dma_wait3A_154 = arith.constant 0 : i32
    %dma_wait3A_155 = arith.constant 0 : i32
    %dma_wait3A_156 = tpu.memref_slice %arg2[%dma_wait3A_154, %dma_wait3A_155] : memref<10000x128xf32, #tpu.memory_space<hbm>> -> memref<10000x128xf32, #tpu.memory_space<hbm>>
    tpu.wait_indirect_dma semaphore(%arg37 : memref<!tpu.dma_semaphore, #tpu.memory_space<semaphore_mem>>) src(%dma_wait3A_156 : memref<10000x128xf32, #tpu.memory_space<hbm>>) dst(%arg26 : memref<40x128xf32, #tpu.memory_space<vmem>>)
    %scan3A_157 = arith.constant 0 : i32
    %scan3A_158 = arith.constant 40 : i32
    %scan3A_159 = arith.addi %scan3A_157, %scan3A_158 : i32
    %scan3A_160 = arith.constant 1 : i32
    %scan3A_161 = scf.for %scan3A_300 = %scan3A_157 to %scan3A_159 step %scan3A_160 iter_args(%scan3A_301 = %scan3A_145) -> (vector<16xf32>)  : i32 {
      %add3A_302 = arith.constant 9960 : i32
      %add3A_303 = arith.addi %add3A_302, %scan3A_300 : i32
      %broadcast_in_dim3A_304 = vector.broadcast %add3A_303 : i32 to vector<16xi32>
      %gather3A = tpu.vector_load_idx %arg13[%broadcast_in_dim3A_304] : memref<10000xf32, #tpu.memory_space<vmem>>[vector<16xi32>], vector<16xf32>,
      %mul3A_305 = arith.constant 1.562500e-06 : f32
      %mul3A_306 = vector.broadcast %mul3A_305 : f32 to vector<16xf32>
      %mul3A_307 = arith.mulf %gather3A, %mul3A_306 : vector<16xf32>
      %get3A = arith.index_cast %scan3A_300 : i32 to index
      %get3A_308 = arith.constant 0 : index
      %get3A_309 = tpu.vector_load %arg25[%get3A, %get3A_308] {strides = array<i32>} : memref<40x128xf32, #tpu.memory_space<vmem>>, vector<16xf32>,
      %get3A_310 = arith.index_cast %scan3A_300 : i32 to index
      %get3A_311 = arith.constant 0 : index
      %get3A_312 = tpu.vector_load %arg26[%get3A_310, %get3A_311] {strides = array<i32>} : memref<40x128xf32, #tpu.memory_space<vmem>>, vector<16xf32>,
      %sub3A = arith.subf %get3A_309, %get3A_312 : vector<16xf32>
      %mul3A_313 = arith.mulf %sub3A, %sub3A : vector<16xf32>
      %mul3A_314 = arith.mulf %mul3A_313, %mul3A_307 : vector<16xf32>
      %add3A_315 = arith.addf %scan3A_301, %mul3A_314 : vector<16xf32>
      %get3A_316 = arith.index_cast %scan3A_300 : i32 to index
      %get3A_317 = arith.constant 16 : index
      %get3A_318 = tpu.vector_load %arg25[%get3A_316, %get3A_317] {strides = array<i32>} : memref<40x128xf32, #tpu.memory_space<vmem>>, vector<16xf32>,
      %get3A_319 = arith.index_cast %scan3A_300 : i32 to index
      %get3A_320 = arith.constant 16 : index
      %get3A_321 = tpu.vector_load %arg26[%get3A_319, %get3A_320] {strides = array<i32>} : memref<40x128xf32, #tpu.memory_space<vmem>>, vector<16xf32>,
      %sub3A_322 = arith.subf %get3A_318, %get3A_321 : vector<16xf32>
      %mul3A_323 = arith.mulf %sub3A_322, %sub3A_322 : vector<16xf32>
      %mul3A_324 = arith.mulf %mul3A_323, %mul3A_307 : vector<16xf32>
      %add3A_325 = arith.addf %add3A_315, %mul3A_324 : vector<16xf32>
      %get3A_326 = arith.index_cast %scan3A_300 : i32 to index
      %get3A_327 = arith.constant 32 : index
      %get3A_328 = tpu.vector_load %arg25[%get3A_326, %get3A_327] {strides = array<i32>} : memref<40x128xf32, #tpu.memory_space<vmem>>, vector<16xf32>,
      %get3A_329 = arith.index_cast %scan3A_300 : i32 to index
      %get3A_330 = arith.constant 32 : index
      %get3A_331 = tpu.vector_load %arg26[%get3A_329, %get3A_330] {strides = array<i32>} : memref<40x128xf32, #tpu.memory_space<vmem>>, vector<16xf32>,
      %sub3A_332 = arith.subf %get3A_328, %get3A_331 : vector<16xf32>
      %mul3A_333 = arith.mulf %sub3A_332, %sub3A_332 : vector<16xf32>
      %mul3A_334 = arith.mulf %mul3A_333, %mul3A_307 : vector<16xf32>
      %add3A_335 = arith.addf %add3A_325, %mul3A_334 : vector<16xf32>
      %get3A_336 = arith.index_cast %scan3A_300 : i32 to index
      %get3A_337 = arith.constant 48 : index
      %get3A_338 = tpu.vector_load %arg25[%get3A_336, %get3A_337] {strides = array<i32>} : memref<40x128xf32, #tpu.memory_space<vmem>>, vector<16xf32>,
      %get3A_339 = arith.index_cast %scan3A_300 : i32 to index
      %get3A_340 = arith.constant 48 : index
      %get3A_341 = tpu.vector_load %arg26[%get3A_339, %get3A_340] {strides = array<i32>} : memref<40x128xf32, #tpu.memory_space<vmem>>, vector<16xf32>,
      %sub3A_342 = arith.subf %get3A_338, %get3A_341 : vector<16xf32>
      %mul3A_343 = arith.mulf %sub3A_342, %sub3A_342 : vector<16xf32>
      %mul3A_344 = arith.mulf %mul3A_343, %mul3A_307 : vector<16xf32>
      %add3A_345 = arith.addf %add3A_335, %mul3A_344 : vector<16xf32>
      %get3A_346 = arith.index_cast %scan3A_300 : i32 to index
      %get3A_347 = arith.constant 64 : index
      %get3A_348 = tpu.vector_load %arg25[%get3A_346, %get3A_347] {strides = array<i32>} : memref<40x128xf32, #tpu.memory_space<vmem>>, vector<16xf32>,
      %get3A_349 = arith.index_cast %scan3A_300 : i32 to index
      %get3A_350 = arith.constant 64 : index
      %get3A_351 = tpu.vector_load %arg26[%get3A_349, %get3A_350] {strides = array<i32>} : memref<40x128xf32, #tpu.memory_space<vmem>>, vector<16xf32>,
      %sub3A_352 = arith.subf %get3A_348, %get3A_351 : vector<16xf32>
      %mul3A_353 = arith.mulf %sub3A_352, %sub3A_352 : vector<16xf32>
      %mul3A_354 = arith.mulf %mul3A_353, %mul3A_307 : vector<16xf32>
      %add3A_355 = arith.addf %add3A_345, %mul3A_354 : vector<16xf32>
      %get3A_356 = arith.index_cast %scan3A_300 : i32 to index
      %get3A_357 = arith.constant 80 : index
      %get3A_358 = tpu.vector_load %arg25[%get3A_356, %get3A_357] {strides = array<i32>} : memref<40x128xf32, #tpu.memory_space<vmem>>, vector<16xf32>,
      %get3A_359 = arith.index_cast %scan3A_300 : i32 to index
      %get3A_360 = arith.constant 80 : index
      %get3A_361 = tpu.vector_load %arg26[%get3A_359, %get3A_360] {strides = array<i32>} : memref<40x128xf32, #tpu.memory_space<vmem>>, vector<16xf32>,
      %sub3A_362 = arith.subf %get3A_358, %get3A_361 : vector<16xf32>
      %mul3A_363 = arith.mulf %sub3A_362, %sub3A_362 : vector<16xf32>
      %mul3A_364 = arith.mulf %mul3A_363, %mul3A_307 : vector<16xf32>
      %add3A_365 = arith.addf %add3A_355, %mul3A_364 : vector<16xf32>
      %get3A_366 = arith.index_cast %scan3A_300 : i32 to index
      %get3A_367 = arith.constant 96 : index
      %get3A_368 = tpu.vector_load %arg25[%get3A_366, %get3A_367] {strides = array<i32>} : memref<40x128xf32, #tpu.memory_space<vmem>>, vector<16xf32>,
      %get3A_369 = arith.index_cast %scan3A_300 : i32 to index
      %get3A_370 = arith.constant 96 : index
      %get3A_371 = tpu.vector_load %arg26[%get3A_369, %get3A_370] {strides = array<i32>} : memref<40x128xf32, #tpu.memory_space<vmem>>, vector<16xf32>,
      %sub3A_372 = arith.subf %get3A_368, %get3A_371 : vector<16xf32>
      %mul3A_373 = arith.mulf %sub3A_372, %sub3A_372 : vector<16xf32>
      %mul3A_374 = arith.mulf %mul3A_373, %mul3A_307 : vector<16xf32>
      %add3A_375 = arith.addf %add3A_365, %mul3A_374 : vector<16xf32>
      %get3A_376 = arith.index_cast %scan3A_300 : i32 to index
      %get3A_377 = arith.constant 112 : index
      %get3A_378 = tpu.vector_load %arg25[%get3A_376, %get3A_377] {strides = array<i32>} : memref<40x128xf32, #tpu.memory_space<vmem>>, vector<16xf32>,
      %get3A_379 = arith.index_cast %scan3A_300 : i32 to index
      %get3A_380 = arith.constant 112 : index
      %get3A_381 = tpu.vector_load %arg26[%get3A_379, %get3A_380] {strides = array<i32>} : memref<40x128xf32, #tpu.memory_space<vmem>>, vector<16xf32>,
      %sub3A_382 = arith.subf %get3A_378, %get3A_381 : vector<16xf32>
      %mul3A_383 = arith.mulf %sub3A_382, %sub3A_382 : vector<16xf32>
      %mul3A_384 = arith.mulf %mul3A_383, %mul3A_307 : vector<16xf32>
      %add3A_385 = arith.addf %add3A_375, %mul3A_384 : vector<16xf32>
      scf.yield %add3A_385 : vector<16xf32>
    }
    %scan3A_162 = arith.constant 40 : i32
    %dma_start3A_163 = arith.constant 0 : i32
    %dma_start3A_164 = tpu.memref_slice %arg14[%dma_start3A_163] : memref<5000xi32, #tpu.memory_space<vmem>> -> memref<40xi32, #tpu.memory_space<vmem>>
    %dma_start3A_165 = arith.constant 0 : i32
    %dma_start3A_166 = arith.constant 0 : i32
    %dma_start3A_167 = tpu.memref_slice %arg6[%dma_start3A_165, %dma_start3A_166] : memref<10000x128xf32, #tpu.memory_space<hbm>> -> memref<10000x128xf32, #tpu.memory_space<hbm>>
    tpu.enqueue_indirect_dma source(%dma_start3A_167 : memref<10000x128xf32, #tpu.memory_space<hbm>>) target(%arg17 : memref<40x128xf32, #tpu.memory_space<vmem>>) offsets(%dma_start3A_164 : memref<40xi32, #tpu.memory_space<vmem>>) semaphore(%arg28 : memref<!tpu.dma_semaphore, #tpu.memory_space<semaphore_mem>>)
    %dma_start3A_168 = arith.constant 0 : i32
    %dma_start3A_169 = tpu.memref_slice %arg15[%dma_start3A_168] : memref<5000xi32, #tpu.memory_space<vmem>> -> memref<40xi32, #tpu.memory_space<vmem>>
    %dma_start3A_170 = arith.constant 0 : i32
    %dma_start3A_171 = arith.constant 0 : i32
    %dma_start3A_172 = tpu.memref_slice %arg6[%dma_start3A_170, %dma_start3A_171] : memref<10000x128xf32, #tpu.memory_space<hbm>> -> memref<10000x128xf32, #tpu.memory_space<hbm>>
    tpu.enqueue_indirect_dma source(%dma_start3A_172 : memref<10000x128xf32, #tpu.memory_space<hbm>>) target(%arg18 : memref<40x128xf32, #tpu.memory_space<vmem>>) offsets(%dma_start3A_169 : memref<40xi32, #tpu.memory_space<vmem>>) semaphore(%arg29 : memref<!tpu.dma_semaphore, #tpu.memory_space<semaphore_mem>>)
    %dma_start3A_173 = arith.constant 40 : i32
    %dma_start3A_174 = tpu.memref_slice %arg14[%dma_start3A_173] : memref<5000xi32, #tpu.memory_space<vmem>> -> memref<40xi32, #tpu.memory_space<vmem>>
    %dma_start3A_175 = arith.constant 0 : i32
    %dma_start3A_176 = arith.constant 0 : i32
    %dma_start3A_177 = tpu.memref_slice %arg6[%dma_start3A_175, %dma_start3A_176] : memref<10000x128xf32, #tpu.memory_space<hbm>> -> memref<10000x128xf32, #tpu.memory_space<hbm>>
    tpu.enqueue_indirect_dma source(%dma_start3A_177 : memref<10000x128xf32, #tpu.memory_space<hbm>>) target(%arg19 : memref<40x128xf32, #tpu.memory_space<vmem>>) offsets(%dma_start3A_174 : memref<40xi32, #tpu.memory_space<vmem>>) semaphore(%arg30 : memref<!tpu.dma_semaphore, #tpu.memory_space<semaphore_mem>>)
    %dma_start3A_178 = arith.constant 40 : i32
    %dma_start3A_179 = tpu.memref_slice %arg15[%dma_start3A_178] : memref<5000xi32, #tpu.memory_space<vmem>> -> memref<40xi32, #tpu.memory_space<vmem>>
    %dma_start3A_180 = arith.constant 0 : i32
    %dma_start3A_181 = arith.constant 0 : i32
    %dma_start3A_182 = tpu.memref_slice %arg6[%dma_start3A_180, %dma_start3A_181] : memref<10000x128xf32, #tpu.memory_space<hbm>> -> memref<10000x128xf32, #tpu.memory_space<hbm>>
    tpu.enqueue_indirect_dma source(%dma_start3A_182 : memref<10000x128xf32, #tpu.memory_space<hbm>>) target(%arg20 : memref<40x128xf32, #tpu.memory_space<vmem>>) offsets(%dma_start3A_179 : memref<40xi32, #tpu.memory_space<vmem>>) semaphore(%arg31 : memref<!tpu.dma_semaphore, #tpu.memory_space<semaphore_mem>>)
    %dma_start3A_183 = arith.constant 80 : i32
    %dma_start3A_184 = tpu.memref_slice %arg14[%dma_start3A_183] : memref<5000xi32, #tpu.memory_space<vmem>> -> memref<40xi32, #tpu.memory_space<vmem>>
    %dma_start3A_185 = arith.constant 0 : i32
    %dma_start3A_186 = arith.constant 0 : i32
    %dma_start3A_187 = tpu.memref_slice %arg6[%dma_start3A_185, %dma_start3A_186] : memref<10000x128xf32, #tpu.memory_space<hbm>> -> memref<10000x128xf32, #tpu.memory_space<hbm>>
    tpu.enqueue_indirect_dma source(%dma_start3A_187 : memref<10000x128xf32, #tpu.memory_space<hbm>>) target(%arg21 : memref<40x128xf32, #tpu.memory_space<vmem>>) offsets(%dma_start3A_184 : memref<40xi32, #tpu.memory_space<vmem>>) semaphore(%arg32 : memref<!tpu.dma_semaphore, #tpu.memory_space<semaphore_mem>>)
    %dma_start3A_188 = arith.constant 80 : i32
    %dma_start3A_189 = tpu.memref_slice %arg15[%dma_start3A_188] : memref<5000xi32, #tpu.memory_space<vmem>> -> memref<40xi32, #tpu.memory_space<vmem>>
    %dma_start3A_190 = arith.constant 0 : i32
    %dma_start3A_191 = arith.constant 0 : i32
    %dma_start3A_192 = tpu.memref_slice %arg6[%dma_start3A_190, %dma_start3A_191] : memref<10000x128xf32, #tpu.memory_space<hbm>> -> memref<10000x128xf32, #tpu.memory_space<hbm>>
    tpu.enqueue_indirect_dma source(%dma_start3A_192 : memref<10000x128xf32, #tpu.memory_space<hbm>>) target(%arg22 : memref<40x128xf32, #tpu.memory_space<vmem>>) offsets(%dma_start3A_189 : memref<40xi32, #tpu.memory_space<vmem>>) semaphore(%arg33 : memref<!tpu.dma_semaphore, #tpu.memory_space<semaphore_mem>>)
    %dma_start3A_193 = arith.constant 120 : i32
    %dma_start3A_194 = tpu.memref_slice %arg14[%dma_start3A_193] : memref<5000xi32, #tpu.memory_space<vmem>> -> memref<40xi32, #tpu.memory_space<vmem>>
    %dma_start3A_195 = arith.constant 0 : i32
    %dma_start3A_196 = arith.constant 0 : i32
    %dma_start3A_197 = tpu.memref_slice %arg6[%dma_start3A_195, %dma_start3A_196] : memref<10000x128xf32, #tpu.memory_space<hbm>> -> memref<10000x128xf32, #tpu.memory_space<hbm>>
    tpu.enqueue_indirect_dma source(%dma_start3A_197 : memref<10000x128xf32, #tpu.memory_space<hbm>>) target(%arg23 : memref<40x128xf32, #tpu.memory_space<vmem>>) offsets(%dma_start3A_194 : memref<40xi32, #tpu.memory_space<vmem>>) semaphore(%arg34 : memref<!tpu.dma_semaphore, #tpu.memory_space<semaphore_mem>>)
    %dma_start3A_198 = arith.constant 120 : i32
    %dma_start3A_199 = tpu.memref_slice %arg15[%dma_start3A_198] : memref<5000xi32, #tpu.memory_space<vmem>> -> memref<40xi32, #tpu.memory_space<vmem>>
    %dma_start3A_200 = arith.constant 0 : i32
    %dma_start3A_201 = arith.constant 0 : i32
    %dma_start3A_202 = tpu.memref_slice %arg6[%dma_start3A_200, %dma_start3A_201] : memref<10000x128xf32, #tpu.memory_space<hbm>> -> memref<10000x128xf32, #tpu.memory_space<hbm>>
    tpu.enqueue_indirect_dma source(%dma_start3A_202 : memref<10000x128xf32, #tpu.memory_space<hbm>>) target(%arg24 : memref<40x128xf32, #tpu.memory_space<vmem>>) offsets(%dma_start3A_199 : memref<40xi32, #tpu.memory_space<vmem>>) semaphore(%arg35 : memref<!tpu.dma_semaphore, #tpu.memory_space<semaphore_mem>>)
    %scan3A_203 = arith.constant 0 : i32
    %scan3A_204 = arith.constant 24 : i32
    %scan3A_205 = arith.addi %scan3A_203, %scan3A_204 : i32
    %scan3A_206 = arith.constant 1 : i32
    %scan3A_207 = scf.for %scan3A_300 = %scan3A_203 to %scan3A_205 step %scan3A_206 iter_args(%scan3A_301 = %scan3A_161) -> (vector<16xf32>)  : i32 {
      %mul3A_302 = arith.constant 5 : i32
      %mul3A_303 = arith.muli %scan3A_300, %mul3A_302 : i32
      %add3A_304 = arith.constant 0 : i32
      %add3A_305 = arith.addi %mul3A_303, %add3A_304 : i32
      %add3A_306 = arith.constant 5 : i32
      %add3A_307 = arith.addi %add3A_305, %add3A_306 : i32
      %sub3A = arith.constant 1 : i32
      %sub3A_308 = arith.subi %add3A_307, %sub3A : i32
      %mul3A_309 = arith.constant 40 : i32
      %mul3A_310 = arith.muli %sub3A_308, %mul3A_309 : i32
      %dma_start3A_311 = tpu.memref_slice %arg14[%mul3A_310] : memref<5000xi32, #tpu.memory_space<vmem>> -> memref<40xi32, #tpu.memory_space<vmem>>
      %dma_start3A_312 = arith.constant 0 : i32
      %dma_start3A_313 = arith.constant 0 : i32
      %dma_start3A_314 = tpu.memref_slice %arg6[%dma_start3A_312, %dma_start3A_313] : memref<10000x128xf32, #tpu.memory_space<hbm>> -> memref<10000x128xf32, #tpu.memory_space<hbm>>
      tpu.enqueue_indirect_dma source(%dma_start3A_314 : memref<10000x128xf32, #tpu.memory_space<hbm>>) target(%arg25 : memref<40x128xf32, #tpu.memory_space<vmem>>) offsets(%dma_start3A_311 : memref<40xi32, #tpu.memory_space<vmem>>) semaphore(%arg36 : memref<!tpu.dma_semaphore, #tpu.memory_space<semaphore_mem>>)
      %dma_start3A_315 = tpu.memref_slice %arg15[%mul3A_310] : memref<5000xi32, #tpu.memory_space<vmem>> -> memref<40xi32, #tpu.memory_space<vmem>>
      %dma_start3A_316 = arith.constant 0 : i32
      %dma_start3A_317 = arith.constant 0 : i32
      %dma_start3A_318 = tpu.memref_slice %arg6[%dma_start3A_316, %dma_start3A_317] : memref<10000x128xf32, #tpu.memory_space<hbm>> -> memref<10000x128xf32, #tpu.memory_space<hbm>>
      tpu.enqueue_indirect_dma source(%dma_start3A_318 : memref<10000x128xf32, #tpu.memory_space<hbm>>) target(%arg26 : memref<40x128xf32, #tpu.memory_space<vmem>>) offsets(%dma_start3A_315 : memref<40xi32, #tpu.memory_space<vmem>>) semaphore(%arg37 : memref<!tpu.dma_semaphore, #tpu.memory_space<semaphore_mem>>)
      %mul3A_319 = arith.constant 40 : i32
      %mul3A_320 = arith.muli %add3A_305, %mul3A_319 : i32
      %dma_wait3A_321 = tpu.memref_slice %arg14[%mul3A_320] : memref<5000xi32, #tpu.memory_space<vmem>> -> memref<40xi32, #tpu.memory_space<vmem>>
      %dma_wait3A_322 = arith.constant 0 : i32
      %dma_wait3A_323 = arith.constant 0 : i32
      %dma_wait3A_324 = tpu.memref_slice %arg6[%dma_wait3A_322, %dma_wait3A_323] : memref<10000x128xf32, #tpu.memory_space<hbm>> -> memref<10000x128xf32, #tpu.memory_space<hbm>>
      tpu.wait_indirect_dma semaphore(%arg28 : memref<!tpu.dma_semaphore, #tpu.memory_space<semaphore_mem>>) src(%dma_wait3A_324 : memref<10000x128xf32, #tpu.memory_space<hbm>>) dst(%arg17 : memref<40x128xf32, #tpu.memory_space<vmem>>)
      %dma_wait3A_325 = tpu.memref_slice %arg15[%mul3A_320] : memref<5000xi32, #tpu.memory_space<vmem>> -> memref<40xi32, #tpu.memory_space<vmem>>
      %dma_wait3A_326 = arith.constant 0 : i32
      %dma_wait3A_327 = arith.constant 0 : i32
      %dma_wait3A_328 = tpu.memref_slice %arg6[%dma_wait3A_326, %dma_wait3A_327] : memref<10000x128xf32, #tpu.memory_space<hbm>> -> memref<10000x128xf32, #tpu.memory_space<hbm>>
      tpu.wait_indirect_dma semaphore(%arg29 : memref<!tpu.dma_semaphore, #tpu.memory_space<semaphore_mem>>) src(%dma_wait3A_328 : memref<10000x128xf32, #tpu.memory_space<hbm>>) dst(%arg18 : memref<40x128xf32, #tpu.memory_space<vmem>>)
      %mul3A_329 = arith.constant 40 : i32
      %mul3A_330 = arith.muli %add3A_305, %mul3A_329 : i32
      %scan3A_331 = arith.constant 0 : i32
      %scan3A_332 = arith.constant 40 : i32
      %scan3A_333 = arith.addi %scan3A_331, %scan3A_332 : i32
      %scan3A_334 = arith.constant 1 : i32
      %scan3A_335 = scf.for %scan3A_473 = %scan3A_331 to %scan3A_333 step %scan3A_334 iter_args(%scan3A_474 = %scan3A_301) -> (vector<16xf32>)  : i32 {
        %add3A_475 = arith.addi %mul3A_330, %scan3A_473 : i32
        %broadcast_in_dim3A_476 = vector.broadcast %add3A_475 : i32 to vector<16xi32>
        %gather3A = tpu.vector_load_idx %arg16[%broadcast_in_dim3A_476] : memref<5000xf32, #tpu.memory_space<vmem>>[vector<16xi32>], vector<16xf32>,
        %mul3A_477 = arith.constant 3.125000e-06 : f32
        %mul3A_478 = vector.broadcast %mul3A_477 : f32 to vector<16xf32>
        %mul3A_479 = arith.mulf %gather3A, %mul3A_478 : vector<16xf32>
        %get3A = arith.index_cast %scan3A_473 : i32 to index
        %get3A_480 = arith.constant 0 : index
        %get3A_481 = tpu.vector_load %arg17[%get3A, %get3A_480] {strides = array<i32>} : memref<40x128xf32, #tpu.memory_space<vmem>>, vector<16xf32>,
        %get3A_482 = arith.index_cast %scan3A_473 : i32 to index
        %get3A_483 = arith.constant 0 : index
        %get3A_484 = tpu.vector_load %arg18[%get3A_482, %get3A_483] {strides = array<i32>} : memref<40x128xf32, #tpu.memory_space<vmem>>, vector<16xf32>,
        %sub3A_485 = arith.subf %get3A_481, %get3A_484 : vector<16xf32>
        %mul3A_486 = arith.mulf %sub3A_485, %sub3A_485 : vector<16xf32>
        %mul3A_487 = arith.mulf %mul3A_486, %mul3A_479 : vector<16xf32>
        %add3A_488 = arith.addf %scan3A_474, %mul3A_487 : vector<16xf32>
        %get3A_489 = arith.index_cast %scan3A_473 : i32 to index
        %get3A_490 = arith.constant 16 : index
        %get3A_491 = tpu.vector_load %arg17[%get3A_489, %get3A_490] {strides = array<i32>} : memref<40x128xf32, #tpu.memory_space<vmem>>, vector<16xf32>,
        %get3A_492 = arith.index_cast %scan3A_473 : i32 to index
        %get3A_493 = arith.constant 16 : index
        %get3A_494 = tpu.vector_load %arg18[%get3A_492, %get3A_493] {strides = array<i32>} : memref<40x128xf32, #tpu.memory_space<vmem>>, vector<16xf32>,
        %sub3A_495 = arith.subf %get3A_491, %get3A_494 : vector<16xf32>
        %mul3A_496 = arith.mulf %sub3A_495, %sub3A_495 : vector<16xf32>
        %mul3A_497 = arith.mulf %mul3A_496, %mul3A_479 : vector<16xf32>
        %add3A_498 = arith.addf %add3A_488, %mul3A_497 : vector<16xf32>
        %get3A_499 = arith.index_cast %scan3A_473 : i32 to index
        %get3A_500 = arith.constant 32 : index
        %get3A_501 = tpu.vector_load %arg17[%get3A_499, %get3A_500] {strides = array<i32>} : memref<40x128xf32, #tpu.memory_space<vmem>>, vector<16xf32>,
        %get3A_502 = arith.index_cast %scan3A_473 : i32 to index
        %get3A_503 = arith.constant 32 : index
        %get3A_504 = tpu.vector_load %arg18[%get3A_502, %get3A_503] {strides = array<i32>} : memref<40x128xf32, #tpu.memory_space<vmem>>, vector<16xf32>,
        %sub3A_505 = arith.subf %get3A_501, %get3A_504 : vector<16xf32>
        %mul3A_506 = arith.mulf %sub3A_505, %sub3A_505 : vector<16xf32>
        %mul3A_507 = arith.mulf %mul3A_506, %mul3A_479 : vector<16xf32>
        %add3A_508 = arith.addf %add3A_498, %mul3A_507 : vector<16xf32>
        %get3A_509 = arith.index_cast %scan3A_473 : i32 to index
        %get3A_510 = arith.constant 48 : index
        %get3A_511 = tpu.vector_load %arg17[%get3A_509, %get3A_510] {strides = array<i32>} : memref<40x128xf32, #tpu.memory_space<vmem>>, vector<16xf32>,
        %get3A_512 = arith.index_cast %scan3A_473 : i32 to index
        %get3A_513 = arith.constant 48 : index
        %get3A_514 = tpu.vector_load %arg18[%get3A_512, %get3A_513] {strides = array<i32>} : memref<40x128xf32, #tpu.memory_space<vmem>>, vector<16xf32>,
        %sub3A_515 = arith.subf %get3A_511, %get3A_514 : vector<16xf32>
        %mul3A_516 = arith.mulf %sub3A_515, %sub3A_515 : vector<16xf32>
        %mul3A_517 = arith.mulf %mul3A_516, %mul3A_479 : vector<16xf32>
        %add3A_518 = arith.addf %add3A_508, %mul3A_517 : vector<16xf32>
        %get3A_519 = arith.index_cast %scan3A_473 : i32 to index
        %get3A_520 = arith.constant 64 : index
        %get3A_521 = tpu.vector_load %arg17[%get3A_519, %get3A_520] {strides = array<i32>} : memref<40x128xf32, #tpu.memory_space<vmem>>, vector<16xf32>,
        %get3A_522 = arith.index_cast %scan3A_473 : i32 to index
        %get3A_523 = arith.constant 64 : index
        %get3A_524 = tpu.vector_load %arg18[%get3A_522, %get3A_523] {strides = array<i32>} : memref<40x128xf32, #tpu.memory_space<vmem>>, vector<16xf32>,
        %sub3A_525 = arith.subf %get3A_521, %get3A_524 : vector<16xf32>
        %mul3A_526 = arith.mulf %sub3A_525, %sub3A_525 : vector<16xf32>
        %mul3A_527 = arith.mulf %mul3A_526, %mul3A_479 : vector<16xf32>
        %add3A_528 = arith.addf %add3A_518, %mul3A_527 : vector<16xf32>
        %get3A_529 = arith.index_cast %scan3A_473 : i32 to index
        %get3A_530 = arith.constant 80 : index
        %get3A_531 = tpu.vector_load %arg17[%get3A_529, %get3A_530] {strides = array<i32>} : memref<40x128xf32, #tpu.memory_space<vmem>>, vector<16xf32>,
        %get3A_532 = arith.index_cast %scan3A_473 : i32 to index
        %get3A_533 = arith.constant 80 : index
        %get3A_534 = tpu.vector_load %arg18[%get3A_532, %get3A_533] {strides = array<i32>} : memref<40x128xf32, #tpu.memory_space<vmem>>, vector<16xf32>,
        %sub3A_535 = arith.subf %get3A_531, %get3A_534 : vector<16xf32>
        %mul3A_536 = arith.mulf %sub3A_535, %sub3A_535 : vector<16xf32>
        %mul3A_537 = arith.mulf %mul3A_536, %mul3A_479 : vector<16xf32>
        %add3A_538 = arith.addf %add3A_528, %mul3A_537 : vector<16xf32>
        %get3A_539 = arith.index_cast %scan3A_473 : i32 to index
        %get3A_540 = arith.constant 96 : index
        %get3A_541 = tpu.vector_load %arg17[%get3A_539, %get3A_540] {strides = array<i32>} : memref<40x128xf32, #tpu.memory_space<vmem>>, vector<16xf32>,
        %get3A_542 = arith.index_cast %scan3A_473 : i32 to index
        %get3A_543 = arith.constant 96 : index
        %get3A_544 = tpu.vector_load %arg18[%get3A_542, %get3A_543] {strides = array<i32>} : memref<40x128xf32, #tpu.memory_space<vmem>>, vector<16xf32>,
        %sub3A_545 = arith.subf %get3A_541, %get3A_544 : vector<16xf32>
        %mul3A_546 = arith.mulf %sub3A_545, %sub3A_545 : vector<16xf32>
        %mul3A_547 = arith.mulf %mul3A_546, %mul3A_479 : vector<16xf32>
        %add3A_548 = arith.addf %add3A_538, %mul3A_547 : vector<16xf32>
        %get3A_549 = arith.index_cast %scan3A_473 : i32 to index
        %get3A_550 = arith.constant 112 : index
        %get3A_551 = tpu.vector_load %arg17[%get3A_549, %get3A_550] {strides = array<i32>} : memref<40x128xf32, #tpu.memory_space<vmem>>, vector<16xf32>,
        %get3A_552 = arith.index_cast %scan3A_473 : i32 to index
        %get3A_553 = arith.constant 112 : index
        %get3A_554 = tpu.vector_load %arg18[%get3A_552, %get3A_553] {strides = array<i32>} : memref<40x128xf32, #tpu.memory_space<vmem>>, vector<16xf32>,
        %sub3A_555 = arith.subf %get3A_551, %get3A_554 : vector<16xf32>
        %mul3A_556 = arith.mulf %sub3A_555, %sub3A_555 : vector<16xf32>
        %mul3A_557 = arith.mulf %mul3A_556, %mul3A_479 : vector<16xf32>
        %add3A_558 = arith.addf %add3A_548, %mul3A_557 : vector<16xf32>
        scf.yield %add3A_558 : vector<16xf32>
      }
      %scan3A_336 = arith.constant 40 : i32
      %add3A_337 = arith.constant 1 : i32
      %add3A_338 = arith.addi %mul3A_303, %add3A_337 : i32
      %add3A_339 = arith.constant 5 : i32
      %add3A_340 = arith.addi %add3A_338, %add3A_339 : i32
      %sub3A_341 = arith.constant 1 : i32
      %sub3A_342 = arith.subi %add3A_340, %sub3A_341 : i32
      %mul3A_343 = arith.constant 40 : i32
      %mul3A_344 = arith.muli %sub3A_342, %mul3A_343 : i32
      %dma_start3A_345 = tpu.memref_slice %arg14[%mul3A_344] : memref<5000xi32, #tpu.memory_space<vmem>> -> memref<40xi32, #tpu.memory_space<vmem>>
      %dma_start3A_346 = arith.constant 0 : i32
      %dma_start3A_347 = arith.constant 0 : i32
      %dma_start3A_348 = tpu.memref_slice %arg6[%dma_start3A_346, %dma_start3A_347] : memref<10000x128xf32, #tpu.memory_space<hbm>> -> memref<10000x128xf32, #tpu.memory_space<hbm>>
      tpu.enqueue_indirect_dma source(%dma_start3A_348 : memref<10000x128xf32, #tpu.memory_space<hbm>>) target(%arg17 : memref<40x128xf32, #tpu.memory_space<vmem>>) offsets(%dma_start3A_345 : memref<40xi32, #tpu.memory_space<vmem>>) semaphore(%arg28 : memref<!tpu.dma_semaphore, #tpu.memory_space<semaphore_mem>>)
      %dma_start3A_349 = tpu.memref_slice %arg15[%mul3A_344] : memref<5000xi32, #tpu.memory_space<vmem>> -> memref<40xi32, #tpu.memory_space<vmem>>
      %dma_start3A_350 = arith.constant 0 : i32
      %dma_start3A_351 = arith.constant 0 : i32
      %dma_start3A_352 = tpu.memref_slice %arg6[%dma_start3A_350, %dma_start3A_351] : memref<10000x128xf32, #tpu.memory_space<hbm>> -> memref<10000x128xf32, #tpu.memory_space<hbm>>
      tpu.enqueue_indirect_dma source(%dma_start3A_352 : memref<10000x128xf32, #tpu.memory_space<hbm>>) target(%arg18 : memref<40x128xf32, #tpu.memory_space<vmem>>) offsets(%dma_start3A_349 : memref<40xi32, #tpu.memory_space<vmem>>) semaphore(%arg29 : memref<!tpu.dma_semaphore, #tpu.memory_space<semaphore_mem>>)
      %mul3A_353 = arith.constant 40 : i32
      %mul3A_354 = arith.muli %add3A_338, %mul3A_353 : i32
      %dma_wait3A_355 = tpu.memref_slice %arg14[%mul3A_354] : memref<5000xi32, #tpu.memory_space<vmem>> -> memref<40xi32, #tpu.memory_space<vmem>>
      %dma_wait3A_356 = arith.constant 0 : i32
      %dma_wait3A_357 = arith.constant 0 : i32
      %dma_wait3A_358 = tpu.memref_slice %arg6[%dma_wait3A_356, %dma_wait3A_357] : memref<10000x128xf32, #tpu.memory_space<hbm>> -> memref<10000x128xf32, #tpu.memory_space<hbm>>
      tpu.wait_indirect_dma semaphore(%arg30 : memref<!tpu.dma_semaphore, #tpu.memory_space<semaphore_mem>>) src(%dma_wait3A_358 : memref<10000x128xf32, #tpu.memory_space<hbm>>) dst(%arg19 : memref<40x128xf32, #tpu.memory_space<vmem>>)
      %dma_wait3A_359 = tpu.memref_slice %arg15[%mul3A_354] : memref<5000xi32, #tpu.memory_space<vmem>> -> memref<40xi32, #tpu.memory_space<vmem>>
      %dma_wait3A_360 = arith.constant 0 : i32
      %dma_wait3A_361 = arith.constant 0 : i32
      %dma_wait3A_362 = tpu.memref_slice %arg6[%dma_wait3A_360, %dma_wait3A_361] : memref<10000x128xf32, #tpu.memory_space<hbm>> -> memref<10000x128xf32, #tpu.memory_space<hbm>>
      tpu.wait_indirect_dma semaphore(%arg31 : memref<!tpu.dma_semaphore, #tpu.memory_space<semaphore_mem>>) src(%dma_wait3A_362 : memref<10000x128xf32, #tpu.memory_space<hbm>>) dst(%arg20 : memref<40x128xf32, #tpu.memory_space<vmem>>)
      %mul3A_363 = arith.constant 40 : i32
      %mul3A_364 = arith.muli %add3A_338, %mul3A_363 : i32
      %scan3A_365 = arith.constant 0 : i32
      %scan3A_366 = arith.constant 40 : i32
      %scan3A_367 = arith.addi %scan3A_365, %scan3A_366 : i32
      %scan3A_368 = arith.constant 1 : i32
      %scan3A_369 = scf.for %scan3A_473 = %scan3A_365 to %scan3A_367 step %scan3A_368 iter_args(%scan3A_474 = %scan3A_335) -> (vector<16xf32>)  : i32 {
        %add3A_475 = arith.addi %mul3A_364, %scan3A_473 : i32
        %broadcast_in_dim3A_476 = vector.broadcast %add3A_475 : i32 to vector<16xi32>
        %gather3A = tpu.vector_load_idx %arg16[%broadcast_in_dim3A_476] : memref<5000xf32, #tpu.memory_space<vmem>>[vector<16xi32>], vector<16xf32>,
        %mul3A_477 = arith.constant 3.125000e-06 : f32
        %mul3A_478 = vector.broadcast %mul3A_477 : f32 to vector<16xf32>
        %mul3A_479 = arith.mulf %gather3A, %mul3A_478 : vector<16xf32>
        %get3A = arith.index_cast %scan3A_473 : i32 to index
        %get3A_480 = arith.constant 0 : index
        %get3A_481 = tpu.vector_load %arg19[%get3A, %get3A_480] {strides = array<i32>} : memref<40x128xf32, #tpu.memory_space<vmem>>, vector<16xf32>,
        %get3A_482 = arith.index_cast %scan3A_473 : i32 to index
        %get3A_483 = arith.constant 0 : index
        %get3A_484 = tpu.vector_load %arg20[%get3A_482, %get3A_483] {strides = array<i32>} : memref<40x128xf32, #tpu.memory_space<vmem>>, vector<16xf32>,
        %sub3A_485 = arith.subf %get3A_481, %get3A_484 : vector<16xf32>
        %mul3A_486 = arith.mulf %sub3A_485, %sub3A_485 : vector<16xf32>
        %mul3A_487 = arith.mulf %mul3A_486, %mul3A_479 : vector<16xf32>
        %add3A_488 = arith.addf %scan3A_474, %mul3A_487 : vector<16xf32>
        %get3A_489 = arith.index_cast %scan3A_473 : i32 to index
        %get3A_490 = arith.constant 16 : index
        %get3A_491 = tpu.vector_load %arg19[%get3A_489, %get3A_490] {strides = array<i32>} : memref<40x128xf32, #tpu.memory_space<vmem>>, vector<16xf32>,
        %get3A_492 = arith.index_cast %scan3A_473 : i32 to index
        %get3A_493 = arith.constant 16 : index
        %get3A_494 = tpu.vector_load %arg20[%get3A_492, %get3A_493] {strides = array<i32>} : memref<40x128xf32, #tpu.memory_space<vmem>>, vector<16xf32>,
        %sub3A_495 = arith.subf %get3A_491, %get3A_494 : vector<16xf32>
        %mul3A_496 = arith.mulf %sub3A_495, %sub3A_495 : vector<16xf32>
        %mul3A_497 = arith.mulf %mul3A_496, %mul3A_479 : vector<16xf32>
        %add3A_498 = arith.addf %add3A_488, %mul3A_497 : vector<16xf32>
        %get3A_499 = arith.index_cast %scan3A_473 : i32 to index
        %get3A_500 = arith.constant 32 : index
        %get3A_501 = tpu.vector_load %arg19[%get3A_499, %get3A_500] {strides = array<i32>} : memref<40x128xf32, #tpu.memory_space<vmem>>, vector<16xf32>,
        %get3A_502 = arith.index_cast %scan3A_473 : i32 to index
        %get3A_503 = arith.constant 32 : index
        %get3A_504 = tpu.vector_load %arg20[%get3A_502, %get3A_503] {strides = array<i32>} : memref<40x128xf32, #tpu.memory_space<vmem>>, vector<16xf32>,
        %sub3A_505 = arith.subf %get3A_501, %get3A_504 : vector<16xf32>
        %mul3A_506 = arith.mulf %sub3A_505, %sub3A_505 : vector<16xf32>
        %mul3A_507 = arith.mulf %mul3A_506, %mul3A_479 : vector<16xf32>
        %add3A_508 = arith.addf %add3A_498, %mul3A_507 : vector<16xf32>
        %get3A_509 = arith.index_cast %scan3A_473 : i32 to index
        %get3A_510 = arith.constant 48 : index
        %get3A_511 = tpu.vector_load %arg19[%get3A_509, %get3A_510] {strides = array<i32>} : memref<40x128xf32, #tpu.memory_space<vmem>>, vector<16xf32>,
        %get3A_512 = arith.index_cast %scan3A_473 : i32 to index
        %get3A_513 = arith.constant 48 : index
        %get3A_514 = tpu.vector_load %arg20[%get3A_512, %get3A_513] {strides = array<i32>} : memref<40x128xf32, #tpu.memory_space<vmem>>, vector<16xf32>,
        %sub3A_515 = arith.subf %get3A_511, %get3A_514 : vector<16xf32>
        %mul3A_516 = arith.mulf %sub3A_515, %sub3A_515 : vector<16xf32>
        %mul3A_517 = arith.mulf %mul3A_516, %mul3A_479 : vector<16xf32>
        %add3A_518 = arith.addf %add3A_508, %mul3A_517 : vector<16xf32>
        %get3A_519 = arith.index_cast %scan3A_473 : i32 to index
        %get3A_520 = arith.constant 64 : index
        %get3A_521 = tpu.vector_load %arg19[%get3A_519, %get3A_520] {strides = array<i32>} : memref<40x128xf32, #tpu.memory_space<vmem>>, vector<16xf32>,
        %get3A_522 = arith.index_cast %scan3A_473 : i32 to index
        %get3A_523 = arith.constant 64 : index
        %get3A_524 = tpu.vector_load %arg20[%get3A_522, %get3A_523] {strides = array<i32>} : memref<40x128xf32, #tpu.memory_space<vmem>>, vector<16xf32>,
        %sub3A_525 = arith.subf %get3A_521, %get3A_524 : vector<16xf32>
        %mul3A_526 = arith.mulf %sub3A_525, %sub3A_525 : vector<16xf32>
        %mul3A_527 = arith.mulf %mul3A_526, %mul3A_479 : vector<16xf32>
        %add3A_528 = arith.addf %add3A_518, %mul3A_527 : vector<16xf32>
        %get3A_529 = arith.index_cast %scan3A_473 : i32 to index
        %get3A_530 = arith.constant 80 : index
        %get3A_531 = tpu.vector_load %arg19[%get3A_529, %get3A_530] {strides = array<i32>} : memref<40x128xf32, #tpu.memory_space<vmem>>, vector<16xf32>,
        %get3A_532 = arith.index_cast %scan3A_473 : i32 to index
        %get3A_533 = arith.constant 80 : index
        %get3A_534 = tpu.vector_load %arg20[%get3A_532, %get3A_533] {strides = array<i32>} : memref<40x128xf32, #tpu.memory_space<vmem>>, vector<16xf32>,
        %sub3A_535 = arith.subf %get3A_531, %get3A_534 : vector<16xf32>
        %mul3A_536 = arith.mulf %sub3A_535, %sub3A_535 : vector<16xf32>
        %mul3A_537 = arith.mulf %mul3A_536, %mul3A_479 : vector<16xf32>
        %add3A_538 = arith.addf %add3A_528, %mul3A_537 : vector<16xf32>
        %get3A_539 = arith.index_cast %scan3A_473 : i32 to index
        %get3A_540 = arith.constant 96 : index
        %get3A_541 = tpu.vector_load %arg19[%get3A_539, %get3A_540] {strides = array<i32>} : memref<40x128xf32, #tpu.memory_space<vmem>>, vector<16xf32>,
        %get3A_542 = arith.index_cast %scan3A_473 : i32 to index
        %get3A_543 = arith.constant 96 : index
        %get3A_544 = tpu.vector_load %arg20[%get3A_542, %get3A_543] {strides = array<i32>} : memref<40x128xf32, #tpu.memory_space<vmem>>, vector<16xf32>,
        %sub3A_545 = arith.subf %get3A_541, %get3A_544 : vector<16xf32>
        %mul3A_546 = arith.mulf %sub3A_545, %sub3A_545 : vector<16xf32>
        %mul3A_547 = arith.mulf %mul3A_546, %mul3A_479 : vector<16xf32>
        %add3A_548 = arith.addf %add3A_538, %mul3A_547 : vector<16xf32>
        %get3A_549 = arith.index_cast %scan3A_473 : i32 to index
        %get3A_550 = arith.constant 112 : index
        %get3A_551 = tpu.vector_load %arg19[%get3A_549, %get3A_550] {strides = array<i32>} : memref<40x128xf32, #tpu.memory_space<vmem>>, vector<16xf32>,
        %get3A_552 = arith.index_cast %scan3A_473 : i32 to index
        %get3A_553 = arith.constant 112 : index
        %get3A_554 = tpu.vector_load %arg20[%get3A_552, %get3A_553] {strides = array<i32>} : memref<40x128xf32, #tpu.memory_space<vmem>>, vector<16xf32>,
        %sub3A_555 = arith.subf %get3A_551, %get3A_554 : vector<16xf32>
        %mul3A_556 = arith.mulf %sub3A_555, %sub3A_555 : vector<16xf32>
        %mul3A_557 = arith.mulf %mul3A_556, %mul3A_479 : vector<16xf32>
        %add3A_558 = arith.addf %add3A_548, %mul3A_557 : vector<16xf32>
        scf.yield %add3A_558 : vector<16xf32>
      }
      %scan3A_370 = arith.constant 40 : i32
      %add3A_371 = arith.constant 2 : i32
      %add3A_372 = arith.addi %mul3A_303, %add3A_371 : i32
      %add3A_373 = arith.constant 5 : i32
      %add3A_374 = arith.addi %add3A_372, %add3A_373 : i32
      %sub3A_375 = arith.constant 1 : i32
      %sub3A_376 = arith.subi %add3A_374, %sub3A_375 : i32
      %mul3A_377 = arith.constant 40 : i32
      %mul3A_378 = arith.muli %sub3A_376, %mul3A_377 : i32
      %dma_start3A_379 = tpu.memref_slice %arg14[%mul3A_378] : memref<5000xi32, #tpu.memory_space<vmem>> -> memref<40xi32, #tpu.memory_space<vmem>>
      %dma_start3A_380 = arith.constant 0 : i32
      %dma_start3A_381 = arith.constant 0 : i32
      %dma_start3A_382 = tpu.memref_slice %arg6[%dma_start3A_380, %dma_start3A_381] : memref<10000x128xf32, #tpu.memory_space<hbm>> -> memref<10000x128xf32, #tpu.memory_space<hbm>>
      tpu.enqueue_indirect_dma source(%dma_start3A_382 : memref<10000x128xf32, #tpu.memory_space<hbm>>) target(%arg19 : memref<40x128xf32, #tpu.memory_space<vmem>>) offsets(%dma_start3A_379 : memref<40xi32, #tpu.memory_space<vmem>>) semaphore(%arg30 : memref<!tpu.dma_semaphore, #tpu.memory_space<semaphore_mem>>)
      %dma_start3A_383 = tpu.memref_slice %arg15[%mul3A_378] : memref<5000xi32, #tpu.memory_space<vmem>> -> memref<40xi32, #tpu.memory_space<vmem>>
      %dma_start3A_384 = arith.constant 0 : i32
      %dma_start3A_385 = arith.constant 0 : i32
      %dma_start3A_386 = tpu.memref_slice %arg6[%dma_start3A_384, %dma_start3A_385] : memref<10000x128xf32, #tpu.memory_space<hbm>> -> memref<10000x128xf32, #tpu.memory_space<hbm>>
      tpu.enqueue_indirect_dma source(%dma_start3A_386 : memref<10000x128xf32, #tpu.memory_space<hbm>>) target(%arg20 : memref<40x128xf32, #tpu.memory_space<vmem>>) offsets(%dma_start3A_383 : memref<40xi32, #tpu.memory_space<vmem>>) semaphore(%arg31 : memref<!tpu.dma_semaphore, #tpu.memory_space<semaphore_mem>>)
      %mul3A_387 = arith.constant 40 : i32
      %mul3A_388 = arith.muli %add3A_372, %mul3A_387 : i32
      %dma_wait3A_389 = tpu.memref_slice %arg14[%mul3A_388] : memref<5000xi32, #tpu.memory_space<vmem>> -> memref<40xi32, #tpu.memory_space<vmem>>
      %dma_wait3A_390 = arith.constant 0 : i32
      %dma_wait3A_391 = arith.constant 0 : i32
      %dma_wait3A_392 = tpu.memref_slice %arg6[%dma_wait3A_390, %dma_wait3A_391] : memref<10000x128xf32, #tpu.memory_space<hbm>> -> memref<10000x128xf32, #tpu.memory_space<hbm>>
      tpu.wait_indirect_dma semaphore(%arg32 : memref<!tpu.dma_semaphore, #tpu.memory_space<semaphore_mem>>) src(%dma_wait3A_392 : memref<10000x128xf32, #tpu.memory_space<hbm>>) dst(%arg21 : memref<40x128xf32, #tpu.memory_space<vmem>>)
      %dma_wait3A_393 = tpu.memref_slice %arg15[%mul3A_388] : memref<5000xi32, #tpu.memory_space<vmem>> -> memref<40xi32, #tpu.memory_space<vmem>>
      %dma_wait3A_394 = arith.constant 0 : i32
      %dma_wait3A_395 = arith.constant 0 : i32
      %dma_wait3A_396 = tpu.memref_slice %arg6[%dma_wait3A_394, %dma_wait3A_395] : memref<10000x128xf32, #tpu.memory_space<hbm>> -> memref<10000x128xf32, #tpu.memory_space<hbm>>
      tpu.wait_indirect_dma semaphore(%arg33 : memref<!tpu.dma_semaphore, #tpu.memory_space<semaphore_mem>>) src(%dma_wait3A_396 : memref<10000x128xf32, #tpu.memory_space<hbm>>) dst(%arg22 : memref<40x128xf32, #tpu.memory_space<vmem>>)
      %mul3A_397 = arith.constant 40 : i32
      %mul3A_398 = arith.muli %add3A_372, %mul3A_397 : i32
      %scan3A_399 = arith.constant 0 : i32
      %scan3A_400 = arith.constant 40 : i32
      %scan3A_401 = arith.addi %scan3A_399, %scan3A_400 : i32
      %scan3A_402 = arith.constant 1 : i32
      %scan3A_403 = scf.for %scan3A_473 = %scan3A_399 to %scan3A_401 step %scan3A_402 iter_args(%scan3A_474 = %scan3A_369) -> (vector<16xf32>)  : i32 {
        %add3A_475 = arith.addi %mul3A_398, %scan3A_473 : i32
        %broadcast_in_dim3A_476 = vector.broadcast %add3A_475 : i32 to vector<16xi32>
        %gather3A = tpu.vector_load_idx %arg16[%broadcast_in_dim3A_476] : memref<5000xf32, #tpu.memory_space<vmem>>[vector<16xi32>], vector<16xf32>,
        %mul3A_477 = arith.constant 3.125000e-06 : f32
        %mul3A_478 = vector.broadcast %mul3A_477 : f32 to vector<16xf32>
        %mul3A_479 = arith.mulf %gather3A, %mul3A_478 : vector<16xf32>
        %get3A = arith.index_cast %scan3A_473 : i32 to index
        %get3A_480 = arith.constant 0 : index
        %get3A_481 = tpu.vector_load %arg21[%get3A, %get3A_480] {strides = array<i32>} : memref<40x128xf32, #tpu.memory_space<vmem>>, vector<16xf32>,
        %get3A_482 = arith.index_cast %scan3A_473 : i32 to index
        %get3A_483 = arith.constant 0 : index
        %get3A_484 = tpu.vector_load %arg22[%get3A_482, %get3A_483] {strides = array<i32>} : memref<40x128xf32, #tpu.memory_space<vmem>>, vector<16xf32>,
        %sub3A_485 = arith.subf %get3A_481, %get3A_484 : vector<16xf32>
        %mul3A_486 = arith.mulf %sub3A_485, %sub3A_485 : vector<16xf32>
        %mul3A_487 = arith.mulf %mul3A_486, %mul3A_479 : vector<16xf32>
        %add3A_488 = arith.addf %scan3A_474, %mul3A_487 : vector<16xf32>
        %get3A_489 = arith.index_cast %scan3A_473 : i32 to index
        %get3A_490 = arith.constant 16 : index
        %get3A_491 = tpu.vector_load %arg21[%get3A_489, %get3A_490] {strides = array<i32>} : memref<40x128xf32, #tpu.memory_space<vmem>>, vector<16xf32>,
        %get3A_492 = arith.index_cast %scan3A_473 : i32 to index
        %get3A_493 = arith.constant 16 : index
        %get3A_494 = tpu.vector_load %arg22[%get3A_492, %get3A_493] {strides = array<i32>} : memref<40x128xf32, #tpu.memory_space<vmem>>, vector<16xf32>,
        %sub3A_495 = arith.subf %get3A_491, %get3A_494 : vector<16xf32>
        %mul3A_496 = arith.mulf %sub3A_495, %sub3A_495 : vector<16xf32>
        %mul3A_497 = arith.mulf %mul3A_496, %mul3A_479 : vector<16xf32>
        %add3A_498 = arith.addf %add3A_488, %mul3A_497 : vector<16xf32>
        %get3A_499 = arith.index_cast %scan3A_473 : i32 to index
        %get3A_500 = arith.constant 32 : index
        %get3A_501 = tpu.vector_load %arg21[%get3A_499, %get3A_500] {strides = array<i32>} : memref<40x128xf32, #tpu.memory_space<vmem>>, vector<16xf32>,
        %get3A_502 = arith.index_cast %scan3A_473 : i32 to index
        %get3A_503 = arith.constant 32 : index
        %get3A_504 = tpu.vector_load %arg22[%get3A_502, %get3A_503] {strides = array<i32>} : memref<40x128xf32, #tpu.memory_space<vmem>>, vector<16xf32>,
        %sub3A_505 = arith.subf %get3A_501, %get3A_504 : vector<16xf32>
        %mul3A_506 = arith.mulf %sub3A_505, %sub3A_505 : vector<16xf32>
        %mul3A_507 = arith.mulf %mul3A_506, %mul3A_479 : vector<16xf32>
        %add3A_508 = arith.addf %add3A_498, %mul3A_507 : vector<16xf32>
        %get3A_509 = arith.index_cast %scan3A_473 : i32 to index
        %get3A_510 = arith.constant 48 : index
        %get3A_511 = tpu.vector_load %arg21[%get3A_509, %get3A_510] {strides = array<i32>} : memref<40x128xf32, #tpu.memory_space<vmem>>, vector<16xf32>,
        %get3A_512 = arith.index_cast %scan3A_473 : i32 to index
        %get3A_513 = arith.constant 48 : index
        %get3A_514 = tpu.vector_load %arg22[%get3A_512, %get3A_513] {strides = array<i32>} : memref<40x128xf32, #tpu.memory_space<vmem>>, vector<16xf32>,
        %sub3A_515 = arith.subf %get3A_511, %get3A_514 : vector<16xf32>
        %mul3A_516 = arith.mulf %sub3A_515, %sub3A_515 : vector<16xf32>
        %mul3A_517 = arith.mulf %mul3A_516, %mul3A_479 : vector<16xf32>
        %add3A_518 = arith.addf %add3A_508, %mul3A_517 : vector<16xf32>
        %get3A_519 = arith.index_cast %scan3A_473 : i32 to index
        %get3A_520 = arith.constant 64 : index
        %get3A_521 = tpu.vector_load %arg21[%get3A_519, %get3A_520] {strides = array<i32>} : memref<40x128xf32, #tpu.memory_space<vmem>>, vector<16xf32>,
        %get3A_522 = arith.index_cast %scan3A_473 : i32 to index
        %get3A_523 = arith.constant 64 : index
        %get3A_524 = tpu.vector_load %arg22[%get3A_522, %get3A_523] {strides = array<i32>} : memref<40x128xf32, #tpu.memory_space<vmem>>, vector<16xf32>,
        %sub3A_525 = arith.subf %get3A_521, %get3A_524 : vector<16xf32>
        %mul3A_526 = arith.mulf %sub3A_525, %sub3A_525 : vector<16xf32>
        %mul3A_527 = arith.mulf %mul3A_526, %mul3A_479 : vector<16xf32>
        %add3A_528 = arith.addf %add3A_518, %mul3A_527 : vector<16xf32>
        %get3A_529 = arith.index_cast %scan3A_473 : i32 to index
        %get3A_530 = arith.constant 80 : index
        %get3A_531 = tpu.vector_load %arg21[%get3A_529, %get3A_530] {strides = array<i32>} : memref<40x128xf32, #tpu.memory_space<vmem>>, vector<16xf32>,
        %get3A_532 = arith.index_cast %scan3A_473 : i32 to index
        %get3A_533 = arith.constant 80 : index
        %get3A_534 = tpu.vector_load %arg22[%get3A_532, %get3A_533] {strides = array<i32>} : memref<40x128xf32, #tpu.memory_space<vmem>>, vector<16xf32>,
        %sub3A_535 = arith.subf %get3A_531, %get3A_534 : vector<16xf32>
        %mul3A_536 = arith.mulf %sub3A_535, %sub3A_535 : vector<16xf32>
        %mul3A_537 = arith.mulf %mul3A_536, %mul3A_479 : vector<16xf32>
        %add3A_538 = arith.addf %add3A_528, %mul3A_537 : vector<16xf32>
        %get3A_539 = arith.index_cast %scan3A_473 : i32 to index
        %get3A_540 = arith.constant 96 : index
        %get3A_541 = tpu.vector_load %arg21[%get3A_539, %get3A_540] {strides = array<i32>} : memref<40x128xf32, #tpu.memory_space<vmem>>, vector<16xf32>,
        %get3A_542 = arith.index_cast %scan3A_473 : i32 to index
        %get3A_543 = arith.constant 96 : index
        %get3A_544 = tpu.vector_load %arg22[%get3A_542, %get3A_543] {strides = array<i32>} : memref<40x128xf32, #tpu.memory_space<vmem>>, vector<16xf32>,
        %sub3A_545 = arith.subf %get3A_541, %get3A_544 : vector<16xf32>
        %mul3A_546 = arith.mulf %sub3A_545, %sub3A_545 : vector<16xf32>
        %mul3A_547 = arith.mulf %mul3A_546, %mul3A_479 : vector<16xf32>
        %add3A_548 = arith.addf %add3A_538, %mul3A_547 : vector<16xf32>
        %get3A_549 = arith.index_cast %scan3A_473 : i32 to index
        %get3A_550 = arith.constant 112 : index
        %get3A_551 = tpu.vector_load %arg21[%get3A_549, %get3A_550] {strides = array<i32>} : memref<40x128xf32, #tpu.memory_space<vmem>>, vector<16xf32>,
        %get3A_552 = arith.index_cast %scan3A_473 : i32 to index
        %get3A_553 = arith.constant 112 : index
        %get3A_554 = tpu.vector_load %arg22[%get3A_552, %get3A_553] {strides = array<i32>} : memref<40x128xf32, #tpu.memory_space<vmem>>, vector<16xf32>,
        %sub3A_555 = arith.subf %get3A_551, %get3A_554 : vector<16xf32>
        %mul3A_556 = arith.mulf %sub3A_555, %sub3A_555 : vector<16xf32>
        %mul3A_557 = arith.mulf %mul3A_556, %mul3A_479 : vector<16xf32>
        %add3A_558 = arith.addf %add3A_548, %mul3A_557 : vector<16xf32>
        scf.yield %add3A_558 : vector<16xf32>
      }
      %scan3A_404 = arith.constant 40 : i32
      %add3A_405 = arith.constant 3 : i32
      %add3A_406 = arith.addi %mul3A_303, %add3A_405 : i32
      %add3A_407 = arith.constant 5 : i32
      %add3A_408 = arith.addi %add3A_406, %add3A_407 : i32
      %sub3A_409 = arith.constant 1 : i32
      %sub3A_410 = arith.subi %add3A_408, %sub3A_409 : i32
      %mul3A_411 = arith.constant 40 : i32
      %mul3A_412 = arith.muli %sub3A_410, %mul3A_411 : i32
      %dma_start3A_413 = tpu.memref_slice %arg14[%mul3A_412] : memref<5000xi32, #tpu.memory_space<vmem>> -> memref<40xi32, #tpu.memory_space<vmem>>
      %dma_start3A_414 = arith.constant 0 : i32
      %dma_start3A_415 = arith.constant 0 : i32
      %dma_start3A_416 = tpu.memref_slice %arg6[%dma_start3A_414, %dma_start3A_415] : memref<10000x128xf32, #tpu.memory_space<hbm>> -> memref<10000x128xf32, #tpu.memory_space<hbm>>
      tpu.enqueue_indirect_dma source(%dma_start3A_416 : memref<10000x128xf32, #tpu.memory_space<hbm>>) target(%arg21 : memref<40x128xf32, #tpu.memory_space<vmem>>) offsets(%dma_start3A_413 : memref<40xi32, #tpu.memory_space<vmem>>) semaphore(%arg32 : memref<!tpu.dma_semaphore, #tpu.memory_space<semaphore_mem>>)
      %dma_start3A_417 = tpu.memref_slice %arg15[%mul3A_412] : memref<5000xi32, #tpu.memory_space<vmem>> -> memref<40xi32, #tpu.memory_space<vmem>>
      %dma_start3A_418 = arith.constant 0 : i32
      %dma_start3A_419 = arith.constant 0 : i32
      %dma_start3A_420 = tpu.memref_slice %arg6[%dma_start3A_418, %dma_start3A_419] : memref<10000x128xf32, #tpu.memory_space<hbm>> -> memref<10000x128xf32, #tpu.memory_space<hbm>>
      tpu.enqueue_indirect_dma source(%dma_start3A_420 : memref<10000x128xf32, #tpu.memory_space<hbm>>) target(%arg22 : memref<40x128xf32, #tpu.memory_space<vmem>>) offsets(%dma_start3A_417 : memref<40xi32, #tpu.memory_space<vmem>>) semaphore(%arg33 : memref<!tpu.dma_semaphore, #tpu.memory_space<semaphore_mem>>)
      %mul3A_421 = arith.constant 40 : i32
      %mul3A_422 = arith.muli %add3A_406, %mul3A_421 : i32
      %dma_wait3A_423 = tpu.memref_slice %arg14[%mul3A_422] : memref<5000xi32, #tpu.memory_space<vmem>> -> memref<40xi32, #tpu.memory_space<vmem>>
      %dma_wait3A_424 = arith.constant 0 : i32
      %dma_wait3A_425 = arith.constant 0 : i32
      %dma_wait3A_426 = tpu.memref_slice %arg6[%dma_wait3A_424, %dma_wait3A_425] : memref<10000x128xf32, #tpu.memory_space<hbm>> -> memref<10000x128xf32, #tpu.memory_space<hbm>>
      tpu.wait_indirect_dma semaphore(%arg34 : memref<!tpu.dma_semaphore, #tpu.memory_space<semaphore_mem>>) src(%dma_wait3A_426 : memref<10000x128xf32, #tpu.memory_space<hbm>>) dst(%arg23 : memref<40x128xf32, #tpu.memory_space<vmem>>)
      %dma_wait3A_427 = tpu.memref_slice %arg15[%mul3A_422] : memref<5000xi32, #tpu.memory_space<vmem>> -> memref<40xi32, #tpu.memory_space<vmem>>
      %dma_wait3A_428 = arith.constant 0 : i32
      %dma_wait3A_429 = arith.constant 0 : i32
      %dma_wait3A_430 = tpu.memref_slice %arg6[%dma_wait3A_428, %dma_wait3A_429] : memref<10000x128xf32, #tpu.memory_space<hbm>> -> memref<10000x128xf32, #tpu.memory_space<hbm>>
      tpu.wait_indirect_dma semaphore(%arg35 : memref<!tpu.dma_semaphore, #tpu.memory_space<semaphore_mem>>) src(%dma_wait3A_430 : memref<10000x128xf32, #tpu.memory_space<hbm>>) dst(%arg24 : memref<40x128xf32, #tpu.memory_space<vmem>>)
      %mul3A_431 = arith.constant 40 : i32
      %mul3A_432 = arith.muli %add3A_406, %mul3A_431 : i32
      %scan3A_433 = arith.constant 0 : i32
      %scan3A_434 = arith.constant 40 : i32
      %scan3A_435 = arith.addi %scan3A_433, %scan3A_434 : i32
      %scan3A_436 = arith.constant 1 : i32
      %scan3A_437 = scf.for %scan3A_473 = %scan3A_433 to %scan3A_435 step %scan3A_436 iter_args(%scan3A_474 = %scan3A_403) -> (vector<16xf32>)  : i32 {
        %add3A_475 = arith.addi %mul3A_432, %scan3A_473 : i32
        %broadcast_in_dim3A_476 = vector.broadcast %add3A_475 : i32 to vector<16xi32>
        %gather3A = tpu.vector_load_idx %arg16[%broadcast_in_dim3A_476] : memref<5000xf32, #tpu.memory_space<vmem>>[vector<16xi32>], vector<16xf32>,
        %mul3A_477 = arith.constant 3.125000e-06 : f32
        %mul3A_478 = vector.broadcast %mul3A_477 : f32 to vector<16xf32>
        %mul3A_479 = arith.mulf %gather3A, %mul3A_478 : vector<16xf32>
        %get3A = arith.index_cast %scan3A_473 : i32 to index
        %get3A_480 = arith.constant 0 : index
        %get3A_481 = tpu.vector_load %arg23[%get3A, %get3A_480] {strides = array<i32>} : memref<40x128xf32, #tpu.memory_space<vmem>>, vector<16xf32>,
        %get3A_482 = arith.index_cast %scan3A_473 : i32 to index
        %get3A_483 = arith.constant 0 : index
        %get3A_484 = tpu.vector_load %arg24[%get3A_482, %get3A_483] {strides = array<i32>} : memref<40x128xf32, #tpu.memory_space<vmem>>, vector<16xf32>,
        %sub3A_485 = arith.subf %get3A_481, %get3A_484 : vector<16xf32>
        %mul3A_486 = arith.mulf %sub3A_485, %sub3A_485 : vector<16xf32>
        %mul3A_487 = arith.mulf %mul3A_486, %mul3A_479 : vector<16xf32>
        %add3A_488 = arith.addf %scan3A_474, %mul3A_487 : vector<16xf32>
        %get3A_489 = arith.index_cast %scan3A_473 : i32 to index
        %get3A_490 = arith.constant 16 : index
        %get3A_491 = tpu.vector_load %arg23[%get3A_489, %get3A_490] {strides = array<i32>} : memref<40x128xf32, #tpu.memory_space<vmem>>, vector<16xf32>,
        %get3A_492 = arith.index_cast %scan3A_473 : i32 to index
        %get3A_493 = arith.constant 16 : index
        %get3A_494 = tpu.vector_load %arg24[%get3A_492, %get3A_493] {strides = array<i32>} : memref<40x128xf32, #tpu.memory_space<vmem>>, vector<16xf32>,
        %sub3A_495 = arith.subf %get3A_491, %get3A_494 : vector<16xf32>
        %mul3A_496 = arith.mulf %sub3A_495, %sub3A_495 : vector<16xf32>
        %mul3A_497 = arith.mulf %mul3A_496, %mul3A_479 : vector<16xf32>
        %add3A_498 = arith.addf %add3A_488, %mul3A_497 : vector<16xf32>
        %get3A_499 = arith.index_cast %scan3A_473 : i32 to index
        %get3A_500 = arith.constant 32 : index
        %get3A_501 = tpu.vector_load %arg23[%get3A_499, %get3A_500] {strides = array<i32>} : memref<40x128xf32, #tpu.memory_space<vmem>>, vector<16xf32>,
        %get3A_502 = arith.index_cast %scan3A_473 : i32 to index
        %get3A_503 = arith.constant 32 : index
        %get3A_504 = tpu.vector_load %arg24[%get3A_502, %get3A_503] {strides = array<i32>} : memref<40x128xf32, #tpu.memory_space<vmem>>, vector<16xf32>,
        %sub3A_505 = arith.subf %get3A_501, %get3A_504 : vector<16xf32>
        %mul3A_506 = arith.mulf %sub3A_505, %sub3A_505 : vector<16xf32>
        %mul3A_507 = arith.mulf %mul3A_506, %mul3A_479 : vector<16xf32>
        %add3A_508 = arith.addf %add3A_498, %mul3A_507 : vector<16xf32>
        %get3A_509 = arith.index_cast %scan3A_473 : i32 to index
        %get3A_510 = arith.constant 48 : index
        %get3A_511 = tpu.vector_load %arg23[%get3A_509, %get3A_510] {strides = array<i32>} : memref<40x128xf32, #tpu.memory_space<vmem>>, vector<16xf32>,
        %get3A_512 = arith.index_cast %scan3A_473 : i32 to index
        %get3A_513 = arith.constant 48 : index
        %get3A_514 = tpu.vector_load %arg24[%get3A_512, %get3A_513] {strides = array<i32>} : memref<40x128xf32, #tpu.memory_space<vmem>>, vector<16xf32>,
        %sub3A_515 = arith.subf %get3A_511, %get3A_514 : vector<16xf32>
        %mul3A_516 = arith.mulf %sub3A_515, %sub3A_515 : vector<16xf32>
        %mul3A_517 = arith.mulf %mul3A_516, %mul3A_479 : vector<16xf32>
        %add3A_518 = arith.addf %add3A_508, %mul3A_517 : vector<16xf32>
        %get3A_519 = arith.index_cast %scan3A_473 : i32 to index
        %get3A_520 = arith.constant 64 : index
        %get3A_521 = tpu.vector_load %arg23[%get3A_519, %get3A_520] {strides = array<i32>} : memref<40x128xf32, #tpu.memory_space<vmem>>, vector<16xf32>,
        %get3A_522 = arith.index_cast %scan3A_473 : i32 to index
        %get3A_523 = arith.constant 64 : index
        %get3A_524 = tpu.vector_load %arg24[%get3A_522, %get3A_523] {strides = array<i32>} : memref<40x128xf32, #tpu.memory_space<vmem>>, vector<16xf32>,
        %sub3A_525 = arith.subf %get3A_521, %get3A_524 : vector<16xf32>
        %mul3A_526 = arith.mulf %sub3A_525, %sub3A_525 : vector<16xf32>
        %mul3A_527 = arith.mulf %mul3A_526, %mul3A_479 : vector<16xf32>
        %add3A_528 = arith.addf %add3A_518, %mul3A_527 : vector<16xf32>
        %get3A_529 = arith.index_cast %scan3A_473 : i32 to index
        %get3A_530 = arith.constant 80 : index
        %get3A_531 = tpu.vector_load %arg23[%get3A_529, %get3A_530] {strides = array<i32>} : memref<40x128xf32, #tpu.memory_space<vmem>>, vector<16xf32>,
        %get3A_532 = arith.index_cast %scan3A_473 : i32 to index
        %get3A_533 = arith.constant 80 : index
        %get3A_534 = tpu.vector_load %arg24[%get3A_532, %get3A_533] {strides = array<i32>} : memref<40x128xf32, #tpu.memory_space<vmem>>, vector<16xf32>,
        %sub3A_535 = arith.subf %get3A_531, %get3A_534 : vector<16xf32>
        %mul3A_536 = arith.mulf %sub3A_535, %sub3A_535 : vector<16xf32>
        %mul3A_537 = arith.mulf %mul3A_536, %mul3A_479 : vector<16xf32>
        %add3A_538 = arith.addf %add3A_528, %mul3A_537 : vector<16xf32>
        %get3A_539 = arith.index_cast %scan3A_473 : i32 to index
        %get3A_540 = arith.constant 96 : index
        %get3A_541 = tpu.vector_load %arg23[%get3A_539, %get3A_540] {strides = array<i32>} : memref<40x128xf32, #tpu.memory_space<vmem>>, vector<16xf32>,
        %get3A_542 = arith.index_cast %scan3A_473 : i32 to index
        %get3A_543 = arith.constant 96 : index
        %get3A_544 = tpu.vector_load %arg24[%get3A_542, %get3A_543] {strides = array<i32>} : memref<40x128xf32, #tpu.memory_space<vmem>>, vector<16xf32>,
        %sub3A_545 = arith.subf %get3A_541, %get3A_544 : vector<16xf32>
        %mul3A_546 = arith.mulf %sub3A_545, %sub3A_545 : vector<16xf32>
        %mul3A_547 = arith.mulf %mul3A_546, %mul3A_479 : vector<16xf32>
        %add3A_548 = arith.addf %add3A_538, %mul3A_547 : vector<16xf32>
        %get3A_549 = arith.index_cast %scan3A_473 : i32 to index
        %get3A_550 = arith.constant 112 : index
        %get3A_551 = tpu.vector_load %arg23[%get3A_549, %get3A_550] {strides = array<i32>} : memref<40x128xf32, #tpu.memory_space<vmem>>, vector<16xf32>,
        %get3A_552 = arith.index_cast %scan3A_473 : i32 to index
        %get3A_553 = arith.constant 112 : index
        %get3A_554 = tpu.vector_load %arg24[%get3A_552, %get3A_553] {strides = array<i32>} : memref<40x128xf32, #tpu.memory_space<vmem>>, vector<16xf32>,
        %sub3A_555 = arith.subf %get3A_551, %get3A_554 : vector<16xf32>
        %mul3A_556 = arith.mulf %sub3A_555, %sub3A_555 : vector<16xf32>
        %mul3A_557 = arith.mulf %mul3A_556, %mul3A_479 : vector<16xf32>
        %add3A_558 = arith.addf %add3A_548, %mul3A_557 : vector<16xf32>
        scf.yield %add3A_558 : vector<16xf32>
      }
      %scan3A_438 = arith.constant 40 : i32
      %add3A_439 = arith.constant 4 : i32
      %add3A_440 = arith.addi %mul3A_303, %add3A_439 : i32
      %add3A_441 = arith.constant 5 : i32
      %add3A_442 = arith.addi %add3A_440, %add3A_441 : i32
      %sub3A_443 = arith.constant 1 : i32
      %sub3A_444 = arith.subi %add3A_442, %sub3A_443 : i32
      %mul3A_445 = arith.constant 40 : i32
      %mul3A_446 = arith.muli %sub3A_444, %mul3A_445 : i32
      %dma_start3A_447 = tpu.memref_slice %arg14[%mul3A_446] : memref<5000xi32, #tpu.memory_space<vmem>> -> memref<40xi32, #tpu.memory_space<vmem>>
      %dma_start3A_448 = arith.constant 0 : i32
      %dma_start3A_449 = arith.constant 0 : i32
      %dma_start3A_450 = tpu.memref_slice %arg6[%dma_start3A_448, %dma_start3A_449] : memref<10000x128xf32, #tpu.memory_space<hbm>> -> memref<10000x128xf32, #tpu.memory_space<hbm>>
      tpu.enqueue_indirect_dma source(%dma_start3A_450 : memref<10000x128xf32, #tpu.memory_space<hbm>>) target(%arg23 : memref<40x128xf32, #tpu.memory_space<vmem>>) offsets(%dma_start3A_447 : memref<40xi32, #tpu.memory_space<vmem>>) semaphore(%arg34 : memref<!tpu.dma_semaphore, #tpu.memory_space<semaphore_mem>>)
      %dma_start3A_451 = tpu.memref_slice %arg15[%mul3A_446] : memref<5000xi32, #tpu.memory_space<vmem>> -> memref<40xi32, #tpu.memory_space<vmem>>
      %dma_start3A_452 = arith.constant 0 : i32
      %dma_start3A_453 = arith.constant 0 : i32
      %dma_start3A_454 = tpu.memref_slice %arg6[%dma_start3A_452, %dma_start3A_453] : memref<10000x128xf32, #tpu.memory_space<hbm>> -> memref<10000x128xf32, #tpu.memory_space<hbm>>
      tpu.enqueue_indirect_dma source(%dma_start3A_454 : memref<10000x128xf32, #tpu.memory_space<hbm>>) target(%arg24 : memref<40x128xf32, #tpu.memory_space<vmem>>) offsets(%dma_start3A_451 : memref<40xi32, #tpu.memory_space<vmem>>) semaphore(%arg35 : memref<!tpu.dma_semaphore, #tpu.memory_space<semaphore_mem>>)
      %mul3A_455 = arith.constant 40 : i32
      %mul3A_456 = arith.muli %add3A_440, %mul3A_455 : i32
      %dma_wait3A_457 = tpu.memref_slice %arg14[%mul3A_456] : memref<5000xi32, #tpu.memory_space<vmem>> -> memref<40xi32, #tpu.memory_space<vmem>>
      %dma_wait3A_458 = arith.constant 0 : i32
      %dma_wait3A_459 = arith.constant 0 : i32
      %dma_wait3A_460 = tpu.memref_slice %arg6[%dma_wait3A_458, %dma_wait3A_459] : memref<10000x128xf32, #tpu.memory_space<hbm>> -> memref<10000x128xf32, #tpu.memory_space<hbm>>
      tpu.wait_indirect_dma semaphore(%arg36 : memref<!tpu.dma_semaphore, #tpu.memory_space<semaphore_mem>>) src(%dma_wait3A_460 : memref<10000x128xf32, #tpu.memory_space<hbm>>) dst(%arg25 : memref<40x128xf32, #tpu.memory_space<vmem>>)
      %dma_wait3A_461 = tpu.memref_slice %arg15[%mul3A_456] : memref<5000xi32, #tpu.memory_space<vmem>> -> memref<40xi32, #tpu.memory_space<vmem>>
      %dma_wait3A_462 = arith.constant 0 : i32
      %dma_wait3A_463 = arith.constant 0 : i32
      %dma_wait3A_464 = tpu.memref_slice %arg6[%dma_wait3A_462, %dma_wait3A_463] : memref<10000x128xf32, #tpu.memory_space<hbm>> -> memref<10000x128xf32, #tpu.memory_space<hbm>>
      tpu.wait_indirect_dma semaphore(%arg37 : memref<!tpu.dma_semaphore, #tpu.memory_space<semaphore_mem>>) src(%dma_wait3A_464 : memref<10000x128xf32, #tpu.memory_space<hbm>>) dst(%arg26 : memref<40x128xf32, #tpu.memory_space<vmem>>)
      %mul3A_465 = arith.constant 40 : i32
      %mul3A_466 = arith.muli %add3A_440, %mul3A_465 : i32
      %scan3A_467 = arith.constant 0 : i32
      %scan3A_468 = arith.constant 40 : i32
      %scan3A_469 = arith.addi %scan3A_467, %scan3A_468 : i32
      %scan3A_470 = arith.constant 1 : i32
      %scan3A_471 = scf.for %scan3A_473 = %scan3A_467 to %scan3A_469 step %scan3A_470 iter_args(%scan3A_474 = %scan3A_437) -> (vector<16xf32>)  : i32 {
        %add3A_475 = arith.addi %mul3A_466, %scan3A_473 : i32
        %broadcast_in_dim3A_476 = vector.broadcast %add3A_475 : i32 to vector<16xi32>
        %gather3A = tpu.vector_load_idx %arg16[%broadcast_in_dim3A_476] : memref<5000xf32, #tpu.memory_space<vmem>>[vector<16xi32>], vector<16xf32>,
        %mul3A_477 = arith.constant 3.125000e-06 : f32
        %mul3A_478 = vector.broadcast %mul3A_477 : f32 to vector<16xf32>
        %mul3A_479 = arith.mulf %gather3A, %mul3A_478 : vector<16xf32>
        %get3A = arith.index_cast %scan3A_473 : i32 to index
        %get3A_480 = arith.constant 0 : index
        %get3A_481 = tpu.vector_load %arg25[%get3A, %get3A_480] {strides = array<i32>} : memref<40x128xf32, #tpu.memory_space<vmem>>, vector<16xf32>,
        %get3A_482 = arith.index_cast %scan3A_473 : i32 to index
        %get3A_483 = arith.constant 0 : index
        %get3A_484 = tpu.vector_load %arg26[%get3A_482, %get3A_483] {strides = array<i32>} : memref<40x128xf32, #tpu.memory_space<vmem>>, vector<16xf32>,
        %sub3A_485 = arith.subf %get3A_481, %get3A_484 : vector<16xf32>
        %mul3A_486 = arith.mulf %sub3A_485, %sub3A_485 : vector<16xf32>
        %mul3A_487 = arith.mulf %mul3A_486, %mul3A_479 : vector<16xf32>
        %add3A_488 = arith.addf %scan3A_474, %mul3A_487 : vector<16xf32>
        %get3A_489 = arith.index_cast %scan3A_473 : i32 to index
        %get3A_490 = arith.constant 16 : index
        %get3A_491 = tpu.vector_load %arg25[%get3A_489, %get3A_490] {strides = array<i32>} : memref<40x128xf32, #tpu.memory_space<vmem>>, vector<16xf32>,
        %get3A_492 = arith.index_cast %scan3A_473 : i32 to index
        %get3A_493 = arith.constant 16 : index
        %get3A_494 = tpu.vector_load %arg26[%get3A_492, %get3A_493] {strides = array<i32>} : memref<40x128xf32, #tpu.memory_space<vmem>>, vector<16xf32>,
        %sub3A_495 = arith.subf %get3A_491, %get3A_494 : vector<16xf32>
        %mul3A_496 = arith.mulf %sub3A_495, %sub3A_495 : vector<16xf32>
        %mul3A_497 = arith.mulf %mul3A_496, %mul3A_479 : vector<16xf32>
        %add3A_498 = arith.addf %add3A_488, %mul3A_497 : vector<16xf32>
        %get3A_499 = arith.index_cast %scan3A_473 : i32 to index
        %get3A_500 = arith.constant 32 : index
        %get3A_501 = tpu.vector_load %arg25[%get3A_499, %get3A_500] {strides = array<i32>} : memref<40x128xf32, #tpu.memory_space<vmem>>, vector<16xf32>,
        %get3A_502 = arith.index_cast %scan3A_473 : i32 to index
        %get3A_503 = arith.constant 32 : index
        %get3A_504 = tpu.vector_load %arg26[%get3A_502, %get3A_503] {strides = array<i32>} : memref<40x128xf32, #tpu.memory_space<vmem>>, vector<16xf32>,
        %sub3A_505 = arith.subf %get3A_501, %get3A_504 : vector<16xf32>
        %mul3A_506 = arith.mulf %sub3A_505, %sub3A_505 : vector<16xf32>
        %mul3A_507 = arith.mulf %mul3A_506, %mul3A_479 : vector<16xf32>
        %add3A_508 = arith.addf %add3A_498, %mul3A_507 : vector<16xf32>
        %get3A_509 = arith.index_cast %scan3A_473 : i32 to index
        %get3A_510 = arith.constant 48 : index
        %get3A_511 = tpu.vector_load %arg25[%get3A_509, %get3A_510] {strides = array<i32>} : memref<40x128xf32, #tpu.memory_space<vmem>>, vector<16xf32>,
        %get3A_512 = arith.index_cast %scan3A_473 : i32 to index
        %get3A_513 = arith.constant 48 : index
        %get3A_514 = tpu.vector_load %arg26[%get3A_512, %get3A_513] {strides = array<i32>} : memref<40x128xf32, #tpu.memory_space<vmem>>, vector<16xf32>,
        %sub3A_515 = arith.subf %get3A_511, %get3A_514 : vector<16xf32>
        %mul3A_516 = arith.mulf %sub3A_515, %sub3A_515 : vector<16xf32>
        %mul3A_517 = arith.mulf %mul3A_516, %mul3A_479 : vector<16xf32>
        %add3A_518 = arith.addf %add3A_508, %mul3A_517 : vector<16xf32>
        %get3A_519 = arith.index_cast %scan3A_473 : i32 to index
        %get3A_520 = arith.constant 64 : index
        %get3A_521 = tpu.vector_load %arg25[%get3A_519, %get3A_520] {strides = array<i32>} : memref<40x128xf32, #tpu.memory_space<vmem>>, vector<16xf32>,
        %get3A_522 = arith.index_cast %scan3A_473 : i32 to index
        %get3A_523 = arith.constant 64 : index
        %get3A_524 = tpu.vector_load %arg26[%get3A_522, %get3A_523] {strides = array<i32>} : memref<40x128xf32, #tpu.memory_space<vmem>>, vector<16xf32>,
        %sub3A_525 = arith.subf %get3A_521, %get3A_524 : vector<16xf32>
        %mul3A_526 = arith.mulf %sub3A_525, %sub3A_525 : vector<16xf32>
        %mul3A_527 = arith.mulf %mul3A_526, %mul3A_479 : vector<16xf32>
        %add3A_528 = arith.addf %add3A_518, %mul3A_527 : vector<16xf32>
        %get3A_529 = arith.index_cast %scan3A_473 : i32 to index
        %get3A_530 = arith.constant 80 : index
        %get3A_531 = tpu.vector_load %arg25[%get3A_529, %get3A_530] {strides = array<i32>} : memref<40x128xf32, #tpu.memory_space<vmem>>, vector<16xf32>,
        %get3A_532 = arith.index_cast %scan3A_473 : i32 to index
        %get3A_533 = arith.constant 80 : index
        %get3A_534 = tpu.vector_load %arg26[%get3A_532, %get3A_533] {strides = array<i32>} : memref<40x128xf32, #tpu.memory_space<vmem>>, vector<16xf32>,
        %sub3A_535 = arith.subf %get3A_531, %get3A_534 : vector<16xf32>
        %mul3A_536 = arith.mulf %sub3A_535, %sub3A_535 : vector<16xf32>
        %mul3A_537 = arith.mulf %mul3A_536, %mul3A_479 : vector<16xf32>
        %add3A_538 = arith.addf %add3A_528, %mul3A_537 : vector<16xf32>
        %get3A_539 = arith.index_cast %scan3A_473 : i32 to index
        %get3A_540 = arith.constant 96 : index
        %get3A_541 = tpu.vector_load %arg25[%get3A_539, %get3A_540] {strides = array<i32>} : memref<40x128xf32, #tpu.memory_space<vmem>>, vector<16xf32>,
        %get3A_542 = arith.index_cast %scan3A_473 : i32 to index
        %get3A_543 = arith.constant 96 : index
        %get3A_544 = tpu.vector_load %arg26[%get3A_542, %get3A_543] {strides = array<i32>} : memref<40x128xf32, #tpu.memory_space<vmem>>, vector<16xf32>,
        %sub3A_545 = arith.subf %get3A_541, %get3A_544 : vector<16xf32>
        %mul3A_546 = arith.mulf %sub3A_545, %sub3A_545 : vector<16xf32>
        %mul3A_547 = arith.mulf %mul3A_546, %mul3A_479 : vector<16xf32>
        %add3A_548 = arith.addf %add3A_538, %mul3A_547 : vector<16xf32>
        %get3A_549 = arith.index_cast %scan3A_473 : i32 to index
        %get3A_550 = arith.constant 112 : index
        %get3A_551 = tpu.vector_load %arg25[%get3A_549, %get3A_550] {strides = array<i32>} : memref<40x128xf32, #tpu.memory_space<vmem>>, vector<16xf32>,
        %get3A_552 = arith.index_cast %scan3A_473 : i32 to index
        %get3A_553 = arith.constant 112 : index
        %get3A_554 = tpu.vector_load %arg26[%get3A_552, %get3A_553] {strides = array<i32>} : memref<40x128xf32, #tpu.memory_space<vmem>>, vector<16xf32>,
        %sub3A_555 = arith.subf %get3A_551, %get3A_554 : vector<16xf32>
        %mul3A_556 = arith.mulf %sub3A_555, %sub3A_555 : vector<16xf32>
        %mul3A_557 = arith.mulf %mul3A_556, %mul3A_479 : vector<16xf32>
        %add3A_558 = arith.addf %add3A_548, %mul3A_557 : vector<16xf32>
        scf.yield %add3A_558 : vector<16xf32>
      }
      %scan3A_472 = arith.constant 40 : i32
      scf.yield %scan3A_471 : vector<16xf32>
    }
    %scan3A_208 = arith.constant 24 : i32
    %dma_start3A_209 = arith.constant 4960 : i32
    %dma_start3A_210 = tpu.memref_slice %arg14[%dma_start3A_209] : memref<5000xi32, #tpu.memory_space<vmem>> -> memref<40xi32, #tpu.memory_space<vmem>>
    %dma_start3A_211 = arith.constant 0 : i32
    %dma_start3A_212 = arith.constant 0 : i32
    %dma_start3A_213 = tpu.memref_slice %arg6[%dma_start3A_211, %dma_start3A_212] : memref<10000x128xf32, #tpu.memory_space<hbm>> -> memref<10000x128xf32, #tpu.memory_space<hbm>>
    tpu.enqueue_indirect_dma source(%dma_start3A_213 : memref<10000x128xf32, #tpu.memory_space<hbm>>) target(%arg25 : memref<40x128xf32, #tpu.memory_space<vmem>>) offsets(%dma_start3A_210 : memref<40xi32, #tpu.memory_space<vmem>>) semaphore(%arg36 : memref<!tpu.dma_semaphore, #tpu.memory_space<semaphore_mem>>)
    %dma_start3A_214 = arith.constant 4960 : i32
    %dma_start3A_215 = tpu.memref_slice %arg15[%dma_start3A_214] : memref<5000xi32, #tpu.memory_space<vmem>> -> memref<40xi32, #tpu.memory_space<vmem>>
    %dma_start3A_216 = arith.constant 0 : i32
    %dma_start3A_217 = arith.constant 0 : i32
    %dma_start3A_218 = tpu.memref_slice %arg6[%dma_start3A_216, %dma_start3A_217] : memref<10000x128xf32, #tpu.memory_space<hbm>> -> memref<10000x128xf32, #tpu.memory_space<hbm>>
    tpu.enqueue_indirect_dma source(%dma_start3A_218 : memref<10000x128xf32, #tpu.memory_space<hbm>>) target(%arg26 : memref<40x128xf32, #tpu.memory_space<vmem>>) offsets(%dma_start3A_215 : memref<40xi32, #tpu.memory_space<vmem>>) semaphore(%arg37 : memref<!tpu.dma_semaphore, #tpu.memory_space<semaphore_mem>>)
    %dma_wait3A_219 = arith.constant 4800 : i32
    %dma_wait3A_220 = tpu.memref_slice %arg14[%dma_wait3A_219] : memref<5000xi32, #tpu.memory_space<vmem>> -> memref<40xi32, #tpu.memory_space<vmem>>
    %dma_wait3A_221 = arith.constant 0 : i32
    %dma_wait3A_222 = arith.constant 0 : i32
    %dma_wait3A_223 = tpu.memref_slice %arg6[%dma_wait3A_221, %dma_wait3A_222] : memref<10000x128xf32, #tpu.memory_space<hbm>> -> memref<10000x128xf32, #tpu.memory_space<hbm>>
    tpu.wait_indirect_dma semaphore(%arg28 : memref<!tpu.dma_semaphore, #tpu.memory_space<semaphore_mem>>) src(%dma_wait3A_223 : memref<10000x128xf32, #tpu.memory_space<hbm>>) dst(%arg17 : memref<40x128xf32, #tpu.memory_space<vmem>>)
    %dma_wait3A_224 = arith.constant 4800 : i32
    %dma_wait3A_225 = tpu.memref_slice %arg15[%dma_wait3A_224] : memref<5000xi32, #tpu.memory_space<vmem>> -> memref<40xi32, #tpu.memory_space<vmem>>
    %dma_wait3A_226 = arith.constant 0 : i32
    %dma_wait3A_227 = arith.constant 0 : i32
    %dma_wait3A_228 = tpu.memref_slice %arg6[%dma_wait3A_226, %dma_wait3A_227] : memref<10000x128xf32, #tpu.memory_space<hbm>> -> memref<10000x128xf32, #tpu.memory_space<hbm>>
    tpu.wait_indirect_dma semaphore(%arg29 : memref<!tpu.dma_semaphore, #tpu.memory_space<semaphore_mem>>) src(%dma_wait3A_228 : memref<10000x128xf32, #tpu.memory_space<hbm>>) dst(%arg18 : memref<40x128xf32, #tpu.memory_space<vmem>>)
    %scan3A_229 = arith.constant 0 : i32
    %scan3A_230 = arith.constant 40 : i32
    %scan3A_231 = arith.addi %scan3A_229, %scan3A_230 : i32
    %scan3A_232 = arith.constant 1 : i32
    %scan3A_233 = scf.for %scan3A_300 = %scan3A_229 to %scan3A_231 step %scan3A_232 iter_args(%scan3A_301 = %scan3A_207) -> (vector<16xf32>)  : i32 {
      %add3A_302 = arith.constant 4800 : i32
      %add3A_303 = arith.addi %add3A_302, %scan3A_300 : i32
      %broadcast_in_dim3A_304 = vector.broadcast %add3A_303 : i32 to vector<16xi32>
      %gather3A = tpu.vector_load_idx %arg16[%broadcast_in_dim3A_304] : memref<5000xf32, #tpu.memory_space<vmem>>[vector<16xi32>], vector<16xf32>,
      %mul3A_305 = arith.constant 3.125000e-06 : f32
      %mul3A_306 = vector.broadcast %mul3A_305 : f32 to vector<16xf32>
      %mul3A_307 = arith.mulf %gather3A, %mul3A_306 : vector<16xf32>
      %get3A = arith.index_cast %scan3A_300 : i32 to index
      %get3A_308 = arith.constant 0 : index
      %get3A_309 = tpu.vector_load %arg17[%get3A, %get3A_308] {strides = array<i32>} : memref<40x128xf32, #tpu.memory_space<vmem>>, vector<16xf32>,
      %get3A_310 = arith.index_cast %scan3A_300 : i32 to index
      %get3A_311 = arith.constant 0 : index
      %get3A_312 = tpu.vector_load %arg18[%get3A_310, %get3A_311] {strides = array<i32>} : memref<40x128xf32, #tpu.memory_space<vmem>>, vector<16xf32>,
      %sub3A = arith.subf %get3A_309, %get3A_312 : vector<16xf32>
      %mul3A_313 = arith.mulf %sub3A, %sub3A : vector<16xf32>
      %mul3A_314 = arith.mulf %mul3A_313, %mul3A_307 : vector<16xf32>
      %add3A_315 = arith.addf %scan3A_301, %mul3A_314 : vector<16xf32>
      %get3A_316 = arith.index_cast %scan3A_300 : i32 to index
      %get3A_317 = arith.constant 16 : index
      %get3A_318 = tpu.vector_load %arg17[%get3A_316, %get3A_317] {strides = array<i32>} : memref<40x128xf32, #tpu.memory_space<vmem>>, vector<16xf32>,
      %get3A_319 = arith.index_cast %scan3A_300 : i32 to index
      %get3A_320 = arith.constant 16 : index
      %get3A_321 = tpu.vector_load %arg18[%get3A_319, %get3A_320] {strides = array<i32>} : memref<40x128xf32, #tpu.memory_space<vmem>>, vector<16xf32>,
      %sub3A_322 = arith.subf %get3A_318, %get3A_321 : vector<16xf32>
      %mul3A_323 = arith.mulf %sub3A_322, %sub3A_322 : vector<16xf32>
      %mul3A_324 = arith.mulf %mul3A_323, %mul3A_307 : vector<16xf32>
      %add3A_325 = arith.addf %add3A_315, %mul3A_324 : vector<16xf32>
      %get3A_326 = arith.index_cast %scan3A_300 : i32 to index
      %get3A_327 = arith.constant 32 : index
      %get3A_328 = tpu.vector_load %arg17[%get3A_326, %get3A_327] {strides = array<i32>} : memref<40x128xf32, #tpu.memory_space<vmem>>, vector<16xf32>,
      %get3A_329 = arith.index_cast %scan3A_300 : i32 to index
      %get3A_330 = arith.constant 32 : index
      %get3A_331 = tpu.vector_load %arg18[%get3A_329, %get3A_330] {strides = array<i32>} : memref<40x128xf32, #tpu.memory_space<vmem>>, vector<16xf32>,
      %sub3A_332 = arith.subf %get3A_328, %get3A_331 : vector<16xf32>
      %mul3A_333 = arith.mulf %sub3A_332, %sub3A_332 : vector<16xf32>
      %mul3A_334 = arith.mulf %mul3A_333, %mul3A_307 : vector<16xf32>
      %add3A_335 = arith.addf %add3A_325, %mul3A_334 : vector<16xf32>
      %get3A_336 = arith.index_cast %scan3A_300 : i32 to index
      %get3A_337 = arith.constant 48 : index
      %get3A_338 = tpu.vector_load %arg17[%get3A_336, %get3A_337] {strides = array<i32>} : memref<40x128xf32, #tpu.memory_space<vmem>>, vector<16xf32>,
      %get3A_339 = arith.index_cast %scan3A_300 : i32 to index
      %get3A_340 = arith.constant 48 : index
      %get3A_341 = tpu.vector_load %arg18[%get3A_339, %get3A_340] {strides = array<i32>} : memref<40x128xf32, #tpu.memory_space<vmem>>, vector<16xf32>,
      %sub3A_342 = arith.subf %get3A_338, %get3A_341 : vector<16xf32>
      %mul3A_343 = arith.mulf %sub3A_342, %sub3A_342 : vector<16xf32>
      %mul3A_344 = arith.mulf %mul3A_343, %mul3A_307 : vector<16xf32>
      %add3A_345 = arith.addf %add3A_335, %mul3A_344 : vector<16xf32>
      %get3A_346 = arith.index_cast %scan3A_300 : i32 to index
      %get3A_347 = arith.constant 64 : index
      %get3A_348 = tpu.vector_load %arg17[%get3A_346, %get3A_347] {strides = array<i32>} : memref<40x128xf32, #tpu.memory_space<vmem>>, vector<16xf32>,
      %get3A_349 = arith.index_cast %scan3A_300 : i32 to index
      %get3A_350 = arith.constant 64 : index
      %get3A_351 = tpu.vector_load %arg18[%get3A_349, %get3A_350] {strides = array<i32>} : memref<40x128xf32, #tpu.memory_space<vmem>>, vector<16xf32>,
      %sub3A_352 = arith.subf %get3A_348, %get3A_351 : vector<16xf32>
      %mul3A_353 = arith.mulf %sub3A_352, %sub3A_352 : vector<16xf32>
      %mul3A_354 = arith.mulf %mul3A_353, %mul3A_307 : vector<16xf32>
      %add3A_355 = arith.addf %add3A_345, %mul3A_354 : vector<16xf32>
      %get3A_356 = arith.index_cast %scan3A_300 : i32 to index
      %get3A_357 = arith.constant 80 : index
      %get3A_358 = tpu.vector_load %arg17[%get3A_356, %get3A_357] {strides = array<i32>} : memref<40x128xf32, #tpu.memory_space<vmem>>, vector<16xf32>,
      %get3A_359 = arith.index_cast %scan3A_300 : i32 to index
      %get3A_360 = arith.constant 80 : index
      %get3A_361 = tpu.vector_load %arg18[%get3A_359, %get3A_360] {strides = array<i32>} : memref<40x128xf32, #tpu.memory_space<vmem>>, vector<16xf32>,
      %sub3A_362 = arith.subf %get3A_358, %get3A_361 : vector<16xf32>
      %mul3A_363 = arith.mulf %sub3A_362, %sub3A_362 : vector<16xf32>
      %mul3A_364 = arith.mulf %mul3A_363, %mul3A_307 : vector<16xf32>
      %add3A_365 = arith.addf %add3A_355, %mul3A_364 : vector<16xf32>
      %get3A_366 = arith.index_cast %scan3A_300 : i32 to index
      %get3A_367 = arith.constant 96 : index
      %get3A_368 = tpu.vector_load %arg17[%get3A_366, %get3A_367] {strides = array<i32>} : memref<40x128xf32, #tpu.memory_space<vmem>>, vector<16xf32>,
      %get3A_369 = arith.index_cast %scan3A_300 : i32 to index
      %get3A_370 = arith.constant 96 : index
      %get3A_371 = tpu.vector_load %arg18[%get3A_369, %get3A_370] {strides = array<i32>} : memref<40x128xf32, #tpu.memory_space<vmem>>, vector<16xf32>,
      %sub3A_372 = arith.subf %get3A_368, %get3A_371 : vector<16xf32>
      %mul3A_373 = arith.mulf %sub3A_372, %sub3A_372 : vector<16xf32>
      %mul3A_374 = arith.mulf %mul3A_373, %mul3A_307 : vector<16xf32>
      %add3A_375 = arith.addf %add3A_365, %mul3A_374 : vector<16xf32>
      %get3A_376 = arith.index_cast %scan3A_300 : i32 to index
      %get3A_377 = arith.constant 112 : index
      %get3A_378 = tpu.vector_load %arg17[%get3A_376, %get3A_377] {strides = array<i32>} : memref<40x128xf32, #tpu.memory_space<vmem>>, vector<16xf32>,
      %get3A_379 = arith.index_cast %scan3A_300 : i32 to index
      %get3A_380 = arith.constant 112 : index
      %get3A_381 = tpu.vector_load %arg18[%get3A_379, %get3A_380] {strides = array<i32>} : memref<40x128xf32, #tpu.memory_space<vmem>>, vector<16xf32>,
      %sub3A_382 = arith.subf %get3A_378, %get3A_381 : vector<16xf32>
      %mul3A_383 = arith.mulf %sub3A_382, %sub3A_382 : vector<16xf32>
      %mul3A_384 = arith.mulf %mul3A_383, %mul3A_307 : vector<16xf32>
      %add3A_385 = arith.addf %add3A_375, %mul3A_384 : vector<16xf32>
      scf.yield %add3A_385 : vector<16xf32>
    }
    %scan3A_234 = arith.constant 40 : i32
    %dma_wait3A_235 = arith.constant 4840 : i32
    %dma_wait3A_236 = tpu.memref_slice %arg14[%dma_wait3A_235] : memref<5000xi32, #tpu.memory_space<vmem>> -> memref<40xi32, #tpu.memory_space<vmem>>
    %dma_wait3A_237 = arith.constant 0 : i32
    %dma_wait3A_238 = arith.constant 0 : i32
    %dma_wait3A_239 = tpu.memref_slice %arg6[%dma_wait3A_237, %dma_wait3A_238] : memref<10000x128xf32, #tpu.memory_space<hbm>> -> memref<10000x128xf32, #tpu.memory_space<hbm>>
    tpu.wait_indirect_dma semaphore(%arg30 : memref<!tpu.dma_semaphore, #tpu.memory_space<semaphore_mem>>) src(%dma_wait3A_239 : memref<10000x128xf32, #tpu.memory_space<hbm>>) dst(%arg19 : memref<40x128xf32, #tpu.memory_space<vmem>>)
    %dma_wait3A_240 = arith.constant 4840 : i32
    %dma_wait3A_241 = tpu.memref_slice %arg15[%dma_wait3A_240] : memref<5000xi32, #tpu.memory_space<vmem>> -> memref<40xi32, #tpu.memory_space<vmem>>
    %dma_wait3A_242 = arith.constant 0 : i32
    %dma_wait3A_243 = arith.constant 0 : i32
    %dma_wait3A_244 = tpu.memref_slice %arg6[%dma_wait3A_242, %dma_wait3A_243] : memref<10000x128xf32, #tpu.memory_space<hbm>> -> memref<10000x128xf32, #tpu.memory_space<hbm>>
    tpu.wait_indirect_dma semaphore(%arg31 : memref<!tpu.dma_semaphore, #tpu.memory_space<semaphore_mem>>) src(%dma_wait3A_244 : memref<10000x128xf32, #tpu.memory_space<hbm>>) dst(%arg20 : memref<40x128xf32, #tpu.memory_space<vmem>>)
    %scan3A_245 = arith.constant 0 : i32
    %scan3A_246 = arith.constant 40 : i32
    %scan3A_247 = arith.addi %scan3A_245, %scan3A_246 : i32
    %scan3A_248 = arith.constant 1 : i32
    %scan3A_249 = scf.for %scan3A_300 = %scan3A_245 to %scan3A_247 step %scan3A_248 iter_args(%scan3A_301 = %scan3A_233) -> (vector<16xf32>)  : i32 {
      %add3A_302 = arith.constant 4840 : i32
      %add3A_303 = arith.addi %add3A_302, %scan3A_300 : i32
      %broadcast_in_dim3A_304 = vector.broadcast %add3A_303 : i32 to vector<16xi32>
      %gather3A = tpu.vector_load_idx %arg16[%broadcast_in_dim3A_304] : memref<5000xf32, #tpu.memory_space<vmem>>[vector<16xi32>], vector<16xf32>,
      %mul3A_305 = arith.constant 3.125000e-06 : f32
      %mul3A_306 = vector.broadcast %mul3A_305 : f32 to vector<16xf32>
      %mul3A_307 = arith.mulf %gather3A, %mul3A_306 : vector<16xf32>
      %get3A = arith.index_cast %scan3A_300 : i32 to index
      %get3A_308 = arith.constant 0 : index
      %get3A_309 = tpu.vector_load %arg19[%get3A, %get3A_308] {strides = array<i32>} : memref<40x128xf32, #tpu.memory_space<vmem>>, vector<16xf32>,
      %get3A_310 = arith.index_cast %scan3A_300 : i32 to index
      %get3A_311 = arith.constant 0 : index
      %get3A_312 = tpu.vector_load %arg20[%get3A_310, %get3A_311] {strides = array<i32>} : memref<40x128xf32, #tpu.memory_space<vmem>>, vector<16xf32>,
      %sub3A = arith.subf %get3A_309, %get3A_312 : vector<16xf32>
      %mul3A_313 = arith.mulf %sub3A, %sub3A : vector<16xf32>
      %mul3A_314 = arith.mulf %mul3A_313, %mul3A_307 : vector<16xf32>
      %add3A_315 = arith.addf %scan3A_301, %mul3A_314 : vector<16xf32>
      %get3A_316 = arith.index_cast %scan3A_300 : i32 to index
      %get3A_317 = arith.constant 16 : index
      %get3A_318 = tpu.vector_load %arg19[%get3A_316, %get3A_317] {strides = array<i32>} : memref<40x128xf32, #tpu.memory_space<vmem>>, vector<16xf32>,
      %get3A_319 = arith.index_cast %scan3A_300 : i32 to index
      %get3A_320 = arith.constant 16 : index
      %get3A_321 = tpu.vector_load %arg20[%get3A_319, %get3A_320] {strides = array<i32>} : memref<40x128xf32, #tpu.memory_space<vmem>>, vector<16xf32>,
      %sub3A_322 = arith.subf %get3A_318, %get3A_321 : vector<16xf32>
      %mul3A_323 = arith.mulf %sub3A_322, %sub3A_322 : vector<16xf32>
      %mul3A_324 = arith.mulf %mul3A_323, %mul3A_307 : vector<16xf32>
      %add3A_325 = arith.addf %add3A_315, %mul3A_324 : vector<16xf32>
      %get3A_326 = arith.index_cast %scan3A_300 : i32 to index
      %get3A_327 = arith.constant 32 : index
      %get3A_328 = tpu.vector_load %arg19[%get3A_326, %get3A_327] {strides = array<i32>} : memref<40x128xf32, #tpu.memory_space<vmem>>, vector<16xf32>,
      %get3A_329 = arith.index_cast %scan3A_300 : i32 to index
      %get3A_330 = arith.constant 32 : index
      %get3A_331 = tpu.vector_load %arg20[%get3A_329, %get3A_330] {strides = array<i32>} : memref<40x128xf32, #tpu.memory_space<vmem>>, vector<16xf32>,
      %sub3A_332 = arith.subf %get3A_328, %get3A_331 : vector<16xf32>
      %mul3A_333 = arith.mulf %sub3A_332, %sub3A_332 : vector<16xf32>
      %mul3A_334 = arith.mulf %mul3A_333, %mul3A_307 : vector<16xf32>
      %add3A_335 = arith.addf %add3A_325, %mul3A_334 : vector<16xf32>
      %get3A_336 = arith.index_cast %scan3A_300 : i32 to index
      %get3A_337 = arith.constant 48 : index
      %get3A_338 = tpu.vector_load %arg19[%get3A_336, %get3A_337] {strides = array<i32>} : memref<40x128xf32, #tpu.memory_space<vmem>>, vector<16xf32>,
      %get3A_339 = arith.index_cast %scan3A_300 : i32 to index
      %get3A_340 = arith.constant 48 : index
      %get3A_341 = tpu.vector_load %arg20[%get3A_339, %get3A_340] {strides = array<i32>} : memref<40x128xf32, #tpu.memory_space<vmem>>, vector<16xf32>,
      %sub3A_342 = arith.subf %get3A_338, %get3A_341 : vector<16xf32>
      %mul3A_343 = arith.mulf %sub3A_342, %sub3A_342 : vector<16xf32>
      %mul3A_344 = arith.mulf %mul3A_343, %mul3A_307 : vector<16xf32>
      %add3A_345 = arith.addf %add3A_335, %mul3A_344 : vector<16xf32>
      %get3A_346 = arith.index_cast %scan3A_300 : i32 to index
      %get3A_347 = arith.constant 64 : index
      %get3A_348 = tpu.vector_load %arg19[%get3A_346, %get3A_347] {strides = array<i32>} : memref<40x128xf32, #tpu.memory_space<vmem>>, vector<16xf32>,
      %get3A_349 = arith.index_cast %scan3A_300 : i32 to index
      %get3A_350 = arith.constant 64 : index
      %get3A_351 = tpu.vector_load %arg20[%get3A_349, %get3A_350] {strides = array<i32>} : memref<40x128xf32, #tpu.memory_space<vmem>>, vector<16xf32>,
      %sub3A_352 = arith.subf %get3A_348, %get3A_351 : vector<16xf32>
      %mul3A_353 = arith.mulf %sub3A_352, %sub3A_352 : vector<16xf32>
      %mul3A_354 = arith.mulf %mul3A_353, %mul3A_307 : vector<16xf32>
      %add3A_355 = arith.addf %add3A_345, %mul3A_354 : vector<16xf32>
      %get3A_356 = arith.index_cast %scan3A_300 : i32 to index
      %get3A_357 = arith.constant 80 : index
      %get3A_358 = tpu.vector_load %arg19[%get3A_356, %get3A_357] {strides = array<i32>} : memref<40x128xf32, #tpu.memory_space<vmem>>, vector<16xf32>,
      %get3A_359 = arith.index_cast %scan3A_300 : i32 to index
      %get3A_360 = arith.constant 80 : index
      %get3A_361 = tpu.vector_load %arg20[%get3A_359, %get3A_360] {strides = array<i32>} : memref<40x128xf32, #tpu.memory_space<vmem>>, vector<16xf32>,
      %sub3A_362 = arith.subf %get3A_358, %get3A_361 : vector<16xf32>
      %mul3A_363 = arith.mulf %sub3A_362, %sub3A_362 : vector<16xf32>
      %mul3A_364 = arith.mulf %mul3A_363, %mul3A_307 : vector<16xf32>
      %add3A_365 = arith.addf %add3A_355, %mul3A_364 : vector<16xf32>
      %get3A_366 = arith.index_cast %scan3A_300 : i32 to index
      %get3A_367 = arith.constant 96 : index
      %get3A_368 = tpu.vector_load %arg19[%get3A_366, %get3A_367] {strides = array<i32>} : memref<40x128xf32, #tpu.memory_space<vmem>>, vector<16xf32>,
      %get3A_369 = arith.index_cast %scan3A_300 : i32 to index
      %get3A_370 = arith.constant 96 : index
      %get3A_371 = tpu.vector_load %arg20[%get3A_369, %get3A_370] {strides = array<i32>} : memref<40x128xf32, #tpu.memory_space<vmem>>, vector<16xf32>,
      %sub3A_372 = arith.subf %get3A_368, %get3A_371 : vector<16xf32>
      %mul3A_373 = arith.mulf %sub3A_372, %sub3A_372 : vector<16xf32>
      %mul3A_374 = arith.mulf %mul3A_373, %mul3A_307 : vector<16xf32>
      %add3A_375 = arith.addf %add3A_365, %mul3A_374 : vector<16xf32>
      %get3A_376 = arith.index_cast %scan3A_300 : i32 to index
      %get3A_377 = arith.constant 112 : index
      %get3A_378 = tpu.vector_load %arg19[%get3A_376, %get3A_377] {strides = array<i32>} : memref<40x128xf32, #tpu.memory_space<vmem>>, vector<16xf32>,
      %get3A_379 = arith.index_cast %scan3A_300 : i32 to index
      %get3A_380 = arith.constant 112 : index
      %get3A_381 = tpu.vector_load %arg20[%get3A_379, %get3A_380] {strides = array<i32>} : memref<40x128xf32, #tpu.memory_space<vmem>>, vector<16xf32>,
      %sub3A_382 = arith.subf %get3A_378, %get3A_381 : vector<16xf32>
      %mul3A_383 = arith.mulf %sub3A_382, %sub3A_382 : vector<16xf32>
      %mul3A_384 = arith.mulf %mul3A_383, %mul3A_307 : vector<16xf32>
      %add3A_385 = arith.addf %add3A_375, %mul3A_384 : vector<16xf32>
      scf.yield %add3A_385 : vector<16xf32>
    }
    %scan3A_250 = arith.constant 40 : i32
    %dma_wait3A_251 = arith.constant 4880 : i32
    %dma_wait3A_252 = tpu.memref_slice %arg14[%dma_wait3A_251] : memref<5000xi32, #tpu.memory_space<vmem>> -> memref<40xi32, #tpu.memory_space<vmem>>
    %dma_wait3A_253 = arith.constant 0 : i32
    %dma_wait3A_254 = arith.constant 0 : i32
    %dma_wait3A_255 = tpu.memref_slice %arg6[%dma_wait3A_253, %dma_wait3A_254] : memref<10000x128xf32, #tpu.memory_space<hbm>> -> memref<10000x128xf32, #tpu.memory_space<hbm>>
    tpu.wait_indirect_dma semaphore(%arg32 : memref<!tpu.dma_semaphore, #tpu.memory_space<semaphore_mem>>) src(%dma_wait3A_255 : memref<10000x128xf32, #tpu.memory_space<hbm>>) dst(%arg21 : memref<40x128xf32, #tpu.memory_space<vmem>>)
    %dma_wait3A_256 = arith.constant 4880 : i32
    %dma_wait3A_257 = tpu.memref_slice %arg15[%dma_wait3A_256] : memref<5000xi32, #tpu.memory_space<vmem>> -> memref<40xi32, #tpu.memory_space<vmem>>
    %dma_wait3A_258 = arith.constant 0 : i32
    %dma_wait3A_259 = arith.constant 0 : i32
    %dma_wait3A_260 = tpu.memref_slice %arg6[%dma_wait3A_258, %dma_wait3A_259] : memref<10000x128xf32, #tpu.memory_space<hbm>> -> memref<10000x128xf32, #tpu.memory_space<hbm>>
    tpu.wait_indirect_dma semaphore(%arg33 : memref<!tpu.dma_semaphore, #tpu.memory_space<semaphore_mem>>) src(%dma_wait3A_260 : memref<10000x128xf32, #tpu.memory_space<hbm>>) dst(%arg22 : memref<40x128xf32, #tpu.memory_space<vmem>>)
    %scan3A_261 = arith.constant 0 : i32
    %scan3A_262 = arith.constant 40 : i32
    %scan3A_263 = arith.addi %scan3A_261, %scan3A_262 : i32
    %scan3A_264 = arith.constant 1 : i32
    %scan3A_265 = scf.for %scan3A_300 = %scan3A_261 to %scan3A_263 step %scan3A_264 iter_args(%scan3A_301 = %scan3A_249) -> (vector<16xf32>)  : i32 {
      %add3A_302 = arith.constant 4880 : i32
      %add3A_303 = arith.addi %add3A_302, %scan3A_300 : i32
      %broadcast_in_dim3A_304 = vector.broadcast %add3A_303 : i32 to vector<16xi32>
      %gather3A = tpu.vector_load_idx %arg16[%broadcast_in_dim3A_304] : memref<5000xf32, #tpu.memory_space<vmem>>[vector<16xi32>], vector<16xf32>,
      %mul3A_305 = arith.constant 3.125000e-06 : f32
      %mul3A_306 = vector.broadcast %mul3A_305 : f32 to vector<16xf32>
      %mul3A_307 = arith.mulf %gather3A, %mul3A_306 : vector<16xf32>
      %get3A = arith.index_cast %scan3A_300 : i32 to index
      %get3A_308 = arith.constant 0 : index
      %get3A_309 = tpu.vector_load %arg21[%get3A, %get3A_308] {strides = array<i32>} : memref<40x128xf32, #tpu.memory_space<vmem>>, vector<16xf32>,
      %get3A_310 = arith.index_cast %scan3A_300 : i32 to index
      %get3A_311 = arith.constant 0 : index
      %get3A_312 = tpu.vector_load %arg22[%get3A_310, %get3A_311] {strides = array<i32>} : memref<40x128xf32, #tpu.memory_space<vmem>>, vector<16xf32>,
      %sub3A = arith.subf %get3A_309, %get3A_312 : vector<16xf32>
      %mul3A_313 = arith.mulf %sub3A, %sub3A : vector<16xf32>
      %mul3A_314 = arith.mulf %mul3A_313, %mul3A_307 : vector<16xf32>
      %add3A_315 = arith.addf %scan3A_301, %mul3A_314 : vector<16xf32>
      %get3A_316 = arith.index_cast %scan3A_300 : i32 to index
      %get3A_317 = arith.constant 16 : index
      %get3A_318 = tpu.vector_load %arg21[%get3A_316, %get3A_317] {strides = array<i32>} : memref<40x128xf32, #tpu.memory_space<vmem>>, vector<16xf32>,
      %get3A_319 = arith.index_cast %scan3A_300 : i32 to index
      %get3A_320 = arith.constant 16 : index
      %get3A_321 = tpu.vector_load %arg22[%get3A_319, %get3A_320] {strides = array<i32>} : memref<40x128xf32, #tpu.memory_space<vmem>>, vector<16xf32>,
      %sub3A_322 = arith.subf %get3A_318, %get3A_321 : vector<16xf32>
      %mul3A_323 = arith.mulf %sub3A_322, %sub3A_322 : vector<16xf32>
      %mul3A_324 = arith.mulf %mul3A_323, %mul3A_307 : vector<16xf32>
      %add3A_325 = arith.addf %add3A_315, %mul3A_324 : vector<16xf32>
      %get3A_326 = arith.index_cast %scan3A_300 : i32 to index
      %get3A_327 = arith.constant 32 : index
      %get3A_328 = tpu.vector_load %arg21[%get3A_326, %get3A_327] {strides = array<i32>} : memref<40x128xf32, #tpu.memory_space<vmem>>, vector<16xf32>,
      %get3A_329 = arith.index_cast %scan3A_300 : i32 to index
      %get3A_330 = arith.constant 32 : index
      %get3A_331 = tpu.vector_load %arg22[%get3A_329, %get3A_330] {strides = array<i32>} : memref<40x128xf32, #tpu.memory_space<vmem>>, vector<16xf32>,
      %sub3A_332 = arith.subf %get3A_328, %get3A_331 : vector<16xf32>
      %mul3A_333 = arith.mulf %sub3A_332, %sub3A_332 : vector<16xf32>
      %mul3A_334 = arith.mulf %mul3A_333, %mul3A_307 : vector<16xf32>
      %add3A_335 = arith.addf %add3A_325, %mul3A_334 : vector<16xf32>
      %get3A_336 = arith.index_cast %scan3A_300 : i32 to index
      %get3A_337 = arith.constant 48 : index
      %get3A_338 = tpu.vector_load %arg21[%get3A_336, %get3A_337] {strides = array<i32>} : memref<40x128xf32, #tpu.memory_space<vmem>>, vector<16xf32>,
      %get3A_339 = arith.index_cast %scan3A_300 : i32 to index
      %get3A_340 = arith.constant 48 : index
      %get3A_341 = tpu.vector_load %arg22[%get3A_339, %get3A_340] {strides = array<i32>} : memref<40x128xf32, #tpu.memory_space<vmem>>, vector<16xf32>,
      %sub3A_342 = arith.subf %get3A_338, %get3A_341 : vector<16xf32>
      %mul3A_343 = arith.mulf %sub3A_342, %sub3A_342 : vector<16xf32>
      %mul3A_344 = arith.mulf %mul3A_343, %mul3A_307 : vector<16xf32>
      %add3A_345 = arith.addf %add3A_335, %mul3A_344 : vector<16xf32>
      %get3A_346 = arith.index_cast %scan3A_300 : i32 to index
      %get3A_347 = arith.constant 64 : index
      %get3A_348 = tpu.vector_load %arg21[%get3A_346, %get3A_347] {strides = array<i32>} : memref<40x128xf32, #tpu.memory_space<vmem>>, vector<16xf32>,
      %get3A_349 = arith.index_cast %scan3A_300 : i32 to index
      %get3A_350 = arith.constant 64 : index
      %get3A_351 = tpu.vector_load %arg22[%get3A_349, %get3A_350] {strides = array<i32>} : memref<40x128xf32, #tpu.memory_space<vmem>>, vector<16xf32>,
      %sub3A_352 = arith.subf %get3A_348, %get3A_351 : vector<16xf32>
      %mul3A_353 = arith.mulf %sub3A_352, %sub3A_352 : vector<16xf32>
      %mul3A_354 = arith.mulf %mul3A_353, %mul3A_307 : vector<16xf32>
      %add3A_355 = arith.addf %add3A_345, %mul3A_354 : vector<16xf32>
      %get3A_356 = arith.index_cast %scan3A_300 : i32 to index
      %get3A_357 = arith.constant 80 : index
      %get3A_358 = tpu.vector_load %arg21[%get3A_356, %get3A_357] {strides = array<i32>} : memref<40x128xf32, #tpu.memory_space<vmem>>, vector<16xf32>,
      %get3A_359 = arith.index_cast %scan3A_300 : i32 to index
      %get3A_360 = arith.constant 80 : index
      %get3A_361 = tpu.vector_load %arg22[%get3A_359, %get3A_360] {strides = array<i32>} : memref<40x128xf32, #tpu.memory_space<vmem>>, vector<16xf32>,
      %sub3A_362 = arith.subf %get3A_358, %get3A_361 : vector<16xf32>
      %mul3A_363 = arith.mulf %sub3A_362, %sub3A_362 : vector<16xf32>
      %mul3A_364 = arith.mulf %mul3A_363, %mul3A_307 : vector<16xf32>
      %add3A_365 = arith.addf %add3A_355, %mul3A_364 : vector<16xf32>
      %get3A_366 = arith.index_cast %scan3A_300 : i32 to index
      %get3A_367 = arith.constant 96 : index
      %get3A_368 = tpu.vector_load %arg21[%get3A_366, %get3A_367] {strides = array<i32>} : memref<40x128xf32, #tpu.memory_space<vmem>>, vector<16xf32>,
      %get3A_369 = arith.index_cast %scan3A_300 : i32 to index
      %get3A_370 = arith.constant 96 : index
      %get3A_371 = tpu.vector_load %arg22[%get3A_369, %get3A_370] {strides = array<i32>} : memref<40x128xf32, #tpu.memory_space<vmem>>, vector<16xf32>,
      %sub3A_372 = arith.subf %get3A_368, %get3A_371 : vector<16xf32>
      %mul3A_373 = arith.mulf %sub3A_372, %sub3A_372 : vector<16xf32>
      %mul3A_374 = arith.mulf %mul3A_373, %mul3A_307 : vector<16xf32>
      %add3A_375 = arith.addf %add3A_365, %mul3A_374 : vector<16xf32>
      %get3A_376 = arith.index_cast %scan3A_300 : i32 to index
      %get3A_377 = arith.constant 112 : index
      %get3A_378 = tpu.vector_load %arg21[%get3A_376, %get3A_377] {strides = array<i32>} : memref<40x128xf32, #tpu.memory_space<vmem>>, vector<16xf32>,
      %get3A_379 = arith.index_cast %scan3A_300 : i32 to index
      %get3A_380 = arith.constant 112 : index
      %get3A_381 = tpu.vector_load %arg22[%get3A_379, %get3A_380] {strides = array<i32>} : memref<40x128xf32, #tpu.memory_space<vmem>>, vector<16xf32>,
      %sub3A_382 = arith.subf %get3A_378, %get3A_381 : vector<16xf32>
      %mul3A_383 = arith.mulf %sub3A_382, %sub3A_382 : vector<16xf32>
      %mul3A_384 = arith.mulf %mul3A_383, %mul3A_307 : vector<16xf32>
      %add3A_385 = arith.addf %add3A_375, %mul3A_384 : vector<16xf32>
      scf.yield %add3A_385 : vector<16xf32>
    }
    %scan3A_266 = arith.constant 40 : i32
    %dma_wait3A_267 = arith.constant 4920 : i32
    %dma_wait3A_268 = tpu.memref_slice %arg14[%dma_wait3A_267] : memref<5000xi32, #tpu.memory_space<vmem>> -> memref<40xi32, #tpu.memory_space<vmem>>
    %dma_wait3A_269 = arith.constant 0 : i32
    %dma_wait3A_270 = arith.constant 0 : i32
    %dma_wait3A_271 = tpu.memref_slice %arg6[%dma_wait3A_269, %dma_wait3A_270] : memref<10000x128xf32, #tpu.memory_space<hbm>> -> memref<10000x128xf32, #tpu.memory_space<hbm>>
    tpu.wait_indirect_dma semaphore(%arg34 : memref<!tpu.dma_semaphore, #tpu.memory_space<semaphore_mem>>) src(%dma_wait3A_271 : memref<10000x128xf32, #tpu.memory_space<hbm>>) dst(%arg23 : memref<40x128xf32, #tpu.memory_space<vmem>>)
    %dma_wait3A_272 = arith.constant 4920 : i32
    %dma_wait3A_273 = tpu.memref_slice %arg15[%dma_wait3A_272] : memref<5000xi32, #tpu.memory_space<vmem>> -> memref<40xi32, #tpu.memory_space<vmem>>
    %dma_wait3A_274 = arith.constant 0 : i32
    %dma_wait3A_275 = arith.constant 0 : i32
    %dma_wait3A_276 = tpu.memref_slice %arg6[%dma_wait3A_274, %dma_wait3A_275] : memref<10000x128xf32, #tpu.memory_space<hbm>> -> memref<10000x128xf32, #tpu.memory_space<hbm>>
    tpu.wait_indirect_dma semaphore(%arg35 : memref<!tpu.dma_semaphore, #tpu.memory_space<semaphore_mem>>) src(%dma_wait3A_276 : memref<10000x128xf32, #tpu.memory_space<hbm>>) dst(%arg24 : memref<40x128xf32, #tpu.memory_space<vmem>>)
    %scan3A_277 = arith.constant 0 : i32
    %scan3A_278 = arith.constant 40 : i32
    %scan3A_279 = arith.addi %scan3A_277, %scan3A_278 : i32
    %scan3A_280 = arith.constant 1 : i32
    %scan3A_281 = scf.for %scan3A_300 = %scan3A_277 to %scan3A_279 step %scan3A_280 iter_args(%scan3A_301 = %scan3A_265) -> (vector<16xf32>)  : i32 {
      %add3A_302 = arith.constant 4920 : i32
      %add3A_303 = arith.addi %add3A_302, %scan3A_300 : i32
      %broadcast_in_dim3A_304 = vector.broadcast %add3A_303 : i32 to vector<16xi32>
      %gather3A = tpu.vector_load_idx %arg16[%broadcast_in_dim3A_304] : memref<5000xf32, #tpu.memory_space<vmem>>[vector<16xi32>], vector<16xf32>,
      %mul3A_305 = arith.constant 3.125000e-06 : f32
      %mul3A_306 = vector.broadcast %mul3A_305 : f32 to vector<16xf32>
      %mul3A_307 = arith.mulf %gather3A, %mul3A_306 : vector<16xf32>
      %get3A = arith.index_cast %scan3A_300 : i32 to index
      %get3A_308 = arith.constant 0 : index
      %get3A_309 = tpu.vector_load %arg23[%get3A, %get3A_308] {strides = array<i32>} : memref<40x128xf32, #tpu.memory_space<vmem>>, vector<16xf32>,
      %get3A_310 = arith.index_cast %scan3A_300 : i32 to index
      %get3A_311 = arith.constant 0 : index
      %get3A_312 = tpu.vector_load %arg24[%get3A_310, %get3A_311] {strides = array<i32>} : memref<40x128xf32, #tpu.memory_space<vmem>>, vector<16xf32>,
      %sub3A = arith.subf %get3A_309, %get3A_312 : vector<16xf32>
      %mul3A_313 = arith.mulf %sub3A, %sub3A : vector<16xf32>
      %mul3A_314 = arith.mulf %mul3A_313, %mul3A_307 : vector<16xf32>
      %add3A_315 = arith.addf %scan3A_301, %mul3A_314 : vector<16xf32>
      %get3A_316 = arith.index_cast %scan3A_300 : i32 to index
      %get3A_317 = arith.constant 16 : index
      %get3A_318 = tpu.vector_load %arg23[%get3A_316, %get3A_317] {strides = array<i32>} : memref<40x128xf32, #tpu.memory_space<vmem>>, vector<16xf32>,
      %get3A_319 = arith.index_cast %scan3A_300 : i32 to index
      %get3A_320 = arith.constant 16 : index
      %get3A_321 = tpu.vector_load %arg24[%get3A_319, %get3A_320] {strides = array<i32>} : memref<40x128xf32, #tpu.memory_space<vmem>>, vector<16xf32>,
      %sub3A_322 = arith.subf %get3A_318, %get3A_321 : vector<16xf32>
      %mul3A_323 = arith.mulf %sub3A_322, %sub3A_322 : vector<16xf32>
      %mul3A_324 = arith.mulf %mul3A_323, %mul3A_307 : vector<16xf32>
      %add3A_325 = arith.addf %add3A_315, %mul3A_324 : vector<16xf32>
      %get3A_326 = arith.index_cast %scan3A_300 : i32 to index
      %get3A_327 = arith.constant 32 : index
      %get3A_328 = tpu.vector_load %arg23[%get3A_326, %get3A_327] {strides = array<i32>} : memref<40x128xf32, #tpu.memory_space<vmem>>, vector<16xf32>,
      %get3A_329 = arith.index_cast %scan3A_300 : i32 to index
      %get3A_330 = arith.constant 32 : index
      %get3A_331 = tpu.vector_load %arg24[%get3A_329, %get3A_330] {strides = array<i32>} : memref<40x128xf32, #tpu.memory_space<vmem>>, vector<16xf32>,
      %sub3A_332 = arith.subf %get3A_328, %get3A_331 : vector<16xf32>
      %mul3A_333 = arith.mulf %sub3A_332, %sub3A_332 : vector<16xf32>
      %mul3A_334 = arith.mulf %mul3A_333, %mul3A_307 : vector<16xf32>
      %add3A_335 = arith.addf %add3A_325, %mul3A_334 : vector<16xf32>
      %get3A_336 = arith.index_cast %scan3A_300 : i32 to index
      %get3A_337 = arith.constant 48 : index
      %get3A_338 = tpu.vector_load %arg23[%get3A_336, %get3A_337] {strides = array<i32>} : memref<40x128xf32, #tpu.memory_space<vmem>>, vector<16xf32>,
      %get3A_339 = arith.index_cast %scan3A_300 : i32 to index
      %get3A_340 = arith.constant 48 : index
      %get3A_341 = tpu.vector_load %arg24[%get3A_339, %get3A_340] {strides = array<i32>} : memref<40x128xf32, #tpu.memory_space<vmem>>, vector<16xf32>,
      %sub3A_342 = arith.subf %get3A_338, %get3A_341 : vector<16xf32>
      %mul3A_343 = arith.mulf %sub3A_342, %sub3A_342 : vector<16xf32>
      %mul3A_344 = arith.mulf %mul3A_343, %mul3A_307 : vector<16xf32>
      %add3A_345 = arith.addf %add3A_335, %mul3A_344 : vector<16xf32>
      %get3A_346 = arith.index_cast %scan3A_300 : i32 to index
      %get3A_347 = arith.constant 64 : index
      %get3A_348 = tpu.vector_load %arg23[%get3A_346, %get3A_347] {strides = array<i32>} : memref<40x128xf32, #tpu.memory_space<vmem>>, vector<16xf32>,
      %get3A_349 = arith.index_cast %scan3A_300 : i32 to index
      %get3A_350 = arith.constant 64 : index
      %get3A_351 = tpu.vector_load %arg24[%get3A_349, %get3A_350] {strides = array<i32>} : memref<40x128xf32, #tpu.memory_space<vmem>>, vector<16xf32>,
      %sub3A_352 = arith.subf %get3A_348, %get3A_351 : vector<16xf32>
      %mul3A_353 = arith.mulf %sub3A_352, %sub3A_352 : vector<16xf32>
      %mul3A_354 = arith.mulf %mul3A_353, %mul3A_307 : vector<16xf32>
      %add3A_355 = arith.addf %add3A_345, %mul3A_354 : vector<16xf32>
      %get3A_356 = arith.index_cast %scan3A_300 : i32 to index
      %get3A_357 = arith.constant 80 : index
      %get3A_358 = tpu.vector_load %arg23[%get3A_356, %get3A_357] {strides = array<i32>} : memref<40x128xf32, #tpu.memory_space<vmem>>, vector<16xf32>,
      %get3A_359 = arith.index_cast %scan3A_300 : i32 to index
      %get3A_360 = arith.constant 80 : index
      %get3A_361 = tpu.vector_load %arg24[%get3A_359, %get3A_360] {strides = array<i32>} : memref<40x128xf32, #tpu.memory_space<vmem>>, vector<16xf32>,
      %sub3A_362 = arith.subf %get3A_358, %get3A_361 : vector<16xf32>
      %mul3A_363 = arith.mulf %sub3A_362, %sub3A_362 : vector<16xf32>
      %mul3A_364 = arith.mulf %mul3A_363, %mul3A_307 : vector<16xf32>
      %add3A_365 = arith.addf %add3A_355, %mul3A_364 : vector<16xf32>
      %get3A_366 = arith.index_cast %scan3A_300 : i32 to index
      %get3A_367 = arith.constant 96 : index
      %get3A_368 = tpu.vector_load %arg23[%get3A_366, %get3A_367] {strides = array<i32>} : memref<40x128xf32, #tpu.memory_space<vmem>>, vector<16xf32>,
      %get3A_369 = arith.index_cast %scan3A_300 : i32 to index
      %get3A_370 = arith.constant 96 : index
      %get3A_371 = tpu.vector_load %arg24[%get3A_369, %get3A_370] {strides = array<i32>} : memref<40x128xf32, #tpu.memory_space<vmem>>, vector<16xf32>,
      %sub3A_372 = arith.subf %get3A_368, %get3A_371 : vector<16xf32>
      %mul3A_373 = arith.mulf %sub3A_372, %sub3A_372 : vector<16xf32>
      %mul3A_374 = arith.mulf %mul3A_373, %mul3A_307 : vector<16xf32>
      %add3A_375 = arith.addf %add3A_365, %mul3A_374 : vector<16xf32>
      %get3A_376 = arith.index_cast %scan3A_300 : i32 to index
      %get3A_377 = arith.constant 112 : index
      %get3A_378 = tpu.vector_load %arg23[%get3A_376, %get3A_377] {strides = array<i32>} : memref<40x128xf32, #tpu.memory_space<vmem>>, vector<16xf32>,
      %get3A_379 = arith.index_cast %scan3A_300 : i32 to index
      %get3A_380 = arith.constant 112 : index
      %get3A_381 = tpu.vector_load %arg24[%get3A_379, %get3A_380] {strides = array<i32>} : memref<40x128xf32, #tpu.memory_space<vmem>>, vector<16xf32>,
      %sub3A_382 = arith.subf %get3A_378, %get3A_381 : vector<16xf32>
      %mul3A_383 = arith.mulf %sub3A_382, %sub3A_382 : vector<16xf32>
      %mul3A_384 = arith.mulf %mul3A_383, %mul3A_307 : vector<16xf32>
      %add3A_385 = arith.addf %add3A_375, %mul3A_384 : vector<16xf32>
      scf.yield %add3A_385 : vector<16xf32>
    }
    %scan3A_282 = arith.constant 40 : i32
    %dma_wait3A_283 = arith.constant 4960 : i32
    %dma_wait3A_284 = tpu.memref_slice %arg14[%dma_wait3A_283] : memref<5000xi32, #tpu.memory_space<vmem>> -> memref<40xi32, #tpu.memory_space<vmem>>
    %dma_wait3A_285 = arith.constant 0 : i32
    %dma_wait3A_286 = arith.constant 0 : i32
    %dma_wait3A_287 = tpu.memref_slice %arg6[%dma_wait3A_285, %dma_wait3A_286] : memref<10000x128xf32, #tpu.memory_space<hbm>> -> memref<10000x128xf32, #tpu.memory_space<hbm>>
    tpu.wait_indirect_dma semaphore(%arg36 : memref<!tpu.dma_semaphore, #tpu.memory_space<semaphore_mem>>) src(%dma_wait3A_287 : memref<10000x128xf32, #tpu.memory_space<hbm>>) dst(%arg25 : memref<40x128xf32, #tpu.memory_space<vmem>>)
    %dma_wait3A_288 = arith.constant 4960 : i32
    %dma_wait3A_289 = tpu.memref_slice %arg15[%dma_wait3A_288] : memref<5000xi32, #tpu.memory_space<vmem>> -> memref<40xi32, #tpu.memory_space<vmem>>
    %dma_wait3A_290 = arith.constant 0 : i32
    %dma_wait3A_291 = arith.constant 0 : i32
    %dma_wait3A_292 = tpu.memref_slice %arg6[%dma_wait3A_290, %dma_wait3A_291] : memref<10000x128xf32, #tpu.memory_space<hbm>> -> memref<10000x128xf32, #tpu.memory_space<hbm>>
    tpu.wait_indirect_dma semaphore(%arg37 : memref<!tpu.dma_semaphore, #tpu.memory_space<semaphore_mem>>) src(%dma_wait3A_292 : memref<10000x128xf32, #tpu.memory_space<hbm>>) dst(%arg26 : memref<40x128xf32, #tpu.memory_space<vmem>>)
    %scan3A_293 = arith.constant 0 : i32
    %scan3A_294 = arith.constant 40 : i32
    %scan3A_295 = arith.addi %scan3A_293, %scan3A_294 : i32
    %scan3A_296 = arith.constant 1 : i32
    %scan3A_297 = scf.for %scan3A_300 = %scan3A_293 to %scan3A_295 step %scan3A_296 iter_args(%scan3A_301 = %scan3A_281) -> (vector<16xf32>)  : i32 {
      %add3A_302 = arith.constant 4960 : i32
      %add3A_303 = arith.addi %add3A_302, %scan3A_300 : i32
      %broadcast_in_dim3A_304 = vector.broadcast %add3A_303 : i32 to vector<16xi32>
      %gather3A = tpu.vector_load_idx %arg16[%broadcast_in_dim3A_304] : memref<5000xf32, #tpu.memory_space<vmem>>[vector<16xi32>], vector<16xf32>,
      %mul3A_305 = arith.constant 3.125000e-06 : f32
      %mul3A_306 = vector.broadcast %mul3A_305 : f32 to vector<16xf32>
      %mul3A_307 = arith.mulf %gather3A, %mul3A_306 : vector<16xf32>
      %get3A = arith.index_cast %scan3A_300 : i32 to index
      %get3A_308 = arith.constant 0 : index
      %get3A_309 = tpu.vector_load %arg25[%get3A, %get3A_308] {strides = array<i32>} : memref<40x128xf32, #tpu.memory_space<vmem>>, vector<16xf32>,
      %get3A_310 = arith.index_cast %scan3A_300 : i32 to index
      %get3A_311 = arith.constant 0 : index
      %get3A_312 = tpu.vector_load %arg26[%get3A_310, %get3A_311] {strides = array<i32>} : memref<40x128xf32, #tpu.memory_space<vmem>>, vector<16xf32>,
      %sub3A = arith.subf %get3A_309, %get3A_312 : vector<16xf32>
      %mul3A_313 = arith.mulf %sub3A, %sub3A : vector<16xf32>
      %mul3A_314 = arith.mulf %mul3A_313, %mul3A_307 : vector<16xf32>
      %add3A_315 = arith.addf %scan3A_301, %mul3A_314 : vector<16xf32>
      %get3A_316 = arith.index_cast %scan3A_300 : i32 to index
      %get3A_317 = arith.constant 16 : index
      %get3A_318 = tpu.vector_load %arg25[%get3A_316, %get3A_317] {strides = array<i32>} : memref<40x128xf32, #tpu.memory_space<vmem>>, vector<16xf32>,
      %get3A_319 = arith.index_cast %scan3A_300 : i32 to index
      %get3A_320 = arith.constant 16 : index
      %get3A_321 = tpu.vector_load %arg26[%get3A_319, %get3A_320] {strides = array<i32>} : memref<40x128xf32, #tpu.memory_space<vmem>>, vector<16xf32>,
      %sub3A_322 = arith.subf %get3A_318, %get3A_321 : vector<16xf32>
      %mul3A_323 = arith.mulf %sub3A_322, %sub3A_322 : vector<16xf32>
      %mul3A_324 = arith.mulf %mul3A_323, %mul3A_307 : vector<16xf32>
      %add3A_325 = arith.addf %add3A_315, %mul3A_324 : vector<16xf32>
      %get3A_326 = arith.index_cast %scan3A_300 : i32 to index
      %get3A_327 = arith.constant 32 : index
      %get3A_328 = tpu.vector_load %arg25[%get3A_326, %get3A_327] {strides = array<i32>} : memref<40x128xf32, #tpu.memory_space<vmem>>, vector<16xf32>,
      %get3A_329 = arith.index_cast %scan3A_300 : i32 to index
      %get3A_330 = arith.constant 32 : index
      %get3A_331 = tpu.vector_load %arg26[%get3A_329, %get3A_330] {strides = array<i32>} : memref<40x128xf32, #tpu.memory_space<vmem>>, vector<16xf32>,
      %sub3A_332 = arith.subf %get3A_328, %get3A_331 : vector<16xf32>
      %mul3A_333 = arith.mulf %sub3A_332, %sub3A_332 : vector<16xf32>
      %mul3A_334 = arith.mulf %mul3A_333, %mul3A_307 : vector<16xf32>
      %add3A_335 = arith.addf %add3A_325, %mul3A_334 : vector<16xf32>
      %get3A_336 = arith.index_cast %scan3A_300 : i32 to index
      %get3A_337 = arith.constant 48 : index
      %get3A_338 = tpu.vector_load %arg25[%get3A_336, %get3A_337] {strides = array<i32>} : memref<40x128xf32, #tpu.memory_space<vmem>>, vector<16xf32>,
      %get3A_339 = arith.index_cast %scan3A_300 : i32 to index
      %get3A_340 = arith.constant 48 : index
      %get3A_341 = tpu.vector_load %arg26[%get3A_339, %get3A_340] {strides = array<i32>} : memref<40x128xf32, #tpu.memory_space<vmem>>, vector<16xf32>,
      %sub3A_342 = arith.subf %get3A_338, %get3A_341 : vector<16xf32>
      %mul3A_343 = arith.mulf %sub3A_342, %sub3A_342 : vector<16xf32>
      %mul3A_344 = arith.mulf %mul3A_343, %mul3A_307 : vector<16xf32>
      %add3A_345 = arith.addf %add3A_335, %mul3A_344 : vector<16xf32>
      %get3A_346 = arith.index_cast %scan3A_300 : i32 to index
      %get3A_347 = arith.constant 64 : index
      %get3A_348 = tpu.vector_load %arg25[%get3A_346, %get3A_347] {strides = array<i32>} : memref<40x128xf32, #tpu.memory_space<vmem>>, vector<16xf32>,
      %get3A_349 = arith.index_cast %scan3A_300 : i32 to index
      %get3A_350 = arith.constant 64 : index
      %get3A_351 = tpu.vector_load %arg26[%get3A_349, %get3A_350] {strides = array<i32>} : memref<40x128xf32, #tpu.memory_space<vmem>>, vector<16xf32>,
      %sub3A_352 = arith.subf %get3A_348, %get3A_351 : vector<16xf32>
      %mul3A_353 = arith.mulf %sub3A_352, %sub3A_352 : vector<16xf32>
      %mul3A_354 = arith.mulf %mul3A_353, %mul3A_307 : vector<16xf32>
      %add3A_355 = arith.addf %add3A_345, %mul3A_354 : vector<16xf32>
      %get3A_356 = arith.index_cast %scan3A_300 : i32 to index
      %get3A_357 = arith.constant 80 : index
      %get3A_358 = tpu.vector_load %arg25[%get3A_356, %get3A_357] {strides = array<i32>} : memref<40x128xf32, #tpu.memory_space<vmem>>, vector<16xf32>,
      %get3A_359 = arith.index_cast %scan3A_300 : i32 to index
      %get3A_360 = arith.constant 80 : index
      %get3A_361 = tpu.vector_load %arg26[%get3A_359, %get3A_360] {strides = array<i32>} : memref<40x128xf32, #tpu.memory_space<vmem>>, vector<16xf32>,
      %sub3A_362 = arith.subf %get3A_358, %get3A_361 : vector<16xf32>
      %mul3A_363 = arith.mulf %sub3A_362, %sub3A_362 : vector<16xf32>
      %mul3A_364 = arith.mulf %mul3A_363, %mul3A_307 : vector<16xf32>
      %add3A_365 = arith.addf %add3A_355, %mul3A_364 : vector<16xf32>
      %get3A_366 = arith.index_cast %scan3A_300 : i32 to index
      %get3A_367 = arith.constant 96 : index
      %get3A_368 = tpu.vector_load %arg25[%get3A_366, %get3A_367] {strides = array<i32>} : memref<40x128xf32, #tpu.memory_space<vmem>>, vector<16xf32>,
      %get3A_369 = arith.index_cast %scan3A_300 : i32 to index
      %get3A_370 = arith.constant 96 : index
      %get3A_371 = tpu.vector_load %arg26[%get3A_369, %get3A_370] {strides = array<i32>} : memref<40x128xf32, #tpu.memory_space<vmem>>, vector<16xf32>,
      %sub3A_372 = arith.subf %get3A_368, %get3A_371 : vector<16xf32>
      %mul3A_373 = arith.mulf %sub3A_372, %sub3A_372 : vector<16xf32>
      %mul3A_374 = arith.mulf %mul3A_373, %mul3A_307 : vector<16xf32>
      %add3A_375 = arith.addf %add3A_365, %mul3A_374 : vector<16xf32>
      %get3A_376 = arith.index_cast %scan3A_300 : i32 to index
      %get3A_377 = arith.constant 112 : index
      %get3A_378 = tpu.vector_load %arg25[%get3A_376, %get3A_377] {strides = array<i32>} : memref<40x128xf32, #tpu.memory_space<vmem>>, vector<16xf32>,
      %get3A_379 = arith.index_cast %scan3A_300 : i32 to index
      %get3A_380 = arith.constant 112 : index
      %get3A_381 = tpu.vector_load %arg26[%get3A_379, %get3A_380] {strides = array<i32>} : memref<40x128xf32, #tpu.memory_space<vmem>>, vector<16xf32>,
      %sub3A_382 = arith.subf %get3A_378, %get3A_381 : vector<16xf32>
      %mul3A_383 = arith.mulf %sub3A_382, %sub3A_382 : vector<16xf32>
      %mul3A_384 = arith.mulf %mul3A_383, %mul3A_307 : vector<16xf32>
      %add3A_385 = arith.addf %add3A_375, %mul3A_384 : vector<16xf32>
      scf.yield %add3A_385 : vector<16xf32>
    }
    %scan3A_298 = arith.constant 40 : i32
    %swap3A = arith.constant 0 : index
    %swap3A_299 = tpu.vector_load %arg27[%swap3A] {strides = array<i32>} : memref<16xf32, #tpu.memory_space<vmem>>, vector<16xf32>,
    tpu.vector_store %arg27[%swap3A], %scan3A_297 {strides = array<i32>} : memref<16xf32, #tpu.memory_space<vmem>>, vector<16xf32>,
    "tpu.region"() ({
      %run_scoped3A = tpu.sem_alloc : memref<!tpu.dma_semaphore, #tpu.memory_space<semaphore_mem>>
      %dma_start3A_300 = arith.constant 0 : i32
      %dma_start3A_301 = tpu.memref_slice %arg10[%add3A, %dma_start3A_300] : memref<32x16xf32, #tpu.memory_space<hbm>> -> memref<1x16xf32, #tpu.memory_space<hbm>>
      %dma_start3A_302 = tpu.memref_squeeze %dma_start3A_301 : memref<1x16xf32, #tpu.memory_space<hbm>> -> memref<16xf32, #tpu.memory_space<hbm>>
      %dma_start3A_303 = arith.constant 0 : i32
      %dma_start3A_304 = tpu.memref_slice %arg10[%add3A, %dma_start3A_303] : memref<32x16xf32, #tpu.memory_space<hbm>> -> memref<1x16xf32, #tpu.memory_space<hbm>>
      %dma_start3A_305 = tpu.memref_squeeze %dma_start3A_304 : memref<1x16xf32, #tpu.memory_space<hbm>> -> memref<16xf32, #tpu.memory_space<hbm>>
      tpu.enqueue_dma source(%arg27 : memref<16xf32, #tpu.memory_space<vmem>>) target(%dma_start3A_305 : memref<16xf32, #tpu.memory_space<hbm>>) target_semaphore(%run_scoped3A : memref<!tpu.dma_semaphore, #tpu.memory_space<semaphore_mem>>)
      %dma_wait3A_306 = arith.constant 0 : i32
      %dma_wait3A_307 = tpu.memref_slice %arg10[%add3A, %dma_wait3A_306] : memref<32x16xf32, #tpu.memory_space<hbm>> -> memref<1x16xf32, #tpu.memory_space<hbm>>
      %dma_wait3A_308 = tpu.memref_squeeze %dma_wait3A_307 : memref<1x16xf32, #tpu.memory_space<hbm>> -> memref<16xf32, #tpu.memory_space<hbm>>
      %dma_wait3A_309 = arith.constant 0 : i32
      %dma_wait3A_310 = tpu.memref_slice %arg10[%add3A, %dma_wait3A_309] : memref<32x16xf32, #tpu.memory_space<hbm>> -> memref<1x16xf32, #tpu.memory_space<hbm>>
      %dma_wait3A_311 = tpu.memref_squeeze %dma_wait3A_310 : memref<1x16xf32, #tpu.memory_space<hbm>> -> memref<16xf32, #tpu.memory_space<hbm>>
      tpu.wait_dma2 semaphore(%run_scoped3A : memref<!tpu.dma_semaphore, #tpu.memory_space<semaphore_mem>>) src(%arg27 : memref<16xf32, #tpu.memory_space<vmem>>) dst(%dma_wait3A_311 : memref<16xf32, #tpu.memory_space<hbm>>)
      tpu.yield
    }) : () -> ()
    return
  }
}

</mosaic_0001>

<sc_bundles>
// kernel: kernel.3.cloned.1.call-start
scs
__scs_entry_jumppad:
0x0: {  	(pc) =	sbr.rel $0x88, $3  }
0x1: {  	(tag) =	ssettag $0x0;
	lr =	simm.s32 $0x1  }
0x2: {  	[smem:$0x3F9B] =	sst lr;
	_ =	strace $0xD0000000  }
0x3: {  	_ = 	snop  }
0x4: {  	_ = 	snop  }
0x5: {  	_ = 	snop  }
0x6: {  	_ = 	snop  }
0x7: {  	_ = 	snop  }
__scs_overlays_trampoline_lowered:
0x8: {  	[smem:$0x3FAA] =	sst s0  }
0x9: {  	[smem:$0x3FAB] =	sst s1  }
0xa: {  	[smem:$0x3FAC] =	sst s2  }
0xb: {  	[smem:$0x3FAD] =	sst s3  }
0xc: {  	[smem:$0x3FAE] =	sst s4  }
0xd: {  	[smem:$0x3FAF] =	sst s5  }
0xe: {  	[smem:$0x3FB0] =	sst s6  }
0xf: {  	[smem:$0x3FB1] =	sst s7  }
0x10: {  	[smem:$0x3FB2] =	sst s8  }
0x11: {  	[smem:$0x3FB3] =	sst s9;
	s0 =	simm.s32 @!p0 $0x0  }
0x12: {  	s1 =	sld [smem:$0x3F99];
	s0 =	simm.s32 @p0 $0x1  }
0x13: {  	[smem:$0x3FB4] =	sst s0;
	s0 =	simm.s32 @!p1 $0x0  }
0x14: {  	s2 =	sld [smem:$0x3F98];
	s0 =	simm.s32 @p1 $0x1  }
0x15: {  	[smem:$0x3FB5] =	sst s0;
	s0 =	simm.s32 @!p2 $0x0  }
0x16: {  	s3 =	sld [smem:$0x3FDB];
	s0 =	simm.s32 @p2 $0x1  }
0x17: {  	s4 =	simm.s32 $0x1BF5;
	[smem:$0x3FB7] =	sst s0  }
0x18: {  	s0 =	sld [smem:$0x3F9A];
	_ =	swait.ge [sflag:s4], $0x0  }
0x19: {  	s7 =	sld [smem:$0x3F9B]  }
0x1a: {  	s8 =	sadd.s32 $0xFFFFE003, lr  }
0x1b: {  	s9 =	sadd.s32 $0xFFFFFEF7, lr;
	s5 =	simm.s32 $0xFFFFFFFF;
	p2 =	slt.u32 s8, $0xFFFFF086  }
0x1c: {  	p1 =	slt.u32 s9, $0xF7A;
	s5 =	simm.s32 @!p2 $0x0  }
0x1d: {  	s5 =	simm.s32 @p1 $0x1;
	p0 =	seq.s32 s7, s2  }
0x1e: {  	s7 =	smul.u32 @!p0 $0xF7A, s2;
	p2 =	seq.s32 @!p0 s5, $0x0  }
0x1f: {  	s9 =	smul.u32 $0xF7A, s1;
	s8 =	simm.s32 @!p0 $0x1BF5;
	p2 =	por !p2, p0  }
0x20: {  	[sflag:s8] =	ssyncset.s32 @!p0 $0xFFFFF086;
	s6 =	sadd.s32 @!p0 s3, s7;
	s7 =	simm.s32 @!p0 $0x108  }
0x21: {  	s3 =	sadd.s32 s3, s9;
	s6 =	sadd.s32 @!p0 $0x88, s6;
	s7 =	simm.s32 @p2 $0x1082  }
0x22: {  	[simem:s7], [sflag:s8] =	dma.local @!p0 [hbm:s6], $0xF7A  }
0x23: {  	s9 =	sor.u32 $0xD0000000, s2;
	s6 =	simm.s32 $0x108;
	_ =	swait.ge @!p0 [sflag:s8], $0x0  }
0x24: {  	s3 =	sadd.s32 $0x88, s3;
	s6 =	simm.s32 @!p1 $0x1082;
	[sflag:s4] =	ssyncset.s32 $0xFFFFF086  }
0x25: {  	[simem:s6], [sflag:s4] =	dma.local [hbm:s3], $0xF7A  }
0x26: {  	[smem:$0x3F9B] =	sst s1;
	(tag) =	ssettag s2;
	_ =	strace s9  }
0x27: {  	s1 =	sld [smem:$0x3FAB]  }
0x28: {  	s2 =	sld [smem:$0x3FAC]  }
0x29: {  	s4 =	sld [smem:$0x3FAE]  }
0x2a: {  	p0 =	seq.s32 s5, $0x0;
	s5 =	sld [smem:$0x3FAF]  }
0x2b: {  	s6 =	sld [smem:$0x3FB0]  }
0x2c: {  	s7 =	sld [smem:$0x3FB1]  }
0x2d: {  	s3 =	simm.s32 $0x108;
	s8 =	sld [smem:$0x3FB2]  }
0x2e: {  	s3 =	simm.s32 @!p0 $0x1082;
	s9 =	sld [smem:$0x3FB3]  }
0x2f: {  	lr =	sadd.s32 s0, s3;
	s0 =	sld [smem:$0x3FAA]  }
0x30: {  	s3 =	sld [smem:$0x3FAD]  }
0x31: {  	[smem:$0x3FB6] =	sst s10  }
0x32: {  	s10 =	sld [smem:$0x3FB4];
	_ =	sdelay $0x3  }
0x33: {  	p0 =	seq.s32 s10, $0x1;
	s10 =	sld [smem:$0x3FB6];
	_ =	sdelay $0x3  }
0x34: {  	[smem:$0x3FB6] =	sst s10  }
0x35: {  	s10 =	sld [smem:$0x3FB5];
	_ =	sdelay $0x3  }
0x36: {  	p1 =	seq.s32 s10, $0x1;
	s10 =	sld [smem:$0x3FB6];
	_ =	sdelay $0x3  }
0x37: {  	[smem:$0x3FB6] =	sst s10  }
0x38: {  	s10 =	sld [smem:$0x3FB7]  }
0x39: {  	_ = 	snop;
	(pc) =	sbr.ind lr, $3  }
0x3a: {  	_ = 	snop  }
0x3b: {  	_ = 	snop  }
0x3c: {  	p2 =	seq.s32 s10, $0x1;
	s10 =	sld [smem:$0x3FB6]  }
0x3d: {  	_ =	shalt  }
0x3e: {  	_ =	shalt  }
0x3f: {  	_ =	shalt  }
0x40: {  	_ =	shalt  }
0x41: {  	_ =	shalt  }
0x42: {  	_ =	shalt  }
0x43: {  	_ =	shalt  }
0x44: {  	_ =	shalt  }
0x45: {  	_ =	shalt  }
0x46: {  	_ =	shalt  }
0x47: {  	_ =	shalt  }
0x48: {  	_ =	shalt  }
0x49: {  	_ =	shalt  }
0x4a: {  	_ =	shalt  }
0x4b: {  	_ =	shalt  }
0x4c: {  	_ =	shalt  }
0x4d: {  	_ =	shalt  }
0x4e: {  	_ =	shalt  }
0x4f: {  	_ =	shalt  }
0x50: {  	_ =	shalt  }
0x51: {  	_ =	shalt  }
0x52: {  	_ =	shalt  }
0x53: {  	_ =	shalt  }
0x54: {  	_ =	shalt  }
0x55: {  	_ =	shalt  }
0x56: {  	_ =	shalt  }
0x57: {  	_ =	shalt  }
0x58: {  	_ =	shalt  }
0x59: {  	_ =	shalt  }
0x5a: {  	_ =	shalt  }
0x5b: {  	_ =	shalt  }
0x5c: {  	_ =	shalt  }
0x5d: {  	_ =	shalt  }
0x5e: {  	_ =	shalt  }
0x5f: {  	_ =	shalt  }
0x60: {  	_ =	shalt  }
0x61: {  	_ =	shalt  }
0x62: {  	_ =	shalt  }
0x63: {  	_ =	shalt  }
0x64: {  	_ =	shalt  }
0x65: {  	_ =	shalt  }
0x66: {  	_ =	shalt  }
0x67: {  	_ =	shalt  }
0x68: {  	_ =	shalt  }
0x69: {  	_ =	shalt  }
0x6a: {  	_ =	shalt  }
0x6b: {  	_ =	shalt  }
0x6c: {  	_ =	shalt  }
0x6d: {  	_ =	shalt  }
0x6e: {  	_ =	shalt  }
0x6f: {  	_ =	shalt  }
0x70: {  	_ =	shalt  }
0x71: {  	_ =	shalt  }
0x72: {  	_ =	shalt  }
0x73: {  	_ =	shalt  }
0x74: {  	_ =	shalt  }
0x75: {  	_ =	shalt  }
0x76: {  	_ =	shalt  }
0x77: {  	_ =	shalt  }
0x78: {  	_ =	shalt  }
0x79: {  	_ =	shalt  }
0x7a: {  	_ =	shalt  }
0x7b: {  	_ =	shalt  }
0x7c: {  	_ =	shalt  }
0x7d: {  	_ =	shalt  }
0x7e: {  	_ =	shalt  }
0x7f: {  	_ =	shalt  }
0x80: {  	_ =	shalt  }
0x81: {  	_ =	shalt  }
0x82: {  	_ =	shalt  }
0x83: {  	_ =	shalt  }
0x84: {  	_ =	shalt  }
0x85: {  	_ =	shalt  }
0x86: {  	_ =	shalt  }
0x87: {  	_ =	shalt  }
.Lfunc_end0:
.L_simem_size_0:
called_computation_lowered:
.L_overlay_start_0:
0x88: {  	s2 =	sld [smem:$0x3FD9]  }
0x89: {  	s3 =	sld [smem:$0x3FFE];
	_ =	sdelay $0x1  }
0x8a: {  	s1 =	srdreg.scid  }
0x8b: {  	s0 =	sand.u32 $0x1, s1  }
0x8c: {  	s17 =	sshll.u32 s0, $0xA;
	s2 =	sadd.s32 s3, s2  }
0x8d: {  	s2 =	sadd.s32 s2, s17  }
0x8e: {  	[smem:$0x3FC2] =	sst s2  }
0x8f: {  	_ = 	snop  }
0x90: {  	s2 =	sld [smem:$0x3FC9]  }
0x91: {  	s18 =	sld [smem:$0x3FC7]  }
0x92: {  	s4 =	sld [smem:$0x3FC6]  }
0x93: {  	s5 =	sld [smem:$0x3FC4];
	(tm) =	ssettm $0x1  }
0x94: {  	s6 =	sld [smem:$0x3FFB];
	_ =	sdelay $0x3  }
0x95: {  	_ =	strace s6  }
0x96: {  	s6 =	sld [smem:$0x3FFC];
	_ =	sdelay $0x3  }
0x97: {  	_ =	strace s6  }
0x98: {  	s6 =	sld [smem:$0x3FFD];
	_ =	sdelay $0x3  }
0x99: {  	_ =	strace s6  }
0x9a: {  	_ =	strace $0x8FFFFFFF  }
0x9b: {  	s19 =	sld [smem:$0x3FDB];
	_ =	sdelay $0x1  }
0x9c: {  	s7 =	simm.s32 $_scs_section_size  }
0x9d: {  	s8 =	simm.s32 $_size__tile_overlayer_lowered;
	s9 =	simm.s32 $_tile_overlayer_lowered  }
0x9e: {  	s22 =	simm.s32 $0x1BFF;
	s21 =	sshll.u32 s9, $0x1;
	s6 =	sadd.s32 s7, s19  }
0x9f: {  	s10 =	simm.s32 $0x0;
	s20 =	sshll.u32 s8, $0x1;
	s8 =	sadd.s32 s21, s6  }
0xa0: {  	[timem:s10], [sflag:s22] =	dma.local [hbm:s8], s20  }
0xa1: {  	_ =	swait.ge [sflag:s22], s20  }
0xa2: {  	s7 =	ssub.s32 $0x0, s20;
	[sflag:s22] =	ssyncset.done $0x0  }
0xa3: {  	[sflag:s22] =	ssyncadd.s32 s7;
	_ =	sdelay $0x1  }
0xa4: {  	s23 =	simm.s32 $0x1B8B  }
0xa5: {  	_ =	swait.ge [sflag:s23], $0x1  }
0xa6: {  	[sflag:s23] =	ssyncset.done $0x0  }
0xa7: {  	s25 =	simm.s32 $0x1B8E;
	s24 =	sld [smem:$0x3FFE];
	[sflag:s23] =	ssyncadd.s32 $0xFFFFFFFF  }
0xa8: {  	s26 =	simm.s32 $execute0_lowered;
	[smem:$0x3FD2] =	sst s25  }
0xa9: {  	s8 =	sshll.u32 s26, $0x1;
	_ =	strace $0x80000046;
	[dreg:$0x1] =	wrdreg $0xFFFFFFFF  }
0xaa: {  	s28 =	simm.s32 $_size_execute0_lowered;
	s6 =	sadd.s32 s6, s8;
	[dreg:$0x0] =	wrdreg $0x0  }
0xab: {  	s8 =	sshll.u32 s28, $0x1;
	[dreg:$0x2] =	wrdreg s6  }
0xac: {  	[dreg:$0x3] =	wrdreg s8  }
0xad: {  	[dreg:$0x4] =	wrdreg $0xC0  }
0xae: {  	_ =	task [dreg:s10], $0x5FFFF  }
0xaf: {  	[dreg:$0x1] =	wrdreg $0xFFFFFFFF  }
0xb0: {  	[dreg:$0x0] =	wrdreg $0x60  }
0xb1: {  	[dreg:$0x2] =	wrdreg s2  }
0xb2: {  	[dreg:$0x3] =	wrdreg s24  }
0xb3: {  	[dreg:$0x4] =	wrdreg s18  }
0xb4: {  	[dreg:$0x5] =	wrdreg s4  }
0xb5: {  	[dreg:$0x6] =	wrdreg s5  }
0xb6: {  	[dreg:$0x7] =	wrdreg $0x9  }
0xb7: {  	_ =	task.clear_ibuf [dreg:s10], $0x8FFFF;
	_ =	strace $0x90000046  }
0xb8: {  	s29 =	simm.s32 $0x9;
	_ =	strace $0x80000048  }
0xb9: {  	_ =	swait.ge [sflag:s29], $0x1  }
0xba: {  	[sflag:s29] =	ssyncadd.s32 $0xFFFFFFFF  }
0xbb: {  	_ =	strace $0x90000048  }
0xbc: {  	_ =	sfence  }
0xbd: {  	s30 =	sld [smem:$0x0];
	_ =	sdelay $0x2  }
0xbe: {  	s31 =	sshll.u32 s1, $0xD;
	s1 =	sshrl.u32 s1, $0x2  }
0xbf: {  	s3 =	sand.u32 $0x4000, s31;
	s1 =	sadd.s32 s1, s30  }
0xc0: {  	s0 =	sor.u32 s3, s0;
	s1 =	sshll.u32 s1, $0x11  }
0xc1: {  	s0 =	sor.u32 s1, s0  }
0xc2: {  	s0 =	sadd.s32 $0x8F2B, s0  }
0xc3: {  	[sflag:s0] =	ssyncadd.remote.s32 $0x1  }
0xc4: {  	_ =	sfence.sel $0xFFFF  }
0xc5: {  	[dreg:$0x0] =	wrdreg $0xFFFFFFFF;
	(pc) =	sbr.abs _section_cstart, $3  }
0xc6: {  	[dreg:$0x1] =	wrdreg $0xFFFFFFFF  }
0xc7: {  	_ =	task.clear_ibuf [dreg:s10], $0x2FFFF;
	_ =	strace $0x9FFFFFFF  }
0xc8: {  	(tm) =	ssettm $0x7FFFFFFF  }
0xc9: {  	_ =	shalt  }
tec
execute0_lowered:
.L_overlay_start_1:
0x0: {  	(tag) =	ssettag $0x1  }
0x1: {  	s0 =	rddreg [dreg:$0x0]  }
0x2: {  	s1 =	rddreg [dreg:$0x1]  }
0x3: {  	s2 =	rddreg [dreg:$0x2]  }
0x4: {  	s3 =	rddreg [dreg:$0x3]  }
0x5: {  	s4 =	srdreg.scid;
	s5 =	rddreg [dreg:$0x4]  }
0x6: {  	s8 =	stileid.u32;
	s12 =	simm.s32 $0x0;
	s14 =	simm.s32 $0x4F00  }
0x7: {  	s17 =	simm.s32 $0x9E80;
	s18 =	simm.s32 $0x1;
	s19 =	simm.s32 $0x2  }
0x8: {  	s20 =	simm.s32 $0x3;
	s21 =	simm.s32 $0x4;
	s22 =	simm.s32 $0x5  }
0x9: {  	s31 =	simm.s32 $0x13E80;
	s28 =	simm.s32 $0x28;
	s13 =	simm.s32 $0x15280  }
0xa: {  	s15 =	simm.s32 $0x16680;
	s16 =	simm.s32 $0x7;
	s4 =	sand.u32 $0x1, s4  }
0xb: {  	[smem:$0x7FF] =	sst s12;
	s6 =	sshll.u32 s4, $0x4;
	s4 =	ssub.s32 $0x2, s4  }
0xc: {  	_ =	strace $0x80000047;
	s6 =	sor.u32 s8, s6;
	s10 =	sshrl.u32 s4, $0x1  }
0xd: {  	s8 =	sshll.u32 s8, $0x4;
	s7 =	smul.u32 $0x4E2, s6;
	s4 =	ssub.s32 s4, s10  }
0xe: {  	s8 =	sand.u32 $0x70, s8;
	s11 =	smul.u32 $0x271, s6;
	s30 =	smax.u32 s4, $0x1  }
0xf: {  	s6 =	sshll.u32 s6, $0x4;
	s2 =	sadd.s32 s2, s7;
	[dreg:$0xd] =	wrdreg s30  }
0x10: {  	s8 =	sadd.s32 s8, s1;
	s24 =	sadd.s32 s1, s11;
	[dreg:$0x9] =	wrdreg s2  }
0x11: {  	s9 =	sadd.s32 s7, s1;
	s29 =	sadd.s32 s5, s11;
	[dreg:$0x8] =	wrdreg s24  }
0x12: {  	s25 =	sand.u32 $0x180, s6;
	s23 =	sadd.s32 $0x13E00, s9;
	[dreg:$0xb] =	wrdreg s29  }
0x13: {  	s6 =	simm.s32 $0x9;
	s9 =	sadd.s32 $0xA000, s9;
	[dreg:$0x6] =	wrdreg s23  }
0x14: {  	s1 =	sadd.s32 s25, s8;
	s26 =	sadd.s32 $0x5000, s24;
	[dreg:$0x7] =	wrdreg s9  }
0x15: {  	s5 =	simm.s32 $0x8;
	s1 =	sadd.s32 $0x1DC00, s1;
	[dreg:$0xa] =	wrdreg s26  }
0x16: {  	s8 =	simm.s32 $0xA;
	s2 =	simm.s32 $0x12A80;
	[dreg:$0xc] =	wrdreg s1  }
0x17: {  	s23 =	simm.s32 $0x6;
	s1 =	simm.s32 $0x11680;
	s9 =	simm.s32 $0x0  }
.LBB2_1:
0x18: {  	[dreg:$0xe] =	wrdreg s9  }
0x19: {  	s4 =	rddreg [dreg:$0x6]  }
0x1a: {  	[tilespmem:s12], [sflag:$0x1] =	stream.linear.gather [hbm4b:s4+s12], $0x2710, $0x38;
	[tilespmem:$0x17B00] =	vst v63  }
0x1b: {  	s11 =	rddreg [dreg:$0x7];
	s7 =	simm.s32 $0x2780  }
0x1c: {  	[tilespmem:s7], [sflag:$0x2] =	stream.linear.gather [hbm4b:s11+s12], $0x2710, $0x38;
	[tilespmem:$0x17B00] =	vst v63  }
0x1d: {  	s24 =	rddreg [dreg:$0x9]  }
0x1e: {  	[tilespmem:s14], [sflag:$0x3] =	stream.linear.gather [hbm4b:s24+s12], $0x2710, $0x38;
	[tilespmem:$0x17B00] =	vst v63  }
0x1f: {  	s25 =	rddreg [dreg:$0xa];
	s26 =	simm.s32 $0x7680  }
0x20: {  	[tilespmem:s26], [sflag:$0x4] =	stream.linear.gather [hbm4b:s25+s12], $0x1388, $0x38;
	[tilespmem:$0x17B00] =	vst v63  }
0x21: {  	s29 =	rddreg [dreg:$0x8];
	s30 =	simm.s32 $0x8A80  }
0x22: {  	[tilespmem:s30], [sflag:$0x5] =	stream.linear.gather [hbm4b:s29+s12], $0x1388, $0x38;
	[tilespmem:$0x17B00] =	vst v63  }
0x23: {  	s9 =	rddreg [dreg:$0xb]  }
0x24: {  	[tilespmem:s17], [sflag:$0x6] =	stream.linear.gather [hbm4b:s9+s12], $0x1388, $0x38;
	[tilespmem:$0x17B00] =	vst v63  }
0x25: {  	_ =	swait.ge [sflag:s18], $0x2710  }
0x26: {  	[sflag:s18] =	ssyncset.done $0x0  }
0x27: {  	[sflag:s18] =	ssyncadd.s32 $0xFFFFD8F0  }
0x28: {  	_ =	swait.ge [sflag:s19], $0x2710  }
0x29: {  	[sflag:s19] =	ssyncset.done $0x0  }
0x2a: {  	[sflag:s19] =	ssyncadd.s32 $0xFFFFD8F0  }
0x2b: {  	_ =	swait.ge [sflag:s20], $0x2710  }
0x2c: {  	[sflag:s20] =	ssyncset.done $0x0  }
0x2d: {  	[sflag:s20] =	ssyncadd.s32 $0xFFFFD8F0  }
0x2e: {  	_ =	swait.ge [sflag:s21], $0x1388  }
0x2f: {  	[sflag:s21] =	ssyncset.done $0x0  }
0x30: {  	[sflag:s21] =	ssyncadd.s32 $0xFFFFEC78  }
0x31: {  	_ =	swait.ge [sflag:s22], $0x1388  }
0x32: {  	[sflag:s22] =	ssyncset.done $0x0  }
0x33: {  	[sflag:s22] =	ssyncadd.s32 $0xFFFFEC78  }
0x34: {  	_ =	swait.ge [sflag:s23], $0x1388  }
0x35: {  	[sflag:s23] =	ssyncset.done $0x0  }
0x36: {  	s10 =	simm.s32 $0xB280;
	[sflag:s23] =	ssyncadd.s32 $0xFFFFEC78  }
0x37: {  	[tilespmem:s10], [sflag:$0x1] =	stream.indirect.gather [hbm4b:s0+s28], $0x80, s12, s28, $0xb8;
	[tilespmem:$0x17B00] =	vst v63  }
0x38: {  	s11 =	simm.s32 $0xC680  }
0x39: {  	[tilespmem:s11], [sflag:$0x2] =	stream.indirect.gather [hbm4b:s0+s28], $0x80, s7, s28, $0xb8;
	[tilespmem:$0x17B00] =	vst v63  }
0x3a: {  	s12 =	simm.s32 $0xDA80  }
0x3b: {  	[tilespmem:s12], [sflag:$0x3] =	stream.indirect.gather [hbm4b:s0+s28], $0x80, s28, s28, $0xb8;
	[tilespmem:$0x17B00] =	vst v63  }
0x3c: {  	s24 =	simm.s32 $0x27A8;
	s25 =	simm.s32 $0xEE80  }
0x3d: {  	[tilespmem:s25], [sflag:$0x4] =	stream.indirect.gather [hbm4b:s0+s28], $0x80, s24, s28, $0xb8;
	[tilespmem:$0x17B00] =	vst v63  }
0x3e: {  	s26 =	simm.s32 $0x10280;
	s11 =	simm.s32 $0x50  }
0x3f: {  	[tilespmem:s26], [sflag:$0x5] =	stream.indirect.gather [hbm4b:s0+s28], $0x80, s11, s28, $0xb8;
	[tilespmem:$0x17B00] =	vst v63  }
0x40: {  	s29 =	simm.s32 $0x27D0  }
0x41: {  	[tilespmem:s1], [sflag:$0x6] =	stream.indirect.gather [hbm4b:s0+s28], $0x80, s29, s28, $0xb8;
	[tilespmem:$0x17B00] =	vst v63  }
0x42: {  	s4 =	simm.s32 $0x0;
	s30 =	simm.s32 $0x27F8;
	s12 =	simm.s32 $0x78  }
0x43: {  	[tilespmem:s2], [sflag:$0x7] =	stream.indirect.gather [hbm4b:s0+s28], $0x80, s12, s28, $0xb8;
	[tilespmem:$0x17B00] =	vst v63  }
0x44: {  	s9 =	simm.s32 $0x28;
	s10 =	simm.s32 $0x0;
	s7 =	simm.s32 $0xA0  }
0x45: {  	v1 =	vimm.f32 $0.0e+00;
	[tilespmem:s31], [sflag:$0x8] =	stream.indirect.gather [hbm4b:s0+s28], $0x80, s30, s28, $0xb8;
	[tilespmem:$0x17B00] =	vst v63  }
.LBB2_2:
0x46: {  	s24 =	smul.u32 $0xC8, s10;
	_ =	sdelay $0x1  }
0x47: {  	s25 =	sadd.s32 $0xA0, s24  }
0x48: {  	[tilespmem:s13], [sflag:$0x9] =	stream.indirect.gather [hbm4b:s0+s28], $0x80, s25, s28, $0xb8;
	[tilespmem:$0x17B00] =	vst v63  }
0x49: {  	s30 =	sadd.s32 $0x2820, s24  }
0x4a: {  	[tilespmem:s15], [sflag:$0xA] =	stream.indirect.gather [hbm4b:s0+s28], $0x80, s30, s28, $0xb8;
	[tilespmem:$0x17B00] =	vst v63  }
0x4b: {  	_ =	swait.ge [sflag:s18], $0x1400  }
0x4c: {  	[sflag:s18] =	ssyncset.done $0x0  }
0x4d: {  	[sflag:s18] =	ssyncadd.s32 $0xFFFFEC00  }
0x4e: {  	_ =	swait.ge [sflag:s19], $0x1400  }
0x4f: {  	[sflag:s19] =	ssyncset.done $0x0  }
0x50: {  	v0 =	vmov s4;
	s30 =	simm.s32 $0x0;
	[sflag:s19] =	ssyncadd.s32 $0xFFFFEC00  }
0x51: {  	v3 =	vld [tilespmem:s30+$0xB2B0]  }
0x52: {  	v2 =	vld [tilespmem:s30+$0xB290]  }
0x53: {  	v4 =	vld [tilespmem:s30+$0xB280]  }
0x54: {  	v5 =	vld [tilespmem:s30+$0xC680]  }
0x55: {  	v0 =	vld.idx.msk [tilespmem:v0+s14+$0x0], $0xffff  }
0x56: {  	v6 =	vld [tilespmem:s30+$0xC690]  }
0x57: {  	v7 =	vld [tilespmem:s30+$0xB2A0]  }
0x58: {  	v8 =	vld [tilespmem:s30+$0xC6A0]  }
0x59: {  	v4 =	vsub.f32 v4, v5;
	v5 =	vld [tilespmem:s30+$0xC6B0]  }
0x5a: {  	v9 =	vld [tilespmem:s30+$0xB2C0]  }
0x5b: {  	v10 =	vld [tilespmem:s30+$0xC6C0];
	v0 =	vmul.f32 $1.562499960e-06, v0;
	v6 =	vsub.f32 v2, v6;
	v4 =	vmul.f32 v4, v4  }
0x5c: {  	v2 =	vld [tilespmem:s30+$0xB2D0]  }
0x5d: {  	v7 =	vsub.f32 v7, v8;
	v6 =	vmul.f32 v6, v6;
	v11 =	vmul.f32 v4, v0;
	v4 =	vld [tilespmem:s30+$0xC6D0]  }
0x5e: {  	v12 =	vsub.f32 v3, v5;
	v3 =	vld [tilespmem:s30+$0xB2E0]  }
0x5f: {  	s26 =	sadd.s32 $0x1, s4;
	v13 =	vmul.f32 v7, v7;
	v6 =	vmul.f32 v6, v0;
	v5 =	vld [tilespmem:s30+$0xC6E0];
	v11 =	vadd.f32 v11, v1  }
0x60: {  	v8 =	vsub.f32 v9, v10;
	v7 =	vmov s26;
	v1 =	vld [tilespmem:s30+$0xB2F0]  }
0x61: {  	s29 =	simm.s32 $0x400;
	s25 =	simm.s32 $0x80;
	v10 =	vmul.f32 v13, v0;
	v9 =	vadd.f32 v6, v11;
	v11 =	vmul.f32 v12, v12;
	v6 =	vld [tilespmem:s30+$0xC6F0]  }
.LBB2_3:
0x62: {  	p0 =	sne.s32 s29, $0x4E00;
	v12 =	vld [tilespmem:s25+$0xB2B0];
	v2 =	vsub.f32 v2, v4  }
0x63: {  	v8 =	vmul.f32 v8, v8;
	v4 =	vld [tilespmem:s25+$0xB290];
	v9 =	vadd.f32 v10, v9;
	v10 =	vmul.f32 v11, v0  }
0x64: {  	v11 =	vld [tilespmem:s25+$0xB280];
	v3 =	vsub.f32 v3, v5  }
0x65: {  	v8 =	vmul.f32 v8, v0;
	v2 =	vmul.f32 v2, v2;
	v5 =	vld [tilespmem:s25+$0xC680];
	v9 =	vadd.f32 v10, v9  }
0x66: {  	v7 =	vld.idx.msk [tilespmem:v7+s14+$0x0], $0xffff;
	v1 =	vsub.f32 v1, v6  }
0x67: {  	v2 =	vmul.f32 v2, v0;
	v3 =	vmul.f32 v3, v3;
	v6 =	vld [tilespmem:s25+$0xC690];
	v8 =	vadd.f32 v8, v9  }
0x68: {  	v9 =	vld [tilespmem:s25+$0xB2A0]  }
0x69: {  	v3 =	vmul.f32 v3, v0;
	v1 =	vmul.f32 v1, v1;
	v10 =	vld [tilespmem:s25+$0xC6A0];
	v2 =	vadd.f32 v2, v8  }
0x6a: {  	v5 =	vsub.f32 v11, v5;
	v8 =	vld [tilespmem:s25+$0xC6B0]  }
0x6b: {  	v1 =	vmul.f32 v1, v0;
	v11 =	vld [tilespmem:s25+$0xB2C0];
	v3 =	vadd.f32 v3, v2  }
0x6c: {  	v0 =	vmul.f32 $1.562499960e-06, v7;
	v5 =	vmul.f32 v5, v5;
	v4 =	vsub.f32 v4, v6;
	v6 =	vld [tilespmem:s25+$0xC6C0]  }
0x6d: {  	v2 =	vld [tilespmem:s25+$0xB2D0];
	v1 =	vadd.f32 v1, v3  }
.Ltmp0:
0x6e: {  	v5 =	vmul.f32 v5, v0;
	v7 =	vmul.f32 v4, v4;
	v9 =	vsub.f32 v9, v10;
	v4 =	vld [tilespmem:s25+$0xC6D0];
	(pc) =	sbr.rel @p0 .LBB2_3-.Ltmp0, $4  }
0x6f: {  	v12 =	vsub.f32 v12, v8;
	v3 =	vld [tilespmem:s25+$0xB2E0]  }
0x70: {  	s26 =	sadd.s32 $0x1, s26;
	v10 =	vadd.f32 v5, v1;
	v13 =	vmul.f32 v7, v0;
	v14 =	vmul.f32 v9, v9;
	v5 =	vld [tilespmem:s25+$0xC6E0]  }
0x71: {  	v7 =	vmov s26;
	v8 =	vsub.f32 v11, v6;
	v1 =	vld [tilespmem:s25+$0xB2F0]  }
0x72: {  	v11 =	vmul.f32 v12, v12;
	v9 =	vadd.f32 v13, v10;
	v10 =	vmul.f32 v14, v0;
	v6 =	vld [tilespmem:s25+$0xC6F0];
	s25 =	sshra.s32 s29, $0x2;
	s29 =	sadd.s32 $0x200, s29  }
0x73: {  	v12 =	vld [tilespmem:s25+$0xB2B0]  }
0x74: {  	v13 =	vld [tilespmem:s25+$0xB290]  }
0x75: {  	v14 =	vld [tilespmem:s25+$0xB280]  }
0x76: {  	v15 =	vld [tilespmem:s25+$0xC680]  }
0x77: {  	v7 =	vld.idx.msk [tilespmem:v7+s14+$0x0], $0xffff  }
0x78: {  	v16 =	vld [tilespmem:s25+$0xC690]  }
0x79: {  	v17 =	vld [tilespmem:s25+$0xB2A0]  }
0x7a: {  	v18 =	vld [tilespmem:s25+$0xC6A0]  }
0x7b: {  	v2 =	vsub.f32 v2, v4;
	v4 =	vld [tilespmem:s25+$0xC6B0]  }
0x7c: {  	v8 =	vmul.f32 v8, v8;
	v19 =	vld [tilespmem:s25+$0xC6E0];
	v9 =	vadd.f32 v10, v9;
	v10 =	vmul.f32 v11, v0  }
0x7d: {  	v61 =	vld [tilespmem:s25+$0xC6F0];
	v3 =	vsub.f32 v3, v5  }
0x7e: {  	v11 =	vld [tilespmem:s25+$0xB2C0];
	v8 =	vmul.f32 v8, v0;
	v2 =	vmul.f32 v2, v2;
	v9 =	vadd.f32 v10, v9  }
0x7f: {  	v5 =	vld [tilespmem:s25+$0xC6C0];
	v1 =	vsub.f32 v1, v6  }
0x80: {  	v10 =	vld [tilespmem:s25+$0xB2D0];
	v2 =	vmul.f32 v2, v0;
	v3 =	vmul.f32 v3, v3;
	v8 =	vadd.f32 v8, v9  }
0x81: {  	v6 =	vld [tilespmem:s25+$0xC6D0];
	v1 =	vmul.f32 v1, v1  }
0x82: {  	s30 =	sadd.s32 $0xC8, s24;
	s26 =	simm.s32 $0xB280;
	v9 =	vld [tilespmem:s25+$0xB2E0];
	v14 =	vsub.f32 v14, v15;
	v3 =	vmul.f32 v3, v0;
	v2 =	vadd.f32 v2, v8  }
0x83: {  	v8 =	vld [tilespmem:s25+$0xB2F0];
	[tilespmem:s26], [sflag:$0x1] =	stream.indirect.gather [hbm4b:s0+s28], $0x80, s30, s28, $0xb8;
	v0 =	vmul.f32 v1, v0;
	v1 =	vsub.f32 v13, v16  }
0x84: {  	s26 =	sadd.s32 $0x2848, s24;
	s30 =	simm.s32 $0xC680;
	v2 =	vadd.f32 v3, v2;
	v3 =	vmul.f32 $1.562499960e-06, v7;
	v7 =	vmul.f32 v14, v14  }
0x85: {  	[tilespmem:s30], [sflag:$0x2] =	stream.indirect.gather [hbm4b:s0+s28], $0x80, s26, s28, $0xb8;
	[tilespmem:$0x17B00] =	vst v63  }
0x86: {  	v1 =	vmul.f32 v1, v1;
	_ =	swait.ge [sflag:s20], $0x1400;
	v0 =	vadd.f32 v0, v2;
	v2 =	vmul.f32 v7, v3  }
0x87: {  	v7 =	vsub.f32 v17, v18;
	[sflag:s20] =	ssyncset.done $0x0  }
0x88: {  	v1 =	vmul.f32 v1, v3;
	[sflag:s20] =	ssyncadd.s32 $0xFFFFEC00;
	v0 =	vadd.f32 v2, v0  }
0x89: {  	v2 =	vsub.f32 v12, v4;
	v4 =	vmul.f32 v7, v7;
	_ =	swait.ge [sflag:s21], $0x1400  }
0x8a: {  	v5 =	vsub.f32 v11, v5;
	[sflag:s21] =	ssyncset.done $0x0;
	v0 =	vadd.f32 v1, v0  }
0x8b: {  	s30 =	simm.s32 $0x0;
	v1 =	vmul.f32 v4, v3;
	v2 =	vmul.f32 v2, v2;
	[sflag:s21] =	ssyncadd.s32 $0xFFFFEC00;
	v4 =	vmov s9  }
0x8c: {  	v6 =	vsub.f32 v10, v6;
	v7 =	vld [tilespmem:s30+$0xDAB0]  }
0x8d: {  	v10 =	vld [tilespmem:s30+$0xDA80];
	v0 =	vadd.f32 v1, v0;
	v1 =	vmul.f32 v2, v3;
	v2 =	vmul.f32 v5, v5  }
0x8e: {  	v9 =	vsub.f32 v9, v19;
	v5 =	vld [tilespmem:s30+$0xDA90]  }
0x8f: {  	v0 =	vadd.f32 v1, v0;
	v1 =	vmul.f32 v2, v3;
	v2 =	vmul.f32 v6, v6;
	v6 =	vld [tilespmem:s30+$0xEE80]  }
0x90: {  	v8 =	vsub.f32 v8, v61;
	v4 =	vld.idx.msk [tilespmem:v4+s14+$0x0], $0xffff  }
0x91: {  	v0 =	vadd.f32 v1, v0;
	v1 =	vmul.f32 v2, v3;
	v2 =	vmul.f32 v9, v9;
	v9 =	vld [tilespmem:s30+$0xEE90]  }
0x92: {  	v11 =	vld [tilespmem:s30+$0xDAA0]  }
0x93: {  	v0 =	vadd.f32 v1, v0;
	v1 =	vmul.f32 v2, v3;
	v2 =	vmul.f32 v8, v8;
	v8 =	vld [tilespmem:s30+$0xEEA0]  }
0x94: {  	v6 =	vsub.f32 v10, v6;
	v10 =	vld [tilespmem:s30+$0xEEB0]  }
0x95: {  	v1 =	vadd.f32 v1, v0;
	v2 =	vmul.f32 v2, v3;
	v3 =	vld [tilespmem:s30+$0xDAC0]  }
0x96: {  	v0 =	vmul.f32 $1.562499960e-06, v4;
	v4 =	vmul.f32 v6, v6;
	v5 =	vsub.f32 v5, v9;
	v6 =	vld [tilespmem:s30+$0xEEC0]  }
0x97: {  	v9 =	vadd.f32 v2, v1;
	v1 =	vld [tilespmem:s30+$0xDAD0]  }
0x98: {  	v62 =	vmul.f32 v4, v0;
	v5 =	vmul.f32 v5, v5;
	v8 =	vsub.f32 v11, v8;
	v4 =	vld [tilespmem:s30+$0xEED0]  }
0x99: {  	v2 =	vld [tilespmem:s30+$0xDAE0];
	v11 =	vsub.f32 v7, v10  }
0x9a: {  	s26 =	sadd.s32 $0x1, s9;
	v9 =	vadd.f32 v62, v9;
	v10 =	vmul.f32 v5, v0;
	v63 =	vmul.f32 v8, v8;
	v5 =	vld [tilespmem:s30+$0xEEE0]  }
0x9b: {  	v7 =	vmov s26;
	v8 =	vsub.f32 v3, v6;
	v3 =	vld [tilespmem:s30+$0xDAF0]  }
0x9c: {  	s29 =	simm.s32 $0x400;
	s25 =	simm.s32 $0x80;
	v11 =	vmul.f32 v11, v11;
	v6 =	vld [tilespmem:s30+$0xEEF0];
	v9 =	vadd.f32 v10, v9;
	v10 =	vmul.f32 v63, v0  }
.LBB2_5:
0x9d: {  	p0 =	sne.s32 s29, $0x4E00;
	v12 =	vld [tilespmem:s25+$0xDAB0];
	v1 =	vsub.f32 v1, v4  }
0x9e: {  	v8 =	vmul.f32 v8, v8;
	v4 =	vld [tilespmem:s25+$0xDA90];
	v9 =	vadd.f32 v10, v9;
	v10 =	vmul.f32 v11, v0  }
0x9f: {  	v11 =	vld [tilespmem:s25+$0xDA80];
	v2 =	vsub.f32 v2, v5  }
0xa0: {  	v8 =	vmul.f32 v8, v0;
	v1 =	vmul.f32 v1, v1;
	v5 =	vld [tilespmem:s25+$0xEE80];
	v9 =	vadd.f32 v10, v9  }
0xa1: {  	v7 =	vld.idx.msk [tilespmem:v7+s14+$0x0], $0xffff;
	v3 =	vsub.f32 v3, v6  }
0xa2: {  	v1 =	vmul.f32 v1, v0;
	v2 =	vmul.f32 v2, v2;
	v6 =	vld [tilespmem:s25+$0xEE90];
	v8 =	vadd.f32 v8, v9  }
0xa3: {  	v9 =	vld [tilespmem:s25+$0xDAA0]  }
0xa4: {  	v2 =	vmul.f32 v2, v0;
	v3 =	vmul.f32 v3, v3;
	v10 =	vld [tilespmem:s25+$0xEEA0];
	v1 =	vadd.f32 v1, v8  }
0xa5: {  	v5 =	vsub.f32 v11, v5;
	v8 =	vld [tilespmem:s25+$0xEEB0]  }
0xa6: {  	v3 =	vmul.f32 v3, v0;
	v11 =	vld [tilespmem:s25+$0xDAC0];
	v2 =	vadd.f32 v2, v1  }
0xa7: {  	v0 =	vmul.f32 $1.562499960e-06, v7;
	v5 =	vmul.f32 v5, v5;
	v4 =	vsub.f32 v4, v6;
	v6 =	vld [tilespmem:s25+$0xEEC0]  }
0xa8: {  	v1 =	vld [tilespmem:s25+$0xDAD0];
	v3 =	vadd.f32 v3, v2  }
.Ltmp1:
0xa9: {  	v5 =	vmul.f32 v5, v0;
	v7 =	vmul.f32 v4, v4;
	v9 =	vsub.f32 v9, v10;
	v4 =	vld [tilespmem:s25+$0xEED0];
	(pc) =	sbr.rel @p0 .LBB2_5-.Ltmp1, $4  }
0xaa: {  	v12 =	vsub.f32 v12, v8;
	v2 =	vld [tilespmem:s25+$0xDAE0]  }
0xab: {  	s26 =	sadd.s32 $0x1, s26;
	v10 =	vadd.f32 v5, v3;
	v13 =	vmul.f32 v7, v0;
	v14 =	vmul.f32 v9, v9;
	v5 =	vld [tilespmem:s25+$0xEEE0]  }
0xac: {  	v7 =	vmov s26;
	v8 =	vsub.f32 v11, v6;
	v3 =	vld [tilespmem:s25+$0xDAF0]  }
0xad: {  	v11 =	vmul.f32 v12, v12;
	v9 =	vadd.f32 v13, v10;
	v10 =	vmul.f32 v14, v0;
	v6 =	vld [tilespmem:s25+$0xEEF0];
	s25 =	sshra.s32 s29, $0x2;
	s29 =	sadd.s32 $0x200, s29  }
0xae: {  	v12 =	vld [tilespmem:s25+$0xDAB0]  }
0xaf: {  	v13 =	vld [tilespmem:s25+$0xDA90]  }
0xb0: {  	v14 =	vld [tilespmem:s25+$0xDA80]  }
0xb1: {  	v15 =	vld [tilespmem:s25+$0xEE80]  }
0xb2: {  	v7 =	vld.idx.msk [tilespmem:v7+s14+$0x0], $0xffff  }
0xb3: {  	v16 =	vld [tilespmem:s25+$0xEE90]  }
0xb4: {  	v17 =	vld [tilespmem:s25+$0xDAA0]  }
0xb5: {  	v18 =	vld [tilespmem:s25+$0xEEA0]  }
0xb6: {  	v1 =	vsub.f32 v1, v4;
	v4 =	vld [tilespmem:s25+$0xEEB0]  }
0xb7: {  	v8 =	vmul.f32 v8, v8;
	v19 =	vld [tilespmem:s25+$0xEEE0];
	v9 =	vadd.f32 v10, v9;
	v10 =	vmul.f32 v11, v0  }
0xb8: {  	v61 =	vld [tilespmem:s25+$0xEEF0];
	v2 =	vsub.f32 v2, v5  }
0xb9: {  	v11 =	vld [tilespmem:s25+$0xDAC0];
	v8 =	vmul.f32 v8, v0;
	v1 =	vmul.f32 v1, v1;
	v9 =	vadd.f32 v10, v9  }
0xba: {  	v5 =	vld [tilespmem:s25+$0xEEC0];
	v3 =	vsub.f32 v3, v6  }
0xbb: {  	v10 =	vld [tilespmem:s25+$0xDAD0];
	v1 =	vmul.f32 v1, v0;
	v2 =	vmul.f32 v2, v2;
	v8 =	vadd.f32 v8, v9  }
0xbc: {  	v6 =	vld [tilespmem:s25+$0xEED0];
	v3 =	vmul.f32 v3, v3  }
0xbd: {  	s30 =	sadd.s32 $0xF0, s24;
	s26 =	simm.s32 $0xDA80;
	v9 =	vld [tilespmem:s25+$0xDAE0];
	v14 =	vsub.f32 v14, v15;
	v2 =	vmul.f32 v2, v0;
	v1 =	vadd.f32 v1, v8  }
0xbe: {  	v8 =	vld [tilespmem:s25+$0xDAF0];
	[tilespmem:s26], [sflag:$0x3] =	stream.indirect.gather [hbm4b:s0+s28], $0x80, s30, s28, $0xb8;
	v0 =	vmul.f32 v3, v0;
	v3 =	vmul.f32 $1.562499960e-06, v7  }
0xbf: {  	s26 =	sadd.s32 $0x2870, s24;
	s30 =	simm.s32 $0xEE80;
	v7 =	vmul.f32 v14, v14;
	v1 =	vadd.f32 v2, v1;
	v2 =	vsub.f32 v13, v16  }
0xc0: {  	[tilespmem:s30], [sflag:$0x4] =	stream.indirect.gather [hbm4b:s0+s28], $0x80, s26, s28, $0xb8;
	[tilespmem:$0x17B00] =	vst v63  }
0xc1: {  	_ =	swait.ge [sflag:s22], $0x1400;
	v0 =	vadd.f32 v0, v1;
	v1 =	vmul.f32 v7, v3;
	v2 =	vmul.f32 v2, v2  }
0xc2: {  	v7 =	vsub.f32 v17, v18;
	[sflag:s22] =	ssyncset.done $0x0  }
0xc3: {  	[sflag:s22] =	ssyncadd.s32 $0xFFFFEC00;
	v0 =	vadd.f32 v1, v0;
	v1 =	vmul.f32 v2, v3  }
0xc4: {  	v2 =	vsub.f32 v12, v4;
	v4 =	vmul.f32 v7, v7;
	_ =	swait.ge [sflag:s23], $0x1400  }
0xc5: {  	v5 =	vsub.f32 v11, v5;
	[sflag:s23] =	ssyncset.done $0x0;
	v0 =	vadd.f32 v1, v0  }
0xc6: {  	s30 =	simm.s32 $0x0;
	v1 =	vmul.f32 v4, v3;
	v2 =	vmul.f32 v2, v2;
	[sflag:s23] =	ssyncadd.s32 $0xFFFFEC00;
	v4 =	vmov s11  }
0xc7: {  	v6 =	vsub.f32 v10, v6;
	v7 =	vld [tilespmem:s30+$0x102B0]  }
0xc8: {  	v10 =	vld [tilespmem:s30+$0x10280];
	v0 =	vadd.f32 v1, v0;
	v1 =	vmul.f32 v2, v3;
	v2 =	vmul.f32 v5, v5  }
0xc9: {  	v9 =	vsub.f32 v9, v19;
	v5 =	vld [tilespmem:s30+$0x10290]  }
0xca: {  	v0 =	vadd.f32 v1, v0;
	v1 =	vmul.f32 v2, v3;
	v2 =	vmul.f32 v6, v6;
	v6 =	vld [tilespmem:s30+$0x11680]  }
0xcb: {  	v8 =	vsub.f32 v8, v61;
	v4 =	vld.idx.msk [tilespmem:v4+s14+$0x0], $0xffff  }
0xcc: {  	v0 =	vadd.f32 v1, v0;
	v1 =	vmul.f32 v2, v3;
	v2 =	vmul.f32 v9, v9;
	v9 =	vld [tilespmem:s30+$0x11690]  }
0xcd: {  	v11 =	vld [tilespmem:s30+$0x102A0]  }
0xce: {  	v0 =	vadd.f32 v1, v0;
	v1 =	vmul.f32 v2, v3;
	v2 =	vmul.f32 v8, v8;
	v8 =	vld [tilespmem:s30+$0x116A0]  }
0xcf: {  	v6 =	vsub.f32 v10, v6;
	v10 =	vld [tilespmem:s30+$0x116B0]  }
0xd0: {  	v1 =	vadd.f32 v1, v0;
	v2 =	vmul.f32 v2, v3;
	v3 =	vld [tilespmem:s30+$0x102C0]  }
0xd1: {  	v0 =	vmul.f32 $1.562499960e-06, v4;
	v4 =	vmul.f32 v6, v6;
	v5 =	vsub.f32 v5, v9;
	v6 =	vld [tilespmem:s30+$0x116C0]  }
0xd2: {  	v9 =	vadd.f32 v2, v1;
	v1 =	vld [tilespmem:s30+$0x102D0]  }
0xd3: {  	v62 =	vmul.f32 v4, v0;
	v5 =	vmul.f32 v5, v5;
	v8 =	vsub.f32 v11, v8;
	v4 =	vld [tilespmem:s30+$0x116D0]  }
0xd4: {  	v2 =	vld [tilespmem:s30+$0x102E0];
	v11 =	vsub.f32 v7, v10  }
0xd5: {  	s26 =	sadd.s32 $0x1, s11;
	v9 =	vadd.f32 v62, v9;
	v10 =	vmul.f32 v5, v0;
	v63 =	vmul.f32 v8, v8;
	v5 =	vld [tilespmem:s30+$0x116E0]  }
0xd6: {  	v7 =	vmov s26;
	v8 =	vsub.f32 v3, v6;
	v3 =	vld [tilespmem:s30+$0x102F0]  }
0xd7: {  	s29 =	simm.s32 $0x400;
	s25 =	simm.s32 $0x80;
	v11 =	vmul.f32 v11, v11;
	v6 =	vld [tilespmem:s30+$0x116F0];
	v9 =	vadd.f32 v10, v9;
	v10 =	vmul.f32 v63, v0  }
.LBB2_7:
0xd8: {  	p0 =	sne.s32 s29, $0x4E00;
	v12 =	vld [tilespmem:s25+$0x102B0];
	v1 =	vsub.f32 v1, v4  }
0xd9: {  	v8 =	vmul.f32 v8, v8;
	v4 =	vld [tilespmem:s25+$0x10290];
	v9 =	vadd.f32 v10, v9;
	v10 =	vmul.f32 v11, v0  }
0xda: {  	v11 =	vld [tilespmem:s25+$0x10280];
	v2 =	vsub.f32 v2, v5  }
0xdb: {  	v8 =	vmul.f32 v8, v0;
	v1 =	vmul.f32 v1, v1;
	v5 =	vld [tilespmem:s25+$0x11680];
	v9 =	vadd.f32 v10, v9  }
0xdc: {  	v7 =	vld.idx.msk [tilespmem:v7+s14+$0x0], $0xffff;
	v3 =	vsub.f32 v3, v6  }
0xdd: {  	v1 =	vmul.f32 v1, v0;
	v2 =	vmul.f32 v2, v2;
	v6 =	vld [tilespmem:s25+$0x11690];
	v8 =	vadd.f32 v8, v9  }
0xde: {  	v9 =	vld [tilespmem:s25+$0x102A0]  }
0xdf: {  	v2 =	vmul.f32 v2, v0;
	v3 =	vmul.f32 v3, v3;
	v10 =	vld [tilespmem:s25+$0x116A0];
	v1 =	vadd.f32 v1, v8  }
0xe0: {  	v5 =	vsub.f32 v11, v5;
	v8 =	vld [tilespmem:s25+$0x116B0]  }
0xe1: {  	v3 =	vmul.f32 v3, v0;
	v11 =	vld [tilespmem:s25+$0x102C0];
	v2 =	vadd.f32 v2, v1  }
0xe2: {  	v0 =	vmul.f32 $1.562499960e-06, v7;
	v5 =	vmul.f32 v5, v5;
	v4 =	vsub.f32 v4, v6;
	v6 =	vld [tilespmem:s25+$0x116C0]  }
0xe3: {  	v1 =	vld [tilespmem:s25+$0x102D0];
	v3 =	vadd.f32 v3, v2  }
.Ltmp2:
0xe4: {  	v5 =	vmul.f32 v5, v0;
	v7 =	vmul.f32 v4, v4;
	v9 =	vsub.f32 v9, v10;
	v4 =	vld [tilespmem:s25+$0x116D0];
	(pc) =	sbr.rel @p0 .LBB2_7-.Ltmp2, $4  }
0xe5: {  	v12 =	vsub.f32 v12, v8;
	v2 =	vld [tilespmem:s25+$0x102E0]  }
0xe6: {  	s26 =	sadd.s32 $0x1, s26;
	v10 =	vadd.f32 v5, v3;
	v13 =	vmul.f32 v7, v0;
	v14 =	vmul.f32 v9, v9;
	v5 =	vld [tilespmem:s25+$0x116E0]  }
0xe7: {  	v7 =	vmov s26;
	v8 =	vsub.f32 v11, v6;
	v3 =	vld [tilespmem:s25+$0x102F0]  }
0xe8: {  	v11 =	vmul.f32 v12, v12;
	v9 =	vadd.f32 v13, v10;
	v10 =	vmul.f32 v14, v0;
	v6 =	vld [tilespmem:s25+$0x116F0];
	s25 =	sshra.s32 s29, $0x2;
	s29 =	sadd.s32 $0x200, s29  }
0xe9: {  	v12 =	vld [tilespmem:s25+$0x102B0]  }
0xea: {  	v13 =	vld [tilespmem:s25+$0x10290]  }
0xeb: {  	v14 =	vld [tilespmem:s25+$0x10280]  }
0xec: {  	v15 =	vld [tilespmem:s25+$0x11680]  }
0xed: {  	v7 =	vld.idx.msk [tilespmem:v7+s14+$0x0], $0xffff  }
0xee: {  	v16 =	vld [tilespmem:s25+$0x11690]  }
0xef: {  	v17 =	vld [tilespmem:s25+$0x102A0]  }
0xf0: {  	v18 =	vld [tilespmem:s25+$0x116A0]  }
0xf1: {  	v1 =	vsub.f32 v1, v4;
	v4 =	vld [tilespmem:s25+$0x116B0]  }
0xf2: {  	v8 =	vmul.f32 v8, v8;
	v19 =	vld [tilespmem:s25+$0x116E0];
	v9 =	vadd.f32 v10, v9;
	v10 =	vmul.f32 v11, v0  }
0xf3: {  	v61 =	vld [tilespmem:s25+$0x116F0];
	v2 =	vsub.f32 v2, v5  }
0xf4: {  	v11 =	vld [tilespmem:s25+$0x102C0];
	v8 =	vmul.f32 v8, v0;
	v1 =	vmul.f32 v1, v1;
	v9 =	vadd.f32 v10, v9  }
0xf5: {  	v5 =	vld [tilespmem:s25+$0x116C0];
	v3 =	vsub.f32 v3, v6  }
0xf6: {  	v10 =	vld [tilespmem:s25+$0x102D0];
	v1 =	vmul.f32 v1, v0;
	v2 =	vmul.f32 v2, v2;
	v8 =	vadd.f32 v8, v9  }
0xf7: {  	v6 =	vld [tilespmem:s25+$0x116D0];
	v3 =	vmul.f32 v3, v3  }
0xf8: {  	s30 =	sadd.s32 $0x118, s24;
	s26 =	simm.s32 $0x10280;
	v9 =	vld [tilespmem:s25+$0x102E0];
	v14 =	vsub.f32 v14, v15;
	v2 =	vmul.f32 v2, v0;
	v1 =	vadd.f32 v1, v8  }
0xf9: {  	v8 =	vld [tilespmem:s25+$0x102F0];
	[tilespmem:s26], [sflag:$0x5] =	stream.indirect.gather [hbm4b:s0+s28], $0x80, s30, s28, $0xb8;
	v0 =	vmul.f32 v3, v0;
	v3 =	vmul.f32 $1.562499960e-06, v7  }
0xfa: {  	s30 =	sadd.s32 $0x2898, s24;
	v7 =	vmul.f32 v14, v14;
	v1 =	vadd.f32 v2, v1;
	v2 =	vsub.f32 v13, v16  }
0xfb: {  	[tilespmem:s1], [sflag:$0x6] =	stream.indirect.gather [hbm4b:s0+s28], $0x80, s30, s28, $0xb8;
	[tilespmem:$0x17B00] =	vst v63  }
0xfc: {  	_ =	swait.ge [sflag:s16], $0x1400;
	v0 =	vadd.f32 v0, v1;
	v1 =	vmul.f32 v7, v3;
	v2 =	vmul.f32 v2, v2  }
0xfd: {  	v7 =	vsub.f32 v17, v18;
	[sflag:s16] =	ssyncset.done $0x0  }
0xfe: {  	[sflag:s16] =	ssyncadd.s32 $0xFFFFEC00;
	v0 =	vadd.f32 v1, v0;
	v1 =	vmul.f32 v2, v3  }
0xff: {  	v2 =	vsub.f32 v12, v4;
	v4 =	vmul.f32 v7, v7;
	_ =	swait.ge [sflag:s5], $0x1400  }
0x100: {  	v5 =	vsub.f32 v11, v5;
	[sflag:s5] =	ssyncset.done $0x0;
	v0 =	vadd.f32 v1, v0  }
0x101: {  	s30 =	simm.s32 $0x0;
	v1 =	vmul.f32 v4, v3;
	v2 =	vmul.f32 v2, v2;
	[sflag:s5] =	ssyncadd.s32 $0xFFFFEC00;
	v4 =	vmov s12  }
0x102: {  	v6 =	vsub.f32 v10, v6;
	v7 =	vld [tilespmem:s30+$0x12AB0]  }
0x103: {  	v10 =	vld [tilespmem:s30+$0x12A80];
	v0 =	vadd.f32 v1, v0;
	v1 =	vmul.f32 v2, v3;
	v2 =	vmul.f32 v5, v5  }
0x104: {  	v9 =	vsub.f32 v9, v19;
	v5 =	vld [tilespmem:s30+$0x12A90]  }
0x105: {  	v0 =	vadd.f32 v1, v0;
	v1 =	vmul.f32 v2, v3;
	v2 =	vmul.f32 v6, v6;
	v6 =	vld [tilespmem:s30+$0x13E80]  }
0x106: {  	v8 =	vsub.f32 v8, v61;
	v4 =	vld.idx.msk [tilespmem:v4+s14+$0x0], $0xffff  }
0x107: {  	v0 =	vadd.f32 v1, v0;
	v1 =	vmul.f32 v2, v3;
	v2 =	vmul.f32 v9, v9;
	v9 =	vld [tilespmem:s30+$0x13E90]  }
0x108: {  	v11 =	vld [tilespmem:s30+$0x12AA0]  }
0x109: {  	v0 =	vadd.f32 v1, v0;
	v1 =	vmul.f32 v2, v3;
	v2 =	vmul.f32 v8, v8;
	v8 =	vld [tilespmem:s30+$0x13EA0]  }
0x10a: {  	v6 =	vsub.f32 v10, v6;
	v10 =	vld [tilespmem:s30+$0x13EB0]  }
0x10b: {  	v1 =	vadd.f32 v1, v0;
	v2 =	vmul.f32 v2, v3;
	v3 =	vld [tilespmem:s30+$0x12AC0]  }
0x10c: {  	v0 =	vmul.f32 $1.562499960e-06, v4;
	v4 =	vmul.f32 v6, v6;
	v5 =	vsub.f32 v5, v9;
	v6 =	vld [tilespmem:s30+$0x13EC0]  }
0x10d: {  	v9 =	vadd.f32 v2, v1;
	v1 =	vld [tilespmem:s30+$0x12AD0]  }
0x10e: {  	v62 =	vmul.f32 v4, v0;
	v5 =	vmul.f32 v5, v5;
	v8 =	vsub.f32 v11, v8;
	v4 =	vld [tilespmem:s30+$0x13ED0]  }
0x10f: {  	v2 =	vld [tilespmem:s30+$0x12AE0];
	v11 =	vsub.f32 v7, v10  }
0x110: {  	s26 =	sadd.s32 $0x1, s12;
	v9 =	vadd.f32 v62, v9;
	v10 =	vmul.f32 v5, v0;
	v63 =	vmul.f32 v8, v8;
	v5 =	vld [tilespmem:s30+$0x13EE0]  }
0x111: {  	v7 =	vmov s26;
	v8 =	vsub.f32 v3, v6;
	v3 =	vld [tilespmem:s30+$0x12AF0]  }
0x112: {  	s29 =	simm.s32 $0x400;
	s25 =	simm.s32 $0x80;
	v11 =	vmul.f32 v11, v11;
	v6 =	vld [tilespmem:s30+$0x13EF0];
	v9 =	vadd.f32 v10, v9;
	v10 =	vmul.f32 v63, v0  }
.LBB2_9:
0x113: {  	p0 =	sne.s32 s29, $0x4E00;
	v12 =	vld [tilespmem:s25+$0x12AB0];
	v1 =	vsub.f32 v1, v4  }
0x114: {  	v8 =	vmul.f32 v8, v8;
	v4 =	vld [tilespmem:s25+$0x12A90];
	v9 =	vadd.f32 v10, v9;
	v10 =	vmul.f32 v11, v0  }
0x115: {  	v11 =	vld [tilespmem:s25+$0x12A80];
	v2 =	vsub.f32 v2, v5  }
0x116: {  	v8 =	vmul.f32 v8, v0;
	v1 =	vmul.f32 v1, v1;
	v5 =	vld [tilespmem:s25+$0x13E80];
	v9 =	vadd.f32 v10, v9  }
0x117: {  	v7 =	vld.idx.msk [tilespmem:v7+s14+$0x0], $0xffff;
	v3 =	vsub.f32 v3, v6  }
0x118: {  	v1 =	vmul.f32 v1, v0;
	v2 =	vmul.f32 v2, v2;
	v6 =	vld [tilespmem:s25+$0x13E90];
	v8 =	vadd.f32 v8, v9  }
0x119: {  	v9 =	vld [tilespmem:s25+$0x12AA0]  }
0x11a: {  	v2 =	vmul.f32 v2, v0;
	v3 =	vmul.f32 v3, v3;
	v10 =	vld [tilespmem:s25+$0x13EA0];
	v1 =	vadd.f32 v1, v8  }
0x11b: {  	v5 =	vsub.f32 v11, v5;
	v8 =	vld [tilespmem:s25+$0x13EB0]  }
0x11c: {  	v3 =	vmul.f32 v3, v0;
	v11 =	vld [tilespmem:s25+$0x12AC0];
	v2 =	vadd.f32 v2, v1  }
0x11d: {  	v0 =	vmul.f32 $1.562499960e-06, v7;
	v5 =	vmul.f32 v5, v5;
	v4 =	vsub.f32 v4, v6;
	v6 =	vld [tilespmem:s25+$0x13EC0]  }
0x11e: {  	v1 =	vld [tilespmem:s25+$0x12AD0];
	v3 =	vadd.f32 v3, v2  }
.Ltmp3:
0x11f: {  	v5 =	vmul.f32 v5, v0;
	v7 =	vmul.f32 v4, v4;
	v9 =	vsub.f32 v9, v10;
	v4 =	vld [tilespmem:s25+$0x13ED0];
	(pc) =	sbr.rel @p0 .LBB2_9-.Ltmp3, $4  }
0x120: {  	v12 =	vsub.f32 v12, v8;
	v2 =	vld [tilespmem:s25+$0x12AE0]  }
0x121: {  	s26 =	sadd.s32 $0x1, s26;
	v10 =	vadd.f32 v5, v3;
	v13 =	vmul.f32 v7, v0;
	v14 =	vmul.f32 v9, v9;
	v5 =	vld [tilespmem:s25+$0x13EE0]  }
0x122: {  	v7 =	vmov s26;
	v8 =	vsub.f32 v11, v6;
	v3 =	vld [tilespmem:s25+$0x12AF0]  }
0x123: {  	v11 =	vmul.f32 v12, v12;
	v9 =	vadd.f32 v13, v10;
	v10 =	vmul.f32 v14, v0;
	v6 =	vld [tilespmem:s25+$0x13EF0];
	s25 =	sshra.s32 s29, $0x2;
	s29 =	sadd.s32 $0x200, s29  }
0x124: {  	v12 =	vld [tilespmem:s25+$0x12AB0]  }
0x125: {  	v13 =	vld [tilespmem:s25+$0x12A90]  }
0x126: {  	v14 =	vld [tilespmem:s25+$0x12A80]  }
0x127: {  	v15 =	vld [tilespmem:s25+$0x13E80]  }
0x128: {  	v7 =	vld.idx.msk [tilespmem:v7+s14+$0x0], $0xffff  }
0x129: {  	v16 =	vld [tilespmem:s25+$0x13E90]  }
0x12a: {  	v17 =	vld [tilespmem:s25+$0x12AA0]  }
0x12b: {  	v18 =	vld [tilespmem:s25+$0x13EA0]  }
0x12c: {  	v1 =	vsub.f32 v1, v4;
	v4 =	vld [tilespmem:s25+$0x13EB0]  }
0x12d: {  	v8 =	vmul.f32 v8, v8;
	v19 =	vld [tilespmem:s25+$0x13EE0];
	v9 =	vadd.f32 v10, v9;
	v10 =	vmul.f32 v11, v0  }
0x12e: {  	v61 =	vld [tilespmem:s25+$0x13EF0];
	v2 =	vsub.f32 v2, v5  }
0x12f: {  	v11 =	vld [tilespmem:s25+$0x12AC0];
	v8 =	vmul.f32 v8, v0;
	v1 =	vmul.f32 v1, v1;
	v9 =	vadd.f32 v10, v9  }
0x130: {  	v5 =	vld [tilespmem:s25+$0x13EC0];
	v3 =	vsub.f32 v3, v6  }
0x131: {  	v10 =	vld [tilespmem:s25+$0x12AD0];
	v1 =	vmul.f32 v1, v0;
	v2 =	vmul.f32 v2, v2;
	v8 =	vadd.f32 v8, v9  }
0x132: {  	v6 =	vld [tilespmem:s25+$0x13ED0];
	v3 =	vmul.f32 v3, v3  }
0x133: {  	s29 =	sadd.s32 $0x140, s24;
	v9 =	vld [tilespmem:s25+$0x12AE0];
	v14 =	vsub.f32 v14, v15;
	v2 =	vmul.f32 v2, v0;
	v1 =	vadd.f32 v1, v8  }
0x134: {  	v8 =	vld [tilespmem:s25+$0x12AF0];
	[tilespmem:s2], [sflag:$0x7] =	stream.indirect.gather [hbm4b:s0+s28], $0x80, s29, s28, $0xb8;
	v0 =	vmul.f32 v3, v0;
	v3 =	vmul.f32 $1.562499960e-06, v7  }
0x135: {  	s30 =	sadd.s32 $0x28C0, s24;
	v7 =	vmul.f32 v14, v14;
	v1 =	vadd.f32 v2, v1;
	v2 =	vsub.f32 v13, v16  }
0x136: {  	[tilespmem:s31], [sflag:$0x8] =	stream.indirect.gather [hbm4b:s0+s28], $0x80, s30, s28, $0xb8;
	[tilespmem:$0x17B00] =	vst v63  }
0x137: {  	_ =	swait.ge [sflag:s6], $0x1400;
	v0 =	vadd.f32 v0, v1;
	v1 =	vmul.f32 v7, v3;
	v2 =	vmul.f32 v2, v2  }
0x138: {  	v7 =	vsub.f32 v17, v18;
	[sflag:s6] =	ssyncset.done $0x0  }
0x139: {  	[sflag:s6] =	ssyncadd.s32 $0xFFFFEC00;
	v0 =	vadd.f32 v1, v0;
	v1 =	vmul.f32 v2, v3  }
0x13a: {  	v2 =	vsub.f32 v12, v4;
	v4 =	vmul.f32 v7, v7;
	_ =	swait.ge [sflag:s8], $0x1400  }
0x13b: {  	v5 =	vsub.f32 v11, v5;
	[sflag:s8] =	ssyncset.done $0x0;
	v0 =	vadd.f32 v1, v0  }
0x13c: {  	s29 =	simm.s32 $0x0;
	v1 =	vmul.f32 v4, v3;
	v2 =	vmul.f32 v2, v2;
	[sflag:s8] =	ssyncadd.s32 $0xFFFFEC00;
	v4 =	vmov s7  }
0x13d: {  	v6 =	vsub.f32 v10, v6;
	v7 =	vld [tilespmem:s29+$0x152B0]  }
0x13e: {  	v10 =	vld [tilespmem:s29+$0x15280];
	v0 =	vadd.f32 v1, v0;
	v1 =	vmul.f32 v2, v3;
	v2 =	vmul.f32 v5, v5  }
0x13f: {  	v9 =	vsub.f32 v9, v19;
	v5 =	vld [tilespmem:s29+$0x15290]  }
0x140: {  	v0 =	vadd.f32 v1, v0;
	v1 =	vmul.f32 v2, v3;
	v2 =	vmul.f32 v6, v6;
	v6 =	vld [tilespmem:s29+$0x16680]  }
0x141: {  	v8 =	vsub.f32 v8, v61;
	v4 =	vld.idx.msk [tilespmem:v4+s14+$0x0], $0xffff  }
0x142: {  	v0 =	vadd.f32 v1, v0;
	v1 =	vmul.f32 v2, v3;
	v2 =	vmul.f32 v9, v9;
	v9 =	vld [tilespmem:s29+$0x16690]  }
0x143: {  	v11 =	vld [tilespmem:s29+$0x152A0]  }
0x144: {  	v0 =	vadd.f32 v1, v0;
	v1 =	vmul.f32 v2, v3;
	v2 =	vmul.f32 v8, v8;
	v8 =	vld [tilespmem:s29+$0x166A0]  }
0x145: {  	v6 =	vsub.f32 v10, v6;
	v10 =	vld [tilespmem:s29+$0x166B0]  }
0x146: {  	v62 =	vld [tilespmem:s29+$0x152C0];
	v1 =	vadd.f32 v1, v0;
	v2 =	vmul.f32 v2, v3  }
0x147: {  	v0 =	vmul.f32 $1.562499960e-06, v4;
	v3 =	vmul.f32 v6, v6;
	v4 =	vsub.f32 v5, v9;
	v9 =	vld [tilespmem:s29+$0x166C0]  }
0x148: {  	v5 =	vld [tilespmem:s29+$0x166D0];
	v6 =	vadd.f32 v2, v1  }
0x149: {  	v1 =	vld [tilespmem:s29+$0x152D0];
	v3 =	vmul.f32 v3, v0;
	v4 =	vmul.f32 v4, v4;
	v8 =	vsub.f32 v11, v8  }
0x14a: {  	v2 =	vld [tilespmem:s29+$0x152E0];
	v7 =	vsub.f32 v7, v10  }
0x14b: {  	s25 =	sadd.s32 $0x1, s7;
	v10 =	vadd.f32 v3, v6;
	v11 =	vmul.f32 v4, v0;
	v63 =	vmul.f32 v8, v8;
	v6 =	vld [tilespmem:s29+$0x166E0]  }
0x14c: {  	v3 =	vmov s25;
	v4 =	vld [tilespmem:s29+$0x152F0];
	v8 =	vsub.f32 v62, v9  }
0x14d: {  	s24 =	simm.s32 $0x80;
	s26 =	simm.s32 $0x400;
	v9 =	vadd.f32 v11, v10;
	v10 =	vmul.f32 v63, v0;
	v11 =	vmul.f32 v7, v7;
	v7 =	vld [tilespmem:s29+$0x166F0]  }
.LBB2_11:
0x14e: {  	p0 =	sne.s32 s26, $0x4E00;
	v12 =	vld [tilespmem:s24+$0x152B0];
	v1 =	vsub.f32 v1, v5  }
0x14f: {  	v8 =	vmul.f32 v8, v8;
	v5 =	vld [tilespmem:s24+$0x15290];
	v9 =	vadd.f32 v10, v9;
	v10 =	vmul.f32 v11, v0  }
0x150: {  	v11 =	vld [tilespmem:s24+$0x15280];
	v2 =	vsub.f32 v2, v6  }
0x151: {  	v8 =	vmul.f32 v8, v0;
	v1 =	vmul.f32 v1, v1;
	v6 =	vld [tilespmem:s24+$0x16680];
	v9 =	vadd.f32 v10, v9  }
0x152: {  	v3 =	vld.idx.msk [tilespmem:v3+s14+$0x0], $0xffff;
	v4 =	vsub.f32 v4, v7  }
0x153: {  	v1 =	vmul.f32 v1, v0;
	v2 =	vmul.f32 v2, v2;
	v7 =	vld [tilespmem:s24+$0x16690];
	v8 =	vadd.f32 v8, v9  }
0x154: {  	v9 =	vld [tilespmem:s24+$0x152A0]  }
0x155: {  	v2 =	vmul.f32 v2, v0;
	v4 =	vmul.f32 v4, v4;
	v10 =	vld [tilespmem:s24+$0x166A0];
	v1 =	vadd.f32 v1, v8  }
0x156: {  	v6 =	vsub.f32 v11, v6;
	v8 =	vld [tilespmem:s24+$0x166B0]  }
0x157: {  	v4 =	vmul.f32 v4, v0;
	v11 =	vld [tilespmem:s24+$0x152C0];
	v2 =	vadd.f32 v2, v1  }
0x158: {  	v0 =	vmul.f32 $1.562499960e-06, v3;
	v3 =	vmul.f32 v6, v6;
	v5 =	vsub.f32 v5, v7;
	v7 =	vld [tilespmem:s24+$0x166C0]  }
0x159: {  	v1 =	vld [tilespmem:s24+$0x152D0];
	v4 =	vadd.f32 v4, v2  }
.Ltmp4:
0x15a: {  	v3 =	vmul.f32 v3, v0;
	v6 =	vmul.f32 v5, v5;
	v9 =	vsub.f32 v9, v10;
	v5 =	vld [tilespmem:s24+$0x166D0];
	(pc) =	sbr.rel @p0 .LBB2_11-.Ltmp4, $4  }
0x15b: {  	v12 =	vsub.f32 v12, v8;
	v2 =	vld [tilespmem:s24+$0x152E0]  }
0x15c: {  	s25 =	sadd.s32 $0x1, s25;
	v10 =	vadd.f32 v3, v4;
	v13 =	vmul.f32 v6, v0;
	v14 =	vmul.f32 v9, v9;
	v6 =	vld [tilespmem:s24+$0x166E0]  }
0x15d: {  	v3 =	vmov s25;
	v8 =	vsub.f32 v11, v7;
	v4 =	vld [tilespmem:s24+$0x152F0]  }
0x15e: {  	v11 =	vmul.f32 v12, v12;
	v9 =	vadd.f32 v13, v10;
	v10 =	vmul.f32 v14, v0;
	v7 =	vld [tilespmem:s24+$0x166F0];
	s24 =	sshra.s32 s26, $0x2;
	s26 =	sadd.s32 $0x200, s26  }
0x15f: {  	_ = 	snop  }
0x160: {  	v45 =	vld [tilespmem:s24+$0x15290]  }
0x161: {  	v1 =	vsub.f32 v1, v5;
	v47 =	vld [tilespmem:s24+$0x15280]  }
0x162: {  	v8 =	vmul.f32 v8, v8;
	v48 =	vld [tilespmem:s24+$0x16680];
	v9 =	vadd.f32 v10, v9;
	v46 =	vmul.f32 v11, v0  }
0x163: {  	v3 =	vld.idx.msk [tilespmem:v3+s14+$0x0], $0xffff;
	v2 =	vsub.f32 v2, v6  }
0x164: {  	v49 =	vld [tilespmem:s24+$0x16690];
	v8 =	vmul.f32 v8, v0;
	v1 =	vmul.f32 v1, v1;
	v9 =	vadd.f32 v46, v9  }
0x165: {  	v50 =	vld [tilespmem:s24+$0x152A0];
	v4 =	vsub.f32 v4, v7  }
0x166: {  	v51 =	vld [tilespmem:s24+$0x166A0];
	v1 =	vmul.f32 v1, v0;
	v2 =	vmul.f32 v2, v2;
	v8 =	vadd.f32 v8, v9  }
0x167: {  	v12 =	vld [tilespmem:s24+$0x152B0];
	v4 =	vmul.f32 v4, v4  }
0x168: {  	v52 =	vld [tilespmem:s24+$0x166B0];
	v6 =	vsub.f32 v47, v48;
	v2 =	vmul.f32 v2, v0;
	v1 =	vadd.f32 v1, v8  }
0x169: {  	v53 =	vld [tilespmem:s24+$0x152C0];
	v54 =	vsub.f32 v45, v49;
	v0 =	vmul.f32 v4, v0  }
0x16a: {  	v55 =	vld [tilespmem:s24+$0x166C0];
	v1 =	vadd.f32 v2, v1;
	v2 =	vmul.f32 $1.562499960e-06, v3;
	v3 =	vmul.f32 v6, v6  }
0x16b: {  	v56 =	vld [tilespmem:s24+$0x152D0];
	v57 =	vsub.f32 v50, v51  }
0x16c: {  	v58 =	vld [tilespmem:s24+$0x166D0];
	v0 =	vadd.f32 v0, v1;
	v1 =	vmul.f32 v3, v2;
	v3 =	vmul.f32 v54, v54  }
0x16d: {  	v59 =	vld [tilespmem:s24+$0x152E0];
	v8 =	vsub.f32 v12, v52  }
0x16e: {  	v60 =	vld [tilespmem:s24+$0x166E0];
	v0 =	vadd.f32 v1, v0;
	v1 =	vmul.f32 v3, v2;
	v3 =	vmul.f32 v57, v57  }
0x16f: {  	v61 =	vld [tilespmem:s24+$0x152F0];
	v5 =	vsub.f32 v53, v55  }
0x170: {  	v62 =	vld [tilespmem:s24+$0x166F0];
	v0 =	vadd.f32 v1, v0;
	v1 =	vmul.f32 v3, v2;
	v3 =	vmul.f32 v8, v8  }
0x171: {  	v6 =	vsub.f32 v56, v58  }
0x172: {  	v0 =	vadd.f32 v1, v0;
	v1 =	vmul.f32 v3, v2;
	v3 =	vmul.f32 v5, v5  }
0x173: {  	v4 =	vsub.f32 v59, v60  }
0x174: {  	v0 =	vadd.f32 v1, v0;
	v1 =	vmul.f32 v3, v2;
	v3 =	vmul.f32 v6, v6  }
0x175: {  	v63 =	vsub.f32 v61, v62  }
0x176: {  	s10 =	sadd.s32 $0x1, s10;
	v0 =	vadd.f32 v1, v0;
	v1 =	vmul.f32 v3, v2;
	v3 =	vmul.f32 v4, v4  }
0x177: {  	p0 =	sne.s32 s10, $0x31  }
.Ltmp5:
0x178: {  	v0 =	vadd.f32 v1, v0;
	v1 =	vmul.f32 v3, v2;
	v3 =	vmul.f32 v63, v63;
	(pc) =	sbr.rel @p0 .LBB2_2-.Ltmp5, $4  }
0x179: {  	_ = 	snop  }
0x17a: {  	v0 =	vadd.f32 v1, v0;
	v1 =	vmul.f32 v3, v2  }
0x17b: {  	s4 =	sadd.s32 $0xC8, s4;
	s9 =	sadd.s32 $0xC8, s9  }
0x17c: {  	s11 =	sadd.s32 $0xC8, s11;
	s12 =	sadd.s32 $0xC8, s12;
	s7 =	sadd.s32 $0xC8, s7;
	v1 =	vadd.f32 v1, v0  }
0x17d: {  	s4 =	simm.s32 $0x26E8  }
0x17e: {  	[tilespmem:s13], [sflag:$0x9] =	stream.indirect.gather [hbm4b:s0+s28], $0x80, s4, s28, $0xb8;
	[tilespmem:$0x17B00] =	vst v63  }
0x17f: {  	s26 =	simm.s32 $0x4E68  }
0x180: {  	[tilespmem:s15], [sflag:$0xA] =	stream.indirect.gather [hbm4b:s0+s28], $0x80, s26, s28, $0xb8;
	[tilespmem:$0x17B00] =	vst v63  }
0x181: {  	_ =	swait.ge [sflag:s18], $0x1400  }
0x182: {  	[sflag:s18] =	ssyncset.done $0x0  }
0x183: {  	[sflag:s18] =	ssyncadd.s32 $0xFFFFEC00  }
0x184: {  	s29 =	simm.s32 $0x2648;
	_ =	swait.ge [sflag:s19], $0x1400  }
0x185: {  	v0 =	vmov s29;
	[sflag:s19] =	ssyncset.done $0x0  }
0x186: {  	s9 =	simm.s32 $0xB2C0;
	[sflag:s19] =	ssyncadd.s32 $0xFFFFEC00  }
0x187: {  	v2 =	vld [tilespmem:s9+$0xFFFFFFD0]  }
0x188: {  	s7 =	simm.s32 $0xC6C0;
	v4 =	vld [tilespmem:s9+$0xFFFFFFC0]  }
0x189: {  	v5 =	vld [tilespmem:s7+$0xFFFFFFC0]  }
0x18a: {  	v0 =	vld.idx.msk [tilespmem:v0+s14+$0x0], $0xffff  }
0x18b: {  	v6 =	vld [tilespmem:s7+$0xFFFFFFD0]  }
0x18c: {  	v7 =	vld [tilespmem:s9+$0xFFFFFFE0]  }
0x18d: {  	v8 =	vld [tilespmem:s7+$0xFFFFFFE0]  }
0x18e: {  	v3 =	vld [tilespmem:s9+$0xFFFFFFF0]  }
0x18f: {  	v4 =	vsub.f32 v4, v5;
	v5 =	vld [tilespmem:s7+$0xFFFFFFF0]  }
0x190: {  	v9 =	vld [tilespmem:s9+$0x0]  }
0x191: {  	v10 =	vld [tilespmem:s7+$0x0];
	v0 =	vmul.f32 $1.562499960e-06, v0;
	v6 =	vsub.f32 v2, v6;
	v4 =	vmul.f32 v4, v4  }
0x192: {  	v2 =	vld [tilespmem:s9+$0x10];
	v7 =	vsub.f32 v7, v8  }
0x193: {  	v6 =	vmul.f32 v6, v6;
	v11 =	vmul.f32 v4, v0;
	v4 =	vld [tilespmem:s7+$0x10]  }
0x194: {  	v7 =	vmul.f32 v7, v7;
	v12 =	vsub.f32 v3, v5;
	v3 =	vld [tilespmem:s9+$0x20]  }
0x195: {  	v13 =	vmul.f32 v6, v0;
	v5 =	vld [tilespmem:s7+$0x20];
	v11 =	vadd.f32 v11, v1  }
0x196: {  	s30 =	simm.s32 $0x2649;
	v8 =	vsub.f32 v9, v10;
	v10 =	vmul.f32 v7, v0;
	v7 =	vld [tilespmem:s7+$0x30]  }
0x197: {  	s4 =	simm.s32 $0xB340;
	v6 =	vmov s30;
	v1 =	vld [tilespmem:s9+$0x30];
	s9 =	simm.s32 $0x264A;
	v9 =	vadd.f32 v13, v11;
	v11 =	vmul.f32 v12, v12  }
.LBB2_14:
0x198: {  	p0 =	sne.s32 s9, $0x266F;
	v12 =	vld [tilespmem:s4+$0xFFFFFFF0];
	v2 =	vsub.f32 v2, v4  }
0x199: {  	v8 =	vmul.f32 v8, v8;
	v4 =	vld [tilespmem:s4+$0xFFFFFFD0];
	v9 =	vadd.f32 v10, v9;
	v10 =	vmul.f32 v11, v0  }
0x19a: {  	s7 =	sadd.s32 $0x80, s7;
	v11 =	vld [tilespmem:s4+$0xFFFFFFC0];
	v3 =	vsub.f32 v3, v5  }
0x19b: {  	v8 =	vmul.f32 v8, v0;
	v2 =	vmul.f32 v2, v2;
	v5 =	vld [tilespmem:s7+$0xFFFFFFC0];
	v9 =	vadd.f32 v10, v9  }
0x19c: {  	v6 =	vld.idx.msk [tilespmem:v6+s14+$0x0], $0xffff;
	v1 =	vsub.f32 v1, v7  }
0x19d: {  	v2 =	vmul.f32 v2, v0;
	v3 =	vmul.f32 v3, v3;
	v7 =	vld [tilespmem:s7+$0xFFFFFFD0];
	v8 =	vadd.f32 v8, v9  }
0x19e: {  	v9 =	vld [tilespmem:s4+$0xFFFFFFE0]  }
0x19f: {  	v3 =	vmul.f32 v3, v0;
	v1 =	vmul.f32 v1, v1;
	v10 =	vld [tilespmem:s7+$0xFFFFFFE0];
	v2 =	vadd.f32 v2, v8  }
0x1a0: {  	v5 =	vsub.f32 v11, v5;
	v8 =	vld [tilespmem:s7+$0xFFFFFFF0]  }
0x1a1: {  	v1 =	vmul.f32 v1, v0;
	v11 =	vld [tilespmem:s4+$0x0];
	v3 =	vadd.f32 v3, v2  }
0x1a2: {  	v0 =	vmul.f32 $1.562499960e-06, v6;
	v5 =	vmul.f32 v5, v5;
	v4 =	vsub.f32 v4, v7;
	v7 =	vld [tilespmem:s7+$0x0]  }
0x1a3: {  	v2 =	vld [tilespmem:s4+$0x10];
	v1 =	vadd.f32 v1, v3  }
.Ltmp6:
0x1a4: {  	v5 =	vmul.f32 v5, v0;
	v6 =	vmul.f32 v4, v4;
	v9 =	vsub.f32 v9, v10;
	v4 =	vld [tilespmem:s7+$0x10];
	(pc) =	sbr.rel @p0 .LBB2_14-.Ltmp6, $4  }
0x1a5: {  	v12 =	vsub.f32 v12, v8;
	v3 =	vld [tilespmem:s4+$0x20]  }
0x1a6: {  	v10 =	vadd.f32 v5, v1;
	v13 =	vmul.f32 v6, v0;
	v14 =	vmul.f32 v9, v9;
	v5 =	vld [tilespmem:s7+$0x20]  }
0x1a7: {  	v6 =	vmov s9;
	v8 =	vsub.f32 v11, v7;
	v1 =	vld [tilespmem:s4+$0x30]  }
0x1a8: {  	s9 =	sadd.s32 $0x1, s9;
	v11 =	vmul.f32 v12, v12;
	s4 =	sadd.s32 $0x80, s4;
	v9 =	vadd.f32 v13, v10;
	v10 =	vmul.f32 v14, v0;
	v7 =	vld [tilespmem:s7+$0x30]  }
0x1a9: {  	_ = 	snop  }
0x1aa: {  	v12 =	vld [tilespmem:s4+$0xFFFFFFF0]  }
0x1ab: {  	v13 =	vld [tilespmem:s4+$0xFFFFFFD0]  }
0x1ac: {  	v14 =	vld [tilespmem:s4+$0xFFFFFFC0]  }
0x1ad: {  	v6 =	vld.idx.msk [tilespmem:v6+s14+$0x0], $0xffff  }
0x1ae: {  	v16 =	vld [tilespmem:s4+$0x10]  }
0x1af: {  	v2 =	vsub.f32 v2, v4;
	v60 =	vld [tilespmem:s4+$0x20]  }
0x1b0: {  	s7 =	sadd.s32 $0x80, s7;
	v8 =	vmul.f32 v8, v8;
	v61 =	vld [tilespmem:s4+$0x30];
	v9 =	vadd.f32 v10, v9;
	v10 =	vmul.f32 v11, v0  }
0x1b1: {  	v15 =	vld [tilespmem:s7+$0xFFFFFFC0];
	v3 =	vsub.f32 v3, v5  }
0x1b2: {  	v4 =	vld [tilespmem:s7+$0xFFFFFFD0];
	v8 =	vmul.f32 v8, v0;
	v2 =	vmul.f32 v2, v2;
	v9 =	vadd.f32 v10, v9  }
0x1b3: {  	v11 =	vld [tilespmem:s4+$0xFFFFFFE0];
	v1 =	vsub.f32 v1, v7  }
0x1b4: {  	v62 =	vld [tilespmem:s7+$0x30];
	v2 =	vmul.f32 v2, v0;
	v3 =	vmul.f32 v3, v3;
	v8 =	vadd.f32 v8, v9  }
0x1b5: {  	v5 =	vld [tilespmem:s7+$0xFFFFFFE0];
	v1 =	vmul.f32 v1, v1  }
0x1b6: {  	v10 =	vld [tilespmem:s7+$0xFFFFFFF0];
	v3 =	vmul.f32 v3, v0;
	v14 =	vsub.f32 v14, v15;
	v2 =	vadd.f32 v2, v8  }
0x1b7: {  	v7 =	vld [tilespmem:s4+$0x0];
	v4 =	vsub.f32 v13, v4;
	v0 =	vmul.f32 v1, v0  }
0x1b8: {  	v9 =	vld [tilespmem:s7+$0x0];
	v2 =	vadd.f32 v3, v2;
	v3 =	vmul.f32 $1.562499960e-06, v6;
	v6 =	vmul.f32 v14, v14  }
0x1b9: {  	v8 =	vld [tilespmem:s7+$0x10]  }
0x1ba: {  	v1 =	vld [tilespmem:s7+$0x20];
	v4 =	vmul.f32 v4, v4;
	_ =	swait.ge [sflag:s20], $0x1400;
	v0 =	vadd.f32 v0, v2;
	v2 =	vmul.f32 v6, v3  }
0x1bb: {  	v5 =	vsub.f32 v11, v5;
	[sflag:s20] =	ssyncset.done $0x0  }
0x1bc: {  	[sflag:s20] =	ssyncadd.s32 $0xFFFFEC00;
	v0 =	vadd.f32 v2, v0;
	v2 =	vmul.f32 v4, v3  }
0x1bd: {  	v5 =	vmul.f32 v5, v5;
	_ =	swait.ge [sflag:s21], $0x1400;
	v4 =	vsub.f32 v12, v10  }
0x1be: {  	s29 =	simm.s32 $0x2670;
	v6 =	vsub.f32 v7, v9;
	[sflag:s21] =	ssyncset.done $0x0;
	v0 =	vadd.f32 v2, v0  }
0x1bf: {  	s30 =	simm.s32 $0xDAC0;
	[sflag:s21] =	ssyncadd.s32 $0xFFFFEC00;
	v2 =	vmul.f32 v5, v3;
	v4 =	vmul.f32 v4, v4;
	v5 =	vmov s29  }
0x1c0: {  	v7 =	vsub.f32 v16, v8;
	v8 =	vld [tilespmem:s30+$0xFFFFFFF0]  }
0x1c1: {  	v9 =	vld [tilespmem:s30+$0xFFFFFFC0];
	v0 =	vadd.f32 v2, v0;
	v2 =	vmul.f32 v4, v3;
	v4 =	vmul.f32 v6, v6  }
0x1c2: {  	s4 =	simm.s32 $0xEEC0;
	v1 =	vsub.f32 v60, v1;
	v6 =	vld [tilespmem:s30+$0xFFFFFFD0]  }
0x1c3: {  	v0 =	vadd.f32 v2, v0;
	v2 =	vmul.f32 v4, v3;
	v4 =	vmul.f32 v7, v7;
	v7 =	vld [tilespmem:s4+$0xFFFFFFC0]  }
0x1c4: {  	v10 =	vsub.f32 v61, v62;
	v5 =	vld.idx.msk [tilespmem:v5+s14+$0x0], $0xffff  }
0x1c5: {  	v1 =	vmul.f32 v1, v1;
	v0 =	vadd.f32 v2, v0;
	v2 =	vmul.f32 v4, v3;
	v4 =	vld [tilespmem:s4+$0xFFFFFFD0]  }
0x1c6: {  	v11 =	vld [tilespmem:s30+$0xFFFFFFE0]  }
0x1c7: {  	v1 =	vmul.f32 v1, v3;
	v0 =	vadd.f32 v2, v0;
	v2 =	vmul.f32 v10, v10;
	v10 =	vld [tilespmem:s4+$0xFFFFFFE0]  }
0x1c8: {  	v7 =	vsub.f32 v9, v7;
	v9 =	vld [tilespmem:s4+$0xFFFFFFF0]  }
0x1c9: {  	v1 =	vadd.f32 v1, v0;
	v2 =	vmul.f32 v2, v3;
	v3 =	vld [tilespmem:s30+$0x0]  }
0x1ca: {  	v0 =	vmul.f32 $1.562499960e-06, v5;
	v5 =	vmul.f32 v7, v7;
	v4 =	vsub.f32 v6, v4;
	v7 =	vld [tilespmem:s4+$0x0]  }
0x1cb: {  	v6 =	vadd.f32 v2, v1;
	v1 =	vld [tilespmem:s30+$0x10]  }
0x1cc: {  	v5 =	vmul.f32 v5, v0;
	v63 =	vmul.f32 v4, v4;
	v10 =	vsub.f32 v11, v10;
	v4 =	vld [tilespmem:s4+$0x10]  }
0x1cd: {  	v2 =	vld [tilespmem:s30+$0x20];
	v11 =	vsub.f32 v8, v9  }
0x1ce: {  	s9 =	simm.s32 $0x2671;
	v9 =	vadd.f32 v5, v6;
	v12 =	vmul.f32 v63, v0;
	v10 =	vmul.f32 v10, v10;
	v5 =	vld [tilespmem:s4+$0x20]  }
0x1cf: {  	v6 =	vmov s9;
	v8 =	vsub.f32 v3, v7;
	v3 =	vld [tilespmem:s30+$0x30]  }
0x1d0: {  	s7 =	simm.s32 $0xDB40;
	s9 =	simm.s32 $0x2672;
	v11 =	vmul.f32 v11, v11;
	v7 =	vld [tilespmem:s4+$0x30];
	v9 =	vadd.f32 v12, v9;
	v10 =	vmul.f32 v10, v0  }
.LBB2_16:
0x1d1: {  	p0 =	sne.s32 s9, $0x2697;
	v12 =	vld [tilespmem:s7+$0xFFFFFFF0];
	v1 =	vsub.f32 v1, v4  }
0x1d2: {  	v8 =	vmul.f32 v8, v8;
	v4 =	vld [tilespmem:s7+$0xFFFFFFD0];
	v9 =	vadd.f32 v10, v9;
	v10 =	vmul.f32 v11, v0  }
0x1d3: {  	s4 =	sadd.s32 $0x80, s4;
	v11 =	vld [tilespmem:s7+$0xFFFFFFC0];
	v2 =	vsub.f32 v2, v5  }
0x1d4: {  	v8 =	vmul.f32 v8, v0;
	v1 =	vmul.f32 v1, v1;
	v5 =	vld [tilespmem:s4+$0xFFFFFFC0];
	v9 =	vadd.f32 v10, v9  }
0x1d5: {  	v6 =	vld.idx.msk [tilespmem:v6+s14+$0x0], $0xffff;
	v3 =	vsub.f32 v3, v7  }
0x1d6: {  	v1 =	vmul.f32 v1, v0;
	v2 =	vmul.f32 v2, v2;
	v7 =	vld [tilespmem:s4+$0xFFFFFFD0];
	v8 =	vadd.f32 v8, v9  }
0x1d7: {  	v9 =	vld [tilespmem:s7+$0xFFFFFFE0]  }
0x1d8: {  	v2 =	vmul.f32 v2, v0;
	v3 =	vmul.f32 v3, v3;
	v10 =	vld [tilespmem:s4+$0xFFFFFFE0];
	v1 =	vadd.f32 v1, v8  }
0x1d9: {  	v5 =	vsub.f32 v11, v5;
	v8 =	vld [tilespmem:s4+$0xFFFFFFF0]  }
0x1da: {  	v3 =	vmul.f32 v3, v0;
	v11 =	vld [tilespmem:s7+$0x0];
	v2 =	vadd.f32 v2, v1  }
0x1db: {  	v0 =	vmul.f32 $1.562499960e-06, v6;
	v5 =	vmul.f32 v5, v5;
	v4 =	vsub.f32 v4, v7;
	v7 =	vld [tilespmem:s4+$0x0]  }
0x1dc: {  	v1 =	vld [tilespmem:s7+$0x10];
	v3 =	vadd.f32 v3, v2  }
.Ltmp7:
0x1dd: {  	v5 =	vmul.f32 v5, v0;
	v6 =	vmul.f32 v4, v4;
	v9 =	vsub.f32 v9, v10;
	v4 =	vld [tilespmem:s4+$0x10];
	(pc) =	sbr.rel @p0 .LBB2_16-.Ltmp7, $4  }
0x1de: {  	v12 =	vsub.f32 v12, v8;
	v2 =	vld [tilespmem:s7+$0x20]  }
0x1df: {  	v10 =	vadd.f32 v5, v3;
	v13 =	vmul.f32 v6, v0;
	v14 =	vmul.f32 v9, v9;
	v5 =	vld [tilespmem:s4+$0x20]  }
0x1e0: {  	v6 =	vmov s9;
	v8 =	vsub.f32 v11, v7;
	v3 =	vld [tilespmem:s7+$0x30]  }
0x1e1: {  	s9 =	sadd.s32 $0x1, s9;
	v11 =	vmul.f32 v12, v12;
	s7 =	sadd.s32 $0x80, s7;
	v9 =	vadd.f32 v13, v10;
	v10 =	vmul.f32 v14, v0;
	v7 =	vld [tilespmem:s4+$0x30]  }
0x1e2: {  	_ = 	snop  }
0x1e3: {  	v12 =	vld [tilespmem:s7+$0xFFFFFFF0]  }
0x1e4: {  	v13 =	vld [tilespmem:s7+$0xFFFFFFD0]  }
0x1e5: {  	v14 =	vld [tilespmem:s7+$0xFFFFFFC0]  }
0x1e6: {  	v6 =	vld.idx.msk [tilespmem:v6+s14+$0x0], $0xffff  }
0x1e7: {  	v16 =	vld [tilespmem:s7+$0x10]  }
0x1e8: {  	v1 =	vsub.f32 v1, v4;
	v60 =	vld [tilespmem:s7+$0x20]  }
0x1e9: {  	s4 =	sadd.s32 $0x80, s4;
	v8 =	vmul.f32 v8, v8;
	v61 =	vld [tilespmem:s7+$0x30];
	v9 =	vadd.f32 v10, v9;
	v10 =	vmul.f32 v11, v0  }
0x1ea: {  	v15 =	vld [tilespmem:s4+$0xFFFFFFC0];
	v2 =	vsub.f32 v2, v5  }
0x1eb: {  	v4 =	vld [tilespmem:s4+$0xFFFFFFD0];
	v8 =	vmul.f32 v8, v0;
	v1 =	vmul.f32 v1, v1;
	v9 =	vadd.f32 v10, v9  }
0x1ec: {  	v11 =	vld [tilespmem:s7+$0xFFFFFFE0];
	v3 =	vsub.f32 v3, v7  }
0x1ed: {  	v62 =	vld [tilespmem:s4+$0x30];
	v1 =	vmul.f32 v1, v0;
	v2 =	vmul.f32 v2, v2;
	v8 =	vadd.f32 v8, v9  }
0x1ee: {  	v5 =	vld [tilespmem:s4+$0xFFFFFFE0];
	v3 =	vmul.f32 v3, v3  }
0x1ef: {  	v10 =	vld [tilespmem:s4+$0xFFFFFFF0];
	v2 =	vmul.f32 v2, v0;
	v14 =	vsub.f32 v14, v15;
	v1 =	vadd.f32 v1, v8  }
0x1f0: {  	v7 =	vld [tilespmem:s7+$0x0];
	v4 =	vsub.f32 v13, v4;
	v0 =	vmul.f32 v3, v0  }
0x1f1: {  	v9 =	vld [tilespmem:s4+$0x0];
	v3 =	vmul.f32 $1.562499960e-06, v6;
	v6 =	vmul.f32 v14, v14;
	v1 =	vadd.f32 v2, v1  }
0x1f2: {  	v8 =	vld [tilespmem:s4+$0x10]  }
0x1f3: {  	v4 =	vmul.f32 v4, v4;
	v2 =	vld [tilespmem:s4+$0x20];
	_ =	swait.ge [sflag:s22], $0x1400;
	v0 =	vadd.f32 v0, v1;
	v1 =	vmul.f32 v6, v3  }
0x1f4: {  	v5 =	vsub.f32 v11, v5;
	[sflag:s22] =	ssyncset.done $0x0  }
0x1f5: {  	[sflag:s22] =	ssyncadd.s32 $0xFFFFEC00;
	v0 =	vadd.f32 v1, v0;
	v1 =	vmul.f32 v4, v3  }
0x1f6: {  	v5 =	vmul.f32 v5, v5;
	_ =	swait.ge [sflag:s23], $0x1400;
	v4 =	vsub.f32 v12, v10  }
0x1f7: {  	s29 =	simm.s32 $0x2698;
	v6 =	vsub.f32 v7, v9;
	[sflag:s23] =	ssyncset.done $0x0;
	v0 =	vadd.f32 v1, v0  }
0x1f8: {  	s30 =	simm.s32 $0x102C0;
	[sflag:s23] =	ssyncadd.s32 $0xFFFFEC00;
	v1 =	vmul.f32 v5, v3;
	v4 =	vmul.f32 v4, v4;
	v5 =	vmov s29  }
0x1f9: {  	v7 =	vsub.f32 v16, v8;
	v8 =	vld [tilespmem:s30+$0xFFFFFFF0]  }
0x1fa: {  	v9 =	vld [tilespmem:s30+$0xFFFFFFC0];
	v0 =	vadd.f32 v1, v0;
	v1 =	vmul.f32 v4, v3;
	v4 =	vmul.f32 v6, v6  }
0x1fb: {  	s4 =	simm.s32 $0x116C0;
	v2 =	vsub.f32 v60, v2;
	v6 =	vld [tilespmem:s30+$0xFFFFFFD0]  }
0x1fc: {  	v0 =	vadd.f32 v1, v0;
	v1 =	vmul.f32 v4, v3;
	v4 =	vmul.f32 v7, v7;
	v7 =	vld [tilespmem:s4+$0xFFFFFFC0]  }
0x1fd: {  	v10 =	vsub.f32 v61, v62;
	v5 =	vld.idx.msk [tilespmem:v5+s14+$0x0], $0xffff  }
0x1fe: {  	v2 =	vmul.f32 v2, v2;
	v0 =	vadd.f32 v1, v0;
	v1 =	vmul.f32 v4, v3;
	v4 =	vld [tilespmem:s4+$0xFFFFFFD0]  }
0x1ff: {  	v11 =	vld [tilespmem:s30+$0xFFFFFFE0]  }
0x200: {  	v0 =	vadd.f32 v1, v0;
	v1 =	vmul.f32 v2, v3;
	v2 =	vmul.f32 v10, v10;
	v10 =	vld [tilespmem:s4+$0xFFFFFFE0]  }
0x201: {  	v7 =	vsub.f32 v9, v7;
	v9 =	vld [tilespmem:s4+$0xFFFFFFF0]  }
0x202: {  	v1 =	vadd.f32 v1, v0;
	v2 =	vmul.f32 v2, v3;
	v3 =	vld [tilespmem:s30+$0x0]  }
0x203: {  	v0 =	vmul.f32 $1.562499960e-06, v5;
	v5 =	vmul.f32 v7, v7;
	v4 =	vsub.f32 v6, v4;
	v7 =	vld [tilespmem:s4+$0x0]  }
0x204: {  	v6 =	vadd.f32 v2, v1;
	v1 =	vld [tilespmem:s30+$0x10]  }
0x205: {  	v5 =	vmul.f32 v5, v0;
	v63 =	vmul.f32 v4, v4;
	v10 =	vsub.f32 v11, v10;
	v4 =	vld [tilespmem:s4+$0x10]  }
0x206: {  	v2 =	vld [tilespmem:s30+$0x20];
	v11 =	vsub.f32 v8, v9  }
0x207: {  	s9 =	simm.s32 $0x2699;
	v9 =	vadd.f32 v5, v6;
	v12 =	vmul.f32 v63, v0;
	v10 =	vmul.f32 v10, v10;
	v5 =	vld [tilespmem:s4+$0x20]  }
0x208: {  	v6 =	vmov s9;
	v8 =	vsub.f32 v3, v7;
	v3 =	vld [tilespmem:s30+$0x30]  }
0x209: {  	s7 =	simm.s32 $0x10340;
	s9 =	simm.s32 $0x269A;
	v11 =	vmul.f32 v11, v11;
	v7 =	vld [tilespmem:s4+$0x30];
	v9 =	vadd.f32 v12, v9;
	v10 =	vmul.f32 v10, v0  }
.LBB2_18:
0x20a: {  	p0 =	sne.s32 s9, $0x26BF;
	v12 =	vld [tilespmem:s7+$0xFFFFFFF0];
	v1 =	vsub.f32 v1, v4  }
0x20b: {  	v8 =	vmul.f32 v8, v8;
	v4 =	vld [tilespmem:s7+$0xFFFFFFD0];
	v9 =	vadd.f32 v10, v9;
	v10 =	vmul.f32 v11, v0  }
0x20c: {  	s4 =	sadd.s32 $0x80, s4;
	v11 =	vld [tilespmem:s7+$0xFFFFFFC0];
	v2 =	vsub.f32 v2, v5  }
0x20d: {  	v8 =	vmul.f32 v8, v0;
	v1 =	vmul.f32 v1, v1;
	v5 =	vld [tilespmem:s4+$0xFFFFFFC0];
	v9 =	vadd.f32 v10, v9  }
0x20e: {  	v6 =	vld.idx.msk [tilespmem:v6+s14+$0x0], $0xffff;
	v3 =	vsub.f32 v3, v7  }
0x20f: {  	v1 =	vmul.f32 v1, v0;
	v2 =	vmul.f32 v2, v2;
	v7 =	vld [tilespmem:s4+$0xFFFFFFD0];
	v8 =	vadd.f32 v8, v9  }
0x210: {  	v9 =	vld [tilespmem:s7+$0xFFFFFFE0]  }
0x211: {  	v2 =	vmul.f32 v2, v0;
	v3 =	vmul.f32 v3, v3;
	v10 =	vld [tilespmem:s4+$0xFFFFFFE0];
	v1 =	vadd.f32 v1, v8  }
0x212: {  	v5 =	vsub.f32 v11, v5;
	v8 =	vld [tilespmem:s4+$0xFFFFFFF0]  }
0x213: {  	v3 =	vmul.f32 v3, v0;
	v11 =	vld [tilespmem:s7+$0x0];
	v2 =	vadd.f32 v2, v1  }
0x214: {  	v0 =	vmul.f32 $1.562499960e-06, v6;
	v5 =	vmul.f32 v5, v5;
	v4 =	vsub.f32 v4, v7;
	v7 =	vld [tilespmem:s4+$0x0]  }
0x215: {  	v1 =	vld [tilespmem:s7+$0x10];
	v3 =	vadd.f32 v3, v2  }
.Ltmp8:
0x216: {  	v5 =	vmul.f32 v5, v0;
	v6 =	vmul.f32 v4, v4;
	v9 =	vsub.f32 v9, v10;
	v4 =	vld [tilespmem:s4+$0x10];
	(pc) =	sbr.rel @p0 .LBB2_18-.Ltmp8, $4  }
0x217: {  	v12 =	vsub.f32 v12, v8;
	v2 =	vld [tilespmem:s7+$0x20]  }
0x218: {  	v10 =	vadd.f32 v5, v3;
	v13 =	vmul.f32 v6, v0;
	v14 =	vmul.f32 v9, v9;
	v5 =	vld [tilespmem:s4+$0x20]  }
0x219: {  	v6 =	vmov s9;
	v8 =	vsub.f32 v11, v7;
	v3 =	vld [tilespmem:s7+$0x30]  }
0x21a: {  	s9 =	sadd.s32 $0x1, s9;
	v11 =	vmul.f32 v12, v12;
	s7 =	sadd.s32 $0x80, s7;
	v9 =	vadd.f32 v13, v10;
	v10 =	vmul.f32 v14, v0;
	v7 =	vld [tilespmem:s4+$0x30]  }
0x21b: {  	_ = 	snop  }
0x21c: {  	v12 =	vld [tilespmem:s7+$0xFFFFFFF0]  }
0x21d: {  	v13 =	vld [tilespmem:s7+$0xFFFFFFD0]  }
0x21e: {  	v14 =	vld [tilespmem:s7+$0xFFFFFFC0]  }
0x21f: {  	v6 =	vld.idx.msk [tilespmem:v6+s14+$0x0], $0xffff  }
0x220: {  	v16 =	vld [tilespmem:s7+$0x10]  }
0x221: {  	v1 =	vsub.f32 v1, v4;
	v60 =	vld [tilespmem:s7+$0x20]  }
0x222: {  	s4 =	sadd.s32 $0x80, s4;
	v8 =	vmul.f32 v8, v8;
	v61 =	vld [tilespmem:s7+$0x30];
	v9 =	vadd.f32 v10, v9;
	v10 =	vmul.f32 v11, v0  }
0x223: {  	v15 =	vld [tilespmem:s4+$0xFFFFFFC0];
	v2 =	vsub.f32 v2, v5  }
0x224: {  	v4 =	vld [tilespmem:s4+$0xFFFFFFD0];
	v8 =	vmul.f32 v8, v0;
	v1 =	vmul.f32 v1, v1;
	v9 =	vadd.f32 v10, v9  }
0x225: {  	v11 =	vld [tilespmem:s7+$0xFFFFFFE0];
	v3 =	vsub.f32 v3, v7  }
0x226: {  	v62 =	vld [tilespmem:s4+$0x30];
	v1 =	vmul.f32 v1, v0;
	v2 =	vmul.f32 v2, v2;
	v8 =	vadd.f32 v8, v9  }
0x227: {  	v5 =	vld [tilespmem:s4+$0xFFFFFFE0];
	v3 =	vmul.f32 v3, v3  }
0x228: {  	v10 =	vld [tilespmem:s4+$0xFFFFFFF0];
	v2 =	vmul.f32 v2, v0;
	v14 =	vsub.f32 v14, v15;
	v1 =	vadd.f32 v1, v8  }
0x229: {  	v7 =	vld [tilespmem:s7+$0x0];
	v4 =	vsub.f32 v13, v4;
	v0 =	vmul.f32 v3, v0  }
0x22a: {  	v9 =	vld [tilespmem:s4+$0x0];
	v3 =	vmul.f32 $1.562499960e-06, v6;
	v6 =	vmul.f32 v14, v14;
	v1 =	vadd.f32 v2, v1  }
0x22b: {  	v8 =	vld [tilespmem:s4+$0x10]  }
0x22c: {  	v4 =	vmul.f32 v4, v4;
	v2 =	vld [tilespmem:s4+$0x20];
	_ =	swait.ge [sflag:s16], $0x1400;
	v0 =	vadd.f32 v0, v1;
	v1 =	vmul.f32 v6, v3  }
0x22d: {  	v5 =	vsub.f32 v11, v5;
	[sflag:s16] =	ssyncset.done $0x0  }
0x22e: {  	[sflag:s16] =	ssyncadd.s32 $0xFFFFEC00;
	v0 =	vadd.f32 v1, v0;
	v1 =	vmul.f32 v4, v3  }
0x22f: {  	v5 =	vmul.f32 v5, v5;
	_ =	swait.ge [sflag:s5], $0x1400;
	v4 =	vsub.f32 v12, v10  }
0x230: {  	s29 =	simm.s32 $0x26C0;
	v6 =	vsub.f32 v7, v9;
	[sflag:s5] =	ssyncset.done $0x0;
	v0 =	vadd.f32 v1, v0  }
0x231: {  	s30 =	simm.s32 $0x12AC0;
	[sflag:s5] =	ssyncadd.s32 $0xFFFFEC00;
	v1 =	vmul.f32 v5, v3;
	v4 =	vmul.f32 v4, v4;
	v5 =	vmov s29  }
0x232: {  	v7 =	vsub.f32 v16, v8;
	v8 =	vld [tilespmem:s30+$0xFFFFFFF0]  }
0x233: {  	v9 =	vld [tilespmem:s30+$0xFFFFFFC0];
	v0 =	vadd.f32 v1, v0;
	v1 =	vmul.f32 v4, v3;
	v4 =	vmul.f32 v6, v6  }
0x234: {  	s4 =	simm.s32 $0x13EC0;
	v2 =	vsub.f32 v60, v2;
	v6 =	vld [tilespmem:s30+$0xFFFFFFD0]  }
0x235: {  	v0 =	vadd.f32 v1, v0;
	v1 =	vmul.f32 v4, v3;
	v4 =	vmul.f32 v7, v7;
	v7 =	vld [tilespmem:s4+$0xFFFFFFC0]  }
0x236: {  	v10 =	vsub.f32 v61, v62;
	v5 =	vld.idx.msk [tilespmem:v5+s14+$0x0], $0xffff  }
0x237: {  	v2 =	vmul.f32 v2, v2;
	v0 =	vadd.f32 v1, v0;
	v1 =	vmul.f32 v4, v3;
	v4 =	vld [tilespmem:s4+$0xFFFFFFD0]  }
0x238: {  	v11 =	vld [tilespmem:s30+$0xFFFFFFE0]  }
0x239: {  	v0 =	vadd.f32 v1, v0;
	v1 =	vmul.f32 v2, v3;
	v2 =	vmul.f32 v10, v10;
	v10 =	vld [tilespmem:s4+$0xFFFFFFE0]  }
0x23a: {  	v7 =	vsub.f32 v9, v7;
	v9 =	vld [tilespmem:s4+$0xFFFFFFF0]  }
0x23b: {  	v1 =	vadd.f32 v1, v0;
	v2 =	vmul.f32 v2, v3;
	v3 =	vld [tilespmem:s30+$0x0]  }
0x23c: {  	v0 =	vmul.f32 $1.562499960e-06, v5;
	v5 =	vmul.f32 v7, v7;
	v4 =	vsub.f32 v6, v4;
	v7 =	vld [tilespmem:s4+$0x0]  }
0x23d: {  	v6 =	vadd.f32 v2, v1;
	v1 =	vld [tilespmem:s30+$0x10]  }
0x23e: {  	v5 =	vmul.f32 v5, v0;
	v63 =	vmul.f32 v4, v4;
	v10 =	vsub.f32 v11, v10;
	v4 =	vld [tilespmem:s4+$0x10]  }
0x23f: {  	v2 =	vld [tilespmem:s30+$0x20];
	v11 =	vsub.f32 v8, v9  }
0x240: {  	s9 =	simm.s32 $0x26C1;
	v9 =	vadd.f32 v5, v6;
	v12 =	vmul.f32 v63, v0;
	v10 =	vmul.f32 v10, v10;
	v5 =	vld [tilespmem:s4+$0x20]  }
0x241: {  	v6 =	vmov s9;
	v8 =	vsub.f32 v3, v7;
	v3 =	vld [tilespmem:s30+$0x30]  }
0x242: {  	s7 =	simm.s32 $0x12B40;
	s9 =	simm.s32 $0x26C2;
	v11 =	vmul.f32 v11, v11;
	v7 =	vld [tilespmem:s4+$0x30];
	v9 =	vadd.f32 v12, v9;
	v10 =	vmul.f32 v10, v0  }
.LBB2_20:
0x243: {  	p0 =	sne.s32 s9, $0x26E7;
	v12 =	vld [tilespmem:s7+$0xFFFFFFF0];
	v1 =	vsub.f32 v1, v4  }
0x244: {  	v8 =	vmul.f32 v8, v8;
	v4 =	vld [tilespmem:s7+$0xFFFFFFD0];
	v9 =	vadd.f32 v10, v9;
	v10 =	vmul.f32 v11, v0  }
0x245: {  	s4 =	sadd.s32 $0x80, s4;
	v11 =	vld [tilespmem:s7+$0xFFFFFFC0];
	v2 =	vsub.f32 v2, v5  }
0x246: {  	v8 =	vmul.f32 v8, v0;
	v1 =	vmul.f32 v1, v1;
	v5 =	vld [tilespmem:s4+$0xFFFFFFC0];
	v9 =	vadd.f32 v10, v9  }
0x247: {  	v6 =	vld.idx.msk [tilespmem:v6+s14+$0x0], $0xffff;
	v3 =	vsub.f32 v3, v7  }
0x248: {  	v1 =	vmul.f32 v1, v0;
	v2 =	vmul.f32 v2, v2;
	v7 =	vld [tilespmem:s4+$0xFFFFFFD0];
	v8 =	vadd.f32 v8, v9  }
0x249: {  	v9 =	vld [tilespmem:s7+$0xFFFFFFE0]  }
0x24a: {  	v2 =	vmul.f32 v2, v0;
	v3 =	vmul.f32 v3, v3;
	v10 =	vld [tilespmem:s4+$0xFFFFFFE0];
	v1 =	vadd.f32 v1, v8  }
0x24b: {  	v5 =	vsub.f32 v11, v5;
	v8 =	vld [tilespmem:s4+$0xFFFFFFF0]  }
0x24c: {  	v3 =	vmul.f32 v3, v0;
	v11 =	vld [tilespmem:s7+$0x0];
	v2 =	vadd.f32 v2, v1  }
0x24d: {  	v0 =	vmul.f32 $1.562499960e-06, v6;
	v5 =	vmul.f32 v5, v5;
	v4 =	vsub.f32 v4, v7;
	v7 =	vld [tilespmem:s4+$0x0]  }
0x24e: {  	v1 =	vld [tilespmem:s7+$0x10];
	v3 =	vadd.f32 v3, v2  }
.Ltmp9:
0x24f: {  	v5 =	vmul.f32 v5, v0;
	v6 =	vmul.f32 v4, v4;
	v9 =	vsub.f32 v9, v10;
	v4 =	vld [tilespmem:s4+$0x10];
	(pc) =	sbr.rel @p0 .LBB2_20-.Ltmp9, $4  }
0x250: {  	v12 =	vsub.f32 v12, v8;
	v2 =	vld [tilespmem:s7+$0x20]  }
0x251: {  	v10 =	vadd.f32 v5, v3;
	v13 =	vmul.f32 v6, v0;
	v14 =	vmul.f32 v9, v9;
	v5 =	vld [tilespmem:s4+$0x20]  }
0x252: {  	v6 =	vmov s9;
	v8 =	vsub.f32 v11, v7;
	v3 =	vld [tilespmem:s7+$0x30]  }
0x253: {  	s9 =	sadd.s32 $0x1, s9;
	v11 =	vmul.f32 v12, v12;
	s7 =	sadd.s32 $0x80, s7;
	v9 =	vadd.f32 v13, v10;
	v10 =	vmul.f32 v14, v0;
	v7 =	vld [tilespmem:s4+$0x30]  }
0x254: {  	_ = 	snop  }
0x255: {  	v12 =	vld [tilespmem:s7+$0xFFFFFFF0]  }
0x256: {  	v13 =	vld [tilespmem:s7+$0xFFFFFFD0]  }
0x257: {  	v14 =	vld [tilespmem:s7+$0xFFFFFFC0]  }
0x258: {  	v6 =	vld.idx.msk [tilespmem:v6+s14+$0x0], $0xffff  }
0x259: {  	v16 =	vld [tilespmem:s7+$0x10]  }
0x25a: {  	v1 =	vsub.f32 v1, v4;
	v60 =	vld [tilespmem:s7+$0x20]  }
0x25b: {  	s4 =	sadd.s32 $0x80, s4;
	v8 =	vmul.f32 v8, v8;
	v61 =	vld [tilespmem:s7+$0x30];
	v9 =	vadd.f32 v10, v9;
	v10 =	vmul.f32 v11, v0  }
0x25c: {  	v15 =	vld [tilespmem:s4+$0xFFFFFFC0];
	v2 =	vsub.f32 v2, v5  }
0x25d: {  	v4 =	vld [tilespmem:s4+$0xFFFFFFD0];
	v8 =	vmul.f32 v8, v0;
	v1 =	vmul.f32 v1, v1;
	v9 =	vadd.f32 v10, v9  }
0x25e: {  	v11 =	vld [tilespmem:s7+$0xFFFFFFE0];
	v3 =	vsub.f32 v3, v7  }
0x25f: {  	v62 =	vld [tilespmem:s4+$0x30];
	v1 =	vmul.f32 v1, v0;
	v2 =	vmul.f32 v2, v2;
	v8 =	vadd.f32 v8, v9  }
0x260: {  	v5 =	vld [tilespmem:s4+$0xFFFFFFE0];
	v3 =	vmul.f32 v3, v3  }
0x261: {  	v10 =	vld [tilespmem:s4+$0xFFFFFFF0];
	v2 =	vmul.f32 v2, v0;
	v14 =	vsub.f32 v14, v15;
	v1 =	vadd.f32 v1, v8  }
0x262: {  	v7 =	vld [tilespmem:s7+$0x0];
	v4 =	vsub.f32 v13, v4;
	v0 =	vmul.f32 v3, v0  }
0x263: {  	v9 =	vld [tilespmem:s4+$0x0];
	v3 =	vmul.f32 $1.562499960e-06, v6;
	v6 =	vmul.f32 v14, v14;
	v1 =	vadd.f32 v2, v1  }
0x264: {  	v8 =	vld [tilespmem:s4+$0x10]  }
0x265: {  	v4 =	vmul.f32 v4, v4;
	v2 =	vld [tilespmem:s4+$0x20];
	_ =	swait.ge [sflag:s6], $0x1400;
	v0 =	vadd.f32 v0, v1;
	v1 =	vmul.f32 v6, v3  }
0x266: {  	v5 =	vsub.f32 v11, v5;
	[sflag:s6] =	ssyncset.done $0x0  }
0x267: {  	[sflag:s6] =	ssyncadd.s32 $0xFFFFEC00;
	v0 =	vadd.f32 v1, v0;
	v1 =	vmul.f32 v4, v3  }
0x268: {  	v5 =	vmul.f32 v5, v5;
	_ =	swait.ge [sflag:s8], $0x1400;
	v4 =	vsub.f32 v12, v10  }
0x269: {  	s29 =	simm.s32 $0x26E8;
	v6 =	vsub.f32 v7, v9;
	[sflag:s8] =	ssyncset.done $0x0;
	v0 =	vadd.f32 v1, v0  }
0x26a: {  	s30 =	simm.s32 $0x152C0;
	[sflag:s8] =	ssyncadd.s32 $0xFFFFEC00;
	v1 =	vmul.f32 v5, v3;
	v4 =	vmul.f32 v4, v4;
	v5 =	vmov s29  }
0x26b: {  	v7 =	vsub.f32 v16, v8;
	v8 =	vld [tilespmem:s30+$0xFFFFFFF0]  }
0x26c: {  	v9 =	vld [tilespmem:s30+$0xFFFFFFC0];
	v0 =	vadd.f32 v1, v0;
	v1 =	vmul.f32 v4, v3;
	v4 =	vmul.f32 v6, v6  }
0x26d: {  	s4 =	simm.s32 $0x166C0;
	v2 =	vsub.f32 v60, v2;
	v6 =	vld [tilespmem:s30+$0xFFFFFFD0]  }
0x26e: {  	v0 =	vadd.f32 v1, v0;
	v1 =	vmul.f32 v4, v3;
	v4 =	vmul.f32 v7, v7;
	v7 =	vld [tilespmem:s4+$0xFFFFFFC0]  }
0x26f: {  	v10 =	vsub.f32 v61, v62;
	v5 =	vld.idx.msk [tilespmem:v5+s14+$0x0], $0xffff  }
0x270: {  	v2 =	vmul.f32 v2, v2;
	v0 =	vadd.f32 v1, v0;
	v1 =	vmul.f32 v4, v3;
	v4 =	vld [tilespmem:s4+$0xFFFFFFD0]  }
0x271: {  	v11 =	vld [tilespmem:s30+$0xFFFFFFE0]  }
0x272: {  	v0 =	vadd.f32 v1, v0;
	v1 =	vmul.f32 v2, v3;
	v2 =	vmul.f32 v10, v10;
	v10 =	vld [tilespmem:s4+$0xFFFFFFE0]  }
0x273: {  	v7 =	vsub.f32 v9, v7;
	v9 =	vld [tilespmem:s4+$0xFFFFFFF0]  }
0x274: {  	v1 =	vadd.f32 v1, v0;
	v2 =	vmul.f32 v2, v3;
	v3 =	vld [tilespmem:s30+$0x0]  }
0x275: {  	v0 =	vmul.f32 $1.562499960e-06, v5;
	v5 =	vmul.f32 v7, v7;
	v4 =	vsub.f32 v6, v4;
	v7 =	vld [tilespmem:s4+$0x0]  }
0x276: {  	v6 =	vadd.f32 v2, v1;
	v1 =	vld [tilespmem:s30+$0x10]  }
0x277: {  	v5 =	vmul.f32 v5, v0;
	v63 =	vmul.f32 v4, v4;
	v10 =	vsub.f32 v11, v10;
	v4 =	vld [tilespmem:s4+$0x10]  }
0x278: {  	v2 =	vld [tilespmem:s30+$0x20];
	v11 =	vsub.f32 v8, v9  }
0x279: {  	s9 =	simm.s32 $0x26E9;
	v9 =	vadd.f32 v5, v6;
	v12 =	vmul.f32 v63, v0;
	v10 =	vmul.f32 v10, v10;
	v5 =	vld [tilespmem:s4+$0x20]  }
0x27a: {  	v6 =	vmov s9;
	v8 =	vsub.f32 v3, v7;
	v3 =	vld [tilespmem:s30+$0x30]  }
0x27b: {  	s7 =	simm.s32 $0x15340;
	s9 =	simm.s32 $0x26EA;
	v11 =	vmul.f32 v11, v11;
	v7 =	vld [tilespmem:s4+$0x30];
	v9 =	vadd.f32 v12, v9;
	v10 =	vmul.f32 v10, v0  }
.LBB2_22:
0x27c: {  	p0 =	sne.s32 s9, $0x270F;
	v12 =	vld [tilespmem:s7+$0xFFFFFFF0];
	v1 =	vsub.f32 v1, v4  }
0x27d: {  	v8 =	vmul.f32 v8, v8;
	v4 =	vld [tilespmem:s7+$0xFFFFFFD0];
	v9 =	vadd.f32 v10, v9;
	v10 =	vmul.f32 v11, v0  }
0x27e: {  	s4 =	sadd.s32 $0x80, s4;
	v11 =	vld [tilespmem:s7+$0xFFFFFFC0];
	v2 =	vsub.f32 v2, v5  }
0x27f: {  	v8 =	vmul.f32 v8, v0;
	v1 =	vmul.f32 v1, v1;
	v5 =	vld [tilespmem:s4+$0xFFFFFFC0];
	v9 =	vadd.f32 v10, v9  }
0x280: {  	v6 =	vld.idx.msk [tilespmem:v6+s14+$0x0], $0xffff;
	v3 =	vsub.f32 v3, v7  }
0x281: {  	v1 =	vmul.f32 v1, v0;
	v2 =	vmul.f32 v2, v2;
	v7 =	vld [tilespmem:s4+$0xFFFFFFD0];
	v8 =	vadd.f32 v8, v9  }
0x282: {  	v9 =	vld [tilespmem:s7+$0xFFFFFFE0]  }
0x283: {  	v2 =	vmul.f32 v2, v0;
	v3 =	vmul.f32 v3, v3;
	v10 =	vld [tilespmem:s4+$0xFFFFFFE0];
	v1 =	vadd.f32 v1, v8  }
0x284: {  	v5 =	vsub.f32 v11, v5;
	v8 =	vld [tilespmem:s4+$0xFFFFFFF0]  }
0x285: {  	v3 =	vmul.f32 v3, v0;
	v11 =	vld [tilespmem:s7+$0x0];
	v2 =	vadd.f32 v2, v1  }
0x286: {  	v0 =	vmul.f32 $1.562499960e-06, v6;
	v5 =	vmul.f32 v5, v5;
	v4 =	vsub.f32 v4, v7;
	v7 =	vld [tilespmem:s4+$0x0]  }
0x287: {  	v1 =	vld [tilespmem:s7+$0x10];
	v3 =	vadd.f32 v3, v2  }
.Ltmp10:
0x288: {  	v5 =	vmul.f32 v5, v0;
	v6 =	vmul.f32 v4, v4;
	v9 =	vsub.f32 v9, v10;
	v4 =	vld [tilespmem:s4+$0x10];
	(pc) =	sbr.rel @p0 .LBB2_22-.Ltmp10, $4  }
0x289: {  	v12 =	vsub.f32 v12, v8;
	v2 =	vld [tilespmem:s7+$0x20]  }
0x28a: {  	v10 =	vadd.f32 v5, v3;
	v13 =	vmul.f32 v6, v0;
	v14 =	vmul.f32 v9, v9;
	v5 =	vld [tilespmem:s4+$0x20]  }
0x28b: {  	v6 =	vmov s9;
	v8 =	vsub.f32 v11, v7;
	v3 =	vld [tilespmem:s7+$0x30]  }
0x28c: {  	s9 =	sadd.s32 $0x1, s9;
	v11 =	vmul.f32 v12, v12;
	s7 =	sadd.s32 $0x80, s7;
	v9 =	vadd.f32 v13, v10;
	v10 =	vmul.f32 v14, v0;
	v7 =	vld [tilespmem:s4+$0x30]  }
0x28d: {  	_ = 	snop  }
0x28e: {  	v12 =	vld [tilespmem:s7+$0xFFFFFFF0]  }
0x28f: {  	v13 =	vld [tilespmem:s7+$0xFFFFFFD0]  }
0x290: {  	v14 =	vld [tilespmem:s7+$0xFFFFFFC0]  }
0x291: {  	v6 =	vld.idx.msk [tilespmem:v6+s14+$0x0], $0xffff;
	v1 =	vsub.f32 v1, v4  }
0x292: {  	s4 =	sadd.s32 $0x80, s4;
	v8 =	vmul.f32 v8, v8;
	v46 =	vld [tilespmem:s7+$0xFFFFFFE0];
	v9 =	vadd.f32 v10, v9;
	v45 =	vmul.f32 v11, v0  }
0x293: {  	v15 =	vld [tilespmem:s4+$0xFFFFFFC0];
	v2 =	vsub.f32 v2, v5  }
0x294: {  	v44 =	vld [tilespmem:s4+$0xFFFFFFD0];
	v8 =	vmul.f32 v8, v0;
	v1 =	vmul.f32 v1, v1;
	v9 =	vadd.f32 v45, v9  }
0x295: {  	v49 =	vld [tilespmem:s7+$0x0];
	v3 =	vsub.f32 v3, v7  }
0x296: {  	v47 =	vld [tilespmem:s4+$0xFFFFFFE0];
	v1 =	vmul.f32 v1, v0;
	v2 =	vmul.f32 v2, v2;
	v8 =	vadd.f32 v8, v9  }
0x297: {  	v16 =	vld [tilespmem:s7+$0x10];
	v3 =	vmul.f32 v3, v3  }
0x298: {  	v48 =	vld [tilespmem:s4+$0xFFFFFFF0];
	v2 =	vmul.f32 v2, v0;
	v14 =	vsub.f32 v14, v15;
	v1 =	vadd.f32 v1, v8  }
0x299: {  	v52 =	vld [tilespmem:s7+$0x20];
	v4 =	vsub.f32 v13, v44;
	v0 =	vmul.f32 v3, v0  }
0x29a: {  	v50 =	vld [tilespmem:s4+$0x0];
	v3 =	vmul.f32 $1.562499960e-06, v6;
	v53 =	vmul.f32 v14, v14;
	v1 =	vadd.f32 v2, v1  }
0x29b: {  	v54 =	vld [tilespmem:s7+$0x30];
	v5 =	vsub.f32 v46, v47  }
0x29c: {  	v51 =	vld [tilespmem:s4+$0x10];
	v4 =	vmul.f32 v4, v4;
	v6 =	vmul.f32 v53, v3;
	v0 =	vadd.f32 v0, v1  }
0x29d: {  	s11 =	simm.s32 $0x28;
	s25 =	simm.s32 $0x7680;
	s26 =	simm.s32 $0xB280;
	v10 =	vsub.f32 v12, v48;
	v2 =	vld [tilespmem:s4+$0x20]  }
0x29e: {  	v5 =	vmul.f32 v5, v5;
	v4 =	vmul.f32 v4, v3;
	v1 =	vld [tilespmem:s4+$0x30];
	[tilespmem:s26], [sflag:$0x1] =	stream.indirect.gather [hbm4b:s3+s11], $0x80, s25, s11, $0xb8;
	v0 =	vadd.f32 v6, v0  }
0x29f: {  	s29 =	simm.s32 $0x8A80;
	s30 =	simm.s32 $0xC680;
	v55 =	vsub.f32 v49, v50  }
0x2a0: {  	v57 =	vmul.f32 v10, v10;
	v56 =	vmul.f32 v5, v3;
	[tilespmem:s30], [sflag:$0x2] =	stream.indirect.gather [hbm4b:s3+s11], $0x80, s29, s11, $0xb8;
	v0 =	vadd.f32 v4, v0;
	[tilespmem:$0x17B00] =	vst v63  }
0x2a1: {  	s7 =	simm.s32 $0xDA80;
	s9 =	simm.s32 $0x76A8;
	v58 =	vsub.f32 v16, v51  }
0x2a2: {  	v60 =	vmul.f32 v55, v55;
	v59 =	vmul.f32 v57, v3;
	[tilespmem:s7], [sflag:$0x3] =	stream.indirect.gather [hbm4b:s3+s11], $0x80, s9, s11, $0xb8;
	v0 =	vadd.f32 v56, v0;
	[tilespmem:$0x17B00] =	vst v63  }
0x2a3: {  	s10 =	simm.s32 $0xEE80;
	s12 =	simm.s32 $0x8AA8;
	v62 =	vmul.f32 v58, v58  }
0x2a4: {  	v61 =	vmul.f32 v60, v3;
	v2 =	vsub.f32 v52, v2;
	[tilespmem:s10], [sflag:$0x4] =	stream.indirect.gather [hbm4b:s3+s11], $0x80, s12, s11, $0xb8;
	v0 =	vadd.f32 v59, v0;
	[tilespmem:$0x17B00] =	vst v63  }
0x2a5: {  	s24 =	simm.s32 $0x10280;
	v63 =	vmul.f32 v62, v3;
	s25 =	simm.s32 $0x76D0  }
0x2a6: {  	v1 =	vsub.f32 v54, v1;
	v2 =	vmul.f32 v2, v2;
	[tilespmem:s24], [sflag:$0x5] =	stream.indirect.gather [hbm4b:s3+s11], $0x80, s25, s11, $0xb8;
	v0 =	vadd.f32 v61, v0;
	[tilespmem:$0x17B00] =	vst v63  }
0x2a7: {  	s26 =	simm.s32 $0x8AD0;
	s4 =	simm.s32 $0xA0  }
0x2a8: {  	v2 =	vmul.f32 v2, v3;
	v1 =	vmul.f32 v1, v1;
	[tilespmem:s1], [sflag:$0x6] =	stream.indirect.gather [hbm4b:s3+s11], $0x80, s26, s11, $0xb8;
	v0 =	vadd.f32 v63, v0;
	[tilespmem:$0x17B00] =	vst v63  }
0x2a9: {  	s29 =	simm.s32 $0x76F8;
	s30 =	simm.s32 $0x8AF8;
	s7 =	simm.s32 $0x50  }
0x2aa: {  	v1 =	vmul.f32 v1, v3;
	[tilespmem:s2], [sflag:$0x7] =	stream.indirect.gather [hbm4b:s3+s11], $0x80, s29, s11, $0xb8;
	v0 =	vadd.f32 v2, v0;
	[tilespmem:$0x17B00] =	vst v63  }
0x2ab: {  	s9 =	simm.s32 $0x78;
	s12 =	simm.s32 $0x0;
	s10 =	simm.s32 $0x0  }
0x2ac: {  	[tilespmem:s31], [sflag:$0x8] =	stream.indirect.gather [hbm4b:s3+s11], $0x80, s30, s11, $0xb8;
	v1 =	vadd.f32 v1, v0;
	[tilespmem:$0x17B00] =	vst v63  }
.LBB2_24:
0x2ad: {  	s24 =	smul.u32 $0xC8, s10;
	_ =	sdelay $0x1  }
0x2ae: {  	s25 =	sadd.s32 $0x7720, s24  }
0x2af: {  	[tilespmem:s13], [sflag:$0x9] =	stream.indirect.gather [hbm4b:s3+s28], $0x80, s25, s28, $0xb8;
	[tilespmem:$0x17B00] =	vst v63  }
0x2b0: {  	s30 =	sadd.s32 $0x8B20, s24  }
0x2b1: {  	[tilespmem:s15], [sflag:$0xA] =	stream.indirect.gather [hbm4b:s3+s28], $0x80, s30, s28, $0xb8;
	[tilespmem:$0x17B00] =	vst v63  }
0x2b2: {  	_ =	swait.ge [sflag:s18], $0x1400  }
0x2b3: {  	[sflag:s18] =	ssyncset.done $0x0  }
0x2b4: {  	[sflag:s18] =	ssyncadd.s32 $0xFFFFEC00  }
0x2b5: {  	_ =	swait.ge [sflag:s19], $0x1400  }
0x2b6: {  	[sflag:s19] =	ssyncset.done $0x0  }
0x2b7: {  	v0 =	vmov s12;
	s30 =	simm.s32 $0x0;
	[sflag:s19] =	ssyncadd.s32 $0xFFFFEC00  }
0x2b8: {  	v3 =	vld [tilespmem:s30+$0xB2B0]  }
0x2b9: {  	v2 =	vld [tilespmem:s30+$0xB290]  }
0x2ba: {  	v4 =	vld [tilespmem:s30+$0xB280]  }
0x2bb: {  	v5 =	vld [tilespmem:s30+$0xC680]  }
0x2bc: {  	v0 =	vld.idx.msk [tilespmem:v0+s17+$0x0], $0xffff  }
0x2bd: {  	v6 =	vld [tilespmem:s30+$0xC690]  }
0x2be: {  	v7 =	vld [tilespmem:s30+$0xB2A0]  }
0x2bf: {  	v8 =	vld [tilespmem:s30+$0xC6A0]  }
0x2c0: {  	v4 =	vsub.f32 v4, v5;
	v5 =	vld [tilespmem:s30+$0xC6B0]  }
0x2c1: {  	v9 =	vld [tilespmem:s30+$0xB2C0]  }
0x2c2: {  	v10 =	vld [tilespmem:s30+$0xC6C0];
	v0 =	vmul.f32 $3.124999920e-06, v0;
	v6 =	vsub.f32 v2, v6;
	v4 =	vmul.f32 v4, v4  }
0x2c3: {  	v2 =	vld [tilespmem:s30+$0xB2D0]  }
0x2c4: {  	v7 =	vsub.f32 v7, v8;
	v6 =	vmul.f32 v6, v6;
	v11 =	vmul.f32 v4, v0;
	v4 =	vld [tilespmem:s30+$0xC6D0]  }
0x2c5: {  	v12 =	vsub.f32 v3, v5;
	v3 =	vld [tilespmem:s30+$0xB2E0]  }
0x2c6: {  	s26 =	sadd.s32 $0x1, s12;
	v13 =	vmul.f32 v7, v7;
	v6 =	vmul.f32 v6, v0;
	v5 =	vld [tilespmem:s30+$0xC6E0];
	v11 =	vadd.f32 v11, v1  }
0x2c7: {  	v8 =	vsub.f32 v9, v10;
	v7 =	vmov s26;
	v1 =	vld [tilespmem:s30+$0xB2F0]  }
0x2c8: {  	s29 =	simm.s32 $0x400;
	s25 =	simm.s32 $0x80;
	v10 =	vmul.f32 v13, v0;
	v9 =	vadd.f32 v6, v11;
	v11 =	vmul.f32 v12, v12;
	v6 =	vld [tilespmem:s30+$0xC6F0]  }
.LBB2_25:
0x2c9: {  	p0 =	sne.s32 s29, $0x4E00;
	v12 =	vld [tilespmem:s25+$0xB2B0];
	v2 =	vsub.f32 v2, v4  }
0x2ca: {  	v8 =	vmul.f32 v8, v8;
	v4 =	vld [tilespmem:s25+$0xB290];
	v9 =	vadd.f32 v10, v9;
	v10 =	vmul.f32 v11, v0  }
0x2cb: {  	v11 =	vld [tilespmem:s25+$0xB280];
	v3 =	vsub.f32 v3, v5  }
0x2cc: {  	v8 =	vmul.f32 v8, v0;
	v2 =	vmul.f32 v2, v2;
	v5 =	vld [tilespmem:s25+$0xC680];
	v9 =	vadd.f32 v10, v9  }
0x2cd: {  	v7 =	vld.idx.msk [tilespmem:v7+s17+$0x0], $0xffff;
	v1 =	vsub.f32 v1, v6  }
0x2ce: {  	v2 =	vmul.f32 v2, v0;
	v3 =	vmul.f32 v3, v3;
	v6 =	vld [tilespmem:s25+$0xC690];
	v8 =	vadd.f32 v8, v9  }
0x2cf: {  	v9 =	vld [tilespmem:s25+$0xB2A0]  }
0x2d0: {  	v3 =	vmul.f32 v3, v0;
	v1 =	vmul.f32 v1, v1;
	v10 =	vld [tilespmem:s25+$0xC6A0];
	v2 =	vadd.f32 v2, v8  }
0x2d1: {  	v5 =	vsub.f32 v11, v5;
	v8 =	vld [tilespmem:s25+$0xC6B0]  }
0x2d2: {  	v1 =	vmul.f32 v1, v0;
	v11 =	vld [tilespmem:s25+$0xB2C0];
	v3 =	vadd.f32 v3, v2  }
0x2d3: {  	v0 =	vmul.f32 $3.124999920e-06, v7;
	v5 =	vmul.f32 v5, v5;
	v4 =	vsub.f32 v4, v6;
	v6 =	vld [tilespmem:s25+$0xC6C0]  }
0x2d4: {  	v2 =	vld [tilespmem:s25+$0xB2D0];
	v1 =	vadd.f32 v1, v3  }
.Ltmp11:
0x2d5: {  	v5 =	vmul.f32 v5, v0;
	v7 =	vmul.f32 v4, v4;
	v9 =	vsub.f32 v9, v10;
	v4 =	vld [tilespmem:s25+$0xC6D0];
	(pc) =	sbr.rel @p0 .LBB2_25-.Ltmp11, $4  }
0x2d6: {  	v12 =	vsub.f32 v12, v8;
	v3 =	vld [tilespmem:s25+$0xB2E0]  }
0x2d7: {  	s26 =	sadd.s32 $0x1, s26;
	v10 =	vadd.f32 v5, v1;
	v13 =	vmul.f32 v7, v0;
	v14 =	vmul.f32 v9, v9;
	v5 =	vld [tilespmem:s25+$0xC6E0]  }
0x2d8: {  	v7 =	vmov s26;
	v8 =	vsub.f32 v11, v6;
	v1 =	vld [tilespmem:s25+$0xB2F0]  }
0x2d9: {  	v11 =	vmul.f32 v12, v12;
	v9 =	vadd.f32 v13, v10;
	v10 =	vmul.f32 v14, v0;
	v6 =	vld [tilespmem:s25+$0xC6F0];
	s25 =	sshra.s32 s29, $0x2;
	s29 =	sadd.s32 $0x200, s29  }
0x2da: {  	v12 =	vld [tilespmem:s25+$0xB2B0]  }
0x2db: {  	v13 =	vld [tilespmem:s25+$0xB290]  }
0x2dc: {  	v14 =	vld [tilespmem:s25+$0xB280]  }
0x2dd: {  	v15 =	vld [tilespmem:s25+$0xC680]  }
0x2de: {  	v7 =	vld.idx.msk [tilespmem:v7+s17+$0x0], $0xffff  }
0x2df: {  	v16 =	vld [tilespmem:s25+$0xC690]  }
0x2e0: {  	v17 =	vld [tilespmem:s25+$0xB2A0]  }
0x2e1: {  	v18 =	vld [tilespmem:s25+$0xC6A0]  }
0x2e2: {  	v2 =	vsub.f32 v2, v4;
	v4 =	vld [tilespmem:s25+$0xC6B0]  }
0x2e3: {  	v8 =	vmul.f32 v8, v8;
	v19 =	vld [tilespmem:s25+$0xC6E0];
	v9 =	vadd.f32 v10, v9;
	v10 =	vmul.f32 v11, v0  }
0x2e4: {  	v61 =	vld [tilespmem:s25+$0xC6F0];
	v3 =	vsub.f32 v3, v5  }
0x2e5: {  	v11 =	vld [tilespmem:s25+$0xB2C0];
	v8 =	vmul.f32 v8, v0;
	v2 =	vmul.f32 v2, v2;
	v9 =	vadd.f32 v10, v9  }
0x2e6: {  	v5 =	vld [tilespmem:s25+$0xC6C0];
	v1 =	vsub.f32 v1, v6  }
0x2e7: {  	v10 =	vld [tilespmem:s25+$0xB2D0];
	v2 =	vmul.f32 v2, v0;
	v3 =	vmul.f32 v3, v3;
	v8 =	vadd.f32 v8, v9  }
0x2e8: {  	v6 =	vld [tilespmem:s25+$0xC6D0];
	v1 =	vmul.f32 v1, v1  }
0x2e9: {  	s30 =	sadd.s32 $0x7748, s24;
	s26 =	simm.s32 $0xB280;
	v9 =	vld [tilespmem:s25+$0xB2E0];
	v14 =	vsub.f32 v14, v15;
	v3 =	vmul.f32 v3, v0;
	v2 =	vadd.f32 v2, v8  }
0x2ea: {  	v8 =	vld [tilespmem:s25+$0xB2F0];
	[tilespmem:s26], [sflag:$0x1] =	stream.indirect.gather [hbm4b:s3+s28], $0x80, s30, s28, $0xb8;
	v0 =	vmul.f32 v1, v0;
	v1 =	vsub.f32 v13, v16  }
0x2eb: {  	s26 =	sadd.s32 $0x8B48, s24;
	s30 =	simm.s32 $0xC680;
	v2 =	vadd.f32 v3, v2;
	v3 =	vmul.f32 $3.124999920e-06, v7;
	v7 =	vmul.f32 v14, v14  }
0x2ec: {  	[tilespmem:s30], [sflag:$0x2] =	stream.indirect.gather [hbm4b:s3+s28], $0x80, s26, s28, $0xb8;
	[tilespmem:$0x17B00] =	vst v63  }
0x2ed: {  	v1 =	vmul.f32 v1, v1;
	_ =	swait.ge [sflag:s20], $0x1400;
	v0 =	vadd.f32 v0, v2;
	v2 =	vmul.f32 v7, v3  }
0x2ee: {  	v7 =	vsub.f32 v17, v18;
	[sflag:s20] =	ssyncset.done $0x0  }
0x2ef: {  	v1 =	vmul.f32 v1, v3;
	[sflag:s20] =	ssyncadd.s32 $0xFFFFEC00;
	v0 =	vadd.f32 v2, v0  }
0x2f0: {  	v2 =	vsub.f32 v12, v4;
	v4 =	vmul.f32 v7, v7;
	_ =	swait.ge [sflag:s21], $0x1400  }
0x2f1: {  	v5 =	vsub.f32 v11, v5;
	[sflag:s21] =	ssyncset.done $0x0;
	v0 =	vadd.f32 v1, v0  }
0x2f2: {  	s30 =	simm.s32 $0x0;
	v1 =	vmul.f32 v4, v3;
	v2 =	vmul.f32 v2, v2;
	[sflag:s21] =	ssyncadd.s32 $0xFFFFEC00;
	v4 =	vmov s11  }
0x2f3: {  	v6 =	vsub.f32 v10, v6;
	v7 =	vld [tilespmem:s30+$0xDAB0]  }
0x2f4: {  	v10 =	vld [tilespmem:s30+$0xDA80];
	v0 =	vadd.f32 v1, v0;
	v1 =	vmul.f32 v2, v3;
	v2 =	vmul.f32 v5, v5  }
0x2f5: {  	v9 =	vsub.f32 v9, v19;
	v5 =	vld [tilespmem:s30+$0xDA90]  }
0x2f6: {  	v0 =	vadd.f32 v1, v0;
	v1 =	vmul.f32 v2, v3;
	v2 =	vmul.f32 v6, v6;
	v6 =	vld [tilespmem:s30+$0xEE80]  }
0x2f7: {  	v8 =	vsub.f32 v8, v61;
	v4 =	vld.idx.msk [tilespmem:v4+s17+$0x0], $0xffff  }
0x2f8: {  	v0 =	vadd.f32 v1, v0;
	v1 =	vmul.f32 v2, v3;
	v2 =	vmul.f32 v9, v9;
	v9 =	vld [tilespmem:s30+$0xEE90]  }
0x2f9: {  	v11 =	vld [tilespmem:s30+$0xDAA0]  }
0x2fa: {  	v0 =	vadd.f32 v1, v0;
	v1 =	vmul.f32 v2, v3;
	v2 =	vmul.f32 v8, v8;
	v8 =	vld [tilespmem:s30+$0xEEA0]  }
0x2fb: {  	v6 =	vsub.f32 v10, v6;
	v10 =	vld [tilespmem:s30+$0xEEB0]  }
0x2fc: {  	v1 =	vadd.f32 v1, v0;
	v2 =	vmul.f32 v2, v3;
	v3 =	vld [tilespmem:s30+$0xDAC0]  }
0x2fd: {  	v0 =	vmul.f32 $3.124999920e-06, v4;
	v4 =	vmul.f32 v6, v6;
	v5 =	vsub.f32 v5, v9;
	v6 =	vld [tilespmem:s30+$0xEEC0]  }
0x2fe: {  	v9 =	vadd.f32 v2, v1;
	v1 =	vld [tilespmem:s30+$0xDAD0]  }
0x2ff: {  	v62 =	vmul.f32 v4, v0;
	v5 =	vmul.f32 v5, v5;
	v8 =	vsub.f32 v11, v8;
	v4 =	vld [tilespmem:s30+$0xEED0]  }
0x300: {  	v2 =	vld [tilespmem:s30+$0xDAE0];
	v11 =	vsub.f32 v7, v10  }
0x301: {  	s26 =	sadd.s32 $0x1, s11;
	v9 =	vadd.f32 v62, v9;
	v10 =	vmul.f32 v5, v0;
	v63 =	vmul.f32 v8, v8;
	v5 =	vld [tilespmem:s30+$0xEEE0]  }
0x302: {  	v7 =	vmov s26;
	v8 =	vsub.f32 v3, v6;
	v3 =	vld [tilespmem:s30+$0xDAF0]  }
0x303: {  	s29 =	simm.s32 $0x400;
	s25 =	simm.s32 $0x80;
	v11 =	vmul.f32 v11, v11;
	v6 =	vld [tilespmem:s30+$0xEEF0];
	v9 =	vadd.f32 v10, v9;
	v10 =	vmul.f32 v63, v0  }
.LBB2_27:
0x304: {  	p0 =	sne.s32 s29, $0x4E00;
	v12 =	vld [tilespmem:s25+$0xDAB0];
	v1 =	vsub.f32 v1, v4  }
0x305: {  	v8 =	vmul.f32 v8, v8;
	v4 =	vld [tilespmem:s25+$0xDA90];
	v9 =	vadd.f32 v10, v9;
	v10 =	vmul.f32 v11, v0  }
0x306: {  	v11 =	vld [tilespmem:s25+$0xDA80];
	v2 =	vsub.f32 v2, v5  }
0x307: {  	v8 =	vmul.f32 v8, v0;
	v1 =	vmul.f32 v1, v1;
	v5 =	vld [tilespmem:s25+$0xEE80];
	v9 =	vadd.f32 v10, v9  }
0x308: {  	v7 =	vld.idx.msk [tilespmem:v7+s17+$0x0], $0xffff;
	v3 =	vsub.f32 v3, v6  }
0x309: {  	v1 =	vmul.f32 v1, v0;
	v2 =	vmul.f32 v2, v2;
	v6 =	vld [tilespmem:s25+$0xEE90];
	v8 =	vadd.f32 v8, v9  }
0x30a: {  	v9 =	vld [tilespmem:s25+$0xDAA0]  }
0x30b: {  	v2 =	vmul.f32 v2, v0;
	v3 =	vmul.f32 v3, v3;
	v10 =	vld [tilespmem:s25+$0xEEA0];
	v1 =	vadd.f32 v1, v8  }
0x30c: {  	v5 =	vsub.f32 v11, v5;
	v8 =	vld [tilespmem:s25+$0xEEB0]  }
0x30d: {  	v3 =	vmul.f32 v3, v0;
	v11 =	vld [tilespmem:s25+$0xDAC0];
	v2 =	vadd.f32 v2, v1  }
0x30e: {  	v0 =	vmul.f32 $3.124999920e-06, v7;
	v5 =	vmul.f32 v5, v5;
	v4 =	vsub.f32 v4, v6;
	v6 =	vld [tilespmem:s25+$0xEEC0]  }
0x30f: {  	v1 =	vld [tilespmem:s25+$0xDAD0];
	v3 =	vadd.f32 v3, v2  }
.Ltmp12:
0x310: {  	v5 =	vmul.f32 v5, v0;
	v7 =	vmul.f32 v4, v4;
	v9 =	vsub.f32 v9, v10;
	v4 =	vld [tilespmem:s25+$0xEED0];
	(pc) =	sbr.rel @p0 .LBB2_27-.Ltmp12, $4  }
0x311: {  	v12 =	vsub.f32 v12, v8;
	v2 =	vld [tilespmem:s25+$0xDAE0]  }
0x312: {  	s26 =	sadd.s32 $0x1, s26;
	v10 =	vadd.f32 v5, v3;
	v13 =	vmul.f32 v7, v0;
	v14 =	vmul.f32 v9, v9;
	v5 =	vld [tilespmem:s25+$0xEEE0]  }
0x313: {  	v7 =	vmov s26;
	v8 =	vsub.f32 v11, v6;
	v3 =	vld [tilespmem:s25+$0xDAF0]  }
0x314: {  	v11 =	vmul.f32 v12, v12;
	v9 =	vadd.f32 v13, v10;
	v10 =	vmul.f32 v14, v0;
	v6 =	vld [tilespmem:s25+$0xEEF0];
	s25 =	sshra.s32 s29, $0x2;
	s29 =	sadd.s32 $0x200, s29  }
0x315: {  	v12 =	vld [tilespmem:s25+$0xDAB0]  }
0x316: {  	v13 =	vld [tilespmem:s25+$0xDA90]  }
0x317: {  	v14 =	vld [tilespmem:s25+$0xDA80]  }
0x318: {  	v15 =	vld [tilespmem:s25+$0xEE80]  }
0x319: {  	v7 =	vld.idx.msk [tilespmem:v7+s17+$0x0], $0xffff  }
0x31a: {  	v16 =	vld [tilespmem:s25+$0xEE90]  }
0x31b: {  	v17 =	vld [tilespmem:s25+$0xDAA0]  }
0x31c: {  	v18 =	vld [tilespmem:s25+$0xEEA0]  }
0x31d: {  	v1 =	vsub.f32 v1, v4;
	v4 =	vld [tilespmem:s25+$0xEEB0]  }
0x31e: {  	v8 =	vmul.f32 v8, v8;
	v19 =	vld [tilespmem:s25+$0xEEE0];
	v9 =	vadd.f32 v10, v9;
	v10 =	vmul.f32 v11, v0  }
0x31f: {  	v61 =	vld [tilespmem:s25+$0xEEF0];
	v2 =	vsub.f32 v2, v5  }
0x320: {  	v11 =	vld [tilespmem:s25+$0xDAC0];
	v8 =	vmul.f32 v8, v0;
	v1 =	vmul.f32 v1, v1;
	v9 =	vadd.f32 v10, v9  }
0x321: {  	v5 =	vld [tilespmem:s25+$0xEEC0];
	v3 =	vsub.f32 v3, v6  }
0x322: {  	v10 =	vld [tilespmem:s25+$0xDAD0];
	v1 =	vmul.f32 v1, v0;
	v2 =	vmul.f32 v2, v2;
	v8 =	vadd.f32 v8, v9  }
0x323: {  	v6 =	vld [tilespmem:s25+$0xEED0];
	v3 =	vmul.f32 v3, v3  }
0x324: {  	s30 =	sadd.s32 $0x7770, s24;
	s26 =	simm.s32 $0xDA80;
	v9 =	vld [tilespmem:s25+$0xDAE0];
	v14 =	vsub.f32 v14, v15;
	v2 =	vmul.f32 v2, v0;
	v1 =	vadd.f32 v1, v8  }
0x325: {  	v8 =	vld [tilespmem:s25+$0xDAF0];
	[tilespmem:s26], [sflag:$0x3] =	stream.indirect.gather [hbm4b:s3+s28], $0x80, s30, s28, $0xb8;
	v0 =	vmul.f32 v3, v0;
	v3 =	vmul.f32 $3.124999920e-06, v7  }
0x326: {  	s26 =	sadd.s32 $0x8B70, s24;
	s30 =	simm.s32 $0xEE80;
	v7 =	vmul.f32 v14, v14;
	v1 =	vadd.f32 v2, v1;
	v2 =	vsub.f32 v13, v16  }
0x327: {  	[tilespmem:s30], [sflag:$0x4] =	stream.indirect.gather [hbm4b:s3+s28], $0x80, s26, s28, $0xb8;
	[tilespmem:$0x17B00] =	vst v63  }
0x328: {  	_ =	swait.ge [sflag:s22], $0x1400;
	v0 =	vadd.f32 v0, v1;
	v1 =	vmul.f32 v7, v3;
	v2 =	vmul.f32 v2, v2  }
0x329: {  	v7 =	vsub.f32 v17, v18;
	[sflag:s22] =	ssyncset.done $0x0  }
0x32a: {  	[sflag:s22] =	ssyncadd.s32 $0xFFFFEC00;
	v0 =	vadd.f32 v1, v0;
	v1 =	vmul.f32 v2, v3  }
0x32b: {  	v2 =	vsub.f32 v12, v4;
	v4 =	vmul.f32 v7, v7;
	_ =	swait.ge [sflag:s23], $0x1400  }
0x32c: {  	v5 =	vsub.f32 v11, v5;
	[sflag:s23] =	ssyncset.done $0x0;
	v0 =	vadd.f32 v1, v0  }
0x32d: {  	s30 =	simm.s32 $0x0;
	v1 =	vmul.f32 v4, v3;
	v2 =	vmul.f32 v2, v2;
	[sflag:s23] =	ssyncadd.s32 $0xFFFFEC00;
	v4 =	vmov s7  }
0x32e: {  	v6 =	vsub.f32 v10, v6;
	v7 =	vld [tilespmem:s30+$0x102B0]  }
0x32f: {  	v10 =	vld [tilespmem:s30+$0x10280];
	v0 =	vadd.f32 v1, v0;
	v1 =	vmul.f32 v2, v3;
	v2 =	vmul.f32 v5, v5  }
0x330: {  	v9 =	vsub.f32 v9, v19;
	v5 =	vld [tilespmem:s30+$0x10290]  }
0x331: {  	v0 =	vadd.f32 v1, v0;
	v1 =	vmul.f32 v2, v3;
	v2 =	vmul.f32 v6, v6;
	v6 =	vld [tilespmem:s30+$0x11680]  }
0x332: {  	v8 =	vsub.f32 v8, v61;
	v4 =	vld.idx.msk [tilespmem:v4+s17+$0x0], $0xffff  }
0x333: {  	v0 =	vadd.f32 v1, v0;
	v1 =	vmul.f32 v2, v3;
	v2 =	vmul.f32 v9, v9;
	v9 =	vld [tilespmem:s30+$0x11690]  }
0x334: {  	v11 =	vld [tilespmem:s30+$0x102A0]  }
0x335: {  	v0 =	vadd.f32 v1, v0;
	v1 =	vmul.f32 v2, v3;
	v2 =	vmul.f32 v8, v8;
	v8 =	vld [tilespmem:s30+$0x116A0]  }
0x336: {  	v6 =	vsub.f32 v10, v6;
	v10 =	vld [tilespmem:s30+$0x116B0]  }
0x337: {  	v1 =	vadd.f32 v1, v0;
	v2 =	vmul.f32 v2, v3;
	v3 =	vld [tilespmem:s30+$0x102C0]  }
0x338: {  	v0 =	vmul.f32 $3.124999920e-06, v4;
	v4 =	vmul.f32 v6, v6;
	v5 =	vsub.f32 v5, v9;
	v6 =	vld [tilespmem:s30+$0x116C0]  }
0x339: {  	v9 =	vadd.f32 v2, v1;
	v1 =	vld [tilespmem:s30+$0x102D0]  }
0x33a: {  	v62 =	vmul.f32 v4, v0;
	v5 =	vmul.f32 v5, v5;
	v8 =	vsub.f32 v11, v8;
	v4 =	vld [tilespmem:s30+$0x116D0]  }
0x33b: {  	v2 =	vld [tilespmem:s30+$0x102E0];
	v11 =	vsub.f32 v7, v10  }
0x33c: {  	s26 =	sadd.s32 $0x1, s7;
	v9 =	vadd.f32 v62, v9;
	v10 =	vmul.f32 v5, v0;
	v63 =	vmul.f32 v8, v8;
	v5 =	vld [tilespmem:s30+$0x116E0]  }
0x33d: {  	v7 =	vmov s26;
	v8 =	vsub.f32 v3, v6;
	v3 =	vld [tilespmem:s30+$0x102F0]  }
0x33e: {  	s29 =	simm.s32 $0x400;
	s25 =	simm.s32 $0x80;
	v11 =	vmul.f32 v11, v11;
	v6 =	vld [tilespmem:s30+$0x116F0];
	v9 =	vadd.f32 v10, v9;
	v10 =	vmul.f32 v63, v0  }
.LBB2_29:
0x33f: {  	p0 =	sne.s32 s29, $0x4E00;
	v12 =	vld [tilespmem:s25+$0x102B0];
	v1 =	vsub.f32 v1, v4  }
0x340: {  	v8 =	vmul.f32 v8, v8;
	v4 =	vld [tilespmem:s25+$0x10290];
	v9 =	vadd.f32 v10, v9;
	v10 =	vmul.f32 v11, v0  }
0x341: {  	v11 =	vld [tilespmem:s25+$0x10280];
	v2 =	vsub.f32 v2, v5  }
0x342: {  	v8 =	vmul.f32 v8, v0;
	v1 =	vmul.f32 v1, v1;
	v5 =	vld [tilespmem:s25+$0x11680];
	v9 =	vadd.f32 v10, v9  }
0x343: {  	v7 =	vld.idx.msk [tilespmem:v7+s17+$0x0], $0xffff;
	v3 =	vsub.f32 v3, v6  }
0x344: {  	v1 =	vmul.f32 v1, v0;
	v2 =	vmul.f32 v2, v2;
	v6 =	vld [tilespmem:s25+$0x11690];
	v8 =	vadd.f32 v8, v9  }
0x345: {  	v9 =	vld [tilespmem:s25+$0x102A0]  }
0x346: {  	v2 =	vmul.f32 v2, v0;
	v3 =	vmul.f32 v3, v3;
	v10 =	vld [tilespmem:s25+$0x116A0];
	v1 =	vadd.f32 v1, v8  }
0x347: {  	v5 =	vsub.f32 v11, v5;
	v8 =	vld [tilespmem:s25+$0x116B0]  }
0x348: {  	v3 =	vmul.f32 v3, v0;
	v11 =	vld [tilespmem:s25+$0x102C0];
	v2 =	vadd.f32 v2, v1  }
0x349: {  	v0 =	vmul.f32 $3.124999920e-06, v7;
	v5 =	vmul.f32 v5, v5;
	v4 =	vsub.f32 v4, v6;
	v6 =	vld [tilespmem:s25+$0x116C0]  }
0x34a: {  	v1 =	vld [tilespmem:s25+$0x102D0];
	v3 =	vadd.f32 v3, v2  }
.Ltmp13:
0x34b: {  	v5 =	vmul.f32 v5, v0;
	v7 =	vmul.f32 v4, v4;
	v9 =	vsub.f32 v9, v10;
	v4 =	vld [tilespmem:s25+$0x116D0];
	(pc) =	sbr.rel @p0 .LBB2_29-.Ltmp13, $4  }
0x34c: {  	v12 =	vsub.f32 v12, v8;
	v2 =	vld [tilespmem:s25+$0x102E0]  }
0x34d: {  	s26 =	sadd.s32 $0x1, s26;
	v10 =	vadd.f32 v5, v3;
	v13 =	vmul.f32 v7, v0;
	v14 =	vmul.f32 v9, v9;
	v5 =	vld [tilespmem:s25+$0x116E0]  }
0x34e: {  	v7 =	vmov s26;
	v8 =	vsub.f32 v11, v6;
	v3 =	vld [tilespmem:s25+$0x102F0]  }
0x34f: {  	v11 =	vmul.f32 v12, v12;
	v9 =	vadd.f32 v13, v10;
	v10 =	vmul.f32 v14, v0;
	v6 =	vld [tilespmem:s25+$0x116F0];
	s25 =	sshra.s32 s29, $0x2;
	s29 =	sadd.s32 $0x200, s29  }
0x350: {  	v12 =	vld [tilespmem:s25+$0x102B0]  }
0x351: {  	v13 =	vld [tilespmem:s25+$0x10290]  }
0x352: {  	v14 =	vld [tilespmem:s25+$0x10280]  }
0x353: {  	v15 =	vld [tilespmem:s25+$0x11680]  }
0x354: {  	v7 =	vld.idx.msk [tilespmem:v7+s17+$0x0], $0xffff  }
0x355: {  	v16 =	vld [tilespmem:s25+$0x11690]  }
0x356: {  	v17 =	vld [tilespmem:s25+$0x102A0]  }
0x357: {  	v18 =	vld [tilespmem:s25+$0x116A0]  }
0x358: {  	v1 =	vsub.f32 v1, v4;
	v4 =	vld [tilespmem:s25+$0x116B0]  }
0x359: {  	v8 =	vmul.f32 v8, v8;
	v19 =	vld [tilespmem:s25+$0x116E0];
	v9 =	vadd.f32 v10, v9;
	v10 =	vmul.f32 v11, v0  }
0x35a: {  	v61 =	vld [tilespmem:s25+$0x116F0];
	v2 =	vsub.f32 v2, v5  }
0x35b: {  	v11 =	vld [tilespmem:s25+$0x102C0];
	v8 =	vmul.f32 v8, v0;
	v1 =	vmul.f32 v1, v1;
	v9 =	vadd.f32 v10, v9  }
0x35c: {  	v5 =	vld [tilespmem:s25+$0x116C0];
	v3 =	vsub.f32 v3, v6  }
0x35d: {  	v10 =	vld [tilespmem:s25+$0x102D0];
	v1 =	vmul.f32 v1, v0;
	v2 =	vmul.f32 v2, v2;
	v8 =	vadd.f32 v8, v9  }
0x35e: {  	v6 =	vld [tilespmem:s25+$0x116D0];
	v3 =	vmul.f32 v3, v3  }
0x35f: {  	s30 =	sadd.s32 $0x7798, s24;
	s26 =	simm.s32 $0x10280;
	v9 =	vld [tilespmem:s25+$0x102E0];
	v14 =	vsub.f32 v14, v15;
	v2 =	vmul.f32 v2, v0;
	v1 =	vadd.f32 v1, v8  }
0x360: {  	v8 =	vld [tilespmem:s25+$0x102F0];
	[tilespmem:s26], [sflag:$0x5] =	stream.indirect.gather [hbm4b:s3+s28], $0x80, s30, s28, $0xb8;
	v0 =	vmul.f32 v3, v0;
	v3 =	vmul.f32 $3.124999920e-06, v7  }
0x361: {  	s30 =	sadd.s32 $0x8B98, s24;
	v7 =	vmul.f32 v14, v14;
	v1 =	vadd.f32 v2, v1;
	v2 =	vsub.f32 v13, v16  }
0x362: {  	[tilespmem:s1], [sflag:$0x6] =	stream.indirect.gather [hbm4b:s3+s28], $0x80, s30, s28, $0xb8;
	[tilespmem:$0x17B00] =	vst v63  }
0x363: {  	_ =	swait.ge [sflag:s16], $0x1400;
	v0 =	vadd.f32 v0, v1;
	v1 =	vmul.f32 v7, v3;
	v2 =	vmul.f32 v2, v2  }
0x364: {  	v7 =	vsub.f32 v17, v18;
	[sflag:s16] =	ssyncset.done $0x0  }
0x365: {  	[sflag:s16] =	ssyncadd.s32 $0xFFFFEC00;
	v0 =	vadd.f32 v1, v0;
	v1 =	vmul.f32 v2, v3  }
0x366: {  	v2 =	vsub.f32 v12, v4;
	v4 =	vmul.f32 v7, v7;
	_ =	swait.ge [sflag:s5], $0x1400  }
0x367: {  	v5 =	vsub.f32 v11, v5;
	[sflag:s5] =	ssyncset.done $0x0;
	v0 =	vadd.f32 v1, v0  }
0x368: {  	s30 =	simm.s32 $0x0;
	v1 =	vmul.f32 v4, v3;
	v2 =	vmul.f32 v2, v2;
	[sflag:s5] =	ssyncadd.s32 $0xFFFFEC00;
	v4 =	vmov s9  }
0x369: {  	v6 =	vsub.f32 v10, v6;
	v7 =	vld [tilespmem:s30+$0x12AB0]  }
0x36a: {  	v10 =	vld [tilespmem:s30+$0x12A80];
	v0 =	vadd.f32 v1, v0;
	v1 =	vmul.f32 v2, v3;
	v2 =	vmul.f32 v5, v5  }
0x36b: {  	v9 =	vsub.f32 v9, v19;
	v5 =	vld [tilespmem:s30+$0x12A90]  }
0x36c: {  	v0 =	vadd.f32 v1, v0;
	v1 =	vmul.f32 v2, v3;
	v2 =	vmul.f32 v6, v6;
	v6 =	vld [tilespmem:s30+$0x13E80]  }
0x36d: {  	v8 =	vsub.f32 v8, v61;
	v4 =	vld.idx.msk [tilespmem:v4+s17+$0x0], $0xffff  }
0x36e: {  	v0 =	vadd.f32 v1, v0;
	v1 =	vmul.f32 v2, v3;
	v2 =	vmul.f32 v9, v9;
	v9 =	vld [tilespmem:s30+$0x13E90]  }
0x36f: {  	v11 =	vld [tilespmem:s30+$0x12AA0]  }
0x370: {  	v0 =	vadd.f32 v1, v0;
	v1 =	vmul.f32 v2, v3;
	v2 =	vmul.f32 v8, v8;
	v8 =	vld [tilespmem:s30+$0x13EA0]  }
0x371: {  	v6 =	vsub.f32 v10, v6;
	v10 =	vld [tilespmem:s30+$0x13EB0]  }
0x372: {  	v1 =	vadd.f32 v1, v0;
	v2 =	vmul.f32 v2, v3;
	v3 =	vld [tilespmem:s30+$0x12AC0]  }
0x373: {  	v0 =	vmul.f32 $3.124999920e-06, v4;
	v4 =	vmul.f32 v6, v6;
	v5 =	vsub.f32 v5, v9;
	v6 =	vld [tilespmem:s30+$0x13EC0]  }
0x374: {  	v9 =	vadd.f32 v2, v1;
	v1 =	vld [tilespmem:s30+$0x12AD0]  }
0x375: {  	v62 =	vmul.f32 v4, v0;
	v5 =	vmul.f32 v5, v5;
	v8 =	vsub.f32 v11, v8;
	v4 =	vld [tilespmem:s30+$0x13ED0]  }
0x376: {  	v2 =	vld [tilespmem:s30+$0x12AE0];
	v11 =	vsub.f32 v7, v10  }
0x377: {  	s26 =	sadd.s32 $0x1, s9;
	v9 =	vadd.f32 v62, v9;
	v10 =	vmul.f32 v5, v0;
	v63 =	vmul.f32 v8, v8;
	v5 =	vld [tilespmem:s30+$0x13EE0]  }
0x378: {  	v7 =	vmov s26;
	v8 =	vsub.f32 v3, v6;
	v3 =	vld [tilespmem:s30+$0x12AF0]  }
0x379: {  	s29 =	simm.s32 $0x400;
	s25 =	simm.s32 $0x80;
	v11 =	vmul.f32 v11, v11;
	v6 =	vld [tilespmem:s30+$0x13EF0];
	v9 =	vadd.f32 v10, v9;
	v10 =	vmul.f32 v63, v0  }
.LBB2_31:
0x37a: {  	p0 =	sne.s32 s29, $0x4E00;
	v12 =	vld [tilespmem:s25+$0x12AB0];
	v1 =	vsub.f32 v1, v4  }
0x37b: {  	v8 =	vmul.f32 v8, v8;
	v4 =	vld [tilespmem:s25+$0x12A90];
	v9 =	vadd.f32 v10, v9;
	v10 =	vmul.f32 v11, v0  }
0x37c: {  	v11 =	vld [tilespmem:s25+$0x12A80];
	v2 =	vsub.f32 v2, v5  }
0x37d: {  	v8 =	vmul.f32 v8, v0;
	v1 =	vmul.f32 v1, v1;
	v5 =	vld [tilespmem:s25+$0x13E80];
	v9 =	vadd.f32 v10, v9  }
0x37e: {  	v7 =	vld.idx.msk [tilespmem:v7+s17+$0x0], $0xffff;
	v3 =	vsub.f32 v3, v6  }
0x37f: {  	v1 =	vmul.f32 v1, v0;
	v2 =	vmul.f32 v2, v2;
	v6 =	vld [tilespmem:s25+$0x13E90];
	v8 =	vadd.f32 v8, v9  }
0x380: {  	v9 =	vld [tilespmem:s25+$0x12AA0]  }
0x381: {  	v2 =	vmul.f32 v2, v0;
	v3 =	vmul.f32 v3, v3;
	v10 =	vld [tilespmem:s25+$0x13EA0];
	v1 =	vadd.f32 v1, v8  }
0x382: {  	v5 =	vsub.f32 v11, v5;
	v8 =	vld [tilespmem:s25+$0x13EB0]  }
0x383: {  	v3 =	vmul.f32 v3, v0;
	v11 =	vld [tilespmem:s25+$0x12AC0];
	v2 =	vadd.f32 v2, v1  }
0x384: {  	v0 =	vmul.f32 $3.124999920e-06, v7;
	v5 =	vmul.f32 v5, v5;
	v4 =	vsub.f32 v4, v6;
	v6 =	vld [tilespmem:s25+$0x13EC0]  }
0x385: {  	v1 =	vld [tilespmem:s25+$0x12AD0];
	v3 =	vadd.f32 v3, v2  }
.Ltmp14:
0x386: {  	v5 =	vmul.f32 v5, v0;
	v7 =	vmul.f32 v4, v4;
	v9 =	vsub.f32 v9, v10;
	v4 =	vld [tilespmem:s25+$0x13ED0];
	(pc) =	sbr.rel @p0 .LBB2_31-.Ltmp14, $4  }
0x387: {  	v12 =	vsub.f32 v12, v8;
	v2 =	vld [tilespmem:s25+$0x12AE0]  }
0x388: {  	s26 =	sadd.s32 $0x1, s26;
	v10 =	vadd.f32 v5, v3;
	v13 =	vmul.f32 v7, v0;
	v14 =	vmul.f32 v9, v9;
	v5 =	vld [tilespmem:s25+$0x13EE0]  }
0x389: {  	v7 =	vmov s26;
	v8 =	vsub.f32 v11, v6;
	v3 =	vld [tilespmem:s25+$0x12AF0]  }
0x38a: {  	v11 =	vmul.f32 v12, v12;
	v9 =	vadd.f32 v13, v10;
	v10 =	vmul.f32 v14, v0;
	v6 =	vld [tilespmem:s25+$0x13EF0];
	s25 =	sshra.s32 s29, $0x2;
	s29 =	sadd.s32 $0x200, s29  }
0x38b: {  	v12 =	vld [tilespmem:s25+$0x12AB0]  }
0x38c: {  	v13 =	vld [tilespmem:s25+$0x12A90]  }
0x38d: {  	v14 =	vld [tilespmem:s25+$0x12A80]  }
0x38e: {  	v15 =	vld [tilespmem:s25+$0x13E80]  }
0x38f: {  	v7 =	vld.idx.msk [tilespmem:v7+s17+$0x0], $0xffff  }
0x390: {  	v16 =	vld [tilespmem:s25+$0x13E90]  }
0x391: {  	v17 =	vld [tilespmem:s25+$0x12AA0]  }
0x392: {  	v18 =	vld [tilespmem:s25+$0x13EA0]  }
0x393: {  	v1 =	vsub.f32 v1, v4;
	v4 =	vld [tilespmem:s25+$0x13EB0]  }
0x394: {  	v8 =	vmul.f32 v8, v8;
	v19 =	vld [tilespmem:s25+$0x13EE0];
	v9 =	vadd.f32 v10, v9;
	v10 =	vmul.f32 v11, v0  }
0x395: {  	v61 =	vld [tilespmem:s25+$0x13EF0];
	v2 =	vsub.f32 v2, v5  }
0x396: {  	v11 =	vld [tilespmem:s25+$0x12AC0];
	v8 =	vmul.f32 v8, v0;
	v1 =	vmul.f32 v1, v1;
	v9 =	vadd.f32 v10, v9  }
0x397: {  	v5 =	vld [tilespmem:s25+$0x13EC0];
	v3 =	vsub.f32 v3, v6  }
0x398: {  	v10 =	vld [tilespmem:s25+$0x12AD0];
	v1 =	vmul.f32 v1, v0;
	v2 =	vmul.f32 v2, v2;
	v8 =	vadd.f32 v8, v9  }
0x399: {  	v6 =	vld [tilespmem:s25+$0x13ED0];
	v3 =	vmul.f32 v3, v3  }
0x39a: {  	s29 =	sadd.s32 $0x77C0, s24;
	v9 =	vld [tilespmem:s25+$0x12AE0];
	v14 =	vsub.f32 v14, v15;
	v2 =	vmul.f32 v2, v0;
	v1 =	vadd.f32 v1, v8  }
0x39b: {  	v8 =	vld [tilespmem:s25+$0x12AF0];
	[tilespmem:s2], [sflag:$0x7] =	stream.indirect.gather [hbm4b:s3+s28], $0x80, s29, s28, $0xb8;
	v0 =	vmul.f32 v3, v0;
	v3 =	vmul.f32 $3.124999920e-06, v7  }
0x39c: {  	s30 =	sadd.s32 $0x8BC0, s24;
	v7 =	vmul.f32 v14, v14;
	v1 =	vadd.f32 v2, v1;
	v2 =	vsub.f32 v13, v16  }
0x39d: {  	[tilespmem:s31], [sflag:$0x8] =	stream.indirect.gather [hbm4b:s3+s28], $0x80, s30, s28, $0xb8;
	[tilespmem:$0x17B00] =	vst v63  }
0x39e: {  	_ =	swait.ge [sflag:s6], $0x1400;
	v0 =	vadd.f32 v0, v1;
	v1 =	vmul.f32 v7, v3;
	v2 =	vmul.f32 v2, v2  }
0x39f: {  	v7 =	vsub.f32 v17, v18;
	[sflag:s6] =	ssyncset.done $0x0  }
0x3a0: {  	[sflag:s6] =	ssyncadd.s32 $0xFFFFEC00;
	v0 =	vadd.f32 v1, v0;
	v1 =	vmul.f32 v2, v3  }
0x3a1: {  	v2 =	vsub.f32 v12, v4;
	v4 =	vmul.f32 v7, v7;
	_ =	swait.ge [sflag:s8], $0x1400  }
0x3a2: {  	v5 =	vsub.f32 v11, v5;
	[sflag:s8] =	ssyncset.done $0x0;
	v0 =	vadd.f32 v1, v0  }
0x3a3: {  	s29 =	simm.s32 $0x0;
	v1 =	vmul.f32 v4, v3;
	v2 =	vmul.f32 v2, v2;
	[sflag:s8] =	ssyncadd.s32 $0xFFFFEC00;
	v4 =	vmov s4  }
0x3a4: {  	v6 =	vsub.f32 v10, v6;
	v7 =	vld [tilespmem:s29+$0x152B0]  }
0x3a5: {  	v10 =	vld [tilespmem:s29+$0x15280];
	v0 =	vadd.f32 v1, v0;
	v1 =	vmul.f32 v2, v3;
	v2 =	vmul.f32 v5, v5  }
0x3a6: {  	v9 =	vsub.f32 v9, v19;
	v5 =	vld [tilespmem:s29+$0x15290]  }
0x3a7: {  	v0 =	vadd.f32 v1, v0;
	v1 =	vmul.f32 v2, v3;
	v2 =	vmul.f32 v6, v6;
	v6 =	vld [tilespmem:s29+$0x16680]  }
0x3a8: {  	v8 =	vsub.f32 v8, v61;
	v4 =	vld.idx.msk [tilespmem:v4+s17+$0x0], $0xffff  }
0x3a9: {  	v0 =	vadd.f32 v1, v0;
	v1 =	vmul.f32 v2, v3;
	v2 =	vmul.f32 v9, v9;
	v9 =	vld [tilespmem:s29+$0x16690]  }
0x3aa: {  	v11 =	vld [tilespmem:s29+$0x152A0]  }
0x3ab: {  	v0 =	vadd.f32 v1, v0;
	v1 =	vmul.f32 v2, v3;
	v2 =	vmul.f32 v8, v8;
	v8 =	vld [tilespmem:s29+$0x166A0]  }
0x3ac: {  	v6 =	vsub.f32 v10, v6;
	v10 =	vld [tilespmem:s29+$0x166B0]  }
0x3ad: {  	v62 =	vld [tilespmem:s29+$0x152C0];
	v1 =	vadd.f32 v1, v0;
	v2 =	vmul.f32 v2, v3  }
0x3ae: {  	v0 =	vmul.f32 $3.124999920e-06, v4;
	v3 =	vmul.f32 v6, v6;
	v4 =	vsub.f32 v5, v9;
	v9 =	vld [tilespmem:s29+$0x166C0]  }
0x3af: {  	v5 =	vld [tilespmem:s29+$0x166D0];
	v6 =	vadd.f32 v2, v1  }
0x3b0: {  	v1 =	vld [tilespmem:s29+$0x152D0];
	v3 =	vmul.f32 v3, v0;
	v4 =	vmul.f32 v4, v4;
	v8 =	vsub.f32 v11, v8  }
0x3b1: {  	v2 =	vld [tilespmem:s29+$0x152E0];
	v7 =	vsub.f32 v7, v10  }
0x3b2: {  	s25 =	sadd.s32 $0x1, s4;
	v10 =	vadd.f32 v3, v6;
	v11 =	vmul.f32 v4, v0;
	v63 =	vmul.f32 v8, v8;
	v6 =	vld [tilespmem:s29+$0x166E0]  }
0x3b3: {  	v3 =	vmov s25;
	v4 =	vld [tilespmem:s29+$0x152F0];
	v8 =	vsub.f32 v62, v9  }
0x3b4: {  	s24 =	simm.s32 $0x80;
	s26 =	simm.s32 $0x400;
	v9 =	vadd.f32 v11, v10;
	v10 =	vmul.f32 v63, v0;
	v11 =	vmul.f32 v7, v7;
	v7 =	vld [tilespmem:s29+$0x166F0]  }
.LBB2_33:
0x3b5: {  	p0 =	sne.s32 s26, $0x4E00;
	v12 =	vld [tilespmem:s24+$0x152B0];
	v1 =	vsub.f32 v1, v5  }
0x3b6: {  	v8 =	vmul.f32 v8, v8;
	v5 =	vld [tilespmem:s24+$0x15290];
	v9 =	vadd.f32 v10, v9;
	v10 =	vmul.f32 v11, v0  }
0x3b7: {  	v11 =	vld [tilespmem:s24+$0x15280];
	v2 =	vsub.f32 v2, v6  }
0x3b8: {  	v8 =	vmul.f32 v8, v0;
	v1 =	vmul.f32 v1, v1;
	v6 =	vld [tilespmem:s24+$0x16680];
	v9 =	vadd.f32 v10, v9  }
0x3b9: {  	v3 =	vld.idx.msk [tilespmem:v3+s17+$0x0], $0xffff;
	v4 =	vsub.f32 v4, v7  }
0x3ba: {  	v1 =	vmul.f32 v1, v0;
	v2 =	vmul.f32 v2, v2;
	v7 =	vld [tilespmem:s24+$0x16690];
	v8 =	vadd.f32 v8, v9  }
0x3bb: {  	v9 =	vld [tilespmem:s24+$0x152A0]  }
0x3bc: {  	v2 =	vmul.f32 v2, v0;
	v4 =	vmul.f32 v4, v4;
	v10 =	vld [tilespmem:s24+$0x166A0];
	v1 =	vadd.f32 v1, v8  }
0x3bd: {  	v6 =	vsub.f32 v11, v6;
	v8 =	vld [tilespmem:s24+$0x166B0]  }
0x3be: {  	v4 =	vmul.f32 v4, v0;
	v11 =	vld [tilespmem:s24+$0x152C0];
	v2 =	vadd.f32 v2, v1  }
0x3bf: {  	v0 =	vmul.f32 $3.124999920e-06, v3;
	v3 =	vmul.f32 v6, v6;
	v5 =	vsub.f32 v5, v7;
	v7 =	vld [tilespmem:s24+$0x166C0]  }
0x3c0: {  	v1 =	vld [tilespmem:s24+$0x152D0];
	v4 =	vadd.f32 v4, v2  }
.Ltmp15:
0x3c1: {  	v3 =	vmul.f32 v3, v0;
	v6 =	vmul.f32 v5, v5;
	v9 =	vsub.f32 v9, v10;
	v5 =	vld [tilespmem:s24+$0x166D0];
	(pc) =	sbr.rel @p0 .LBB2_33-.Ltmp15, $4  }
0x3c2: {  	v12 =	vsub.f32 v12, v8;
	v2 =	vld [tilespmem:s24+$0x152E0]  }
0x3c3: {  	s25 =	sadd.s32 $0x1, s25;
	v10 =	vadd.f32 v3, v4;
	v13 =	vmul.f32 v6, v0;
	v14 =	vmul.f32 v9, v9;
	v6 =	vld [tilespmem:s24+$0x166E0]  }
0x3c4: {  	v3 =	vmov s25;
	v8 =	vsub.f32 v11, v7;
	v4 =	vld [tilespmem:s24+$0x152F0]  }
0x3c5: {  	v11 =	vmul.f32 v12, v12;
	v9 =	vadd.f32 v13, v10;
	v10 =	vmul.f32 v14, v0;
	v7 =	vld [tilespmem:s24+$0x166F0];
	s24 =	sshra.s32 s26, $0x2;
	s26 =	sadd.s32 $0x200, s26  }
0x3c6: {  	_ = 	snop  }
0x3c7: {  	v45 =	vld [tilespmem:s24+$0x15290]  }
0x3c8: {  	v1 =	vsub.f32 v1, v5;
	v47 =	vld [tilespmem:s24+$0x15280]  }
0x3c9: {  	v8 =	vmul.f32 v8, v8;
	v48 =	vld [tilespmem:s24+$0x16680];
	v9 =	vadd.f32 v10, v9;
	v46 =	vmul.f32 v11, v0  }
0x3ca: {  	v3 =	vld.idx.msk [tilespmem:v3+s17+$0x0], $0xffff;
	v2 =	vsub.f32 v2, v6  }
0x3cb: {  	v49 =	vld [tilespmem:s24+$0x16690];
	v8 =	vmul.f32 v8, v0;
	v1 =	vmul.f32 v1, v1;
	v9 =	vadd.f32 v46, v9  }
0x3cc: {  	v50 =	vld [tilespmem:s24+$0x152A0];
	v4 =	vsub.f32 v4, v7  }
0x3cd: {  	v51 =	vld [tilespmem:s24+$0x166A0];
	v1 =	vmul.f32 v1, v0;
	v2 =	vmul.f32 v2, v2;
	v8 =	vadd.f32 v8, v9  }
0x3ce: {  	v12 =	vld [tilespmem:s24+$0x152B0];
	v4 =	vmul.f32 v4, v4  }
0x3cf: {  	v52 =	vld [tilespmem:s24+$0x166B0];
	v6 =	vsub.f32 v47, v48;
	v2 =	vmul.f32 v2, v0;
	v1 =	vadd.f32 v1, v8  }
0x3d0: {  	v53 =	vld [tilespmem:s24+$0x152C0];
	v54 =	vsub.f32 v45, v49;
	v0 =	vmul.f32 v4, v0  }
0x3d1: {  	v55 =	vld [tilespmem:s24+$0x166C0];
	v1 =	vadd.f32 v2, v1;
	v2 =	vmul.f32 $3.124999920e-06, v3;
	v3 =	vmul.f32 v6, v6  }
0x3d2: {  	v56 =	vld [tilespmem:s24+$0x152D0];
	v57 =	vsub.f32 v50, v51  }
0x3d3: {  	v58 =	vld [tilespmem:s24+$0x166D0];
	v0 =	vadd.f32 v0, v1;
	v1 =	vmul.f32 v3, v2;
	v3 =	vmul.f32 v54, v54  }
0x3d4: {  	v59 =	vld [tilespmem:s24+$0x152E0];
	v8 =	vsub.f32 v12, v52  }
0x3d5: {  	v60 =	vld [tilespmem:s24+$0x166E0];
	v0 =	vadd.f32 v1, v0;
	v1 =	vmul.f32 v3, v2;
	v3 =	vmul.f32 v57, v57  }
0x3d6: {  	v61 =	vld [tilespmem:s24+$0x152F0];
	v5 =	vsub.f32 v53, v55  }
0x3d7: {  	v62 =	vld [tilespmem:s24+$0x166F0];
	v0 =	vadd.f32 v1, v0;
	v1 =	vmul.f32 v3, v2;
	v3 =	vmul.f32 v8, v8  }
0x3d8: {  	v6 =	vsub.f32 v56, v58  }
0x3d9: {  	v0 =	vadd.f32 v1, v0;
	v1 =	vmul.f32 v3, v2;
	v3 =	vmul.f32 v5, v5  }
0x3da: {  	v4 =	vsub.f32 v59, v60  }
0x3db: {  	v0 =	vadd.f32 v1, v0;
	v1 =	vmul.f32 v3, v2;
	v3 =	vmul.f32 v6, v6  }
0x3dc: {  	v63 =	vsub.f32 v61, v62  }
0x3dd: {  	s10 =	sadd.s32 $0x1, s10;
	v0 =	vadd.f32 v1, v0;
	v1 =	vmul.f32 v3, v2;
	v3 =	vmul.f32 v4, v4  }
0x3de: {  	p0 =	sne.s32 s10, $0x18  }
.Ltmp16:
0x3df: {  	v0 =	vadd.f32 v1, v0;
	v1 =	vmul.f32 v3, v2;
	v3 =	vmul.f32 v63, v63;
	(pc) =	sbr.rel @p0 .LBB2_24-.Ltmp16, $4  }
0x3e0: {  	_ = 	snop  }
0x3e1: {  	v0 =	vadd.f32 v1, v0;
	v1 =	vmul.f32 v3, v2  }
0x3e2: {  	s12 =	sadd.s32 $0xC8, s12;
	s11 =	sadd.s32 $0xC8, s11  }
0x3e3: {  	s7 =	sadd.s32 $0xC8, s7;
	s9 =	sadd.s32 $0xC8, s9;
	s4 =	sadd.s32 $0xC8, s4;
	v1 =	vadd.f32 v1, v0  }
0x3e4: {  	s4 =	simm.s32 $0x89E0  }
0x3e5: {  	[tilespmem:s13], [sflag:$0x9] =	stream.indirect.gather [hbm4b:s3+s28], $0x80, s4, s28, $0xb8;
	[tilespmem:$0x17B00] =	vst v63  }
0x3e6: {  	s26 =	simm.s32 $0x9DE0  }
0x3e7: {  	[tilespmem:s15], [sflag:$0xA] =	stream.indirect.gather [hbm4b:s3+s28], $0x80, s26, s28, $0xb8;
	[tilespmem:$0x17B00] =	vst v63  }
0x3e8: {  	_ =	swait.ge [sflag:s18], $0x1400  }
0x3e9: {  	[sflag:s18] =	ssyncset.done $0x0  }
0x3ea: {  	[sflag:s18] =	ssyncadd.s32 $0xFFFFEC00  }
0x3eb: {  	s29 =	simm.s32 $0x12C0;
	_ =	swait.ge [sflag:s19], $0x1400  }
0x3ec: {  	v0 =	vmov s29;
	[sflag:s19] =	ssyncset.done $0x0  }
0x3ed: {  	s9 =	simm.s32 $0xB2C0;
	[sflag:s19] =	ssyncadd.s32 $0xFFFFEC00  }
0x3ee: {  	v2 =	vld [tilespmem:s9+$0xFFFFFFD0]  }
0x3ef: {  	s7 =	simm.s32 $0xC6C0;
	v4 =	vld [tilespmem:s9+$0xFFFFFFC0]  }
0x3f0: {  	v5 =	vld [tilespmem:s7+$0xFFFFFFC0]  }
0x3f1: {  	v0 =	vld.idx.msk [tilespmem:v0+s17+$0x0], $0xffff  }
0x3f2: {  	v6 =	vld [tilespmem:s7+$0xFFFFFFD0]  }
0x3f3: {  	v7 =	vld [tilespmem:s9+$0xFFFFFFE0]  }
0x3f4: {  	v8 =	vld [tilespmem:s7+$0xFFFFFFE0]  }
0x3f5: {  	v3 =	vld [tilespmem:s9+$0xFFFFFFF0]  }
0x3f6: {  	v4 =	vsub.f32 v4, v5;
	v5 =	vld [tilespmem:s7+$0xFFFFFFF0]  }
0x3f7: {  	v9 =	vld [tilespmem:s9+$0x0]  }
0x3f8: {  	v10 =	vld [tilespmem:s7+$0x0];
	v0 =	vmul.f32 $3.124999920e-06, v0;
	v6 =	vsub.f32 v2, v6;
	v4 =	vmul.f32 v4, v4  }
0x3f9: {  	v2 =	vld [tilespmem:s9+$0x10];
	v7 =	vsub.f32 v7, v8  }
0x3fa: {  	v6 =	vmul.f32 v6, v6;
	v11 =	vmul.f32 v4, v0;
	v4 =	vld [tilespmem:s7+$0x10]  }
0x3fb: {  	v7 =	vmul.f32 v7, v7;
	v12 =	vsub.f32 v3, v5;
	v3 =	vld [tilespmem:s9+$0x20]  }
0x3fc: {  	v13 =	vmul.f32 v6, v0;
	v5 =	vld [tilespmem:s7+$0x20];
	v11 =	vadd.f32 v11, v1  }
0x3fd: {  	s30 =	simm.s32 $0x12C1;
	v8 =	vsub.f32 v9, v10;
	v10 =	vmul.f32 v7, v0;
	v7 =	vld [tilespmem:s7+$0x30]  }
0x3fe: {  	s4 =	simm.s32 $0xB340;
	v6 =	vmov s30;
	v1 =	vld [tilespmem:s9+$0x30];
	s9 =	simm.s32 $0x12C2;
	v9 =	vadd.f32 v13, v11;
	v11 =	vmul.f32 v12, v12  }
.LBB2_36:
0x3ff: {  	p0 =	sne.s32 s9, $0x12E7;
	v12 =	vld [tilespmem:s4+$0xFFFFFFF0];
	v2 =	vsub.f32 v2, v4  }
0x400: {  	v8 =	vmul.f32 v8, v8;
	v4 =	vld [tilespmem:s4+$0xFFFFFFD0];
	v9 =	vadd.f32 v10, v9;
	v10 =	vmul.f32 v11, v0  }
0x401: {  	s7 =	sadd.s32 $0x80, s7;
	v11 =	vld [tilespmem:s4+$0xFFFFFFC0];
	v3 =	vsub.f32 v3, v5  }
0x402: {  	v8 =	vmul.f32 v8, v0;
	v2 =	vmul.f32 v2, v2;
	v5 =	vld [tilespmem:s7+$0xFFFFFFC0];
	v9 =	vadd.f32 v10, v9  }
0x403: {  	v6 =	vld.idx.msk [tilespmem:v6+s17+$0x0], $0xffff;
	v1 =	vsub.f32 v1, v7  }
0x404: {  	v2 =	vmul.f32 v2, v0;
	v3 =	vmul.f32 v3, v3;
	v7 =	vld [tilespmem:s7+$0xFFFFFFD0];
	v8 =	vadd.f32 v8, v9  }
0x405: {  	v9 =	vld [tilespmem:s4+$0xFFFFFFE0]  }
0x406: {  	v3 =	vmul.f32 v3, v0;
	v1 =	vmul.f32 v1, v1;
	v10 =	vld [tilespmem:s7+$0xFFFFFFE0];
	v2 =	vadd.f32 v2, v8  }
0x407: {  	v5 =	vsub.f32 v11, v5;
	v8 =	vld [tilespmem:s7+$0xFFFFFFF0]  }
0x408: {  	v1 =	vmul.f32 v1, v0;
	v11 =	vld [tilespmem:s4+$0x0];
	v3 =	vadd.f32 v3, v2  }
0x409: {  	v0 =	vmul.f32 $3.124999920e-06, v6;
	v5 =	vmul.f32 v5, v5;
	v4 =	vsub.f32 v4, v7;
	v7 =	vld [tilespmem:s7+$0x0]  }
0x40a: {  	v2 =	vld [tilespmem:s4+$0x10];
	v1 =	vadd.f32 v1, v3  }
.Ltmp17:
0x40b: {  	v5 =	vmul.f32 v5, v0;
	v6 =	vmul.f32 v4, v4;
	v9 =	vsub.f32 v9, v10;
	v4 =	vld [tilespmem:s7+$0x10];
	(pc) =	sbr.rel @p0 .LBB2_36-.Ltmp17, $4  }
0x40c: {  	v12 =	vsub.f32 v12, v8;
	v3 =	vld [tilespmem:s4+$0x20]  }
0x40d: {  	v10 =	vadd.f32 v5, v1;
	v13 =	vmul.f32 v6, v0;
	v14 =	vmul.f32 v9, v9;
	v5 =	vld [tilespmem:s7+$0x20]  }
0x40e: {  	v6 =	vmov s9;
	v8 =	vsub.f32 v11, v7;
	v1 =	vld [tilespmem:s4+$0x30]  }
0x40f: {  	s9 =	sadd.s32 $0x1, s9;
	v11 =	vmul.f32 v12, v12;
	s4 =	sadd.s32 $0x80, s4;
	v9 =	vadd.f32 v13, v10;
	v10 =	vmul.f32 v14, v0;
	v7 =	vld [tilespmem:s7+$0x30]  }
0x410: {  	_ = 	snop  }
0x411: {  	v12 =	vld [tilespmem:s4+$0xFFFFFFF0]  }
0x412: {  	v13 =	vld [tilespmem:s4+$0xFFFFFFD0]  }
0x413: {  	v14 =	vld [tilespmem:s4+$0xFFFFFFC0]  }
0x414: {  	v6 =	vld.idx.msk [tilespmem:v6+s17+$0x0], $0xffff  }
0x415: {  	v16 =	vld [tilespmem:s4+$0x10]  }
0x416: {  	v2 =	vsub.f32 v2, v4;
	v60 =	vld [tilespmem:s4+$0x20]  }
0x417: {  	s7 =	sadd.s32 $0x80, s7;
	v8 =	vmul.f32 v8, v8;
	v61 =	vld [tilespmem:s4+$0x30];
	v9 =	vadd.f32 v10, v9;
	v10 =	vmul.f32 v11, v0  }
0x418: {  	v15 =	vld [tilespmem:s7+$0xFFFFFFC0];
	v3 =	vsub.f32 v3, v5  }
0x419: {  	v4 =	vld [tilespmem:s7+$0xFFFFFFD0];
	v8 =	vmul.f32 v8, v0;
	v2 =	vmul.f32 v2, v2;
	v9 =	vadd.f32 v10, v9  }
0x41a: {  	v11 =	vld [tilespmem:s4+$0xFFFFFFE0];
	v1 =	vsub.f32 v1, v7  }
0x41b: {  	v62 =	vld [tilespmem:s7+$0x30];
	v2 =	vmul.f32 v2, v0;
	v3 =	vmul.f32 v3, v3;
	v8 =	vadd.f32 v8, v9  }
0x41c: {  	v5 =	vld [tilespmem:s7+$0xFFFFFFE0];
	v1 =	vmul.f32 v1, v1  }
0x41d: {  	v10 =	vld [tilespmem:s7+$0xFFFFFFF0];
	v3 =	vmul.f32 v3, v0;
	v14 =	vsub.f32 v14, v15;
	v2 =	vadd.f32 v2, v8  }
0x41e: {  	v7 =	vld [tilespmem:s4+$0x0];
	v4 =	vsub.f32 v13, v4;
	v0 =	vmul.f32 v1, v0  }
0x41f: {  	v9 =	vld [tilespmem:s7+$0x0];
	v2 =	vadd.f32 v3, v2;
	v3 =	vmul.f32 $3.124999920e-06, v6;
	v6 =	vmul.f32 v14, v14  }
0x420: {  	v8 =	vld [tilespmem:s7+$0x10]  }
0x421: {  	v1 =	vld [tilespmem:s7+$0x20];
	v4 =	vmul.f32 v4, v4;
	_ =	swait.ge [sflag:s20], $0x1400;
	v0 =	vadd.f32 v0, v2;
	v2 =	vmul.f32 v6, v3  }
0x422: {  	v5 =	vsub.f32 v11, v5;
	[sflag:s20] =	ssyncset.done $0x0  }
0x423: {  	[sflag:s20] =	ssyncadd.s32 $0xFFFFEC00;
	v0 =	vadd.f32 v2, v0;
	v2 =	vmul.f32 v4, v3  }
0x424: {  	v5 =	vmul.f32 v5, v5;
	_ =	swait.ge [sflag:s21], $0x1400;
	v4 =	vsub.f32 v12, v10  }
0x425: {  	s29 =	simm.s32 $0x12E8;
	v6 =	vsub.f32 v7, v9;
	[sflag:s21] =	ssyncset.done $0x0;
	v0 =	vadd.f32 v2, v0  }
0x426: {  	s30 =	simm.s32 $0xDAC0;
	[sflag:s21] =	ssyncadd.s32 $0xFFFFEC00;
	v2 =	vmul.f32 v5, v3;
	v4 =	vmul.f32 v4, v4;
	v5 =	vmov s29  }
0x427: {  	v7 =	vsub.f32 v16, v8;
	v8 =	vld [tilespmem:s30+$0xFFFFFFF0]  }
0x428: {  	v9 =	vld [tilespmem:s30+$0xFFFFFFC0];
	v0 =	vadd.f32 v2, v0;
	v2 =	vmul.f32 v4, v3;
	v4 =	vmul.f32 v6, v6  }
0x429: {  	s4 =	simm.s32 $0xEEC0;
	v1 =	vsub.f32 v60, v1;
	v6 =	vld [tilespmem:s30+$0xFFFFFFD0]  }
0x42a: {  	v0 =	vadd.f32 v2, v0;
	v2 =	vmul.f32 v4, v3;
	v4 =	vmul.f32 v7, v7;
	v7 =	vld [tilespmem:s4+$0xFFFFFFC0]  }
0x42b: {  	v10 =	vsub.f32 v61, v62;
	v5 =	vld.idx.msk [tilespmem:v5+s17+$0x0], $0xffff  }
0x42c: {  	v1 =	vmul.f32 v1, v1;
	v0 =	vadd.f32 v2, v0;
	v2 =	vmul.f32 v4, v3;
	v4 =	vld [tilespmem:s4+$0xFFFFFFD0]  }
0x42d: {  	v11 =	vld [tilespmem:s30+$0xFFFFFFE0]  }
0x42e: {  	v1 =	vmul.f32 v1, v3;
	v0 =	vadd.f32 v2, v0;
	v2 =	vmul.f32 v10, v10;
	v10 =	vld [tilespmem:s4+$0xFFFFFFE0]  }
0x42f: {  	v7 =	vsub.f32 v9, v7;
	v9 =	vld [tilespmem:s4+$0xFFFFFFF0]  }
0x430: {  	v1 =	vadd.f32 v1, v0;
	v2 =	vmul.f32 v2, v3;
	v3 =	vld [tilespmem:s30+$0x0]  }
0x431: {  	v0 =	vmul.f32 $3.124999920e-06, v5;
	v5 =	vmul.f32 v7, v7;
	v4 =	vsub.f32 v6, v4;
	v7 =	vld [tilespmem:s4+$0x0]  }
0x432: {  	v6 =	vadd.f32 v2, v1;
	v1 =	vld [tilespmem:s30+$0x10]  }
0x433: {  	v5 =	vmul.f32 v5, v0;
	v63 =	vmul.f32 v4, v4;
	v10 =	vsub.f32 v11, v10;
	v4 =	vld [tilespmem:s4+$0x10]  }
0x434: {  	v2 =	vld [tilespmem:s30+$0x20];
	v11 =	vsub.f32 v8, v9  }
0x435: {  	s9 =	simm.s32 $0x12E9;
	v9 =	vadd.f32 v5, v6;
	v12 =	vmul.f32 v63, v0;
	v10 =	vmul.f32 v10, v10;
	v5 =	vld [tilespmem:s4+$0x20]  }
0x436: {  	v6 =	vmov s9;
	v8 =	vsub.f32 v3, v7;
	v3 =	vld [tilespmem:s30+$0x30]  }
0x437: {  	s12 =	simm.s32 $0x0;
	s7 =	simm.s32 $0xDB40;
	s9 =	simm.s32 $0x12EA;
	v11 =	vmul.f32 v11, v11;
	v7 =	vld [tilespmem:s4+$0x30];
	v9 =	vadd.f32 v12, v9;
	v10 =	vmul.f32 v10, v0  }
.LBB2_38:
0x438: {  	p0 =	sne.s32 s9, $0x130F;
	v12 =	vld [tilespmem:s7+$0xFFFFFFF0];
	v1 =	vsub.f32 v1, v4  }
0x439: {  	v8 =	vmul.f32 v8, v8;
	v4 =	vld [tilespmem:s7+$0xFFFFFFD0];
	v9 =	vadd.f32 v10, v9;
	v10 =	vmul.f32 v11, v0  }
0x43a: {  	s4 =	sadd.s32 $0x80, s4;
	v11 =	vld [tilespmem:s7+$0xFFFFFFC0];
	v2 =	vsub.f32 v2, v5  }
0x43b: {  	v8 =	vmul.f32 v8, v0;
	v1 =	vmul.f32 v1, v1;
	v5 =	vld [tilespmem:s4+$0xFFFFFFC0];
	v9 =	vadd.f32 v10, v9  }
0x43c: {  	v6 =	vld.idx.msk [tilespmem:v6+s17+$0x0], $0xffff;
	v3 =	vsub.f32 v3, v7  }
0x43d: {  	v1 =	vmul.f32 v1, v0;
	v2 =	vmul.f32 v2, v2;
	v7 =	vld [tilespmem:s4+$0xFFFFFFD0];
	v8 =	vadd.f32 v8, v9  }
0x43e: {  	v9 =	vld [tilespmem:s7+$0xFFFFFFE0]  }
0x43f: {  	v2 =	vmul.f32 v2, v0;
	v3 =	vmul.f32 v3, v3;
	v10 =	vld [tilespmem:s4+$0xFFFFFFE0];
	v1 =	vadd.f32 v1, v8  }
0x440: {  	v5 =	vsub.f32 v11, v5;
	v8 =	vld [tilespmem:s4+$0xFFFFFFF0]  }
0x441: {  	v3 =	vmul.f32 v3, v0;
	v11 =	vld [tilespmem:s7+$0x0];
	v2 =	vadd.f32 v2, v1  }
0x442: {  	v0 =	vmul.f32 $3.124999920e-06, v6;
	v5 =	vmul.f32 v5, v5;
	v4 =	vsub.f32 v4, v7;
	v7 =	vld [tilespmem:s4+$0x0]  }
0x443: {  	v1 =	vld [tilespmem:s7+$0x10];
	v3 =	vadd.f32 v3, v2  }
.Ltmp18:
0x444: {  	v5 =	vmul.f32 v5, v0;
	v6 =	vmul.f32 v4, v4;
	v9 =	vsub.f32 v9, v10;
	v4 =	vld [tilespmem:s4+$0x10];
	(pc) =	sbr.rel @p0 .LBB2_38-.Ltmp18, $4  }
0x445: {  	v12 =	vsub.f32 v12, v8;
	v2 =	vld [tilespmem:s7+$0x20]  }
0x446: {  	v10 =	vadd.f32 v5, v3;
	v13 =	vmul.f32 v6, v0;
	v14 =	vmul.f32 v9, v9;
	v5 =	vld [tilespmem:s4+$0x20]  }
0x447: {  	v6 =	vmov s9;
	v8 =	vsub.f32 v11, v7;
	v3 =	vld [tilespmem:s7+$0x30]  }
0x448: {  	s9 =	sadd.s32 $0x1, s9;
	v11 =	vmul.f32 v12, v12;
	s7 =	sadd.s32 $0x80, s7;
	v9 =	vadd.f32 v13, v10;
	v10 =	vmul.f32 v14, v0;
	v7 =	vld [tilespmem:s4+$0x30]  }
0x449: {  	_ = 	snop  }
0x44a: {  	v12 =	vld [tilespmem:s7+$0xFFFFFFF0]  }
0x44b: {  	v13 =	vld [tilespmem:s7+$0xFFFFFFD0]  }
0x44c: {  	v14 =	vld [tilespmem:s7+$0xFFFFFFC0]  }
0x44d: {  	v6 =	vld.idx.msk [tilespmem:v6+s17+$0x0], $0xffff  }
0x44e: {  	v16 =	vld [tilespmem:s7+$0x10]  }
0x44f: {  	v1 =	vsub.f32 v1, v4;
	v60 =	vld [tilespmem:s7+$0x20]  }
0x450: {  	s4 =	sadd.s32 $0x80, s4;
	v8 =	vmul.f32 v8, v8;
	v61 =	vld [tilespmem:s7+$0x30];
	v9 =	vadd.f32 v10, v9;
	v10 =	vmul.f32 v11, v0  }
0x451: {  	v15 =	vld [tilespmem:s4+$0xFFFFFFC0];
	v2 =	vsub.f32 v2, v5  }
0x452: {  	v4 =	vld [tilespmem:s4+$0xFFFFFFD0];
	v8 =	vmul.f32 v8, v0;
	v1 =	vmul.f32 v1, v1;
	v9 =	vadd.f32 v10, v9  }
0x453: {  	v11 =	vld [tilespmem:s7+$0xFFFFFFE0];
	v3 =	vsub.f32 v3, v7  }
0x454: {  	v62 =	vld [tilespmem:s4+$0x30];
	v1 =	vmul.f32 v1, v0;
	v2 =	vmul.f32 v2, v2;
	v8 =	vadd.f32 v8, v9  }
0x455: {  	v5 =	vld [tilespmem:s4+$0xFFFFFFE0];
	v3 =	vmul.f32 v3, v3  }
0x456: {  	v10 =	vld [tilespmem:s4+$0xFFFFFFF0];
	v2 =	vmul.f32 v2, v0;
	v14 =	vsub.f32 v14, v15;
	v1 =	vadd.f32 v1, v8  }
0x457: {  	v7 =	vld [tilespmem:s7+$0x0];
	v4 =	vsub.f32 v13, v4;
	v0 =	vmul.f32 v3, v0  }
0x458: {  	v9 =	vld [tilespmem:s4+$0x0];
	v3 =	vmul.f32 $3.124999920e-06, v6;
	v6 =	vmul.f32 v14, v14;
	v1 =	vadd.f32 v2, v1  }
0x459: {  	v8 =	vld [tilespmem:s4+$0x10]  }
0x45a: {  	v4 =	vmul.f32 v4, v4;
	v2 =	vld [tilespmem:s4+$0x20];
	_ =	swait.ge [sflag:s22], $0x1400;
	v0 =	vadd.f32 v0, v1;
	v1 =	vmul.f32 v6, v3  }
0x45b: {  	v5 =	vsub.f32 v11, v5;
	[sflag:s22] =	ssyncset.done $0x0  }
0x45c: {  	[sflag:s22] =	ssyncadd.s32 $0xFFFFEC00;
	v0 =	vadd.f32 v1, v0;
	v1 =	vmul.f32 v4, v3  }
0x45d: {  	v5 =	vmul.f32 v5, v5;
	_ =	swait.ge [sflag:s23], $0x1400;
	v4 =	vsub.f32 v12, v10  }
0x45e: {  	s29 =	simm.s32 $0x1310;
	v6 =	vsub.f32 v7, v9;
	[sflag:s23] =	ssyncset.done $0x0;
	v0 =	vadd.f32 v1, v0  }
0x45f: {  	s30 =	simm.s32 $0x102C0;
	[sflag:s23] =	ssyncadd.s32 $0xFFFFEC00;
	v1 =	vmul.f32 v5, v3;
	v4 =	vmul.f32 v4, v4;
	v5 =	vmov s29  }
0x460: {  	v7 =	vsub.f32 v16, v8;
	v8 =	vld [tilespmem:s30+$0xFFFFFFF0]  }
0x461: {  	v9 =	vld [tilespmem:s30+$0xFFFFFFC0];
	v0 =	vadd.f32 v1, v0;
	v1 =	vmul.f32 v4, v3;
	v4 =	vmul.f32 v6, v6  }
0x462: {  	s4 =	simm.s32 $0x116C0;
	v2 =	vsub.f32 v60, v2;
	v6 =	vld [tilespmem:s30+$0xFFFFFFD0]  }
0x463: {  	v0 =	vadd.f32 v1, v0;
	v1 =	vmul.f32 v4, v3;
	v4 =	vmul.f32 v7, v7;
	v7 =	vld [tilespmem:s4+$0xFFFFFFC0]  }
0x464: {  	v10 =	vsub.f32 v61, v62;
	v5 =	vld.idx.msk [tilespmem:v5+s17+$0x0], $0xffff  }
0x465: {  	v2 =	vmul.f32 v2, v2;
	v0 =	vadd.f32 v1, v0;
	v1 =	vmul.f32 v4, v3;
	v4 =	vld [tilespmem:s4+$0xFFFFFFD0]  }
0x466: {  	v11 =	vld [tilespmem:s30+$0xFFFFFFE0]  }
0x467: {  	v0 =	vadd.f32 v1, v0;
	v1 =	vmul.f32 v2, v3;
	v2 =	vmul.f32 v10, v10;
	v10 =	vld [tilespmem:s4+$0xFFFFFFE0]  }
0x468: {  	v7 =	vsub.f32 v9, v7;
	v9 =	vld [tilespmem:s4+$0xFFFFFFF0]  }
0x469: {  	v1 =	vadd.f32 v1, v0;
	v2 =	vmul.f32 v2, v3;
	v3 =	vld [tilespmem:s30+$0x0]  }
0x46a: {  	v0 =	vmul.f32 $3.124999920e-06, v5;
	v5 =	vmul.f32 v7, v7;
	v4 =	vsub.f32 v6, v4;
	v7 =	vld [tilespmem:s4+$0x0]  }
0x46b: {  	v6 =	vadd.f32 v2, v1;
	v1 =	vld [tilespmem:s30+$0x10]  }
0x46c: {  	v5 =	vmul.f32 v5, v0;
	v63 =	vmul.f32 v4, v4;
	v10 =	vsub.f32 v11, v10;
	v4 =	vld [tilespmem:s4+$0x10]  }
0x46d: {  	v2 =	vld [tilespmem:s30+$0x20];
	v11 =	vsub.f32 v8, v9  }
0x46e: {  	s9 =	simm.s32 $0x1311;
	v9 =	vadd.f32 v5, v6;
	v12 =	vmul.f32 v63, v0;
	v10 =	vmul.f32 v10, v10;
	v5 =	vld [tilespmem:s4+$0x20]  }
0x46f: {  	v6 =	vmov s9;
	v8 =	vsub.f32 v3, v7;
	v3 =	vld [tilespmem:s30+$0x30]  }
0x470: {  	s7 =	simm.s32 $0x10340;
	s9 =	simm.s32 $0x1312;
	v11 =	vmul.f32 v11, v11;
	v7 =	vld [tilespmem:s4+$0x30];
	v9 =	vadd.f32 v12, v9;
	v10 =	vmul.f32 v10, v0  }
.LBB2_40:
0x471: {  	p0 =	sne.s32 s9, $0x1337;
	v12 =	vld [tilespmem:s7+$0xFFFFFFF0];
	v1 =	vsub.f32 v1, v4  }
0x472: {  	v8 =	vmul.f32 v8, v8;
	v4 =	vld [tilespmem:s7+$0xFFFFFFD0];
	v9 =	vadd.f32 v10, v9;
	v10 =	vmul.f32 v11, v0  }
0x473: {  	s4 =	sadd.s32 $0x80, s4;
	v11 =	vld [tilespmem:s7+$0xFFFFFFC0];
	v2 =	vsub.f32 v2, v5  }
0x474: {  	v8 =	vmul.f32 v8, v0;
	v1 =	vmul.f32 v1, v1;
	v5 =	vld [tilespmem:s4+$0xFFFFFFC0];
	v9 =	vadd.f32 v10, v9  }
0x475: {  	v6 =	vld.idx.msk [tilespmem:v6+s17+$0x0], $0xffff;
	v3 =	vsub.f32 v3, v7  }
0x476: {  	v1 =	vmul.f32 v1, v0;
	v2 =	vmul.f32 v2, v2;
	v7 =	vld [tilespmem:s4+$0xFFFFFFD0];
	v8 =	vadd.f32 v8, v9  }
0x477: {  	v9 =	vld [tilespmem:s7+$0xFFFFFFE0]  }
0x478: {  	v2 =	vmul.f32 v2, v0;
	v3 =	vmul.f32 v3, v3;
	v10 =	vld [tilespmem:s4+$0xFFFFFFE0];
	v1 =	vadd.f32 v1, v8  }
0x479: {  	v5 =	vsub.f32 v11, v5;
	v8 =	vld [tilespmem:s4+$0xFFFFFFF0]  }
0x47a: {  	v3 =	vmul.f32 v3, v0;
	v11 =	vld [tilespmem:s7+$0x0];
	v2 =	vadd.f32 v2, v1  }
0x47b: {  	v0 =	vmul.f32 $3.124999920e-06, v6;
	v5 =	vmul.f32 v5, v5;
	v4 =	vsub.f32 v4, v7;
	v7 =	vld [tilespmem:s4+$0x0]  }
0x47c: {  	v1 =	vld [tilespmem:s7+$0x10];
	v3 =	vadd.f32 v3, v2  }
.Ltmp19:
0x47d: {  	v5 =	vmul.f32 v5, v0;
	v6 =	vmul.f32 v4, v4;
	v9 =	vsub.f32 v9, v10;
	v4 =	vld [tilespmem:s4+$0x10];
	(pc) =	sbr.rel @p0 .LBB2_40-.Ltmp19, $4  }
0x47e: {  	v12 =	vsub.f32 v12, v8;
	v2 =	vld [tilespmem:s7+$0x20]  }
0x47f: {  	v10 =	vadd.f32 v5, v3;
	v13 =	vmul.f32 v6, v0;
	v14 =	vmul.f32 v9, v9;
	v5 =	vld [tilespmem:s4+$0x20]  }
0x480: {  	v6 =	vmov s9;
	v8 =	vsub.f32 v11, v7;
	v3 =	vld [tilespmem:s7+$0x30]  }
0x481: {  	s9 =	sadd.s32 $0x1, s9;
	v11 =	vmul.f32 v12, v12;
	s7 =	sadd.s32 $0x80, s7;
	v9 =	vadd.f32 v13, v10;
	v10 =	vmul.f32 v14, v0;
	v7 =	vld [tilespmem:s4+$0x30]  }
0x482: {  	_ = 	snop  }
0x483: {  	v12 =	vld [tilespmem:s7+$0xFFFFFFF0]  }
0x484: {  	v13 =	vld [tilespmem:s7+$0xFFFFFFD0]  }
0x485: {  	v14 =	vld [tilespmem:s7+$0xFFFFFFC0]  }
0x486: {  	v6 =	vld.idx.msk [tilespmem:v6+s17+$0x0], $0xffff  }
0x487: {  	v16 =	vld [tilespmem:s7+$0x10]  }
0x488: {  	v1 =	vsub.f32 v1, v4;
	v60 =	vld [tilespmem:s7+$0x20]  }
0x489: {  	s4 =	sadd.s32 $0x80, s4;
	v8 =	vmul.f32 v8, v8;
	v61 =	vld [tilespmem:s7+$0x30];
	v9 =	vadd.f32 v10, v9;
	v10 =	vmul.f32 v11, v0  }
0x48a: {  	v15 =	vld [tilespmem:s4+$0xFFFFFFC0];
	v2 =	vsub.f32 v2, v5  }
0x48b: {  	v4 =	vld [tilespmem:s4+$0xFFFFFFD0];
	v8 =	vmul.f32 v8, v0;
	v1 =	vmul.f32 v1, v1;
	v9 =	vadd.f32 v10, v9  }
0x48c: {  	v11 =	vld [tilespmem:s7+$0xFFFFFFE0];
	v3 =	vsub.f32 v3, v7  }
0x48d: {  	v62 =	vld [tilespmem:s4+$0x30];
	v1 =	vmul.f32 v1, v0;
	v2 =	vmul.f32 v2, v2;
	v8 =	vadd.f32 v8, v9  }
0x48e: {  	v5 =	vld [tilespmem:s4+$0xFFFFFFE0];
	v3 =	vmul.f32 v3, v3  }
0x48f: {  	v10 =	vld [tilespmem:s4+$0xFFFFFFF0];
	v2 =	vmul.f32 v2, v0;
	v14 =	vsub.f32 v14, v15;
	v1 =	vadd.f32 v1, v8  }
0x490: {  	v7 =	vld [tilespmem:s7+$0x0];
	v4 =	vsub.f32 v13, v4;
	v0 =	vmul.f32 v3, v0  }
0x491: {  	v9 =	vld [tilespmem:s4+$0x0];
	v3 =	vmul.f32 $3.124999920e-06, v6;
	v6 =	vmul.f32 v14, v14;
	v1 =	vadd.f32 v2, v1  }
0x492: {  	v8 =	vld [tilespmem:s4+$0x10]  }
0x493: {  	v4 =	vmul.f32 v4, v4;
	v2 =	vld [tilespmem:s4+$0x20];
	_ =	swait.ge [sflag:s16], $0x1400;
	v0 =	vadd.f32 v0, v1;
	v1 =	vmul.f32 v6, v3  }
0x494: {  	v5 =	vsub.f32 v11, v5;
	[sflag:s16] =	ssyncset.done $0x0  }
0x495: {  	[sflag:s16] =	ssyncadd.s32 $0xFFFFEC00;
	v0 =	vadd.f32 v1, v0;
	v1 =	vmul.f32 v4, v3  }
0x496: {  	v5 =	vmul.f32 v5, v5;
	_ =	swait.ge [sflag:s5], $0x1400;
	v4 =	vsub.f32 v12, v10  }
0x497: {  	s29 =	simm.s32 $0x1338;
	v6 =	vsub.f32 v7, v9;
	[sflag:s5] =	ssyncset.done $0x0;
	v0 =	vadd.f32 v1, v0  }
0x498: {  	s30 =	simm.s32 $0x12AC0;
	[sflag:s5] =	ssyncadd.s32 $0xFFFFEC00;
	v1 =	vmul.f32 v5, v3;
	v4 =	vmul.f32 v4, v4;
	v5 =	vmov s29  }
0x499: {  	v7 =	vsub.f32 v16, v8;
	v8 =	vld [tilespmem:s30+$0xFFFFFFF0]  }
0x49a: {  	v9 =	vld [tilespmem:s30+$0xFFFFFFC0];
	v0 =	vadd.f32 v1, v0;
	v1 =	vmul.f32 v4, v3;
	v4 =	vmul.f32 v6, v6  }
0x49b: {  	s4 =	simm.s32 $0x13EC0;
	v2 =	vsub.f32 v60, v2;
	v6 =	vld [tilespmem:s30+$0xFFFFFFD0]  }
0x49c: {  	v0 =	vadd.f32 v1, v0;
	v1 =	vmul.f32 v4, v3;
	v4 =	vmul.f32 v7, v7;
	v7 =	vld [tilespmem:s4+$0xFFFFFFC0]  }
0x49d: {  	v10 =	vsub.f32 v61, v62;
	v5 =	vld.idx.msk [tilespmem:v5+s17+$0x0], $0xffff  }
0x49e: {  	v2 =	vmul.f32 v2, v2;
	v0 =	vadd.f32 v1, v0;
	v1 =	vmul.f32 v4, v3;
	v4 =	vld [tilespmem:s4+$0xFFFFFFD0]  }
0x49f: {  	v11 =	vld [tilespmem:s30+$0xFFFFFFE0]  }
0x4a0: {  	v0 =	vadd.f32 v1, v0;
	v1 =	vmul.f32 v2, v3;
	v2 =	vmul.f32 v10, v10;
	v10 =	vld [tilespmem:s4+$0xFFFFFFE0]  }
0x4a1: {  	v7 =	vsub.f32 v9, v7;
	v9 =	vld [tilespmem:s4+$0xFFFFFFF0]  }
0x4a2: {  	v1 =	vadd.f32 v1, v0;
	v2 =	vmul.f32 v2, v3;
	v3 =	vld [tilespmem:s30+$0x0]  }
0x4a3: {  	v0 =	vmul.f32 $3.124999920e-06, v5;
	v5 =	vmul.f32 v7, v7;
	v4 =	vsub.f32 v6, v4;
	v7 =	vld [tilespmem:s4+$0x0]  }
0x4a4: {  	v6 =	vadd.f32 v2, v1;
	v1 =	vld [tilespmem:s30+$0x10]  }
0x4a5: {  	v5 =	vmul.f32 v5, v0;
	v63 =	vmul.f32 v4, v4;
	v10 =	vsub.f32 v11, v10;
	v4 =	vld [tilespmem:s4+$0x10]  }
0x4a6: {  	v2 =	vld [tilespmem:s30+$0x20];
	v11 =	vsub.f32 v8, v9  }
0x4a7: {  	s9 =	simm.s32 $0x1339;
	v9 =	vadd.f32 v5, v6;
	v12 =	vmul.f32 v63, v0;
	v10 =	vmul.f32 v10, v10;
	v5 =	vld [tilespmem:s4+$0x20]  }
0x4a8: {  	v6 =	vmov s9;
	v8 =	vsub.f32 v3, v7;
	v3 =	vld [tilespmem:s30+$0x30]  }
0x4a9: {  	s7 =	simm.s32 $0x12B40;
	s9 =	simm.s32 $0x133A;
	v11 =	vmul.f32 v11, v11;
	v7 =	vld [tilespmem:s4+$0x30];
	v9 =	vadd.f32 v12, v9;
	v10 =	vmul.f32 v10, v0  }
.LBB2_42:
0x4aa: {  	p0 =	sne.s32 s9, $0x135F;
	v12 =	vld [tilespmem:s7+$0xFFFFFFF0];
	v1 =	vsub.f32 v1, v4  }
0x4ab: {  	v8 =	vmul.f32 v8, v8;
	v4 =	vld [tilespmem:s7+$0xFFFFFFD0];
	v9 =	vadd.f32 v10, v9;
	v10 =	vmul.f32 v11, v0  }
0x4ac: {  	s4 =	sadd.s32 $0x80, s4;
	v11 =	vld [tilespmem:s7+$0xFFFFFFC0];
	v2 =	vsub.f32 v2, v5  }
0x4ad: {  	v8 =	vmul.f32 v8, v0;
	v1 =	vmul.f32 v1, v1;
	v5 =	vld [tilespmem:s4+$0xFFFFFFC0];
	v9 =	vadd.f32 v10, v9  }
0x4ae: {  	v6 =	vld.idx.msk [tilespmem:v6+s17+$0x0], $0xffff;
	v3 =	vsub.f32 v3, v7  }
0x4af: {  	v1 =	vmul.f32 v1, v0;
	v2 =	vmul.f32 v2, v2;
	v7 =	vld [tilespmem:s4+$0xFFFFFFD0];
	v8 =	vadd.f32 v8, v9  }
0x4b0: {  	v9 =	vld [tilespmem:s7+$0xFFFFFFE0]  }
0x4b1: {  	v2 =	vmul.f32 v2, v0;
	v3 =	vmul.f32 v3, v3;
	v10 =	vld [tilespmem:s4+$0xFFFFFFE0];
	v1 =	vadd.f32 v1, v8  }
0x4b2: {  	v5 =	vsub.f32 v11, v5;
	v8 =	vld [tilespmem:s4+$0xFFFFFFF0]  }
0x4b3: {  	v3 =	vmul.f32 v3, v0;
	v11 =	vld [tilespmem:s7+$0x0];
	v2 =	vadd.f32 v2, v1  }
0x4b4: {  	v0 =	vmul.f32 $3.124999920e-06, v6;
	v5 =	vmul.f32 v5, v5;
	v4 =	vsub.f32 v4, v7;
	v7 =	vld [tilespmem:s4+$0x0]  }
0x4b5: {  	v1 =	vld [tilespmem:s7+$0x10];
	v3 =	vadd.f32 v3, v2  }
.Ltmp20:
0x4b6: {  	v5 =	vmul.f32 v5, v0;
	v6 =	vmul.f32 v4, v4;
	v9 =	vsub.f32 v9, v10;
	v4 =	vld [tilespmem:s4+$0x10];
	(pc) =	sbr.rel @p0 .LBB2_42-.Ltmp20, $4  }
0x4b7: {  	v12 =	vsub.f32 v12, v8;
	v2 =	vld [tilespmem:s7+$0x20]  }
0x4b8: {  	v10 =	vadd.f32 v5, v3;
	v13 =	vmul.f32 v6, v0;
	v14 =	vmul.f32 v9, v9;
	v5 =	vld [tilespmem:s4+$0x20]  }
0x4b9: {  	v6 =	vmov s9;
	v8 =	vsub.f32 v11, v7;
	v3 =	vld [tilespmem:s7+$0x30]  }
0x4ba: {  	s9 =	sadd.s32 $0x1, s9;
	v11 =	vmul.f32 v12, v12;
	s7 =	sadd.s32 $0x80, s7;
	v9 =	vadd.f32 v13, v10;
	v10 =	vmul.f32 v14, v0;
	v7 =	vld [tilespmem:s4+$0x30]  }
0x4bb: {  	_ = 	snop  }
0x4bc: {  	v12 =	vld [tilespmem:s7+$0xFFFFFFF0]  }
0x4bd: {  	v13 =	vld [tilespmem:s7+$0xFFFFFFD0]  }
0x4be: {  	v14 =	vld [tilespmem:s7+$0xFFFFFFC0]  }
0x4bf: {  	v6 =	vld.idx.msk [tilespmem:v6+s17+$0x0], $0xffff  }
0x4c0: {  	v16 =	vld [tilespmem:s7+$0x10]  }
0x4c1: {  	v1 =	vsub.f32 v1, v4;
	v59 =	vld [tilespmem:s7+$0x20]  }
0x4c2: {  	s4 =	sadd.s32 $0x80, s4;
	v8 =	vmul.f32 v8, v8;
	v60 =	vld [tilespmem:s7+$0x30];
	v9 =	vadd.f32 v10, v9;
	v10 =	vmul.f32 v11, v0  }
0x4c3: {  	v15 =	vld [tilespmem:s4+$0xFFFFFFC0];
	v2 =	vsub.f32 v2, v5  }
0x4c4: {  	v4 =	vld [tilespmem:s4+$0xFFFFFFD0];
	v8 =	vmul.f32 v8, v0;
	v1 =	vmul.f32 v1, v1;
	v9 =	vadd.f32 v10, v9  }
0x4c5: {  	v11 =	vld [tilespmem:s7+$0xFFFFFFE0];
	v3 =	vsub.f32 v3, v7  }
0x4c6: {  	v61 =	vld [tilespmem:s4+$0x30];
	v1 =	vmul.f32 v1, v0;
	v2 =	vmul.f32 v2, v2;
	v8 =	vadd.f32 v8, v9  }
0x4c7: {  	v5 =	vld [tilespmem:s4+$0xFFFFFFE0];
	v3 =	vmul.f32 v3, v3  }
0x4c8: {  	v10 =	vld [tilespmem:s4+$0xFFFFFFF0];
	v2 =	vmul.f32 v2, v0;
	v14 =	vsub.f32 v14, v15;
	v1 =	vadd.f32 v1, v8  }
0x4c9: {  	v7 =	vld [tilespmem:s7+$0x0];
	v4 =	vsub.f32 v13, v4;
	v0 =	vmul.f32 v3, v0  }
0x4ca: {  	v9 =	vld [tilespmem:s4+$0x0];
	v3 =	vmul.f32 $3.124999920e-06, v6;
	v6 =	vmul.f32 v14, v14;
	v1 =	vadd.f32 v2, v1  }
0x4cb: {  	v8 =	vld [tilespmem:s4+$0x10]  }
0x4cc: {  	v4 =	vmul.f32 v4, v4;
	v2 =	vld [tilespmem:s4+$0x20];
	_ =	swait.ge [sflag:s6], $0x1400;
	v0 =	vadd.f32 v0, v1;
	v1 =	vmul.f32 v6, v3  }
0x4cd: {  	v5 =	vsub.f32 v11, v5;
	[sflag:s6] =	ssyncset.done $0x0  }
0x4ce: {  	[sflag:s6] =	ssyncadd.s32 $0xFFFFEC00;
	v0 =	vadd.f32 v1, v0;
	v1 =	vmul.f32 v4, v3  }
0x4cf: {  	v5 =	vmul.f32 v5, v5;
	_ =	swait.ge [sflag:s8], $0x1400;
	v4 =	vsub.f32 v12, v10  }
0x4d0: {  	s29 =	simm.s32 $0x1360;
	v6 =	vsub.f32 v7, v9;
	[sflag:s8] =	ssyncset.done $0x0;
	v0 =	vadd.f32 v1, v0  }
0x4d1: {  	s30 =	simm.s32 $0x152C0;
	[sflag:s8] =	ssyncadd.s32 $0xFFFFEC00;
	v1 =	vmul.f32 v5, v3;
	v4 =	vmul.f32 v4, v4;
	v5 =	vmov s29  }
0x4d2: {  	v7 =	vsub.f32 v16, v8;
	v8 =	vld [tilespmem:s30+$0xFFFFFFF0]  }
0x4d3: {  	v9 =	vld [tilespmem:s30+$0xFFFFFFC0];
	v0 =	vadd.f32 v1, v0;
	v1 =	vmul.f32 v4, v3;
	v4 =	vmul.f32 v6, v6  }
0x4d4: {  	s4 =	simm.s32 $0x166C0;
	v2 =	vsub.f32 v59, v2;
	v6 =	vld [tilespmem:s30+$0xFFFFFFD0]  }
0x4d5: {  	v0 =	vadd.f32 v1, v0;
	v1 =	vmul.f32 v4, v3;
	v4 =	vmul.f32 v7, v7;
	v7 =	vld [tilespmem:s4+$0xFFFFFFC0]  }
0x4d6: {  	v10 =	vsub.f32 v60, v61;
	v5 =	vld.idx.msk [tilespmem:v5+s17+$0x0], $0xffff  }
0x4d7: {  	v2 =	vmul.f32 v2, v2;
	v0 =	vadd.f32 v1, v0;
	v1 =	vmul.f32 v4, v3;
	v4 =	vld [tilespmem:s4+$0xFFFFFFD0]  }
0x4d8: {  	v11 =	vld [tilespmem:s30+$0xFFFFFFE0]  }
0x4d9: {  	v0 =	vadd.f32 v1, v0;
	v1 =	vmul.f32 v2, v3;
	v2 =	vmul.f32 v10, v10;
	v10 =	vld [tilespmem:s4+$0xFFFFFFE0]  }
0x4da: {  	v7 =	vsub.f32 v9, v7;
	v9 =	vld [tilespmem:s4+$0xFFFFFFF0]  }
0x4db: {  	v62 =	vld [tilespmem:s30+$0x0];
	v1 =	vadd.f32 v1, v0;
	v2 =	vmul.f32 v2, v3  }
0x4dc: {  	v0 =	vmul.f32 $3.124999920e-06, v5;
	v3 =	vmul.f32 v7, v7;
	v4 =	vsub.f32 v6, v4;
	v7 =	vld [tilespmem:s4+$0x0]  }
0x4dd: {  	v5 =	vld [tilespmem:s4+$0x10];
	v2 =	vadd.f32 v2, v1  }
0x4de: {  	v1 =	vld [tilespmem:s30+$0x10];
	v6 =	vmul.f32 v3, v0;
	v4 =	vmul.f32 v4, v4;
	v10 =	vsub.f32 v11, v10  }
0x4df: {  	v3 =	vld [tilespmem:s30+$0x20];
	v11 =	vsub.f32 v8, v9  }
0x4e0: {  	s9 =	simm.s32 $0x1361;
	v9 =	vadd.f32 v6, v2;
	v63 =	vmul.f32 v4, v0;
	v10 =	vmul.f32 v10, v10;
	v6 =	vld [tilespmem:s4+$0x20]  }
0x4e1: {  	v2 =	vmov s9;
	v4 =	vld [tilespmem:s30+$0x30];
	v8 =	vsub.f32 v62, v7  }
0x4e2: {  	s7 =	simm.s32 $0x15340;
	s9 =	simm.s32 $0x1362;
	v11 =	vmul.f32 v11, v11;
	v7 =	vld [tilespmem:s4+$0x30];
	v9 =	vadd.f32 v63, v9;
	v10 =	vmul.f32 v10, v0  }
.LBB2_44:
0x4e3: {  	p0 =	sne.s32 s9, $0x1387;
	v12 =	vld [tilespmem:s7+$0xFFFFFFF0];
	v1 =	vsub.f32 v1, v5  }
0x4e4: {  	v8 =	vmul.f32 v8, v8;
	v5 =	vld [tilespmem:s7+$0xFFFFFFD0];
	v9 =	vadd.f32 v10, v9;
	v10 =	vmul.f32 v11, v0  }
0x4e5: {  	s4 =	sadd.s32 $0x80, s4;
	v11 =	vld [tilespmem:s7+$0xFFFFFFC0];
	v3 =	vsub.f32 v3, v6  }
0x4e6: {  	v8 =	vmul.f32 v8, v0;
	v1 =	vmul.f32 v1, v1;
	v6 =	vld [tilespmem:s4+$0xFFFFFFC0];
	v9 =	vadd.f32 v10, v9  }
0x4e7: {  	v2 =	vld.idx.msk [tilespmem:v2+s17+$0x0], $0xffff;
	v4 =	vsub.f32 v4, v7  }
0x4e8: {  	v1 =	vmul.f32 v1, v0;
	v3 =	vmul.f32 v3, v3;
	v7 =	vld [tilespmem:s4+$0xFFFFFFD0];
	v8 =	vadd.f32 v8, v9  }
0x4e9: {  	v9 =	vld [tilespmem:s7+$0xFFFFFFE0]  }
0x4ea: {  	v3 =	vmul.f32 v3, v0;
	v4 =	vmul.f32 v4, v4;
	v10 =	vld [tilespmem:s4+$0xFFFFFFE0];
	v1 =	vadd.f32 v1, v8  }
0x4eb: {  	v6 =	vsub.f32 v11, v6;
	v8 =	vld [tilespmem:s4+$0xFFFFFFF0]  }
0x4ec: {  	v4 =	vmul.f32 v4, v0;
	v11 =	vld [tilespmem:s7+$0x0];
	v3 =	vadd.f32 v3, v1  }
0x4ed: {  	v0 =	vmul.f32 $3.124999920e-06, v2;
	v2 =	vmul.f32 v6, v6;
	v5 =	vsub.f32 v5, v7;
	v7 =	vld [tilespmem:s4+$0x0]  }
0x4ee: {  	v1 =	vld [tilespmem:s7+$0x10];
	v4 =	vadd.f32 v4, v3  }
.Ltmp21:
0x4ef: {  	v2 =	vmul.f32 v2, v0;
	v6 =	vmul.f32 v5, v5;
	v9 =	vsub.f32 v9, v10;
	v5 =	vld [tilespmem:s4+$0x10];
	(pc) =	sbr.rel @p0 .LBB2_44-.Ltmp21, $4  }
0x4f0: {  	v12 =	vsub.f32 v12, v8;
	v3 =	vld [tilespmem:s7+$0x20]  }
0x4f1: {  	v10 =	vadd.f32 v2, v4;
	v13 =	vmul.f32 v6, v0;
	v14 =	vmul.f32 v9, v9;
	v6 =	vld [tilespmem:s4+$0x20]  }
0x4f2: {  	v2 =	vmov s9;
	v8 =	vsub.f32 v11, v7;
	v4 =	vld [tilespmem:s7+$0x30]  }
0x4f3: {  	s9 =	sadd.s32 $0x1, s9;
	v11 =	vmul.f32 v12, v12;
	s7 =	sadd.s32 $0x80, s7;
	v9 =	vadd.f32 v13, v10;
	v10 =	vmul.f32 v14, v0;
	v7 =	vld [tilespmem:s4+$0x30]  }
0x4f4: {  	_ =	sdelay $0x1  }
0x4f5: {  	v28 =	vld [tilespmem:s7+$0xFFFFFFD0]  }
0x4f6: {  	v1 =	vsub.f32 v1, v5;
	v30 =	vld [tilespmem:s7+$0xFFFFFFC0]  }
0x4f7: {  	v8 =	vmul.f32 v8, v8;
	s4 =	sadd.s32 $0x80, s4;
	v2 =	vld.idx.msk [tilespmem:v2+s17+$0x0], $0xffff;
	v9 =	vadd.f32 v10, v9;
	v29 =	vmul.f32 v11, v0  }
0x4f8: {  	v31 =	vld [tilespmem:s4+$0xFFFFFFC0];
	v3 =	vsub.f32 v3, v6  }
0x4f9: {  	v32 =	vld [tilespmem:s4+$0xFFFFFFD0];
	v8 =	vmul.f32 v8, v0;
	v1 =	vmul.f32 v1, v1;
	v9 =	vadd.f32 v29, v9  }
0x4fa: {  	v33 =	vld [tilespmem:s7+$0xFFFFFFE0];
	v3 =	vmul.f32 v3, v3  }
0x4fb: {  	v34 =	vld [tilespmem:s4+$0xFFFFFFE0];
	v4 =	vsub.f32 v4, v7;
	v1 =	vmul.f32 v1, v0;
	v8 =	vadd.f32 v8, v9  }
0x4fc: {  	v12 =	vld [tilespmem:s7+$0xFFFFFFF0];
	v3 =	vmul.f32 v3, v0  }
0x4fd: {  	v35 =	vld [tilespmem:s4+$0xFFFFFFF0];
	v4 =	vmul.f32 v4, v4;
	v6 =	vsub.f32 v30, v31;
	v1 =	vadd.f32 v1, v8  }
0x4fe: {  	v36 =	vld [tilespmem:s7+$0x0];
	v2 =	vmul.f32 $3.124999920e-06, v2;
	v39 =	vsub.f32 v28, v32  }
0x4ff: {  	v40 =	vld [tilespmem:s4+$0x0];
	v37 =	vmul.f32 v4, v0;
	v38 =	vmul.f32 v6, v6;
	v1 =	vadd.f32 v3, v1  }
0x500: {  	v41 =	vld [tilespmem:s7+$0x10];
	v44 =	vsub.f32 v33, v34  }
0x501: {  	v45 =	vld [tilespmem:s4+$0x10];
	v43 =	vmul.f32 v39, v39;
	v42 =	vmul.f32 v38, v2;
	v0 =	vadd.f32 v37, v1  }
0x502: {  	v46 =	vld [tilespmem:s7+$0x20];
	v8 =	vsub.f32 v12, v35  }
0x503: {  	v49 =	vld [tilespmem:s4+$0x20];
	v48 =	vmul.f32 v44, v44;
	v47 =	vmul.f32 v43, v2;
	v0 =	vadd.f32 v42, v0  }
0x504: {  	v50 =	vld [tilespmem:s7+$0x30];
	v5 =	vsub.f32 v36, v40  }
0x505: {  	v53 =	vld [tilespmem:s4+$0x30];
	v52 =	vmul.f32 v8, v8;
	v51 =	vmul.f32 v48, v2;
	v0 =	vadd.f32 v47, v0  }
0x506: {  	v6 =	vsub.f32 v41, v45  }
0x507: {  	v55 =	vmul.f32 v5, v5;
	v54 =	vmul.f32 v52, v2;
	v0 =	vadd.f32 v51, v0  }
0x508: {  	v4 =	vsub.f32 v46, v49  }
0x509: {  	v56 =	vmul.f32 v55, v2;
	v57 =	vmul.f32 v6, v6;
	v0 =	vadd.f32 v54, v0  }
0x50a: {  	v58 =	vsub.f32 v50, v53  }
0x50b: {  	v60 =	vmul.f32 v4, v4;
	v59 =	vmul.f32 v57, v2;
	v0 =	vadd.f32 v56, v0;
	_ =	sdelay $0x1  }
0x50c: {  	v62 =	vmul.f32 v58, v58;
	v61 =	vmul.f32 v60, v2;
	v0 =	vadd.f32 v59, v0;
	_ =	sdelay $0x1  }
0x50d: {  	v63 =	vmul.f32 v62, v2;
	v0 =	vadd.f32 v61, v0;
	_ =	sdelay $0x1  }
0x50e: {  	v0 =	vadd.f32 v63, v0;
	_ =	sdelay $0x1  }
0x50f: {  	s25 =	rddreg [dreg:$0xc];
	s26 =	simm.s32 $0x17A80;
	s29 =	simm.s32 $0xB;
	[tilespmem:$0x17A80] =	vst v0  }
0x510: {  	[hbm4b:s25+s12] =	stream.linear.scatter [tilespmem:s26], [sflag:$0xB], $0x80, $0x38;
	[tilespmem:$0x17B00] =	vst v63  }
0x511: {  	_ =	swait.ge [sflag:s29], $0x80  }
0x512: {  	s9 =	rddreg [dreg:$0xe]  }
0x513: {  	s30 =	rddreg [dreg:$0xd];
	s9 =	sadd.s32 $0x1, s9  }
0x514: {  	p0 =	sne.s32 s9, s30  }
.Ltmp22:
0x515: {  	_ = 	snop;
	(pc) =	sbr.rel @p0 .LBB2_1-.Ltmp22, $3  }
0x516: {  	_ =	sdelay $0x1  }
0x517: {  	[sflag:s29] =	ssyncset.done $0x0  }
0x518: {  	[sflag:s29] =	ssyncadd.s32 $0xFFFFFF80  }
0x519: {  	_ =	sfence.sel $0x180000  }
0x51a: {  	[bflag:$0x0] =	sbarrier.arrive $0xFFFF  }
0x51b: {  	_ =	strace $0x90000047  }
0x51c: {  	s0 =	stileid.u32;
	[bflag:$0x2] =	sbarrier.arrive $0xFFFF  }
0x51d: {  	p0 =	sne.s32 s0, $0x0;
	s0 =	rddreg [dreg:$0x5]  }
0x51e: {  	s0 =	sadd.s32 @!p0 $0x100000, s0  }
0x51f: {  	[sflag:s0] =	ssyncadd.tile.s32 @!p0 $0x1;
	_ =	shalt  }
.Lfunc_end2:
_tile_overlayer_lowered:
.L_overlay_start_2:
0x520: {  	(tag) =	ssettag $0x2  }
0x521: {  	s0 =	rddreg [dreg:$0x0];
	s2 =	stileid.u32  }
0x522: {  	s1 =	rddreg [dreg:$0x1];
	p0 =	sne.s32 s2, $0x0  }
0x523: {  	s3 =	rddreg [dreg:$0x2];
	[bflag:$0x3] =	sbarrier.arrive $0xFFFF;
	s2 =	simm.s32 @!p0 $0x1C0B  }
0x524: {  	[timem:s3], [sflag:s2] =	dma.local @!p0 [hbm:s0], s1  }
0x525: {  	s0 =	simm.s32 @!p0 $0xB  }
0x526: {  	_ =	swait.ge @!p0 [sflag:s0], s1  }
0x527: {  	s1 =	ssub.s32 @!p0 $0x0, s1;
	[sflag:s0] =	ssyncset.done @!p0 $0x0  }
0x528: {  	[sflag:s0] =	ssyncadd.s32 @!p0 s1  }
0x529: {  	[bflag:$0x3] =	sbarrier.arrive $0xFFFF  }
0x52a: {  	_ =	shalt  }

</sc_bundles>
